<compile_context>
chip_gen: v7x
topology: tpu7x:2x2x1
jax: 0.10.2.dev20260603
libtpu: 0.0.44.dev20260713+nightly
codegen_flags: <defaults>
</compile_context>

<pallas_src>
import functools

import jax
import jax.numpy as jnp
from jax import lax
from jax.experimental import pallas as pl
from jax.experimental.pallas import tpu as pltpu
from jax.experimental.pallas import tpu_sc as plsc

_LANES = 16
_NC = 2
_NS = 16
_NW = _NC * _NS
_CHUNK = 128
_BLK = 1000


def _ceil_to(a, m):
    return (a + m - 1) // m * m



@functools.lru_cache(maxsize=None)
def _sc_degree_kernel(ch, d, acc_rows, rpt):
    mesh = plsc.VectorSubcoreMesh(core_axis_name="c", subcore_axis_name="s")

    @functools.partial(
        pl.kernel,
        out_type=jax.ShapeDtypeStruct((_NC, acc_rows, d), jnp.float32),
        mesh=mesh,
        scratch_types=[
            pltpu.VMEM((ch, _CHUNK), jnp.int32),
            pltpu.VMEM((_CHUNK, d), jnp.float32),
            pltpu.VMEM((_CHUNK, d), jnp.float32),
            pltpu.VMEM_SHARED((acc_rows, d), jnp.float32),
        ],
    )
    def k(dst_hbm, out_hbm, dst_v, ones_v, zeros_v, acc):
        cid = lax.axis_index("c")
        sid = lax.axis_index("s")
        wid = cid * _NS + sid
        vpr = d // _LANES

        def fill(i, _):
            r = i // vpr
            c = (i % vpr) * _LANES
            zeros_v[r, pl.ds(c, _LANES)] = jnp.zeros((_LANES,), jnp.float32)
            ones_v[r, pl.ds(c, _LANES)] = jnp.ones((_LANES,), jnp.float32)
            return 0
        lax.fori_loop(0, _CHUNK * vpr, fill, 0)

        base = sid * rpt
        for q in range(rpt // _CHUNK):
            pltpu.sync_copy(zeros_v, acc.at[pl.ds(base + q * _CHUNK, _CHUNK)])
        plsc.subcore_barrier()

        for ph in range(2):
            pltpu.sync_copy(dst_hbm.at[ph, wid], dst_v)

            def body(j, _):
                pltpu.sync_copy(ones_v, acc.at[dst_v.at[j]], add=True)
                return 0
            lax.fori_loop(0, ch, body, 0)

        plsc.subcore_barrier()
        for q in range(rpt // _CHUNK):
            pltpu.sync_copy(acc.at[pl.ds(base + q * _CHUNK, _CHUNK)],
                            out_hbm.at[cid, pl.ds(base + q * _CHUNK, _CHUNK)])

    return k


def _sc_degree(dst_w, d, acc_rows, rpt):
    return _sc_degree_kernel(dst_w.shape[2], d, acc_rows, rpt)(dst_w)


@functools.lru_cache(maxsize=None)
def _sc_scatter_kernel(ch, d, acc_rows, rpt):
    mesh = plsc.VectorSubcoreMesh(core_axis_name="c", subcore_axis_name="s")

    @functools.partial(
        pl.kernel,
        out_type=jax.ShapeDtypeStruct((_NC, acc_rows, d), jnp.float32),
        mesh=mesh,
        scratch_types=[
            pltpu.VMEM((ch, _CHUNK), jnp.int32),
            pltpu.VMEM((ch, _CHUNK), jnp.int32),
            pltpu.VMEM((2, _CHUNK, d), jnp.float32),
            pltpu.VMEM_SHARED((acc_rows, d), jnp.float32),
            pltpu.SemaphoreType.DMA,
            pltpu.SemaphoreType.DMA,
        ],
    )
    def k(hs_hbm, src_hbm, dst_hbm, out_hbm, src_v, dst_v, rows_v, acc,
          sem0, sem1):
        cid = lax.axis_index("c")
        sid = lax.axis_index("s")
        wid = cid * _NS + sid
        vpr = d // _LANES

        def zbody(i, _):
            r = i // vpr
            c = (i % vpr) * _LANES
            rows_v[0, r, pl.ds(c, _LANES)] = jnp.zeros((_LANES,), jnp.float32)
            return 0
        lax.fori_loop(0, _CHUNK * vpr, zbody, 0)

        base = sid * rpt
        for q in range(rpt // _CHUNK):
            pltpu.sync_copy(rows_v.at[0],
                            acc.at[pl.ds(base + q * _CHUNK, _CHUNK)])
        plsc.subcore_barrier()

        pltpu.sync_copy(src_hbm.at[wid], src_v)
        pltpu.sync_copy(dst_hbm.at[wid], dst_v)

        pltpu.async_copy(hs_hbm.at[src_v.at[0]], rows_v.at[0], sem0)

        def body(t, _):
            j0 = 2 * t
            pltpu.async_copy(hs_hbm.at[src_v.at[j0 + 1]], rows_v.at[1], sem1)
            pltpu.make_async_copy(hs_hbm.at[src_v.at[j0]], rows_v.at[0],
                                  sem0).wait()
            pltpu.sync_copy(rows_v.at[0], acc.at[dst_v.at[j0]], add=True)

            @pl.when(t < ch // 2 - 1)
            def _():
                pltpu.async_copy(hs_hbm.at[src_v.at[j0 + 2]], rows_v.at[0],
                                 sem0)

            pltpu.make_async_copy(hs_hbm.at[src_v.at[j0 + 1]], rows_v.at[1],
                                  sem1).wait()
            pltpu.sync_copy(rows_v.at[1], acc.at[dst_v.at[j0 + 1]],
                            add=True)
            return 0
        lax.fori_loop(0, ch // 2, body, 0)

        plsc.subcore_barrier()
        for q in range(rpt // _CHUNK):
            pltpu.sync_copy(acc.at[pl.ds(base + q * _CHUNK, _CHUNK)],
                            out_hbm.at[cid, pl.ds(base + q * _CHUNK, _CHUNK)])

    return k


def _sc_scatter(hs, src_w, dst_w, acc_rows, rpt):
    return _sc_scatter_kernel(src_w.shape[1], hs.shape[1], acc_rows, rpt)(
        hs, src_w, dst_w)



def _pspec0(d):
    return pl.BlockSpec((1, _BLK, d), lambda i: (0, i, 0))


def _pspec1(d):
    return pl.BlockSpec((1, _BLK, d), lambda i: (1, i, 0))


def _tc_pre_body(x_ref, w_ref, c0_ref, c1_ref, hs_ref, dis_ref):
    deg = 1.0 + (c0_ref[0, :, 0:1] + c1_ref[0, :, 0:1])
    dis = lax.rsqrt(jnp.maximum(deg, 1.0))
    dis_ref[...] = dis
    hs_ref[...] = jnp.dot(x_ref[...], w_ref[...],
                          preferred_element_type=jnp.float32) * dis


def _tc_pre(x, w0, pd):
    n, d = x.shape
    return pl.pallas_call(
        _tc_pre_body,
        grid=(n // _BLK,),
        in_specs=[
            pl.BlockSpec((_BLK, d), lambda i: (i, 0)),
            pl.BlockSpec((d, d), lambda i: (0, 0)),
            _pspec0(pd.shape[2]), _pspec1(pd.shape[2]),
        ],
        out_specs=[
            pl.BlockSpec((_BLK, d), lambda i: (i, 0)),
            pl.BlockSpec((_BLK, 1), lambda i: (i, 0)),
        ],
        out_shape=[
            jax.ShapeDtypeStruct((n, d), jnp.float32),
            jax.ShapeDtypeStruct((n, 1), jnp.float32),
        ],
    )(x, w0, pd, pd)


def _tc_mid_body(pa0_ref, pa1_ref, pb0_ref, pb1_ref, hs_ref, dis_ref,
                 b_ref, w_ref, out_ref):
    dis = dis_ref[...]
    agg = (pa0_ref[0] + pa1_ref[0]) + (pb0_ref[0] + pb1_ref[0])
    h = jnp.maximum(dis * (agg + hs_ref[...]) + b_ref[...], 0.0)
    out_ref[...] = jnp.dot(h, w_ref[...],
                           preferred_element_type=jnp.float32) * dis


def _tc_mid(pa, pb, hs, dis, b, w):
    n, d = hs.shape
    bspec = pl.BlockSpec((_BLK, d), lambda i: (i, 0))
    return pl.pallas_call(
        _tc_mid_body,
        grid=(n // _BLK,),
        in_specs=[
            _pspec0(d), _pspec1(d), _pspec0(d), _pspec1(d), bspec,
            pl.BlockSpec((_BLK, 1), lambda i: (i, 0)),
            pl.BlockSpec((1, d), lambda i: (0, 0)),
            pl.BlockSpec((d, d), lambda i: (0, 0)),
        ],
        out_specs=bspec,
        out_shape=jax.ShapeDtypeStruct((n, d), jnp.float32),
    )(pa, pa, pb, pb, hs, dis, b, w)


def _tc_post_body(pa0_ref, pa1_ref, pb0_ref, pb1_ref, hs_ref, dis_ref,
                  b_ref, out_ref):
    dis = dis_ref[...]
    agg = (pa0_ref[0] + pa1_ref[0]) + (pb0_ref[0] + pb1_ref[0])
    out_ref[...] = jnp.maximum(dis * (agg + hs_ref[...]) + b_ref[...], 0.0)


def _tc_post(pa, pb, hs, dis, b):
    n, d = hs.shape
    bspec = pl.BlockSpec((_BLK, d), lambda i: (i, 0))
    return pl.pallas_call(
        _tc_post_body,
        grid=(n // _BLK,),
        in_specs=[
            _pspec0(d), _pspec1(d), _pspec0(d), _pspec1(d), bspec,
            pl.BlockSpec((_BLK, 1), lambda i: (i, 0)),
            pl.BlockSpec((1, d), lambda i: (0, 0)),
        ],
        out_specs=bspec,
        out_shape=jax.ShapeDtypeStruct((n, d), jnp.float32),
    )(pa, pa, pb, pb, hs, dis, b)



def kernel(x, edge_index, Ws, bs):
    n, d = x.shape
    e = edge_index.shape[1]
    num_layers = Ws.shape[0]

    eh = _ceil_to(e, 2) // 2
    ch = _ceil_to(_ceil_to(eh, _NW * _CHUNK) // (_NW * _CHUNK), 4)
    cap = 2 * ch * _NW * _CHUNK
    pad = cap - e

    rpt = _ceil_to(_ceil_to(n + 1, _NS) // _NS, _CHUNK)
    acc_rows = rpt * _NS

    pad_ids = jnp.arange(pad, dtype=edge_index.dtype)
    src_w = jnp.concatenate(
        [edge_index[0], pad_ids % n]
    ).reshape(2, _NW, ch, _CHUNK)
    dst_w = jnp.concatenate(
        [edge_index[1], n + pad_ids % (acc_rows - n)]
    ).reshape(2, _NW, ch, _CHUNK)

    pd = _sc_degree(dst_w, d, acc_rows, rpt)

    hs = dis = None
    for l in range(num_layers):
        if l == 0:
            hs, dis = _tc_pre(x, Ws[0], pd)
        else:
            hs = _tc_mid(pa, pb, hs, dis, bs[l - 1].reshape(1, d), Ws[l])
        pa = _sc_scatter(hs, src_w[0], dst_w[0], acc_rows, rpt)
        pb = _sc_scatter(hs, src_w[1], dst_w[1], acc_rows, rpt)
    return _tc_post(pa, pb, hs, dis, bs[num_layers - 1].reshape(1, d))

# --- scband reference (transcript-rebuilt; emitter-appended) ---
"""Pipeline reference for scband-fraud-detector-42949672960530 (READ-ONLY COPY).

The authoritative reference and input builder live on the scoring server;
editing this copy changes nothing except your own understanding.
"""

import jax, jax.numpy as jnp
import numpy as np

N = 10000
E = 320000
D = 128
L = 2


def setup_inputs(seed: int = 0) -> dict:
    key = jax.random.key(seed)
    k1, k2, k3 = jax.random.split(key, 3)
    x = jax.random.normal(k1, (N, D), dtype=jnp.float32)
    edge_index = jax.random.randint(k2, (2, E), 0, N, dtype=jnp.int32)
    # Learned params: one weight matrix + bias per GCNConv layer (hidden_dim -> hidden_dim)
    wkeys = jax.random.split(k3, L)
    Ws = jnp.stack([jax.random.normal(wkeys[i], (D, D), dtype=jnp.float32) * (1.0 / np.sqrt(D)) for i in range(L)])
    bs = jnp.zeros((L, D), dtype=jnp.float32)
    return {"x": x, "edge_index": edge_index, "Ws": Ws, "bs": bs}


def reference(x, edge_index, Ws, bs):
    # GCNConv (Kipf & Welling) semantics as in PyG: add self-loops,
    # symmetric normalization D^{-1/2}(A+I)D^{-1/2}, linear transform, bias.
    n = x.shape[0]
    loop = jnp.arange(n, dtype=edge_index.dtype)
    src = jnp.concatenate([edge_index[0], loop])
    dst = jnp.concatenate([edge_index[1], loop])
    deg = jnp.zeros((n,), dtype=x.dtype).at[dst].add(1.0)
    deg_inv_sqrt = jax.lax.rsqrt(jnp.maximum(deg, 1.0))
    norm = deg_inv_sqrt[src] * deg_inv_sqrt[dst]
    h = x
    for l in range(Ws.shape[0]):
        hw = h @ Ws[l]
        msg = hw[src] * norm[:, None]
        agg = jnp.zeros_like(hw).at[dst].add(msg)
        h = jax.nn.relu(agg + bs[l])
    return h

if __name__ == "__main__":
    import jax
    _d = setup_inputs()
    print(jax.jit(kernel)(*tuple(_d.values())))

</pallas_src>

<mosaic_0001>
#map = affine_map<(d0, d1) -> (0, 0, 0, 0)>
#map1 = affine_map<(d0, d1) -> (0, 0, 0)>
module attributes {stable_mosaic.version = 14 : i64} {
  func.func @k(%arg0: i32, %arg1: i32, %arg2: memref<2x32x40x128xi32, #tpu.memory_space<hbm>>, %arg3: memref<2x10240x128xf32, #tpu.memory_space<hbm>>, %arg4: memref<40x128xi32, #tpu.memory_space<vmem>>, %arg5: memref<128x128xf32, #tpu.memory_space<vmem>>, %arg6: memref<128x128xf32, #tpu.memory_space<vmem>>, %arg7: memref<10240x128xf32, #tpu.memory_space<vmem_shared>>) attributes {dimension_semantics = [#tpu.dimension_semantics<core_parallel>, #tpu.dimension_semantics<subcore_parallel>], iteration_bounds = array<i64: 2, 16>, scalar_prefetch = 0 : i64, scratch_operands = 4 : i64, tpu.core_type = #tpu.core_type<sc_vector_subcore>, window_params = [{transform_indices = #map}, {transform_indices = #map1}]} {
    %mul3A = arith.constant 16 : i32
    %mul3A_0 = arith.muli %arg0, %mul3A : i32
    %add3A = arith.addi %mul3A_0, %arg1 : i32
    %scan3A = arith.constant 0 : i32
    %scan3A_1 = arith.constant 0 : i32
    %scan3A_2 = arith.constant 1024 : i32
    %scan3A_3 = arith.addi %scan3A_1, %scan3A_2 : i32
    %scan3A_4 = arith.constant 1 : i32
    %scan3A_5 = scf.for %scan3A_55 = %scan3A_1 to %scan3A_3 step %scan3A_4 iter_args(%scan3A_56 = %scan3A) -> (i32)  : i32 {
      %jit3A = arith.constant 8 : i32
      %div3A = arith.divsi %scan3A_55, %jit3A : i32
      %sign3A = arith.constant 0 : i32
      %sign3A_57 = arith.cmpi sgt, %scan3A_55, %sign3A : i32
      %sign3A_58 = arith.extui %sign3A_57 : i1 to i32
      %sign3A_59 = arith.constant 0 : i32
      %sign3A_60 = arith.cmpi slt, %scan3A_55, %sign3A_59 : i32
      %sign3A_61 = arith.extui %sign3A_60 : i1 to i32
      %sign3A_62 = arith.subi %sign3A_58, %sign3A_61 : i32
      %sign3A_63 = arith.constant 0 : i32
      %sign3A_64 = arith.cmpi sgt, %jit3A, %sign3A_63 : i32
      %sign3A_65 = arith.extui %sign3A_64 : i1 to i32
      %sign3A_66 = arith.constant 0 : i32
      %sign3A_67 = arith.cmpi slt, %jit3A, %sign3A_66 : i32
      %sign3A_68 = arith.extui %sign3A_67 : i1 to i32
      %sign3A_69 = arith.subi %sign3A_65, %sign3A_68 : i32
      %ne3A = arith.cmpi ne, %sign3A_62, %sign3A_69 : i32
      %rem3A = arith.remsi %scan3A_55, %jit3A : i32
      %ne3A_70 = arith.constant 0 : i32
      %ne3A_71 = arith.cmpi ne, %rem3A, %ne3A_70 : i32
      %and3A = arith.andi %ne3A, %ne3A_71 : i1
      %sub3A = arith.constant 1 : i32
      %sub3A_72 = arith.subi %div3A, %sub3A : i32
      %select_n3A = arith.select %and3A, %sub3A_72, %div3A : i32
      %jit3A_73 = arith.constant 8 : i32
      %eq3A = arith.constant 0 : i32
      %eq3A_74 = arith.cmpi eq, %jit3A_73, %eq3A : i32
      %jit3A_75 = arith.constant 1 : i32
      %select_n3A_76 = arith.select %eq3A_74, %jit3A_75, %jit3A_73 : i32
      %rem3A_77 = arith.remsi %scan3A_55, %select_n3A_76 : i32
      %ne3A_78 = arith.constant 0 : i32
      %ne3A_79 = arith.cmpi ne, %rem3A_77, %ne3A_78 : i32
      %lt3A = arith.constant 0 : i32
      %lt3A_80 = arith.cmpi slt, %rem3A_77, %lt3A : i32
      %lt3A_81 = arith.constant 0 : i32
      %lt3A_82 = arith.cmpi slt, %select_n3A_76, %lt3A_81 : i32
      %ne3A_83 = arith.xori %lt3A_80, %lt3A_82 : i1
      %and3A_84 = arith.andi %ne3A_83, %ne3A_79 : i1
      %add3A_85 = arith.addi %rem3A_77, %select_n3A_76 : i32
      %select_n3A_86 = arith.select %and3A_84, %add3A_85, %rem3A_77 : i32
      %mul3A_87 = arith.constant 16 : i32
      %mul3A_88 = arith.muli %select_n3A_86, %mul3A_87 : i32
      %broadcast_in_dim3A = arith.constant 0.000000e+00 : f32
      %broadcast_in_dim3A_89 = vector.broadcast %broadcast_in_dim3A : f32 to vector<16xf32>
      %swap3A = arith.index_cast %select_n3A : i32 to index
      %swap3A_90 = arith.index_cast %mul3A_88 : i32 to index
      %swap3A_91 = tpu.vector_load %arg6[%swap3A, %swap3A_90] {strides = array<i32>} : memref<128x128xf32, #tpu.memory_space<vmem>>, vector<1x16xf32>,
      %swap3A_92 = vector.shape_cast %swap3A_91 : vector<1x16xf32> to vector<16xf32>
      %swap3A_93 = vector.shape_cast %broadcast_in_dim3A_89 : vector<16xf32> to vector<1x16xf32>
      tpu.vector_store %arg6[%swap3A, %swap3A_90], %swap3A_93 {strides = array<i32>} : memref<128x128xf32, #tpu.memory_space<vmem>>, vector<1x16xf32>,
      %broadcast_in_dim3A_94 = arith.constant 1.000000e+00 : f32
      %broadcast_in_dim3A_95 = vector.broadcast %broadcast_in_dim3A_94 : f32 to vector<16xf32>
      %swap3A_96 = arith.index_cast %select_n3A : i32 to index
      %swap3A_97 = arith.index_cast %mul3A_88 : i32 to index
      %swap3A_98 = tpu.vector_load %arg5[%swap3A_96, %swap3A_97] {strides = array<i32>} : memref<128x128xf32, #tpu.memory_space<vmem>>, vector<1x16xf32>,
      %swap3A_99 = vector.shape_cast %swap3A_98 : vector<1x16xf32> to vector<16xf32>
      %swap3A_100 = vector.shape_cast %broadcast_in_dim3A_95 : vector<16xf32> to vector<1x16xf32>
      tpu.vector_store %arg5[%swap3A_96, %swap3A_97], %swap3A_100 {strides = array<i32>} : memref<128x128xf32, #tpu.memory_space<vmem>>, vector<1x16xf32>,
      %scan3A_101 = arith.constant 0 : i32
      scf.yield %scan3A_101 : i32
    }
    %scan3A_6 = arith.constant 1024 : i32
    %mul3A_7 = arith.constant 640 : i32
    %mul3A_8 = arith.muli %arg1, %mul3A_7 : i32
    %add3A_9 = arith.constant 0 : i32
    %add3A_10 = arith.addi %mul3A_8, %add3A_9 : i32
    "tpu.region"() ({
      %run_scoped3A_55 = tpu.sem_alloc : memref<!tpu.dma_semaphore, #tpu.memory_space<semaphore_mem>>
      %dma_start3A = arith.constant 0 : i32
      %dma_start3A_56 = tpu.memref_slice %arg7[%add3A_10, %dma_start3A] : memref<10240x128xf32, #tpu.memory_space<vmem_shared>> -> memref<128x128xf32, #tpu.memory_space<vmem_shared>>
      %dma_start3A_57 = arith.constant 0 : i32
      %dma_start3A_58 = tpu.memref_slice %arg7[%add3A_10, %dma_start3A_57] : memref<10240x128xf32, #tpu.memory_space<vmem_shared>> -> memref<128x128xf32, #tpu.memory_space<vmem_shared>>
      tpu.enqueue_dma source(%arg6 : memref<128x128xf32, #tpu.memory_space<vmem>>) target(%dma_start3A_58 : memref<128x128xf32, #tpu.memory_space<vmem_shared>>) target_semaphore(%run_scoped3A_55 : memref<!tpu.dma_semaphore, #tpu.memory_space<semaphore_mem>>)
      %dma_wait3A = arith.constant 0 : i32
      %dma_wait3A_59 = tpu.memref_slice %arg7[%add3A_10, %dma_wait3A] : memref<10240x128xf32, #tpu.memory_space<vmem_shared>> -> memref<128x128xf32, #tpu.memory_space<vmem_shared>>
      %dma_wait3A_60 = arith.constant 0 : i32
      %dma_wait3A_61 = tpu.memref_slice %arg7[%add3A_10, %dma_wait3A_60] : memref<10240x128xf32, #tpu.memory_space<vmem_shared>> -> memref<128x128xf32, #tpu.memory_space<vmem_shared>>
      tpu.wait_dma2 semaphore(%run_scoped3A_55 : memref<!tpu.dma_semaphore, #tpu.memory_space<semaphore_mem>>) src(%arg6 : memref<128x128xf32, #tpu.memory_space<vmem>>) dst(%dma_wait3A_61 : memref<128x128xf32, #tpu.memory_space<vmem_shared>>)
      tpu.yield
    }) : () -> ()
    %add3A_11 = arith.constant 128 : i32
    %add3A_12 = arith.addi %mul3A_8, %add3A_11 : i32
    "tpu.region"() ({
      %run_scoped3A_55 = tpu.sem_alloc : memref<!tpu.dma_semaphore, #tpu.memory_space<semaphore_mem>>
      %dma_start3A = arith.constant 0 : i32
      %dma_start3A_56 = tpu.memref_slice %arg7[%add3A_12, %dma_start3A] : memref<10240x128xf32, #tpu.memory_space<vmem_shared>> -> memref<128x128xf32, #tpu.memory_space<vmem_shared>>
      %dma_start3A_57 = arith.constant 0 : i32
      %dma_start3A_58 = tpu.memref_slice %arg7[%add3A_12, %dma_start3A_57] : memref<10240x128xf32, #tpu.memory_space<vmem_shared>> -> memref<128x128xf32, #tpu.memory_space<vmem_shared>>
      tpu.enqueue_dma source(%arg6 : memref<128x128xf32, #tpu.memory_space<vmem>>) target(%dma_start3A_58 : memref<128x128xf32, #tpu.memory_space<vmem_shared>>) target_semaphore(%run_scoped3A_55 : memref<!tpu.dma_semaphore, #tpu.memory_space<semaphore_mem>>)
      %dma_wait3A = arith.constant 0 : i32
      %dma_wait3A_59 = tpu.memref_slice %arg7[%add3A_12, %dma_wait3A] : memref<10240x128xf32, #tpu.memory_space<vmem_shared>> -> memref<128x128xf32, #tpu.memory_space<vmem_shared>>
      %dma_wait3A_60 = arith.constant 0 : i32
      %dma_wait3A_61 = tpu.memref_slice %arg7[%add3A_12, %dma_wait3A_60] : memref<10240x128xf32, #tpu.memory_space<vmem_shared>> -> memref<128x128xf32, #tpu.memory_space<vmem_shared>>
      tpu.wait_dma2 semaphore(%run_scoped3A_55 : memref<!tpu.dma_semaphore, #tpu.memory_space<semaphore_mem>>) src(%arg6 : memref<128x128xf32, #tpu.memory_space<vmem>>) dst(%dma_wait3A_61 : memref<128x128xf32, #tpu.memory_space<vmem_shared>>)
      tpu.yield
    }) : () -> ()
    %add3A_13 = arith.constant 256 : i32
    %add3A_14 = arith.addi %mul3A_8, %add3A_13 : i32
    "tpu.region"() ({
      %run_scoped3A_55 = tpu.sem_alloc : memref<!tpu.dma_semaphore, #tpu.memory_space<semaphore_mem>>
      %dma_start3A = arith.constant 0 : i32
      %dma_start3A_56 = tpu.memref_slice %arg7[%add3A_14, %dma_start3A] : memref<10240x128xf32, #tpu.memory_space<vmem_shared>> -> memref<128x128xf32, #tpu.memory_space<vmem_shared>>
      %dma_start3A_57 = arith.constant 0 : i32
      %dma_start3A_58 = tpu.memref_slice %arg7[%add3A_14, %dma_start3A_57] : memref<10240x128xf32, #tpu.memory_space<vmem_shared>> -> memref<128x128xf32, #tpu.memory_space<vmem_shared>>
      tpu.enqueue_dma source(%arg6 : memref<128x128xf32, #tpu.memory_space<vmem>>) target(%dma_start3A_58 : memref<128x128xf32, #tpu.memory_space<vmem_shared>>) target_semaphore(%run_scoped3A_55 : memref<!tpu.dma_semaphore, #tpu.memory_space<semaphore_mem>>)
      %dma_wait3A = arith.constant 0 : i32
      %dma_wait3A_59 = tpu.memref_slice %arg7[%add3A_14, %dma_wait3A] : memref<10240x128xf32, #tpu.memory_space<vmem_shared>> -> memref<128x128xf32, #tpu.memory_space<vmem_shared>>
      %dma_wait3A_60 = arith.constant 0 : i32
      %dma_wait3A_61 = tpu.memref_slice %arg7[%add3A_14, %dma_wait3A_60] : memref<10240x128xf32, #tpu.memory_space<vmem_shared>> -> memref<128x128xf32, #tpu.memory_space<vmem_shared>>
      tpu.wait_dma2 semaphore(%run_scoped3A_55 : memref<!tpu.dma_semaphore, #tpu.memory_space<semaphore_mem>>) src(%arg6 : memref<128x128xf32, #tpu.memory_space<vmem>>) dst(%dma_wait3A_61 : memref<128x128xf32, #tpu.memory_space<vmem_shared>>)
      tpu.yield
    }) : () -> ()
    %add3A_15 = arith.constant 384 : i32
    %add3A_16 = arith.addi %mul3A_8, %add3A_15 : i32
    "tpu.region"() ({
      %run_scoped3A_55 = tpu.sem_alloc : memref<!tpu.dma_semaphore, #tpu.memory_space<semaphore_mem>>
      %dma_start3A = arith.constant 0 : i32
      %dma_start3A_56 = tpu.memref_slice %arg7[%add3A_16, %dma_start3A] : memref<10240x128xf32, #tpu.memory_space<vmem_shared>> -> memref<128x128xf32, #tpu.memory_space<vmem_shared>>
      %dma_start3A_57 = arith.constant 0 : i32
      %dma_start3A_58 = tpu.memref_slice %arg7[%add3A_16, %dma_start3A_57] : memref<10240x128xf32, #tpu.memory_space<vmem_shared>> -> memref<128x128xf32, #tpu.memory_space<vmem_shared>>
      tpu.enqueue_dma source(%arg6 : memref<128x128xf32, #tpu.memory_space<vmem>>) target(%dma_start3A_58 : memref<128x128xf32, #tpu.memory_space<vmem_shared>>) target_semaphore(%run_scoped3A_55 : memref<!tpu.dma_semaphore, #tpu.memory_space<semaphore_mem>>)
      %dma_wait3A = arith.constant 0 : i32
      %dma_wait3A_59 = tpu.memref_slice %arg7[%add3A_16, %dma_wait3A] : memref<10240x128xf32, #tpu.memory_space<vmem_shared>> -> memref<128x128xf32, #tpu.memory_space<vmem_shared>>
      %dma_wait3A_60 = arith.constant 0 : i32
      %dma_wait3A_61 = tpu.memref_slice %arg7[%add3A_16, %dma_wait3A_60] : memref<10240x128xf32, #tpu.memory_space<vmem_shared>> -> memref<128x128xf32, #tpu.memory_space<vmem_shared>>
      tpu.wait_dma2 semaphore(%run_scoped3A_55 : memref<!tpu.dma_semaphore, #tpu.memory_space<semaphore_mem>>) src(%arg6 : memref<128x128xf32, #tpu.memory_space<vmem>>) dst(%dma_wait3A_61 : memref<128x128xf32, #tpu.memory_space<vmem_shared>>)
      tpu.yield
    }) : () -> ()
    %add3A_17 = arith.constant 512 : i32
    %add3A_18 = arith.addi %mul3A_8, %add3A_17 : i32
    "tpu.region"() ({
      %run_scoped3A_55 = tpu.sem_alloc : memref<!tpu.dma_semaphore, #tpu.memory_space<semaphore_mem>>
      %dma_start3A = arith.constant 0 : i32
      %dma_start3A_56 = tpu.memref_slice %arg7[%add3A_18, %dma_start3A] : memref<10240x128xf32, #tpu.memory_space<vmem_shared>> -> memref<128x128xf32, #tpu.memory_space<vmem_shared>>
      %dma_start3A_57 = arith.constant 0 : i32
      %dma_start3A_58 = tpu.memref_slice %arg7[%add3A_18, %dma_start3A_57] : memref<10240x128xf32, #tpu.memory_space<vmem_shared>> -> memref<128x128xf32, #tpu.memory_space<vmem_shared>>
      tpu.enqueue_dma source(%arg6 : memref<128x128xf32, #tpu.memory_space<vmem>>) target(%dma_start3A_58 : memref<128x128xf32, #tpu.memory_space<vmem_shared>>) target_semaphore(%run_scoped3A_55 : memref<!tpu.dma_semaphore, #tpu.memory_space<semaphore_mem>>)
      %dma_wait3A = arith.constant 0 : i32
      %dma_wait3A_59 = tpu.memref_slice %arg7[%add3A_18, %dma_wait3A] : memref<10240x128xf32, #tpu.memory_space<vmem_shared>> -> memref<128x128xf32, #tpu.memory_space<vmem_shared>>
      %dma_wait3A_60 = arith.constant 0 : i32
      %dma_wait3A_61 = tpu.memref_slice %arg7[%add3A_18, %dma_wait3A_60] : memref<10240x128xf32, #tpu.memory_space<vmem_shared>> -> memref<128x128xf32, #tpu.memory_space<vmem_shared>>
      tpu.wait_dma2 semaphore(%run_scoped3A_55 : memref<!tpu.dma_semaphore, #tpu.memory_space<semaphore_mem>>) src(%arg6 : memref<128x128xf32, #tpu.memory_space<vmem>>) dst(%dma_wait3A_61 : memref<128x128xf32, #tpu.memory_space<vmem_shared>>)
      tpu.yield
    }) : () -> ()
    %barrier3A = arith.constant 0 : index
    tpu.barrier barrier_id(%barrier3A)
    %run_scoped3A = arith.constant 0 : i32
    "tpu.region"() ({
      %run_scoped3A_55 = tpu.sem_alloc : memref<!tpu.dma_semaphore, #tpu.memory_space<semaphore_mem>>
      %dma_start3A = arith.constant 0 : i32
      %dma_start3A_56 = arith.constant 0 : i32
      %dma_start3A_57 = tpu.memref_slice %arg2[%run_scoped3A, %add3A, %dma_start3A, %dma_start3A_56] : memref<2x32x40x128xi32, #tpu.memory_space<hbm>> -> memref<1x1x40x128xi32, #tpu.memory_space<hbm>>
      %dma_start3A_58 = tpu.memref_squeeze %dma_start3A_57 : memref<1x1x40x128xi32, #tpu.memory_space<hbm>> -> memref<40x128xi32, #tpu.memory_space<hbm>>
      %dma_start3A_59 = arith.constant 0 : i32
      %dma_start3A_60 = arith.constant 0 : i32
      %dma_start3A_61 = tpu.memref_slice %arg2[%run_scoped3A, %add3A, %dma_start3A_59, %dma_start3A_60] : memref<2x32x40x128xi32, #tpu.memory_space<hbm>> -> memref<1x1x40x128xi32, #tpu.memory_space<hbm>>
      %dma_start3A_62 = tpu.memref_squeeze %dma_start3A_61 : memref<1x1x40x128xi32, #tpu.memory_space<hbm>> -> memref<40x128xi32, #tpu.memory_space<hbm>>
      tpu.enqueue_dma source(%dma_start3A_62 : memref<40x128xi32, #tpu.memory_space<hbm>>) target(%arg4 : memref<40x128xi32, #tpu.memory_space<vmem>>) target_semaphore(%run_scoped3A_55 : memref<!tpu.dma_semaphore, #tpu.memory_space<semaphore_mem>>)
      %dma_wait3A = arith.constant 0 : i32
      %dma_wait3A_63 = arith.constant 0 : i32
      %dma_wait3A_64 = tpu.memref_slice %arg2[%run_scoped3A, %add3A, %dma_wait3A, %dma_wait3A_63] : memref<2x32x40x128xi32, #tpu.memory_space<hbm>> -> memref<1x1x40x128xi32, #tpu.memory_space<hbm>>
      %dma_wait3A_65 = tpu.memref_squeeze %dma_wait3A_64 : memref<1x1x40x128xi32, #tpu.memory_space<hbm>> -> memref<40x128xi32, #tpu.memory_space<hbm>>
      %dma_wait3A_66 = arith.constant 0 : i32
      %dma_wait3A_67 = arith.constant 0 : i32
      %dma_wait3A_68 = tpu.memref_slice %arg2[%run_scoped3A, %add3A, %dma_wait3A_66, %dma_wait3A_67] : memref<2x32x40x128xi32, #tpu.memory_space<hbm>> -> memref<1x1x40x128xi32, #tpu.memory_space<hbm>>
      %dma_wait3A_69 = tpu.memref_squeeze %dma_wait3A_68 : memref<1x1x40x128xi32, #tpu.memory_space<hbm>> -> memref<40x128xi32, #tpu.memory_space<hbm>>
      tpu.wait_dma2 semaphore(%run_scoped3A_55 : memref<!tpu.dma_semaphore, #tpu.memory_space<semaphore_mem>>) src(%dma_wait3A_69 : memref<40x128xi32, #tpu.memory_space<hbm>>) dst(%arg4 : memref<40x128xi32, #tpu.memory_space<vmem>>)
      tpu.yield
    }) : () -> ()
    %scan3A_19 = arith.constant 0 : i32
    %scan3A_20 = arith.constant 0 : i32
    %scan3A_21 = arith.constant 40 : i32
    %scan3A_22 = arith.addi %scan3A_20, %scan3A_21 : i32
    %scan3A_23 = arith.constant 1 : i32
    %scan3A_24 = scf.for %scan3A_55 = %scan3A_20 to %scan3A_22 step %scan3A_23 iter_args(%scan3A_56 = %scan3A_19) -> (i32)  : i32 {
      "tpu.region"() ({
        %run_scoped3A_58 = tpu.sem_alloc : memref<!tpu.dma_semaphore, #tpu.memory_space<semaphore_mem>>
        %dma_start3A = arith.constant 0 : i32
        %dma_start3A_59 = tpu.memref_slice %arg4[%scan3A_55, %dma_start3A] : memref<40x128xi32, #tpu.memory_space<vmem>> -> memref<1x128xi32, #tpu.memory_space<vmem>>
        %dma_start3A_60 = tpu.memref_squeeze %dma_start3A_59 : memref<1x128xi32, #tpu.memory_space<vmem>> -> memref<128xi32, #tpu.memory_space<vmem>>
        %dma_start3A_61 = arith.constant 0 : i32
        %dma_start3A_62 = arith.constant 0 : i32
        %dma_start3A_63 = tpu.memref_slice %arg7[%dma_start3A_61, %dma_start3A_62] : memref<10240x128xf32, #tpu.memory_space<vmem_shared>> -> memref<10240x128xf32, #tpu.memory_space<vmem_shared>>
        tpu.enqueue_indirect_dma source(%arg5 : memref<128x128xf32, #tpu.memory_space<vmem>>) target(%dma_start3A_63 : memref<10240x128xf32, #tpu.memory_space<vmem_shared>>) offsets(%dma_start3A_60 : memref<128xi32, #tpu.memory_space<vmem>>) semaphore(%run_scoped3A_58 : memref<!tpu.dma_semaphore, #tpu.memory_space<semaphore_mem>>) {add = true}
        %dma_wait3A = arith.constant 0 : i32
        %dma_wait3A_64 = tpu.memref_slice %arg4[%scan3A_55, %dma_wait3A] : memref<40x128xi32, #tpu.memory_space<vmem>> -> memref<1x128xi32, #tpu.memory_space<vmem>>
        %dma_wait3A_65 = tpu.memref_squeeze %dma_wait3A_64 : memref<1x128xi32, #tpu.memory_space<vmem>> -> memref<128xi32, #tpu.memory_space<vmem>>
        %dma_wait3A_66 = arith.constant 0 : i32
        %dma_wait3A_67 = arith.constant 0 : i32
        %dma_wait3A_68 = tpu.memref_slice %arg7[%dma_wait3A_66, %dma_wait3A_67] : memref<10240x128xf32, #tpu.memory_space<vmem_shared>> -> memref<10240x128xf32, #tpu.memory_space<vmem_shared>>
        tpu.wait_indirect_dma semaphore(%run_scoped3A_58 : memref<!tpu.dma_semaphore, #tpu.memory_space<semaphore_mem>>) src(%arg5 : memref<128x128xf32, #tpu.memory_space<vmem>>) dst(%dma_wait3A_68 : memref<10240x128xf32, #tpu.memory_space<vmem_shared>>)
        tpu.yield
      }) : () -> ()
      %scan3A_57 = arith.constant 0 : i32
      scf.yield %scan3A_57 : i32
    }
    %scan3A_25 = arith.constant 40 : i32
    %run_scoped3A_26 = arith.constant 1 : i32
    "tpu.region"() ({
      %run_scoped3A_55 = tpu.sem_alloc : memref<!tpu.dma_semaphore, #tpu.memory_space<semaphore_mem>>
      %dma_start3A = arith.constant 0 : i32
      %dma_start3A_56 = arith.constant 0 : i32
      %dma_start3A_57 = tpu.memref_slice %arg2[%run_scoped3A_26, %add3A, %dma_start3A, %dma_start3A_56] : memref<2x32x40x128xi32, #tpu.memory_space<hbm>> -> memref<1x1x40x128xi32, #tpu.memory_space<hbm>>
      %dma_start3A_58 = tpu.memref_squeeze %dma_start3A_57 : memref<1x1x40x128xi32, #tpu.memory_space<hbm>> -> memref<40x128xi32, #tpu.memory_space<hbm>>
      %dma_start3A_59 = arith.constant 0 : i32
      %dma_start3A_60 = arith.constant 0 : i32
      %dma_start3A_61 = tpu.memref_slice %arg2[%run_scoped3A_26, %add3A, %dma_start3A_59, %dma_start3A_60] : memref<2x32x40x128xi32, #tpu.memory_space<hbm>> -> memref<1x1x40x128xi32, #tpu.memory_space<hbm>>
      %dma_start3A_62 = tpu.memref_squeeze %dma_start3A_61 : memref<1x1x40x128xi32, #tpu.memory_space<hbm>> -> memref<40x128xi32, #tpu.memory_space<hbm>>
      tpu.enqueue_dma source(%dma_start3A_62 : memref<40x128xi32, #tpu.memory_space<hbm>>) target(%arg4 : memref<40x128xi32, #tpu.memory_space<vmem>>) target_semaphore(%run_scoped3A_55 : memref<!tpu.dma_semaphore, #tpu.memory_space<semaphore_mem>>)
      %dma_wait3A = arith.constant 0 : i32
      %dma_wait3A_63 = arith.constant 0 : i32
      %dma_wait3A_64 = tpu.memref_slice %arg2[%run_scoped3A_26, %add3A, %dma_wait3A, %dma_wait3A_63] : memref<2x32x40x128xi32, #tpu.memory_space<hbm>> -> memref<1x1x40x128xi32, #tpu.memory_space<hbm>>
      %dma_wait3A_65 = tpu.memref_squeeze %dma_wait3A_64 : memref<1x1x40x128xi32, #tpu.memory_space<hbm>> -> memref<40x128xi32, #tpu.memory_space<hbm>>
      %dma_wait3A_66 = arith.constant 0 : i32
      %dma_wait3A_67 = arith.constant 0 : i32
      %dma_wait3A_68 = tpu.memref_slice %arg2[%run_scoped3A_26, %add3A, %dma_wait3A_66, %dma_wait3A_67] : memref<2x32x40x128xi32, #tpu.memory_space<hbm>> -> memref<1x1x40x128xi32, #tpu.memory_space<hbm>>
      %dma_wait3A_69 = tpu.memref_squeeze %dma_wait3A_68 : memref<1x1x40x128xi32, #tpu.memory_space<hbm>> -> memref<40x128xi32, #tpu.memory_space<hbm>>
      tpu.wait_dma2 semaphore(%run_scoped3A_55 : memref<!tpu.dma_semaphore, #tpu.memory_space<semaphore_mem>>) src(%dma_wait3A_69 : memref<40x128xi32, #tpu.memory_space<hbm>>) dst(%arg4 : memref<40x128xi32, #tpu.memory_space<vmem>>)
      tpu.yield
    }) : () -> ()
    %scan3A_27 = arith.constant 0 : i32
    %scan3A_28 = arith.constant 0 : i32
    %scan3A_29 = arith.constant 40 : i32
    %scan3A_30 = arith.addi %scan3A_28, %scan3A_29 : i32
    %scan3A_31 = arith.constant 1 : i32
    %scan3A_32 = scf.for %scan3A_55 = %scan3A_28 to %scan3A_30 step %scan3A_31 iter_args(%scan3A_56 = %scan3A_27) -> (i32)  : i32 {
      "tpu.region"() ({
        %run_scoped3A_58 = tpu.sem_alloc : memref<!tpu.dma_semaphore, #tpu.memory_space<semaphore_mem>>
        %dma_start3A = arith.constant 0 : i32
        %dma_start3A_59 = tpu.memref_slice %arg4[%scan3A_55, %dma_start3A] : memref<40x128xi32, #tpu.memory_space<vmem>> -> memref<1x128xi32, #tpu.memory_space<vmem>>
        %dma_start3A_60 = tpu.memref_squeeze %dma_start3A_59 : memref<1x128xi32, #tpu.memory_space<vmem>> -> memref<128xi32, #tpu.memory_space<vmem>>
        %dma_start3A_61 = arith.constant 0 : i32
        %dma_start3A_62 = arith.constant 0 : i32
        %dma_start3A_63 = tpu.memref_slice %arg7[%dma_start3A_61, %dma_start3A_62] : memref<10240x128xf32, #tpu.memory_space<vmem_shared>> -> memref<10240x128xf32, #tpu.memory_space<vmem_shared>>
        tpu.enqueue_indirect_dma source(%arg5 : memref<128x128xf32, #tpu.memory_space<vmem>>) target(%dma_start3A_63 : memref<10240x128xf32, #tpu.memory_space<vmem_shared>>) offsets(%dma_start3A_60 : memref<128xi32, #tpu.memory_space<vmem>>) semaphore(%run_scoped3A_58 : memref<!tpu.dma_semaphore, #tpu.memory_space<semaphore_mem>>) {add = true}
        %dma_wait3A = arith.constant 0 : i32
        %dma_wait3A_64 = tpu.memref_slice %arg4[%scan3A_55, %dma_wait3A] : memref<40x128xi32, #tpu.memory_space<vmem>> -> memref<1x128xi32, #tpu.memory_space<vmem>>
        %dma_wait3A_65 = tpu.memref_squeeze %dma_wait3A_64 : memref<1x128xi32, #tpu.memory_space<vmem>> -> memref<128xi32, #tpu.memory_space<vmem>>
        %dma_wait3A_66 = arith.constant 0 : i32
        %dma_wait3A_67 = arith.constant 0 : i32
        %dma_wait3A_68 = tpu.memref_slice %arg7[%dma_wait3A_66, %dma_wait3A_67] : memref<10240x128xf32, #tpu.memory_space<vmem_shared>> -> memref<10240x128xf32, #tpu.memory_space<vmem_shared>>
        tpu.wait_indirect_dma semaphore(%run_scoped3A_58 : memref<!tpu.dma_semaphore, #tpu.memory_space<semaphore_mem>>) src(%arg5 : memref<128x128xf32, #tpu.memory_space<vmem>>) dst(%dma_wait3A_68 : memref<10240x128xf32, #tpu.memory_space<vmem_shared>>)
        tpu.yield
      }) : () -> ()
      %scan3A_57 = arith.constant 0 : i32
      scf.yield %scan3A_57 : i32
    }
    %scan3A_33 = arith.constant 40 : i32
    %barrier3A_34 = arith.constant 0 : index
    tpu.barrier barrier_id(%barrier3A_34)
    %add3A_35 = arith.constant 0 : i32
    %add3A_36 = arith.addi %mul3A_8, %add3A_35 : i32
    %add3A_37 = arith.constant 0 : i32
    %add3A_38 = arith.addi %mul3A_8, %add3A_37 : i32
    "tpu.region"() ({
      %run_scoped3A_55 = tpu.sem_alloc : memref<!tpu.dma_semaphore, #tpu.memory_space<semaphore_mem>>
      %dma_start3A = arith.constant 0 : i32
      %dma_start3A_56 = tpu.memref_slice %arg3[%arg0, %add3A_38, %dma_start3A] : memref<2x10240x128xf32, #tpu.memory_space<hbm>> -> memref<1x128x128xf32, #tpu.memory_space<hbm>>
      %dma_start3A_57 = tpu.memref_squeeze %dma_start3A_56 : memref<1x128x128xf32, #tpu.memory_space<hbm>> -> memref<128x128xf32, #tpu.memory_space<hbm>>
      %dma_start3A_58 = arith.constant 0 : i32
      %dma_start3A_59 = tpu.memref_slice %arg7[%add3A_36, %dma_start3A_58] : memref<10240x128xf32, #tpu.memory_space<vmem_shared>> -> memref<128x128xf32, #tpu.memory_space<vmem_shared>>
      tpu.enqueue_dma source(%dma_start3A_59 : memref<128x128xf32, #tpu.memory_space<vmem_shared>>) target(%dma_start3A_57 : memref<128x128xf32, #tpu.memory_space<hbm>>) target_semaphore(%run_scoped3A_55 : memref<!tpu.dma_semaphore, #tpu.memory_space<semaphore_mem>>)
      %dma_wait3A = arith.constant 0 : i32
      %dma_wait3A_60 = tpu.memref_slice %arg3[%arg0, %add3A_38, %dma_wait3A] : memref<2x10240x128xf32, #tpu.memory_space<hbm>> -> memref<1x128x128xf32, #tpu.memory_space<hbm>>
      %dma_wait3A_61 = tpu.memref_squeeze %dma_wait3A_60 : memref<1x128x128xf32, #tpu.memory_space<hbm>> -> memref<128x128xf32, #tpu.memory_space<hbm>>
      %dma_wait3A_62 = arith.constant 0 : i32
      %dma_wait3A_63 = tpu.memref_slice %arg7[%add3A_36, %dma_wait3A_62] : memref<10240x128xf32, #tpu.memory_space<vmem_shared>> -> memref<128x128xf32, #tpu.memory_space<vmem_shared>>
      tpu.wait_dma2 semaphore(%run_scoped3A_55 : memref<!tpu.dma_semaphore, #tpu.memory_space<semaphore_mem>>) src(%dma_wait3A_63 : memref<128x128xf32, #tpu.memory_space<vmem_shared>>) dst(%dma_wait3A_61 : memref<128x128xf32, #tpu.memory_space<hbm>>)
      tpu.yield
    }) : () -> ()
    %add3A_39 = arith.constant 128 : i32
    %add3A_40 = arith.addi %mul3A_8, %add3A_39 : i32
    %add3A_41 = arith.constant 128 : i32
    %add3A_42 = arith.addi %mul3A_8, %add3A_41 : i32
    "tpu.region"() ({
      %run_scoped3A_55 = tpu.sem_alloc : memref<!tpu.dma_semaphore, #tpu.memory_space<semaphore_mem>>
      %dma_start3A = arith.constant 0 : i32
      %dma_start3A_56 = tpu.memref_slice %arg3[%arg0, %add3A_42, %dma_start3A] : memref<2x10240x128xf32, #tpu.memory_space<hbm>> -> memref<1x128x128xf32, #tpu.memory_space<hbm>>
      %dma_start3A_57 = tpu.memref_squeeze %dma_start3A_56 : memref<1x128x128xf32, #tpu.memory_space<hbm>> -> memref<128x128xf32, #tpu.memory_space<hbm>>
      %dma_start3A_58 = arith.constant 0 : i32
      %dma_start3A_59 = tpu.memref_slice %arg7[%add3A_40, %dma_start3A_58] : memref<10240x128xf32, #tpu.memory_space<vmem_shared>> -> memref<128x128xf32, #tpu.memory_space<vmem_shared>>
      tpu.enqueue_dma source(%dma_start3A_59 : memref<128x128xf32, #tpu.memory_space<vmem_shared>>) target(%dma_start3A_57 : memref<128x128xf32, #tpu.memory_space<hbm>>) target_semaphore(%run_scoped3A_55 : memref<!tpu.dma_semaphore, #tpu.memory_space<semaphore_mem>>)
      %dma_wait3A = arith.constant 0 : i32
      %dma_wait3A_60 = tpu.memref_slice %arg3[%arg0, %add3A_42, %dma_wait3A] : memref<2x10240x128xf32, #tpu.memory_space<hbm>> -> memref<1x128x128xf32, #tpu.memory_space<hbm>>
      %dma_wait3A_61 = tpu.memref_squeeze %dma_wait3A_60 : memref<1x128x128xf32, #tpu.memory_space<hbm>> -> memref<128x128xf32, #tpu.memory_space<hbm>>
      %dma_wait3A_62 = arith.constant 0 : i32
      %dma_wait3A_63 = tpu.memref_slice %arg7[%add3A_40, %dma_wait3A_62] : memref<10240x128xf32, #tpu.memory_space<vmem_shared>> -> memref<128x128xf32, #tpu.memory_space<vmem_shared>>
      tpu.wait_dma2 semaphore(%run_scoped3A_55 : memref<!tpu.dma_semaphore, #tpu.memory_space<semaphore_mem>>) src(%dma_wait3A_63 : memref<128x128xf32, #tpu.memory_space<vmem_shared>>) dst(%dma_wait3A_61 : memref<128x128xf32, #tpu.memory_space<hbm>>)
      tpu.yield
    }) : () -> ()
    %add3A_43 = arith.constant 256 : i32
    %add3A_44 = arith.addi %mul3A_8, %add3A_43 : i32
    %add3A_45 = arith.constant 256 : i32
    %add3A_46 = arith.addi %mul3A_8, %add3A_45 : i32
    "tpu.region"() ({
      %run_scoped3A_55 = tpu.sem_alloc : memref<!tpu.dma_semaphore, #tpu.memory_space<semaphore_mem>>
      %dma_start3A = arith.constant 0 : i32
      %dma_start3A_56 = tpu.memref_slice %arg3[%arg0, %add3A_46, %dma_start3A] : memref<2x10240x128xf32, #tpu.memory_space<hbm>> -> memref<1x128x128xf32, #tpu.memory_space<hbm>>
      %dma_start3A_57 = tpu.memref_squeeze %dma_start3A_56 : memref<1x128x128xf32, #tpu.memory_space<hbm>> -> memref<128x128xf32, #tpu.memory_space<hbm>>
      %dma_start3A_58 = arith.constant 0 : i32
      %dma_start3A_59 = tpu.memref_slice %arg7[%add3A_44, %dma_start3A_58] : memref<10240x128xf32, #tpu.memory_space<vmem_shared>> -> memref<128x128xf32, #tpu.memory_space<vmem_shared>>
      tpu.enqueue_dma source(%dma_start3A_59 : memref<128x128xf32, #tpu.memory_space<vmem_shared>>) target(%dma_start3A_57 : memref<128x128xf32, #tpu.memory_space<hbm>>) target_semaphore(%run_scoped3A_55 : memref<!tpu.dma_semaphore, #tpu.memory_space<semaphore_mem>>)
      %dma_wait3A = arith.constant 0 : i32
      %dma_wait3A_60 = tpu.memref_slice %arg3[%arg0, %add3A_46, %dma_wait3A] : memref<2x10240x128xf32, #tpu.memory_space<hbm>> -> memref<1x128x128xf32, #tpu.memory_space<hbm>>
      %dma_wait3A_61 = tpu.memref_squeeze %dma_wait3A_60 : memref<1x128x128xf32, #tpu.memory_space<hbm>> -> memref<128x128xf32, #tpu.memory_space<hbm>>
      %dma_wait3A_62 = arith.constant 0 : i32
      %dma_wait3A_63 = tpu.memref_slice %arg7[%add3A_44, %dma_wait3A_62] : memref<10240x128xf32, #tpu.memory_space<vmem_shared>> -> memref<128x128xf32, #tpu.memory_space<vmem_shared>>
      tpu.wait_dma2 semaphore(%run_scoped3A_55 : memref<!tpu.dma_semaphore, #tpu.memory_space<semaphore_mem>>) src(%dma_wait3A_63 : memref<128x128xf32, #tpu.memory_space<vmem_shared>>) dst(%dma_wait3A_61 : memref<128x128xf32, #tpu.memory_space<hbm>>)
      tpu.yield
    }) : () -> ()
    %add3A_47 = arith.constant 384 : i32
    %add3A_48 = arith.addi %mul3A_8, %add3A_47 : i32
    %add3A_49 = arith.constant 384 : i32
    %add3A_50 = arith.addi %mul3A_8, %add3A_49 : i32
    "tpu.region"() ({
      %run_scoped3A_55 = tpu.sem_alloc : memref<!tpu.dma_semaphore, #tpu.memory_space<semaphore_mem>>
      %dma_start3A = arith.constant 0 : i32
      %dma_start3A_56 = tpu.memref_slice %arg3[%arg0, %add3A_50, %dma_start3A] : memref<2x10240x128xf32, #tpu.memory_space<hbm>> -> memref<1x128x128xf32, #tpu.memory_space<hbm>>
      %dma_start3A_57 = tpu.memref_squeeze %dma_start3A_56 : memref<1x128x128xf32, #tpu.memory_space<hbm>> -> memref<128x128xf32, #tpu.memory_space<hbm>>
      %dma_start3A_58 = arith.constant 0 : i32
      %dma_start3A_59 = tpu.memref_slice %arg7[%add3A_48, %dma_start3A_58] : memref<10240x128xf32, #tpu.memory_space<vmem_shared>> -> memref<128x128xf32, #tpu.memory_space<vmem_shared>>
      tpu.enqueue_dma source(%dma_start3A_59 : memref<128x128xf32, #tpu.memory_space<vmem_shared>>) target(%dma_start3A_57 : memref<128x128xf32, #tpu.memory_space<hbm>>) target_semaphore(%run_scoped3A_55 : memref<!tpu.dma_semaphore, #tpu.memory_space<semaphore_mem>>)
      %dma_wait3A = arith.constant 0 : i32
      %dma_wait3A_60 = tpu.memref_slice %arg3[%arg0, %add3A_50, %dma_wait3A] : memref<2x10240x128xf32, #tpu.memory_space<hbm>> -> memref<1x128x128xf32, #tpu.memory_space<hbm>>
      %dma_wait3A_61 = tpu.memref_squeeze %dma_wait3A_60 : memref<1x128x128xf32, #tpu.memory_space<hbm>> -> memref<128x128xf32, #tpu.memory_space<hbm>>
      %dma_wait3A_62 = arith.constant 0 : i32
      %dma_wait3A_63 = tpu.memref_slice %arg7[%add3A_48, %dma_wait3A_62] : memref<10240x128xf32, #tpu.memory_space<vmem_shared>> -> memref<128x128xf32, #tpu.memory_space<vmem_shared>>
      tpu.wait_dma2 semaphore(%run_scoped3A_55 : memref<!tpu.dma_semaphore, #tpu.memory_space<semaphore_mem>>) src(%dma_wait3A_63 : memref<128x128xf32, #tpu.memory_space<vmem_shared>>) dst(%dma_wait3A_61 : memref<128x128xf32, #tpu.memory_space<hbm>>)
      tpu.yield
    }) : () -> ()
    %add3A_51 = arith.constant 512 : i32
    %add3A_52 = arith.addi %mul3A_8, %add3A_51 : i32
    %add3A_53 = arith.constant 512 : i32
    %add3A_54 = arith.addi %mul3A_8, %add3A_53 : i32
    "tpu.region"() ({
      %run_scoped3A_55 = tpu.sem_alloc : memref<!tpu.dma_semaphore, #tpu.memory_space<semaphore_mem>>
      %dma_start3A = arith.constant 0 : i32
      %dma_start3A_56 = tpu.memref_slice %arg3[%arg0, %add3A_54, %dma_start3A] : memref<2x10240x128xf32, #tpu.memory_space<hbm>> -> memref<1x128x128xf32, #tpu.memory_space<hbm>>
      %dma_start3A_57 = tpu.memref_squeeze %dma_start3A_56 : memref<1x128x128xf32, #tpu.memory_space<hbm>> -> memref<128x128xf32, #tpu.memory_space<hbm>>
      %dma_start3A_58 = arith.constant 0 : i32
      %dma_start3A_59 = tpu.memref_slice %arg7[%add3A_52, %dma_start3A_58] : memref<10240x128xf32, #tpu.memory_space<vmem_shared>> -> memref<128x128xf32, #tpu.memory_space<vmem_shared>>
      tpu.enqueue_dma source(%dma_start3A_59 : memref<128x128xf32, #tpu.memory_space<vmem_shared>>) target(%dma_start3A_57 : memref<128x128xf32, #tpu.memory_space<hbm>>) target_semaphore(%run_scoped3A_55 : memref<!tpu.dma_semaphore, #tpu.memory_space<semaphore_mem>>)
      %dma_wait3A = arith.constant 0 : i32
      %dma_wait3A_60 = tpu.memref_slice %arg3[%arg0, %add3A_54, %dma_wait3A] : memref<2x10240x128xf32, #tpu.memory_space<hbm>> -> memref<1x128x128xf32, #tpu.memory_space<hbm>>
      %dma_wait3A_61 = tpu.memref_squeeze %dma_wait3A_60 : memref<1x128x128xf32, #tpu.memory_space<hbm>> -> memref<128x128xf32, #tpu.memory_space<hbm>>
      %dma_wait3A_62 = arith.constant 0 : i32
      %dma_wait3A_63 = tpu.memref_slice %arg7[%add3A_52, %dma_wait3A_62] : memref<10240x128xf32, #tpu.memory_space<vmem_shared>> -> memref<128x128xf32, #tpu.memory_space<vmem_shared>>
      tpu.wait_dma2 semaphore(%run_scoped3A_55 : memref<!tpu.dma_semaphore, #tpu.memory_space<semaphore_mem>>) src(%dma_wait3A_63 : memref<128x128xf32, #tpu.memory_space<vmem_shared>>) dst(%dma_wait3A_61 : memref<128x128xf32, #tpu.memory_space<hbm>>)
      tpu.yield
    }) : () -> ()
    return
  }
}

#map = affine_map<(d0, d1) -> (0, 0)>
#map1 = affine_map<(d0, d1) -> (0, 0, 0)>
module attributes {stable_mosaic.version = 14 : i64} {
  func.func @k(%arg0: i32, %arg1: i32, %arg2: memref<10000x128xf32, #tpu.memory_space<hbm>>, %arg3: memref<32x40x128xi32, #tpu.memory_space<hbm>>, %arg4: memref<32x40x128xi32, #tpu.memory_space<hbm>>, %arg5: memref<2x10240x128xf32, #tpu.memory_space<hbm>>, %arg6: memref<40x128xi32, #tpu.memory_space<vmem>>, %arg7: memref<40x128xi32, #tpu.memory_space<vmem>>, %arg8: memref<2x128x128xf32, #tpu.memory_space<vmem>>, %arg9: memref<10240x128xf32, #tpu.memory_space<vmem_shared>>, %arg10: memref<!tpu.dma_semaphore, #tpu.memory_space<semaphore_mem>>, %arg11: memref<!tpu.dma_semaphore, #tpu.memory_space<semaphore_mem>>) attributes {dimension_semantics = [#tpu.dimension_semantics<core_parallel>, #tpu.dimension_semantics<subcore_parallel>], iteration_bounds = array<i64: 2, 16>, scalar_prefetch = 0 : i64, scratch_operands = 6 : i64, tpu.core_type = #tpu.core_type<sc_vector_subcore>, window_params = [{transform_indices = #map}, {transform_indices = #map1}, {transform_indices = #map1}, {transform_indices = #map1}]} {
    %mul3A = arith.constant 16 : i32
    %mul3A_0 = arith.muli %arg0, %mul3A : i32
    %add3A = arith.addi %mul3A_0, %arg1 : i32
    %scan3A = arith.constant 0 : i32
    %scan3A_1 = arith.constant 0 : i32
    %scan3A_2 = arith.constant 1024 : i32
    %scan3A_3 = arith.addi %scan3A_1, %scan3A_2 : i32
    %scan3A_4 = arith.constant 1 : i32
    %scan3A_5 = scf.for %scan3A_62 = %scan3A_1 to %scan3A_3 step %scan3A_4 iter_args(%scan3A_63 = %scan3A) -> (i32)  : i32 {
      %jit3A = arith.constant 8 : i32
      %div3A = arith.divsi %scan3A_62, %jit3A : i32
      %sign3A = arith.constant 0 : i32
      %sign3A_64 = arith.cmpi sgt, %scan3A_62, %sign3A : i32
      %sign3A_65 = arith.extui %sign3A_64 : i1 to i32
      %sign3A_66 = arith.constant 0 : i32
      %sign3A_67 = arith.cmpi slt, %scan3A_62, %sign3A_66 : i32
      %sign3A_68 = arith.extui %sign3A_67 : i1 to i32
      %sign3A_69 = arith.subi %sign3A_65, %sign3A_68 : i32
      %sign3A_70 = arith.constant 0 : i32
      %sign3A_71 = arith.cmpi sgt, %jit3A, %sign3A_70 : i32
      %sign3A_72 = arith.extui %sign3A_71 : i1 to i32
      %sign3A_73 = arith.constant 0 : i32
      %sign3A_74 = arith.cmpi slt, %jit3A, %sign3A_73 : i32
      %sign3A_75 = arith.extui %sign3A_74 : i1 to i32
      %sign3A_76 = arith.subi %sign3A_72, %sign3A_75 : i32
      %ne3A = arith.cmpi ne, %sign3A_69, %sign3A_76 : i32
      %rem3A = arith.remsi %scan3A_62, %jit3A : i32
      %ne3A_77 = arith.constant 0 : i32
      %ne3A_78 = arith.cmpi ne, %rem3A, %ne3A_77 : i32
      %and3A = arith.andi %ne3A, %ne3A_78 : i1
      %sub3A = arith.constant 1 : i32
      %sub3A_79 = arith.subi %div3A, %sub3A : i32
      %select_n3A = arith.select %and3A, %sub3A_79, %div3A : i32
      %jit3A_80 = arith.constant 8 : i32
      %eq3A = arith.constant 0 : i32
      %eq3A_81 = arith.cmpi eq, %jit3A_80, %eq3A : i32
      %jit3A_82 = arith.constant 1 : i32
      %select_n3A_83 = arith.select %eq3A_81, %jit3A_82, %jit3A_80 : i32
      %rem3A_84 = arith.remsi %scan3A_62, %select_n3A_83 : i32
      %ne3A_85 = arith.constant 0 : i32
      %ne3A_86 = arith.cmpi ne, %rem3A_84, %ne3A_85 : i32
      %lt3A = arith.constant 0 : i32
      %lt3A_87 = arith.cmpi slt, %rem3A_84, %lt3A : i32
      %lt3A_88 = arith.constant 0 : i32
      %lt3A_89 = arith.cmpi slt, %select_n3A_83, %lt3A_88 : i32
      %ne3A_90 = arith.xori %lt3A_87, %lt3A_89 : i1
      %and3A_91 = arith.andi %ne3A_90, %ne3A_86 : i1
      %add3A_92 = arith.addi %rem3A_84, %select_n3A_83 : i32
      %select_n3A_93 = arith.select %and3A_91, %add3A_92, %rem3A_84 : i32
      %mul3A_94 = arith.constant 16 : i32
      %mul3A_95 = arith.muli %select_n3A_93, %mul3A_94 : i32
      %broadcast_in_dim3A = arith.constant 0.000000e+00 : f32
      %broadcast_in_dim3A_96 = vector.broadcast %broadcast_in_dim3A : f32 to vector<16xf32>
      %swap3A = arith.constant 0 : i32
      %swap3A_97 = arith.index_cast %swap3A : i32 to index
      %swap3A_98 = arith.index_cast %select_n3A : i32 to index
      %swap3A_99 = arith.index_cast %mul3A_95 : i32 to index
      %swap3A_100 = tpu.vector_load %arg8[%swap3A_97, %swap3A_98, %swap3A_99] {strides = array<i32>} : memref<2x128x128xf32, #tpu.memory_space<vmem>>, vector<1x1x16xf32>,
      %swap3A_101 = vector.shape_cast %swap3A_100 : vector<1x1x16xf32> to vector<16xf32>
      %swap3A_102 = vector.shape_cast %broadcast_in_dim3A_96 : vector<16xf32> to vector<1x1x16xf32>
      tpu.vector_store %arg8[%swap3A_97, %swap3A_98, %swap3A_99], %swap3A_102 {strides = array<i32>} : memref<2x128x128xf32, #tpu.memory_space<vmem>>, vector<1x1x16xf32>,
      %scan3A_103 = arith.constant 0 : i32
      scf.yield %scan3A_103 : i32
    }
    %scan3A_6 = arith.constant 1024 : i32
    %mul3A_7 = arith.constant 640 : i32
    %mul3A_8 = arith.muli %arg1, %mul3A_7 : i32
    %add3A_9 = arith.constant 0 : i32
    %add3A_10 = arith.addi %mul3A_8, %add3A_9 : i32
    %run_scoped3A = arith.constant 0 : i32
    "tpu.region"() ({
      %run_scoped3A_62 = tpu.sem_alloc : memref<!tpu.dma_semaphore, #tpu.memory_space<semaphore_mem>>
      %dma_start3A_63 = arith.constant 0 : i32
      %dma_start3A_64 = arith.constant 0 : i32
      %dma_start3A_65 = tpu.memref_slice %arg8[%run_scoped3A, %dma_start3A_63, %dma_start3A_64] : memref<2x128x128xf32, #tpu.memory_space<vmem>> -> memref<1x128x128xf32, #tpu.memory_space<vmem>>
      %dma_start3A_66 = tpu.memref_squeeze %dma_start3A_65 : memref<1x128x128xf32, #tpu.memory_space<vmem>> -> memref<128x128xf32, #tpu.memory_space<vmem>>
      %dma_start3A_67 = arith.constant 0 : i32
      %dma_start3A_68 = tpu.memref_slice %arg9[%add3A_10, %dma_start3A_67] : memref<10240x128xf32, #tpu.memory_space<vmem_shared>> -> memref<128x128xf32, #tpu.memory_space<vmem_shared>>
      %dma_start3A_69 = arith.constant 0 : i32
      %dma_start3A_70 = tpu.memref_slice %arg9[%add3A_10, %dma_start3A_69] : memref<10240x128xf32, #tpu.memory_space<vmem_shared>> -> memref<128x128xf32, #tpu.memory_space<vmem_shared>>
      %dma_start3A_71 = arith.constant 0 : i32
      %dma_start3A_72 = arith.constant 0 : i32
      %dma_start3A_73 = tpu.memref_slice %arg8[%run_scoped3A, %dma_start3A_71, %dma_start3A_72] : memref<2x128x128xf32, #tpu.memory_space<vmem>> -> memref<1x128x128xf32, #tpu.memory_space<vmem>>
      %dma_start3A_74 = tpu.memref_squeeze %dma_start3A_73 : memref<1x128x128xf32, #tpu.memory_space<vmem>> -> memref<128x128xf32, #tpu.memory_space<vmem>>
      tpu.enqueue_dma source(%dma_start3A_74 : memref<128x128xf32, #tpu.memory_space<vmem>>) target(%dma_start3A_70 : memref<128x128xf32, #tpu.memory_space<vmem_shared>>) target_semaphore(%run_scoped3A_62 : memref<!tpu.dma_semaphore, #tpu.memory_space<semaphore_mem>>)
      %dma_wait3A = arith.constant 0 : i32
      %dma_wait3A_75 = arith.constant 0 : i32
      %dma_wait3A_76 = tpu.memref_slice %arg8[%run_scoped3A, %dma_wait3A, %dma_wait3A_75] : memref<2x128x128xf32, #tpu.memory_space<vmem>> -> memref<1x128x128xf32, #tpu.memory_space<vmem>>
      %dma_wait3A_77 = tpu.memref_squeeze %dma_wait3A_76 : memref<1x128x128xf32, #tpu.memory_space<vmem>> -> memref<128x128xf32, #tpu.memory_space<vmem>>
      %dma_wait3A_78 = arith.constant 0 : i32
      %dma_wait3A_79 = tpu.memref_slice %arg9[%add3A_10, %dma_wait3A_78] : memref<10240x128xf32, #tpu.memory_space<vmem_shared>> -> memref<128x128xf32, #tpu.memory_space<vmem_shared>>
      %dma_wait3A_80 = arith.constant 0 : i32
      %dma_wait3A_81 = tpu.memref_slice %arg9[%add3A_10, %dma_wait3A_80] : memref<10240x128xf32, #tpu.memory_space<vmem_shared>> -> memref<128x128xf32, #tpu.memory_space<vmem_shared>>
      %dma_wait3A_82 = arith.constant 0 : i32
      %dma_wait3A_83 = arith.constant 0 : i32
      %dma_wait3A_84 = tpu.memref_slice %arg8[%run_scoped3A, %dma_wait3A_82, %dma_wait3A_83] : memref<2x128x128xf32, #tpu.memory_space<vmem>> -> memref<1x128x128xf32, #tpu.memory_space<vmem>>
      %dma_wait3A_85 = tpu.memref_squeeze %dma_wait3A_84 : memref<1x128x128xf32, #tpu.memory_space<vmem>> -> memref<128x128xf32, #tpu.memory_space<vmem>>
      tpu.wait_dma2 semaphore(%run_scoped3A_62 : memref<!tpu.dma_semaphore, #tpu.memory_space<semaphore_mem>>) src(%dma_wait3A_85 : memref<128x128xf32, #tpu.memory_space<vmem>>) dst(%dma_wait3A_81 : memref<128x128xf32, #tpu.memory_space<vmem_shared>>)
      tpu.yield
    }) : () -> ()
    %add3A_11 = arith.constant 128 : i32
    %add3A_12 = arith.addi %mul3A_8, %add3A_11 : i32
    %run_scoped3A_13 = arith.constant 0 : i32
    "tpu.region"() ({
      %run_scoped3A_62 = tpu.sem_alloc : memref<!tpu.dma_semaphore, #tpu.memory_space<semaphore_mem>>
      %dma_start3A_63 = arith.constant 0 : i32
      %dma_start3A_64 = arith.constant 0 : i32
      %dma_start3A_65 = tpu.memref_slice %arg8[%run_scoped3A_13, %dma_start3A_63, %dma_start3A_64] : memref<2x128x128xf32, #tpu.memory_space<vmem>> -> memref<1x128x128xf32, #tpu.memory_space<vmem>>
      %dma_start3A_66 = tpu.memref_squeeze %dma_start3A_65 : memref<1x128x128xf32, #tpu.memory_space<vmem>> -> memref<128x128xf32, #tpu.memory_space<vmem>>
      %dma_start3A_67 = arith.constant 0 : i32
      %dma_start3A_68 = tpu.memref_slice %arg9[%add3A_12, %dma_start3A_67] : memref<10240x128xf32, #tpu.memory_space<vmem_shared>> -> memref<128x128xf32, #tpu.memory_space<vmem_shared>>
      %dma_start3A_69 = arith.constant 0 : i32
      %dma_start3A_70 = tpu.memref_slice %arg9[%add3A_12, %dma_start3A_69] : memref<10240x128xf32, #tpu.memory_space<vmem_shared>> -> memref<128x128xf32, #tpu.memory_space<vmem_shared>>
      %dma_start3A_71 = arith.constant 0 : i32
      %dma_start3A_72 = arith.constant 0 : i32
      %dma_start3A_73 = tpu.memref_slice %arg8[%run_scoped3A_13, %dma_start3A_71, %dma_start3A_72] : memref<2x128x128xf32, #tpu.memory_space<vmem>> -> memref<1x128x128xf32, #tpu.memory_space<vmem>>
      %dma_start3A_74 = tpu.memref_squeeze %dma_start3A_73 : memref<1x128x128xf32, #tpu.memory_space<vmem>> -> memref<128x128xf32, #tpu.memory_space<vmem>>
      tpu.enqueue_dma source(%dma_start3A_74 : memref<128x128xf32, #tpu.memory_space<vmem>>) target(%dma_start3A_70 : memref<128x128xf32, #tpu.memory_space<vmem_shared>>) target_semaphore(%run_scoped3A_62 : memref<!tpu.dma_semaphore, #tpu.memory_space<semaphore_mem>>)
      %dma_wait3A = arith.constant 0 : i32
      %dma_wait3A_75 = arith.constant 0 : i32
      %dma_wait3A_76 = tpu.memref_slice %arg8[%run_scoped3A_13, %dma_wait3A, %dma_wait3A_75] : memref<2x128x128xf32, #tpu.memory_space<vmem>> -> memref<1x128x128xf32, #tpu.memory_space<vmem>>
      %dma_wait3A_77 = tpu.memref_squeeze %dma_wait3A_76 : memref<1x128x128xf32, #tpu.memory_space<vmem>> -> memref<128x128xf32, #tpu.memory_space<vmem>>
      %dma_wait3A_78 = arith.constant 0 : i32
      %dma_wait3A_79 = tpu.memref_slice %arg9[%add3A_12, %dma_wait3A_78] : memref<10240x128xf32, #tpu.memory_space<vmem_shared>> -> memref<128x128xf32, #tpu.memory_space<vmem_shared>>
      %dma_wait3A_80 = arith.constant 0 : i32
      %dma_wait3A_81 = tpu.memref_slice %arg9[%add3A_12, %dma_wait3A_80] : memref<10240x128xf32, #tpu.memory_space<vmem_shared>> -> memref<128x128xf32, #tpu.memory_space<vmem_shared>>
      %dma_wait3A_82 = arith.constant 0 : i32
      %dma_wait3A_83 = arith.constant 0 : i32
      %dma_wait3A_84 = tpu.memref_slice %arg8[%run_scoped3A_13, %dma_wait3A_82, %dma_wait3A_83] : memref<2x128x128xf32, #tpu.memory_space<vmem>> -> memref<1x128x128xf32, #tpu.memory_space<vmem>>
      %dma_wait3A_85 = tpu.memref_squeeze %dma_wait3A_84 : memref<1x128x128xf32, #tpu.memory_space<vmem>> -> memref<128x128xf32, #tpu.memory_space<vmem>>
      tpu.wait_dma2 semaphore(%run_scoped3A_62 : memref<!tpu.dma_semaphore, #tpu.memory_space<semaphore_mem>>) src(%dma_wait3A_85 : memref<128x128xf32, #tpu.memory_space<vmem>>) dst(%dma_wait3A_81 : memref<128x128xf32, #tpu.memory_space<vmem_shared>>)
      tpu.yield
    }) : () -> ()
    %add3A_14 = arith.constant 256 : i32
    %add3A_15 = arith.addi %mul3A_8, %add3A_14 : i32
    %run_scoped3A_16 = arith.constant 0 : i32
    "tpu.region"() ({
      %run_scoped3A_62 = tpu.sem_alloc : memref<!tpu.dma_semaphore, #tpu.memory_space<semaphore_mem>>
      %dma_start3A_63 = arith.constant 0 : i32
      %dma_start3A_64 = arith.constant 0 : i32
      %dma_start3A_65 = tpu.memref_slice %arg8[%run_scoped3A_16, %dma_start3A_63, %dma_start3A_64] : memref<2x128x128xf32, #tpu.memory_space<vmem>> -> memref<1x128x128xf32, #tpu.memory_space<vmem>>
      %dma_start3A_66 = tpu.memref_squeeze %dma_start3A_65 : memref<1x128x128xf32, #tpu.memory_space<vmem>> -> memref<128x128xf32, #tpu.memory_space<vmem>>
      %dma_start3A_67 = arith.constant 0 : i32
      %dma_start3A_68 = tpu.memref_slice %arg9[%add3A_15, %dma_start3A_67] : memref<10240x128xf32, #tpu.memory_space<vmem_shared>> -> memref<128x128xf32, #tpu.memory_space<vmem_shared>>
      %dma_start3A_69 = arith.constant 0 : i32
      %dma_start3A_70 = tpu.memref_slice %arg9[%add3A_15, %dma_start3A_69] : memref<10240x128xf32, #tpu.memory_space<vmem_shared>> -> memref<128x128xf32, #tpu.memory_space<vmem_shared>>
      %dma_start3A_71 = arith.constant 0 : i32
      %dma_start3A_72 = arith.constant 0 : i32
      %dma_start3A_73 = tpu.memref_slice %arg8[%run_scoped3A_16, %dma_start3A_71, %dma_start3A_72] : memref<2x128x128xf32, #tpu.memory_space<vmem>> -> memref<1x128x128xf32, #tpu.memory_space<vmem>>
      %dma_start3A_74 = tpu.memref_squeeze %dma_start3A_73 : memref<1x128x128xf32, #tpu.memory_space<vmem>> -> memref<128x128xf32, #tpu.memory_space<vmem>>
      tpu.enqueue_dma source(%dma_start3A_74 : memref<128x128xf32, #tpu.memory_space<vmem>>) target(%dma_start3A_70 : memref<128x128xf32, #tpu.memory_space<vmem_shared>>) target_semaphore(%run_scoped3A_62 : memref<!tpu.dma_semaphore, #tpu.memory_space<semaphore_mem>>)
      %dma_wait3A = arith.constant 0 : i32
      %dma_wait3A_75 = arith.constant 0 : i32
      %dma_wait3A_76 = tpu.memref_slice %arg8[%run_scoped3A_16, %dma_wait3A, %dma_wait3A_75] : memref<2x128x128xf32, #tpu.memory_space<vmem>> -> memref<1x128x128xf32, #tpu.memory_space<vmem>>
      %dma_wait3A_77 = tpu.memref_squeeze %dma_wait3A_76 : memref<1x128x128xf32, #tpu.memory_space<vmem>> -> memref<128x128xf32, #tpu.memory_space<vmem>>
      %dma_wait3A_78 = arith.constant 0 : i32
      %dma_wait3A_79 = tpu.memref_slice %arg9[%add3A_15, %dma_wait3A_78] : memref<10240x128xf32, #tpu.memory_space<vmem_shared>> -> memref<128x128xf32, #tpu.memory_space<vmem_shared>>
      %dma_wait3A_80 = arith.constant 0 : i32
      %dma_wait3A_81 = tpu.memref_slice %arg9[%add3A_15, %dma_wait3A_80] : memref<10240x128xf32, #tpu.memory_space<vmem_shared>> -> memref<128x128xf32, #tpu.memory_space<vmem_shared>>
      %dma_wait3A_82 = arith.constant 0 : i32
      %dma_wait3A_83 = arith.constant 0 : i32
      %dma_wait3A_84 = tpu.memref_slice %arg8[%run_scoped3A_16, %dma_wait3A_82, %dma_wait3A_83] : memref<2x128x128xf32, #tpu.memory_space<vmem>> -> memref<1x128x128xf32, #tpu.memory_space<vmem>>
      %dma_wait3A_85 = tpu.memref_squeeze %dma_wait3A_84 : memref<1x128x128xf32, #tpu.memory_space<vmem>> -> memref<128x128xf32, #tpu.memory_space<vmem>>
      tpu.wait_dma2 semaphore(%run_scoped3A_62 : memref<!tpu.dma_semaphore, #tpu.memory_space<semaphore_mem>>) src(%dma_wait3A_85 : memref<128x128xf32, #tpu.memory_space<vmem>>) dst(%dma_wait3A_81 : memref<128x128xf32, #tpu.memory_space<vmem_shared>>)
      tpu.yield
    }) : () -> ()
    %add3A_17 = arith.constant 384 : i32
    %add3A_18 = arith.addi %mul3A_8, %add3A_17 : i32
    %run_scoped3A_19 = arith.constant 0 : i32
    "tpu.region"() ({
      %run_scoped3A_62 = tpu.sem_alloc : memref<!tpu.dma_semaphore, #tpu.memory_space<semaphore_mem>>
      %dma_start3A_63 = arith.constant 0 : i32
      %dma_start3A_64 = arith.constant 0 : i32
      %dma_start3A_65 = tpu.memref_slice %arg8[%run_scoped3A_19, %dma_start3A_63, %dma_start3A_64] : memref<2x128x128xf32, #tpu.memory_space<vmem>> -> memref<1x128x128xf32, #tpu.memory_space<vmem>>
      %dma_start3A_66 = tpu.memref_squeeze %dma_start3A_65 : memref<1x128x128xf32, #tpu.memory_space<vmem>> -> memref<128x128xf32, #tpu.memory_space<vmem>>
      %dma_start3A_67 = arith.constant 0 : i32
      %dma_start3A_68 = tpu.memref_slice %arg9[%add3A_18, %dma_start3A_67] : memref<10240x128xf32, #tpu.memory_space<vmem_shared>> -> memref<128x128xf32, #tpu.memory_space<vmem_shared>>
      %dma_start3A_69 = arith.constant 0 : i32
      %dma_start3A_70 = tpu.memref_slice %arg9[%add3A_18, %dma_start3A_69] : memref<10240x128xf32, #tpu.memory_space<vmem_shared>> -> memref<128x128xf32, #tpu.memory_space<vmem_shared>>
      %dma_start3A_71 = arith.constant 0 : i32
      %dma_start3A_72 = arith.constant 0 : i32
      %dma_start3A_73 = tpu.memref_slice %arg8[%run_scoped3A_19, %dma_start3A_71, %dma_start3A_72] : memref<2x128x128xf32, #tpu.memory_space<vmem>> -> memref<1x128x128xf32, #tpu.memory_space<vmem>>
      %dma_start3A_74 = tpu.memref_squeeze %dma_start3A_73 : memref<1x128x128xf32, #tpu.memory_space<vmem>> -> memref<128x128xf32, #tpu.memory_space<vmem>>
      tpu.enqueue_dma source(%dma_start3A_74 : memref<128x128xf32, #tpu.memory_space<vmem>>) target(%dma_start3A_70 : memref<128x128xf32, #tpu.memory_space<vmem_shared>>) target_semaphore(%run_scoped3A_62 : memref<!tpu.dma_semaphore, #tpu.memory_space<semaphore_mem>>)
      %dma_wait3A = arith.constant 0 : i32
      %dma_wait3A_75 = arith.constant 0 : i32
      %dma_wait3A_76 = tpu.memref_slice %arg8[%run_scoped3A_19, %dma_wait3A, %dma_wait3A_75] : memref<2x128x128xf32, #tpu.memory_space<vmem>> -> memref<1x128x128xf32, #tpu.memory_space<vmem>>
      %dma_wait3A_77 = tpu.memref_squeeze %dma_wait3A_76 : memref<1x128x128xf32, #tpu.memory_space<vmem>> -> memref<128x128xf32, #tpu.memory_space<vmem>>
      %dma_wait3A_78 = arith.constant 0 : i32
      %dma_wait3A_79 = tpu.memref_slice %arg9[%add3A_18, %dma_wait3A_78] : memref<10240x128xf32, #tpu.memory_space<vmem_shared>> -> memref<128x128xf32, #tpu.memory_space<vmem_shared>>
      %dma_wait3A_80 = arith.constant 0 : i32
      %dma_wait3A_81 = tpu.memref_slice %arg9[%add3A_18, %dma_wait3A_80] : memref<10240x128xf32, #tpu.memory_space<vmem_shared>> -> memref<128x128xf32, #tpu.memory_space<vmem_shared>>
      %dma_wait3A_82 = arith.constant 0 : i32
      %dma_wait3A_83 = arith.constant 0 : i32
      %dma_wait3A_84 = tpu.memref_slice %arg8[%run_scoped3A_19, %dma_wait3A_82, %dma_wait3A_83] : memref<2x128x128xf32, #tpu.memory_space<vmem>> -> memref<1x128x128xf32, #tpu.memory_space<vmem>>
      %dma_wait3A_85 = tpu.memref_squeeze %dma_wait3A_84 : memref<1x128x128xf32, #tpu.memory_space<vmem>> -> memref<128x128xf32, #tpu.memory_space<vmem>>
      tpu.wait_dma2 semaphore(%run_scoped3A_62 : memref<!tpu.dma_semaphore, #tpu.memory_space<semaphore_mem>>) src(%dma_wait3A_85 : memref<128x128xf32, #tpu.memory_space<vmem>>) dst(%dma_wait3A_81 : memref<128x128xf32, #tpu.memory_space<vmem_shared>>)
      tpu.yield
    }) : () -> ()
    %add3A_20 = arith.constant 512 : i32
    %add3A_21 = arith.addi %mul3A_8, %add3A_20 : i32
    %run_scoped3A_22 = arith.constant 0 : i32
    "tpu.region"() ({
      %run_scoped3A_62 = tpu.sem_alloc : memref<!tpu.dma_semaphore, #tpu.memory_space<semaphore_mem>>
      %dma_start3A_63 = arith.constant 0 : i32
      %dma_start3A_64 = arith.constant 0 : i32
      %dma_start3A_65 = tpu.memref_slice %arg8[%run_scoped3A_22, %dma_start3A_63, %dma_start3A_64] : memref<2x128x128xf32, #tpu.memory_space<vmem>> -> memref<1x128x128xf32, #tpu.memory_space<vmem>>
      %dma_start3A_66 = tpu.memref_squeeze %dma_start3A_65 : memref<1x128x128xf32, #tpu.memory_space<vmem>> -> memref<128x128xf32, #tpu.memory_space<vmem>>
      %dma_start3A_67 = arith.constant 0 : i32
      %dma_start3A_68 = tpu.memref_slice %arg9[%add3A_21, %dma_start3A_67] : memref<10240x128xf32, #tpu.memory_space<vmem_shared>> -> memref<128x128xf32, #tpu.memory_space<vmem_shared>>
      %dma_start3A_69 = arith.constant 0 : i32
      %dma_start3A_70 = tpu.memref_slice %arg9[%add3A_21, %dma_start3A_69] : memref<10240x128xf32, #tpu.memory_space<vmem_shared>> -> memref<128x128xf32, #tpu.memory_space<vmem_shared>>
      %dma_start3A_71 = arith.constant 0 : i32
      %dma_start3A_72 = arith.constant 0 : i32
      %dma_start3A_73 = tpu.memref_slice %arg8[%run_scoped3A_22, %dma_start3A_71, %dma_start3A_72] : memref<2x128x128xf32, #tpu.memory_space<vmem>> -> memref<1x128x128xf32, #tpu.memory_space<vmem>>
      %dma_start3A_74 = tpu.memref_squeeze %dma_start3A_73 : memref<1x128x128xf32, #tpu.memory_space<vmem>> -> memref<128x128xf32, #tpu.memory_space<vmem>>
      tpu.enqueue_dma source(%dma_start3A_74 : memref<128x128xf32, #tpu.memory_space<vmem>>) target(%dma_start3A_70 : memref<128x128xf32, #tpu.memory_space<vmem_shared>>) target_semaphore(%run_scoped3A_62 : memref<!tpu.dma_semaphore, #tpu.memory_space<semaphore_mem>>)
      %dma_wait3A = arith.constant 0 : i32
      %dma_wait3A_75 = arith.constant 0 : i32
      %dma_wait3A_76 = tpu.memref_slice %arg8[%run_scoped3A_22, %dma_wait3A, %dma_wait3A_75] : memref<2x128x128xf32, #tpu.memory_space<vmem>> -> memref<1x128x128xf32, #tpu.memory_space<vmem>>
      %dma_wait3A_77 = tpu.memref_squeeze %dma_wait3A_76 : memref<1x128x128xf32, #tpu.memory_space<vmem>> -> memref<128x128xf32, #tpu.memory_space<vmem>>
      %dma_wait3A_78 = arith.constant 0 : i32
      %dma_wait3A_79 = tpu.memref_slice %arg9[%add3A_21, %dma_wait3A_78] : memref<10240x128xf32, #tpu.memory_space<vmem_shared>> -> memref<128x128xf32, #tpu.memory_space<vmem_shared>>
      %dma_wait3A_80 = arith.constant 0 : i32
      %dma_wait3A_81 = tpu.memref_slice %arg9[%add3A_21, %dma_wait3A_80] : memref<10240x128xf32, #tpu.memory_space<vmem_shared>> -> memref<128x128xf32, #tpu.memory_space<vmem_shared>>
      %dma_wait3A_82 = arith.constant 0 : i32
      %dma_wait3A_83 = arith.constant 0 : i32
      %dma_wait3A_84 = tpu.memref_slice %arg8[%run_scoped3A_22, %dma_wait3A_82, %dma_wait3A_83] : memref<2x128x128xf32, #tpu.memory_space<vmem>> -> memref<1x128x128xf32, #tpu.memory_space<vmem>>
      %dma_wait3A_85 = tpu.memref_squeeze %dma_wait3A_84 : memref<1x128x128xf32, #tpu.memory_space<vmem>> -> memref<128x128xf32, #tpu.memory_space<vmem>>
      tpu.wait_dma2 semaphore(%run_scoped3A_62 : memref<!tpu.dma_semaphore, #tpu.memory_space<semaphore_mem>>) src(%dma_wait3A_85 : memref<128x128xf32, #tpu.memory_space<vmem>>) dst(%dma_wait3A_81 : memref<128x128xf32, #tpu.memory_space<vmem_shared>>)
      tpu.yield
    }) : () -> ()
    %barrier3A = arith.constant 0 : index
    tpu.barrier barrier_id(%barrier3A)
    "tpu.region"() ({
      %run_scoped3A_62 = tpu.sem_alloc : memref<!tpu.dma_semaphore, #tpu.memory_space<semaphore_mem>>
      %dma_start3A_63 = arith.constant 0 : i32
      %dma_start3A_64 = arith.constant 0 : i32
      %dma_start3A_65 = tpu.memref_slice %arg3[%add3A, %dma_start3A_63, %dma_start3A_64] : memref<32x40x128xi32, #tpu.memory_space<hbm>> -> memref<1x40x128xi32, #tpu.memory_space<hbm>>
      %dma_start3A_66 = tpu.memref_squeeze %dma_start3A_65 : memref<1x40x128xi32, #tpu.memory_space<hbm>> -> memref<40x128xi32, #tpu.memory_space<hbm>>
      %dma_start3A_67 = arith.constant 0 : i32
      %dma_start3A_68 = arith.constant 0 : i32
      %dma_start3A_69 = tpu.memref_slice %arg3[%add3A, %dma_start3A_67, %dma_start3A_68] : memref<32x40x128xi32, #tpu.memory_space<hbm>> -> memref<1x40x128xi32, #tpu.memory_space<hbm>>
      %dma_start3A_70 = tpu.memref_squeeze %dma_start3A_69 : memref<1x40x128xi32, #tpu.memory_space<hbm>> -> memref<40x128xi32, #tpu.memory_space<hbm>>
      tpu.enqueue_dma source(%dma_start3A_70 : memref<40x128xi32, #tpu.memory_space<hbm>>) target(%arg6 : memref<40x128xi32, #tpu.memory_space<vmem>>) target_semaphore(%run_scoped3A_62 : memref<!tpu.dma_semaphore, #tpu.memory_space<semaphore_mem>>)
      %dma_wait3A = arith.constant 0 : i32
      %dma_wait3A_71 = arith.constant 0 : i32
      %dma_wait3A_72 = tpu.memref_slice %arg3[%add3A, %dma_wait3A, %dma_wait3A_71] : memref<32x40x128xi32, #tpu.memory_space<hbm>> -> memref<1x40x128xi32, #tpu.memory_space<hbm>>
      %dma_wait3A_73 = tpu.memref_squeeze %dma_wait3A_72 : memref<1x40x128xi32, #tpu.memory_space<hbm>> -> memref<40x128xi32, #tpu.memory_space<hbm>>
      %dma_wait3A_74 = arith.constant 0 : i32
      %dma_wait3A_75 = arith.constant 0 : i32
      %dma_wait3A_76 = tpu.memref_slice %arg3[%add3A, %dma_wait3A_74, %dma_wait3A_75] : memref<32x40x128xi32, #tpu.memory_space<hbm>> -> memref<1x40x128xi32, #tpu.memory_space<hbm>>
      %dma_wait3A_77 = tpu.memref_squeeze %dma_wait3A_76 : memref<1x40x128xi32, #tpu.memory_space<hbm>> -> memref<40x128xi32, #tpu.memory_space<hbm>>
      tpu.wait_dma2 semaphore(%run_scoped3A_62 : memref<!tpu.dma_semaphore, #tpu.memory_space<semaphore_mem>>) src(%dma_wait3A_77 : memref<40x128xi32, #tpu.memory_space<hbm>>) dst(%arg6 : memref<40x128xi32, #tpu.memory_space<vmem>>)
      tpu.yield
    }) : () -> ()
    "tpu.region"() ({
      %run_scoped3A_62 = tpu.sem_alloc : memref<!tpu.dma_semaphore, #tpu.memory_space<semaphore_mem>>
      %dma_start3A_63 = arith.constant 0 : i32
      %dma_start3A_64 = arith.constant 0 : i32
      %dma_start3A_65 = tpu.memref_slice %arg4[%add3A, %dma_start3A_63, %dma_start3A_64] : memref<32x40x128xi32, #tpu.memory_space<hbm>> -> memref<1x40x128xi32, #tpu.memory_space<hbm>>
      %dma_start3A_66 = tpu.memref_squeeze %dma_start3A_65 : memref<1x40x128xi32, #tpu.memory_space<hbm>> -> memref<40x128xi32, #tpu.memory_space<hbm>>
      %dma_start3A_67 = arith.constant 0 : i32
      %dma_start3A_68 = arith.constant 0 : i32
      %dma_start3A_69 = tpu.memref_slice %arg4[%add3A, %dma_start3A_67, %dma_start3A_68] : memref<32x40x128xi32, #tpu.memory_space<hbm>> -> memref<1x40x128xi32, #tpu.memory_space<hbm>>
      %dma_start3A_70 = tpu.memref_squeeze %dma_start3A_69 : memref<1x40x128xi32, #tpu.memory_space<hbm>> -> memref<40x128xi32, #tpu.memory_space<hbm>>
      tpu.enqueue_dma source(%dma_start3A_70 : memref<40x128xi32, #tpu.memory_space<hbm>>) target(%arg7 : memref<40x128xi32, #tpu.memory_space<vmem>>) target_semaphore(%run_scoped3A_62 : memref<!tpu.dma_semaphore, #tpu.memory_space<semaphore_mem>>)
      %dma_wait3A = arith.constant 0 : i32
      %dma_wait3A_71 = arith.constant 0 : i32
      %dma_wait3A_72 = tpu.memref_slice %arg4[%add3A, %dma_wait3A, %dma_wait3A_71] : memref<32x40x128xi32, #tpu.memory_space<hbm>> -> memref<1x40x128xi32, #tpu.memory_space<hbm>>
      %dma_wait3A_73 = tpu.memref_squeeze %dma_wait3A_72 : memref<1x40x128xi32, #tpu.memory_space<hbm>> -> memref<40x128xi32, #tpu.memory_space<hbm>>
      %dma_wait3A_74 = arith.constant 0 : i32
      %dma_wait3A_75 = arith.constant 0 : i32
      %dma_wait3A_76 = tpu.memref_slice %arg4[%add3A, %dma_wait3A_74, %dma_wait3A_75] : memref<32x40x128xi32, #tpu.memory_space<hbm>> -> memref<1x40x128xi32, #tpu.memory_space<hbm>>
      %dma_wait3A_77 = tpu.memref_squeeze %dma_wait3A_76 : memref<1x40x128xi32, #tpu.memory_space<hbm>> -> memref<40x128xi32, #tpu.memory_space<hbm>>
      tpu.wait_dma2 semaphore(%run_scoped3A_62 : memref<!tpu.dma_semaphore, #tpu.memory_space<semaphore_mem>>) src(%dma_wait3A_77 : memref<40x128xi32, #tpu.memory_space<hbm>>) dst(%arg7 : memref<40x128xi32, #tpu.memory_space<vmem>>)
      tpu.yield
    }) : () -> ()
    %dma_start3A = arith.constant 0 : i32
    %dma_start3A_23 = arith.constant 0 : i32
    %dma_start3A_24 = arith.constant 0 : i32
    %dma_start3A_25 = arith.constant 0 : i32
    %dma_start3A_26 = tpu.memref_slice %arg8[%dma_start3A_23, %dma_start3A_24, %dma_start3A_25] : memref<2x128x128xf32, #tpu.memory_space<vmem>> -> memref<1x128x128xf32, #tpu.memory_space<vmem>>
    %dma_start3A_27 = tpu.memref_squeeze %dma_start3A_26 : memref<1x128x128xf32, #tpu.memory_space<vmem>> -> memref<128x128xf32, #tpu.memory_space<vmem>>
    %dma_start3A_28 = arith.constant 0 : i32
    %dma_start3A_29 = tpu.memref_slice %arg6[%dma_start3A, %dma_start3A_28] : memref<40x128xi32, #tpu.memory_space<vmem>> -> memref<1x128xi32, #tpu.memory_space<vmem>>
    %dma_start3A_30 = tpu.memref_squeeze %dma_start3A_29 : memref<1x128xi32, #tpu.memory_space<vmem>> -> memref<128xi32, #tpu.memory_space<vmem>>
    %dma_start3A_31 = arith.constant 0 : i32
    %dma_start3A_32 = arith.constant 0 : i32
    %dma_start3A_33 = tpu.memref_slice %arg2[%dma_start3A_31, %dma_start3A_32] : memref<10000x128xf32, #tpu.memory_space<hbm>> -> memref<10000x128xf32, #tpu.memory_space<hbm>>
    tpu.enqueue_indirect_dma source(%dma_start3A_33 : memref<10000x128xf32, #tpu.memory_space<hbm>>) target(%dma_start3A_27 : memref<128x128xf32, #tpu.memory_space<vmem>>) offsets(%dma_start3A_30 : memref<128xi32, #tpu.memory_space<vmem>>) semaphore(%arg10 : memref<!tpu.dma_semaphore, #tpu.memory_space<semaphore_mem>>)
    %scan3A_34 = arith.constant 0 : i32
    %scan3A_35 = arith.constant 0 : i32
    %scan3A_36 = arith.constant 20 : i32
    %scan3A_37 = arith.addi %scan3A_35, %scan3A_36 : i32
    %scan3A_38 = arith.constant 1 : i32
    %scan3A_39 = scf.for %scan3A_62 = %scan3A_35 to %scan3A_37 step %scan3A_38 iter_args(%scan3A_63 = %scan3A_34) -> (i32)  : i32 {
      %mul3A_64 = arith.constant 2 : i32
      %mul3A_65 = arith.muli %mul3A_64, %scan3A_62 : i32
      %add3A_66 = arith.constant 1 : i32
      %add3A_67 = arith.addi %mul3A_65, %add3A_66 : i32
      %dma_start3A_68 = arith.constant 1 : i32
      %dma_start3A_69 = arith.constant 0 : i32
      %dma_start3A_70 = arith.constant 0 : i32
      %dma_start3A_71 = tpu.memref_slice %arg8[%dma_start3A_68, %dma_start3A_69, %dma_start3A_70] : memref<2x128x128xf32, #tpu.memory_space<vmem>> -> memref<1x128x128xf32, #tpu.memory_space<vmem>>
      %dma_start3A_72 = tpu.memref_squeeze %dma_start3A_71 : memref<1x128x128xf32, #tpu.memory_space<vmem>> -> memref<128x128xf32, #tpu.memory_space<vmem>>
      %dma_start3A_73 = arith.constant 0 : i32
      %dma_start3A_74 = tpu.memref_slice %arg6[%add3A_67, %dma_start3A_73] : memref<40x128xi32, #tpu.memory_space<vmem>> -> memref<1x128xi32, #tpu.memory_space<vmem>>
      %dma_start3A_75 = tpu.memref_squeeze %dma_start3A_74 : memref<1x128xi32, #tpu.memory_space<vmem>> -> memref<128xi32, #tpu.memory_space<vmem>>
      %dma_start3A_76 = arith.constant 0 : i32
      %dma_start3A_77 = arith.constant 0 : i32
      %dma_start3A_78 = tpu.memref_slice %arg2[%dma_start3A_76, %dma_start3A_77] : memref<10000x128xf32, #tpu.memory_space<hbm>> -> memref<10000x128xf32, #tpu.memory_space<hbm>>
      tpu.enqueue_indirect_dma source(%dma_start3A_78 : memref<10000x128xf32, #tpu.memory_space<hbm>>) target(%dma_start3A_72 : memref<128x128xf32, #tpu.memory_space<vmem>>) offsets(%dma_start3A_75 : memref<128xi32, #tpu.memory_space<vmem>>) semaphore(%arg11 : memref<!tpu.dma_semaphore, #tpu.memory_space<semaphore_mem>>)
      %dma_wait3A = arith.constant 0 : i32
      %dma_wait3A_79 = arith.constant 0 : i32
      %dma_wait3A_80 = arith.constant 0 : i32
      %dma_wait3A_81 = tpu.memref_slice %arg8[%dma_wait3A, %dma_wait3A_79, %dma_wait3A_80] : memref<2x128x128xf32, #tpu.memory_space<vmem>> -> memref<1x128x128xf32, #tpu.memory_space<vmem>>
      %dma_wait3A_82 = tpu.memref_squeeze %dma_wait3A_81 : memref<1x128x128xf32, #tpu.memory_space<vmem>> -> memref<128x128xf32, #tpu.memory_space<vmem>>
      %dma_wait3A_83 = arith.constant 0 : i32
      %dma_wait3A_84 = tpu.memref_slice %arg6[%mul3A_65, %dma_wait3A_83] : memref<40x128xi32, #tpu.memory_space<vmem>> -> memref<1x128xi32, #tpu.memory_space<vmem>>
      %dma_wait3A_85 = tpu.memref_squeeze %dma_wait3A_84 : memref<1x128xi32, #tpu.memory_space<vmem>> -> memref<128xi32, #tpu.memory_space<vmem>>
      %dma_wait3A_86 = arith.constant 0 : i32
      %dma_wait3A_87 = arith.constant 0 : i32
      %dma_wait3A_88 = tpu.memref_slice %arg2[%dma_wait3A_86, %dma_wait3A_87] : memref<10000x128xf32, #tpu.memory_space<hbm>> -> memref<10000x128xf32, #tpu.memory_space<hbm>>
      tpu.wait_indirect_dma semaphore(%arg10 : memref<!tpu.dma_semaphore, #tpu.memory_space<semaphore_mem>>) src(%dma_wait3A_88 : memref<10000x128xf32, #tpu.memory_space<hbm>>) dst(%dma_wait3A_82 : memref<128x128xf32, #tpu.memory_space<vmem>>)
      %run_scoped3A_89 = arith.constant 0 : i32
      "tpu.region"() ({
        %run_scoped3A_109 = tpu.sem_alloc : memref<!tpu.dma_semaphore, #tpu.memory_space<semaphore_mem>>
        %dma_start3A_110 = arith.constant 0 : i32
        %dma_start3A_111 = arith.constant 0 : i32
        %dma_start3A_112 = tpu.memref_slice %arg8[%run_scoped3A_89, %dma_start3A_110, %dma_start3A_111] : memref<2x128x128xf32, #tpu.memory_space<vmem>> -> memref<1x128x128xf32, #tpu.memory_space<vmem>>
        %dma_start3A_113 = tpu.memref_squeeze %dma_start3A_112 : memref<1x128x128xf32, #tpu.memory_space<vmem>> -> memref<128x128xf32, #tpu.memory_space<vmem>>
        %dma_start3A_114 = arith.constant 0 : i32
        %dma_start3A_115 = tpu.memref_slice %arg7[%mul3A_65, %dma_start3A_114] : memref<40x128xi32, #tpu.memory_space<vmem>> -> memref<1x128xi32, #tpu.memory_space<vmem>>
        %dma_start3A_116 = tpu.memref_squeeze %dma_start3A_115 : memref<1x128xi32, #tpu.memory_space<vmem>> -> memref<128xi32, #tpu.memory_space<vmem>>
        %dma_start3A_117 = arith.constant 0 : i32
        %dma_start3A_118 = arith.constant 0 : i32
        %dma_start3A_119 = tpu.memref_slice %arg9[%dma_start3A_117, %dma_start3A_118] : memref<10240x128xf32, #tpu.memory_space<vmem_shared>> -> memref<10240x128xf32, #tpu.memory_space<vmem_shared>>
        tpu.enqueue_indirect_dma source(%dma_start3A_113 : memref<128x128xf32, #tpu.memory_space<vmem>>) target(%dma_start3A_119 : memref<10240x128xf32, #tpu.memory_space<vmem_shared>>) offsets(%dma_start3A_116 : memref<128xi32, #tpu.memory_space<vmem>>) semaphore(%run_scoped3A_109 : memref<!tpu.dma_semaphore, #tpu.memory_space<semaphore_mem>>) {add = true}
        %dma_wait3A_120 = arith.constant 0 : i32
        %dma_wait3A_121 = arith.constant 0 : i32
        %dma_wait3A_122 = tpu.memref_slice %arg8[%run_scoped3A_89, %dma_wait3A_120, %dma_wait3A_121] : memref<2x128x128xf32, #tpu.memory_space<vmem>> -> memref<1x128x128xf32, #tpu.memory_space<vmem>>
        %dma_wait3A_123 = tpu.memref_squeeze %dma_wait3A_122 : memref<1x128x128xf32, #tpu.memory_space<vmem>> -> memref<128x128xf32, #tpu.memory_space<vmem>>
        %dma_wait3A_124 = arith.constant 0 : i32
        %dma_wait3A_125 = tpu.memref_slice %arg7[%mul3A_65, %dma_wait3A_124] : memref<40x128xi32, #tpu.memory_space<vmem>> -> memref<1x128xi32, #tpu.memory_space<vmem>>
        %dma_wait3A_126 = tpu.memref_squeeze %dma_wait3A_125 : memref<1x128xi32, #tpu.memory_space<vmem>> -> memref<128xi32, #tpu.memory_space<vmem>>
        %dma_wait3A_127 = arith.constant 0 : i32
        %dma_wait3A_128 = arith.constant 0 : i32
        %dma_wait3A_129 = tpu.memref_slice %arg9[%dma_wait3A_127, %dma_wait3A_128] : memref<10240x128xf32, #tpu.memory_space<vmem_shared>> -> memref<10240x128xf32, #tpu.memory_space<vmem_shared>>
        tpu.wait_indirect_dma semaphore(%run_scoped3A_109 : memref<!tpu.dma_semaphore, #tpu.memory_space<semaphore_mem>>) src(%dma_wait3A_123 : memref<128x128xf32, #tpu.memory_space<vmem>>) dst(%dma_wait3A_129 : memref<10240x128xf32, #tpu.memory_space<vmem_shared>>)
        tpu.yield
      }) : () -> ()
      %lt3A = arith.constant 19 : i32
      %lt3A_90 = arith.cmpi slt, %scan3A_62, %lt3A : i32
      %convert_element_type3A = arith.extui %lt3A_90 : i1 to i32
      %cond3A = arith.constant 0 : i32
      %cond3A_91 = arith.cmpi ne, %convert_element_type3A, %cond3A : i32
      scf.if %cond3A_91 {
        %add3A_109 = arith.constant 2 : i32
        %add3A_110 = arith.addi %mul3A_65, %add3A_109 : i32
        %dma_start3A_111 = arith.constant 0 : i32
        %dma_start3A_112 = arith.constant 0 : i32
        %dma_start3A_113 = arith.constant 0 : i32
        %dma_start3A_114 = tpu.memref_slice %arg8[%dma_start3A_111, %dma_start3A_112, %dma_start3A_113] : memref<2x128x128xf32, #tpu.memory_space<vmem>> -> memref<1x128x128xf32, #tpu.memory_space<vmem>>
        %dma_start3A_115 = tpu.memref_squeeze %dma_start3A_114 : memref<1x128x128xf32, #tpu.memory_space<vmem>> -> memref<128x128xf32, #tpu.memory_space<vmem>>
        %dma_start3A_116 = arith.constant 0 : i32
        %dma_start3A_117 = tpu.memref_slice %arg6[%add3A_110, %dma_start3A_116] : memref<40x128xi32, #tpu.memory_space<vmem>> -> memref<1x128xi32, #tpu.memory_space<vmem>>
        %dma_start3A_118 = tpu.memref_squeeze %dma_start3A_117 : memref<1x128xi32, #tpu.memory_space<vmem>> -> memref<128xi32, #tpu.memory_space<vmem>>
        %dma_start3A_119 = arith.constant 0 : i32
        %dma_start3A_120 = arith.constant 0 : i32
        %dma_start3A_121 = tpu.memref_slice %arg2[%dma_start3A_119, %dma_start3A_120] : memref<10000x128xf32, #tpu.memory_space<hbm>> -> memref<10000x128xf32, #tpu.memory_space<hbm>>
        tpu.enqueue_indirect_dma source(%dma_start3A_121 : memref<10000x128xf32, #tpu.memory_space<hbm>>) target(%dma_start3A_115 : memref<128x128xf32, #tpu.memory_space<vmem>>) offsets(%dma_start3A_118 : memref<128xi32, #tpu.memory_space<vmem>>) semaphore(%arg10 : memref<!tpu.dma_semaphore, #tpu.memory_space<semaphore_mem>>)
      } else {
      }
      %add3A_92 = arith.constant 1 : i32
      %add3A_93 = arith.addi %mul3A_65, %add3A_92 : i32
      %dma_wait3A_94 = arith.constant 1 : i32
      %dma_wait3A_95 = arith.constant 0 : i32
      %dma_wait3A_96 = arith.constant 0 : i32
      %dma_wait3A_97 = tpu.memref_slice %arg8[%dma_wait3A_94, %dma_wait3A_95, %dma_wait3A_96] : memref<2x128x128xf32, #tpu.memory_space<vmem>> -> memref<1x128x128xf32, #tpu.memory_space<vmem>>
      %dma_wait3A_98 = tpu.memref_squeeze %dma_wait3A_97 : memref<1x128x128xf32, #tpu.memory_space<vmem>> -> memref<128x128xf32, #tpu.memory_space<vmem>>
      %dma_wait3A_99 = arith.constant 0 : i32
      %dma_wait3A_100 = tpu.memref_slice %arg6[%add3A_93, %dma_wait3A_99] : memref<40x128xi32, #tpu.memory_space<vmem>> -> memref<1x128xi32, #tpu.memory_space<vmem>>
      %dma_wait3A_101 = tpu.memref_squeeze %dma_wait3A_100 : memref<1x128xi32, #tpu.memory_space<vmem>> -> memref<128xi32, #tpu.memory_space<vmem>>
      %dma_wait3A_102 = arith.constant 0 : i32
      %dma_wait3A_103 = arith.constant 0 : i32
      %dma_wait3A_104 = tpu.memref_slice %arg2[%dma_wait3A_102, %dma_wait3A_103] : memref<10000x128xf32, #tpu.memory_space<hbm>> -> memref<10000x128xf32, #tpu.memory_space<hbm>>
      tpu.wait_indirect_dma semaphore(%arg11 : memref<!tpu.dma_semaphore, #tpu.memory_space<semaphore_mem>>) src(%dma_wait3A_104 : memref<10000x128xf32, #tpu.memory_space<hbm>>) dst(%dma_wait3A_98 : memref<128x128xf32, #tpu.memory_space<vmem>>)
      %add3A_105 = arith.constant 1 : i32
      %add3A_106 = arith.addi %mul3A_65, %add3A_105 : i32
      %run_scoped3A_107 = arith.constant 1 : i32
      "tpu.region"() ({
        %run_scoped3A_109 = tpu.sem_alloc : memref<!tpu.dma_semaphore, #tpu.memory_space<semaphore_mem>>
        %dma_start3A_110 = arith.constant 0 : i32
        %dma_start3A_111 = arith.constant 0 : i32
        %dma_start3A_112 = tpu.memref_slice %arg8[%run_scoped3A_107, %dma_start3A_110, %dma_start3A_111] : memref<2x128x128xf32, #tpu.memory_space<vmem>> -> memref<1x128x128xf32, #tpu.memory_space<vmem>>
        %dma_start3A_113 = tpu.memref_squeeze %dma_start3A_112 : memref<1x128x128xf32, #tpu.memory_space<vmem>> -> memref<128x128xf32, #tpu.memory_space<vmem>>
        %dma_start3A_114 = arith.constant 0 : i32
        %dma_start3A_115 = tpu.memref_slice %arg7[%add3A_106, %dma_start3A_114] : memref<40x128xi32, #tpu.memory_space<vmem>> -> memref<1x128xi32, #tpu.memory_space<vmem>>
        %dma_start3A_116 = tpu.memref_squeeze %dma_start3A_115 : memref<1x128xi32, #tpu.memory_space<vmem>> -> memref<128xi32, #tpu.memory_space<vmem>>
        %dma_start3A_117 = arith.constant 0 : i32
        %dma_start3A_118 = arith.constant 0 : i32
        %dma_start3A_119 = tpu.memref_slice %arg9[%dma_start3A_117, %dma_start3A_118] : memref<10240x128xf32, #tpu.memory_space<vmem_shared>> -> memref<10240x128xf32, #tpu.memory_space<vmem_shared>>
        tpu.enqueue_indirect_dma source(%dma_start3A_113 : memref<128x128xf32, #tpu.memory_space<vmem>>) target(%dma_start3A_119 : memref<10240x128xf32, #tpu.memory_space<vmem_shared>>) offsets(%dma_start3A_116 : memref<128xi32, #tpu.memory_space<vmem>>) semaphore(%run_scoped3A_109 : memref<!tpu.dma_semaphore, #tpu.memory_space<semaphore_mem>>) {add = true}
        %dma_wait3A_120 = arith.constant 0 : i32
        %dma_wait3A_121 = arith.constant 0 : i32
        %dma_wait3A_122 = tpu.memref_slice %arg8[%run_scoped3A_107, %dma_wait3A_120, %dma_wait3A_121] : memref<2x128x128xf32, #tpu.memory_space<vmem>> -> memref<1x128x128xf32, #tpu.memory_space<vmem>>
        %dma_wait3A_123 = tpu.memref_squeeze %dma_wait3A_122 : memref<1x128x128xf32, #tpu.memory_space<vmem>> -> memref<128x128xf32, #tpu.memory_space<vmem>>
        %dma_wait3A_124 = arith.constant 0 : i32
        %dma_wait3A_125 = tpu.memref_slice %arg7[%add3A_106, %dma_wait3A_124] : memref<40x128xi32, #tpu.memory_space<vmem>> -> memref<1x128xi32, #tpu.memory_space<vmem>>
        %dma_wait3A_126 = tpu.memref_squeeze %dma_wait3A_125 : memref<1x128xi32, #tpu.memory_space<vmem>> -> memref<128xi32, #tpu.memory_space<vmem>>
        %dma_wait3A_127 = arith.constant 0 : i32
        %dma_wait3A_128 = arith.constant 0 : i32
        %dma_wait3A_129 = tpu.memref_slice %arg9[%dma_wait3A_127, %dma_wait3A_128] : memref<10240x128xf32, #tpu.memory_space<vmem_shared>> -> memref<10240x128xf32, #tpu.memory_space<vmem_shared>>
        tpu.wait_indirect_dma semaphore(%run_scoped3A_109 : memref<!tpu.dma_semaphore, #tpu.memory_space<semaphore_mem>>) src(%dma_wait3A_123 : memref<128x128xf32, #tpu.memory_space<vmem>>) dst(%dma_wait3A_129 : memref<10240x128xf32, #tpu.memory_space<vmem_shared>>)
        tpu.yield
      }) : () -> ()
      %scan3A_108 = arith.constant 0 : i32
      scf.yield %scan3A_108 : i32
    }
    %scan3A_40 = arith.constant 20 : i32
    %barrier3A_41 = arith.constant 0 : index
    tpu.barrier barrier_id(%barrier3A_41)
    %add3A_42 = arith.constant 0 : i32
    %add3A_43 = arith.addi %mul3A_8, %add3A_42 : i32
    %add3A_44 = arith.constant 0 : i32
    %add3A_45 = arith.addi %mul3A_8, %add3A_44 : i32
    "tpu.region"() ({
      %run_scoped3A_62 = tpu.sem_alloc : memref<!tpu.dma_semaphore, #tpu.memory_space<semaphore_mem>>
      %dma_start3A_63 = arith.constant 0 : i32
      %dma_start3A_64 = tpu.memref_slice %arg5[%arg0, %add3A_45, %dma_start3A_63] : memref<2x10240x128xf32, #tpu.memory_space<hbm>> -> memref<1x128x128xf32, #tpu.memory_space<hbm>>
      %dma_start3A_65 = tpu.memref_squeeze %dma_start3A_64 : memref<1x128x128xf32, #tpu.memory_space<hbm>> -> memref<128x128xf32, #tpu.memory_space<hbm>>
      %dma_start3A_66 = arith.constant 0 : i32
      %dma_start3A_67 = tpu.memref_slice %arg9[%add3A_43, %dma_start3A_66] : memref<10240x128xf32, #tpu.memory_space<vmem_shared>> -> memref<128x128xf32, #tpu.memory_space<vmem_shared>>
      tpu.enqueue_dma source(%dma_start3A_67 : memref<128x128xf32, #tpu.memory_space<vmem_shared>>) target(%dma_start3A_65 : memref<128x128xf32, #tpu.memory_space<hbm>>) target_semaphore(%run_scoped3A_62 : memref<!tpu.dma_semaphore, #tpu.memory_space<semaphore_mem>>)
      %dma_wait3A = arith.constant 0 : i32
      %dma_wait3A_68 = tpu.memref_slice %arg5[%arg0, %add3A_45, %dma_wait3A] : memref<2x10240x128xf32, #tpu.memory_space<hbm>> -> memref<1x128x128xf32, #tpu.memory_space<hbm>>
      %dma_wait3A_69 = tpu.memref_squeeze %dma_wait3A_68 : memref<1x128x128xf32, #tpu.memory_space<hbm>> -> memref<128x128xf32, #tpu.memory_space<hbm>>
      %dma_wait3A_70 = arith.constant 0 : i32
      %dma_wait3A_71 = tpu.memref_slice %arg9[%add3A_43, %dma_wait3A_70] : memref<10240x128xf32, #tpu.memory_space<vmem_shared>> -> memref<128x128xf32, #tpu.memory_space<vmem_shared>>
      tpu.wait_dma2 semaphore(%run_scoped3A_62 : memref<!tpu.dma_semaphore, #tpu.memory_space<semaphore_mem>>) src(%dma_wait3A_71 : memref<128x128xf32, #tpu.memory_space<vmem_shared>>) dst(%dma_wait3A_69 : memref<128x128xf32, #tpu.memory_space<hbm>>)
      tpu.yield
    }) : () -> ()
    %add3A_46 = arith.constant 128 : i32
    %add3A_47 = arith.addi %mul3A_8, %add3A_46 : i32
    %add3A_48 = arith.constant 128 : i32
    %add3A_49 = arith.addi %mul3A_8, %add3A_48 : i32
    "tpu.region"() ({
      %run_scoped3A_62 = tpu.sem_alloc : memref<!tpu.dma_semaphore, #tpu.memory_space<semaphore_mem>>
      %dma_start3A_63 = arith.constant 0 : i32
      %dma_start3A_64 = tpu.memref_slice %arg5[%arg0, %add3A_49, %dma_start3A_63] : memref<2x10240x128xf32, #tpu.memory_space<hbm>> -> memref<1x128x128xf32, #tpu.memory_space<hbm>>
      %dma_start3A_65 = tpu.memref_squeeze %dma_start3A_64 : memref<1x128x128xf32, #tpu.memory_space<hbm>> -> memref<128x128xf32, #tpu.memory_space<hbm>>
      %dma_start3A_66 = arith.constant 0 : i32
      %dma_start3A_67 = tpu.memref_slice %arg9[%add3A_47, %dma_start3A_66] : memref<10240x128xf32, #tpu.memory_space<vmem_shared>> -> memref<128x128xf32, #tpu.memory_space<vmem_shared>>
      tpu.enqueue_dma source(%dma_start3A_67 : memref<128x128xf32, #tpu.memory_space<vmem_shared>>) target(%dma_start3A_65 : memref<128x128xf32, #tpu.memory_space<hbm>>) target_semaphore(%run_scoped3A_62 : memref<!tpu.dma_semaphore, #tpu.memory_space<semaphore_mem>>)
      %dma_wait3A = arith.constant 0 : i32
      %dma_wait3A_68 = tpu.memref_slice %arg5[%arg0, %add3A_49, %dma_wait3A] : memref<2x10240x128xf32, #tpu.memory_space<hbm>> -> memref<1x128x128xf32, #tpu.memory_space<hbm>>
      %dma_wait3A_69 = tpu.memref_squeeze %dma_wait3A_68 : memref<1x128x128xf32, #tpu.memory_space<hbm>> -> memref<128x128xf32, #tpu.memory_space<hbm>>
      %dma_wait3A_70 = arith.constant 0 : i32
      %dma_wait3A_71 = tpu.memref_slice %arg9[%add3A_47, %dma_wait3A_70] : memref<10240x128xf32, #tpu.memory_space<vmem_shared>> -> memref<128x128xf32, #tpu.memory_space<vmem_shared>>
      tpu.wait_dma2 semaphore(%run_scoped3A_62 : memref<!tpu.dma_semaphore, #tpu.memory_space<semaphore_mem>>) src(%dma_wait3A_71 : memref<128x128xf32, #tpu.memory_space<vmem_shared>>) dst(%dma_wait3A_69 : memref<128x128xf32, #tpu.memory_space<hbm>>)
      tpu.yield
    }) : () -> ()
    %add3A_50 = arith.constant 256 : i32
    %add3A_51 = arith.addi %mul3A_8, %add3A_50 : i32
    %add3A_52 = arith.constant 256 : i32
    %add3A_53 = arith.addi %mul3A_8, %add3A_52 : i32
    "tpu.region"() ({
      %run_scoped3A_62 = tpu.sem_alloc : memref<!tpu.dma_semaphore, #tpu.memory_space<semaphore_mem>>
      %dma_start3A_63 = arith.constant 0 : i32
      %dma_start3A_64 = tpu.memref_slice %arg5[%arg0, %add3A_53, %dma_start3A_63] : memref<2x10240x128xf32, #tpu.memory_space<hbm>> -> memref<1x128x128xf32, #tpu.memory_space<hbm>>
      %dma_start3A_65 = tpu.memref_squeeze %dma_start3A_64 : memref<1x128x128xf32, #tpu.memory_space<hbm>> -> memref<128x128xf32, #tpu.memory_space<hbm>>
      %dma_start3A_66 = arith.constant 0 : i32
      %dma_start3A_67 = tpu.memref_slice %arg9[%add3A_51, %dma_start3A_66] : memref<10240x128xf32, #tpu.memory_space<vmem_shared>> -> memref<128x128xf32, #tpu.memory_space<vmem_shared>>
      tpu.enqueue_dma source(%dma_start3A_67 : memref<128x128xf32, #tpu.memory_space<vmem_shared>>) target(%dma_start3A_65 : memref<128x128xf32, #tpu.memory_space<hbm>>) target_semaphore(%run_scoped3A_62 : memref<!tpu.dma_semaphore, #tpu.memory_space<semaphore_mem>>)
      %dma_wait3A = arith.constant 0 : i32
      %dma_wait3A_68 = tpu.memref_slice %arg5[%arg0, %add3A_53, %dma_wait3A] : memref<2x10240x128xf32, #tpu.memory_space<hbm>> -> memref<1x128x128xf32, #tpu.memory_space<hbm>>
      %dma_wait3A_69 = tpu.memref_squeeze %dma_wait3A_68 : memref<1x128x128xf32, #tpu.memory_space<hbm>> -> memref<128x128xf32, #tpu.memory_space<hbm>>
      %dma_wait3A_70 = arith.constant 0 : i32
      %dma_wait3A_71 = tpu.memref_slice %arg9[%add3A_51, %dma_wait3A_70] : memref<10240x128xf32, #tpu.memory_space<vmem_shared>> -> memref<128x128xf32, #tpu.memory_space<vmem_shared>>
      tpu.wait_dma2 semaphore(%run_scoped3A_62 : memref<!tpu.dma_semaphore, #tpu.memory_space<semaphore_mem>>) src(%dma_wait3A_71 : memref<128x128xf32, #tpu.memory_space<vmem_shared>>) dst(%dma_wait3A_69 : memref<128x128xf32, #tpu.memory_space<hbm>>)
      tpu.yield
    }) : () -> ()
    %add3A_54 = arith.constant 384 : i32
    %add3A_55 = arith.addi %mul3A_8, %add3A_54 : i32
    %add3A_56 = arith.constant 384 : i32
    %add3A_57 = arith.addi %mul3A_8, %add3A_56 : i32
    "tpu.region"() ({
      %run_scoped3A_62 = tpu.sem_alloc : memref<!tpu.dma_semaphore, #tpu.memory_space<semaphore_mem>>
      %dma_start3A_63 = arith.constant 0 : i32
      %dma_start3A_64 = tpu.memref_slice %arg5[%arg0, %add3A_57, %dma_start3A_63] : memref<2x10240x128xf32, #tpu.memory_space<hbm>> -> memref<1x128x128xf32, #tpu.memory_space<hbm>>
      %dma_start3A_65 = tpu.memref_squeeze %dma_start3A_64 : memref<1x128x128xf32, #tpu.memory_space<hbm>> -> memref<128x128xf32, #tpu.memory_space<hbm>>
      %dma_start3A_66 = arith.constant 0 : i32
      %dma_start3A_67 = tpu.memref_slice %arg9[%add3A_55, %dma_start3A_66] : memref<10240x128xf32, #tpu.memory_space<vmem_shared>> -> memref<128x128xf32, #tpu.memory_space<vmem_shared>>
      tpu.enqueue_dma source(%dma_start3A_67 : memref<128x128xf32, #tpu.memory_space<vmem_shared>>) target(%dma_start3A_65 : memref<128x128xf32, #tpu.memory_space<hbm>>) target_semaphore(%run_scoped3A_62 : memref<!tpu.dma_semaphore, #tpu.memory_space<semaphore_mem>>)
      %dma_wait3A = arith.constant 0 : i32
      %dma_wait3A_68 = tpu.memref_slice %arg5[%arg0, %add3A_57, %dma_wait3A] : memref<2x10240x128xf32, #tpu.memory_space<hbm>> -> memref<1x128x128xf32, #tpu.memory_space<hbm>>
      %dma_wait3A_69 = tpu.memref_squeeze %dma_wait3A_68 : memref<1x128x128xf32, #tpu.memory_space<hbm>> -> memref<128x128xf32, #tpu.memory_space<hbm>>
      %dma_wait3A_70 = arith.constant 0 : i32
      %dma_wait3A_71 = tpu.memref_slice %arg9[%add3A_55, %dma_wait3A_70] : memref<10240x128xf32, #tpu.memory_space<vmem_shared>> -> memref<128x128xf32, #tpu.memory_space<vmem_shared>>
      tpu.wait_dma2 semaphore(%run_scoped3A_62 : memref<!tpu.dma_semaphore, #tpu.memory_space<semaphore_mem>>) src(%dma_wait3A_71 : memref<128x128xf32, #tpu.memory_space<vmem_shared>>) dst(%dma_wait3A_69 : memref<128x128xf32, #tpu.memory_space<hbm>>)
      tpu.yield
    }) : () -> ()
    %add3A_58 = arith.constant 512 : i32
    %add3A_59 = arith.addi %mul3A_8, %add3A_58 : i32
    %add3A_60 = arith.constant 512 : i32
    %add3A_61 = arith.addi %mul3A_8, %add3A_60 : i32
    "tpu.region"() ({
      %run_scoped3A_62 = tpu.sem_alloc : memref<!tpu.dma_semaphore, #tpu.memory_space<semaphore_mem>>
      %dma_start3A_63 = arith.constant 0 : i32
      %dma_start3A_64 = tpu.memref_slice %arg5[%arg0, %add3A_61, %dma_start3A_63] : memref<2x10240x128xf32, #tpu.memory_space<hbm>> -> memref<1x128x128xf32, #tpu.memory_space<hbm>>
      %dma_start3A_65 = tpu.memref_squeeze %dma_start3A_64 : memref<1x128x128xf32, #tpu.memory_space<hbm>> -> memref<128x128xf32, #tpu.memory_space<hbm>>
      %dma_start3A_66 = arith.constant 0 : i32
      %dma_start3A_67 = tpu.memref_slice %arg9[%add3A_59, %dma_start3A_66] : memref<10240x128xf32, #tpu.memory_space<vmem_shared>> -> memref<128x128xf32, #tpu.memory_space<vmem_shared>>
      tpu.enqueue_dma source(%dma_start3A_67 : memref<128x128xf32, #tpu.memory_space<vmem_shared>>) target(%dma_start3A_65 : memref<128x128xf32, #tpu.memory_space<hbm>>) target_semaphore(%run_scoped3A_62 : memref<!tpu.dma_semaphore, #tpu.memory_space<semaphore_mem>>)
      %dma_wait3A = arith.constant 0 : i32
      %dma_wait3A_68 = tpu.memref_slice %arg5[%arg0, %add3A_61, %dma_wait3A] : memref<2x10240x128xf32, #tpu.memory_space<hbm>> -> memref<1x128x128xf32, #tpu.memory_space<hbm>>
      %dma_wait3A_69 = tpu.memref_squeeze %dma_wait3A_68 : memref<1x128x128xf32, #tpu.memory_space<hbm>> -> memref<128x128xf32, #tpu.memory_space<hbm>>
      %dma_wait3A_70 = arith.constant 0 : i32
      %dma_wait3A_71 = tpu.memref_slice %arg9[%add3A_59, %dma_wait3A_70] : memref<10240x128xf32, #tpu.memory_space<vmem_shared>> -> memref<128x128xf32, #tpu.memory_space<vmem_shared>>
      tpu.wait_dma2 semaphore(%run_scoped3A_62 : memref<!tpu.dma_semaphore, #tpu.memory_space<semaphore_mem>>) src(%dma_wait3A_71 : memref<128x128xf32, #tpu.memory_space<vmem_shared>>) dst(%dma_wait3A_69 : memref<128x128xf32, #tpu.memory_space<hbm>>)
      tpu.yield
    }) : () -> ()
    return
  }
}

#map = affine_map<(d0, d1) -> (0, 0)>
#map1 = affine_map<(d0, d1) -> (0, 0, 0)>
module attributes {stable_mosaic.version = 14 : i64} {
  func.func @k(%arg0: i32, %arg1: i32, %arg2: memref<10000x128xf32, #tpu.memory_space<hbm>>, %arg3: memref<32x40x128xi32, #tpu.memory_space<hbm>>, %arg4: memref<32x40x128xi32, #tpu.memory_space<hbm>>, %arg5: memref<2x10240x128xf32, #tpu.memory_space<hbm>>, %arg6: memref<40x128xi32, #tpu.memory_space<vmem>>, %arg7: memref<40x128xi32, #tpu.memory_space<vmem>>, %arg8: memref<2x128x128xf32, #tpu.memory_space<vmem>>, %arg9: memref<10240x128xf32, #tpu.memory_space<vmem_shared>>, %arg10: memref<!tpu.dma_semaphore, #tpu.memory_space<semaphore_mem>>, %arg11: memref<!tpu.dma_semaphore, #tpu.memory_space<semaphore_mem>>) attributes {dimension_semantics = [#tpu.dimension_semantics<core_parallel>, #tpu.dimension_semantics<subcore_parallel>], iteration_bounds = array<i64: 2, 16>, scalar_prefetch = 0 : i64, scratch_operands = 6 : i64, tpu.core_type = #tpu.core_type<sc_vector_subcore>, window_params = [{transform_indices = #map}, {transform_indices = #map1}, {transform_indices = #map1}, {transform_indices = #map1}]} {
    %mul3A = arith.constant 16 : i32
    %mul3A_0 = arith.muli %arg0, %mul3A : i32
    %add3A = arith.addi %mul3A_0, %arg1 : i32
    %scan3A = arith.constant 0 : i32
    %scan3A_1 = arith.constant 0 : i32
    %scan3A_2 = arith.constant 1024 : i32
    %scan3A_3 = arith.addi %scan3A_1, %scan3A_2 : i32
    %scan3A_4 = arith.constant 1 : i32
    %scan3A_5 = scf.for %scan3A_62 = %scan3A_1 to %scan3A_3 step %scan3A_4 iter_args(%scan3A_63 = %scan3A) -> (i32)  : i32 {
      %jit3A = arith.constant 8 : i32
      %div3A = arith.divsi %scan3A_62, %jit3A : i32
      %sign3A = arith.constant 0 : i32
      %sign3A_64 = arith.cmpi sgt, %scan3A_62, %sign3A : i32
      %sign3A_65 = arith.extui %sign3A_64 : i1 to i32
      %sign3A_66 = arith.constant 0 : i32
      %sign3A_67 = arith.cmpi slt, %scan3A_62, %sign3A_66 : i32
      %sign3A_68 = arith.extui %sign3A_67 : i1 to i32
      %sign3A_69 = arith.subi %sign3A_65, %sign3A_68 : i32
      %sign3A_70 = arith.constant 0 : i32
      %sign3A_71 = arith.cmpi sgt, %jit3A, %sign3A_70 : i32
      %sign3A_72 = arith.extui %sign3A_71 : i1 to i32
      %sign3A_73 = arith.constant 0 : i32
      %sign3A_74 = arith.cmpi slt, %jit3A, %sign3A_73 : i32
      %sign3A_75 = arith.extui %sign3A_74 : i1 to i32
      %sign3A_76 = arith.subi %sign3A_72, %sign3A_75 : i32
      %ne3A = arith.cmpi ne, %sign3A_69, %sign3A_76 : i32
      %rem3A = arith.remsi %scan3A_62, %jit3A : i32
      %ne3A_77 = arith.constant 0 : i32
      %ne3A_78 = arith.cmpi ne, %rem3A, %ne3A_77 : i32
      %and3A = arith.andi %ne3A, %ne3A_78 : i1
      %sub3A = arith.constant 1 : i32
      %sub3A_79 = arith.subi %div3A, %sub3A : i32
      %select_n3A = arith.select %and3A, %sub3A_79, %div3A : i32
      %jit3A_80 = arith.constant 8 : i32
      %eq3A = arith.constant 0 : i32
      %eq3A_81 = arith.cmpi eq, %jit3A_80, %eq3A : i32
      %jit3A_82 = arith.constant 1 : i32
      %select_n3A_83 = arith.select %eq3A_81, %jit3A_82, %jit3A_80 : i32
      %rem3A_84 = arith.remsi %scan3A_62, %select_n3A_83 : i32
      %ne3A_85 = arith.constant 0 : i32
      %ne3A_86 = arith.cmpi ne, %rem3A_84, %ne3A_85 : i32
      %lt3A = arith.constant 0 : i32
      %lt3A_87 = arith.cmpi slt, %rem3A_84, %lt3A : i32
      %lt3A_88 = arith.constant 0 : i32
      %lt3A_89 = arith.cmpi slt, %select_n3A_83, %lt3A_88 : i32
      %ne3A_90 = arith.xori %lt3A_87, %lt3A_89 : i1
      %and3A_91 = arith.andi %ne3A_90, %ne3A_86 : i1
      %add3A_92 = arith.addi %rem3A_84, %select_n3A_83 : i32
      %select_n3A_93 = arith.select %and3A_91, %add3A_92, %rem3A_84 : i32
      %mul3A_94 = arith.constant 16 : i32
      %mul3A_95 = arith.muli %select_n3A_93, %mul3A_94 : i32
      %broadcast_in_dim3A = arith.constant 0.000000e+00 : f32
      %broadcast_in_dim3A_96 = vector.broadcast %broadcast_in_dim3A : f32 to vector<16xf32>
      %swap3A = arith.constant 0 : i32
      %swap3A_97 = arith.index_cast %swap3A : i32 to index
      %swap3A_98 = arith.index_cast %select_n3A : i32 to index
      %swap3A_99 = arith.index_cast %mul3A_95 : i32 to index
      %swap3A_100 = tpu.vector_load %arg8[%swap3A_97, %swap3A_98, %swap3A_99] {strides = array<i32>} : memref<2x128x128xf32, #tpu.memory_space<vmem>>, vector<1x1x16xf32>,
      %swap3A_101 = vector.shape_cast %swap3A_100 : vector<1x1x16xf32> to vector<16xf32>
      %swap3A_102 = vector.shape_cast %broadcast_in_dim3A_96 : vector<16xf32> to vector<1x1x16xf32>
      tpu.vector_store %arg8[%swap3A_97, %swap3A_98, %swap3A_99], %swap3A_102 {strides = array<i32>} : memref<2x128x128xf32, #tpu.memory_space<vmem>>, vector<1x1x16xf32>,
      %scan3A_103 = arith.constant 0 : i32
      scf.yield %scan3A_103 : i32
    }
    %scan3A_6 = arith.constant 1024 : i32
    %mul3A_7 = arith.constant 640 : i32
    %mul3A_8 = arith.muli %arg1, %mul3A_7 : i32
    %add3A_9 = arith.constant 0 : i32
    %add3A_10 = arith.addi %mul3A_8, %add3A_9 : i32
    %run_scoped3A = arith.constant 0 : i32
    "tpu.region"() ({
      %run_scoped3A_62 = tpu.sem_alloc : memref<!tpu.dma_semaphore, #tpu.memory_space<semaphore_mem>>
      %dma_start3A_63 = arith.constant 0 : i32
      %dma_start3A_64 = arith.constant 0 : i32
      %dma_start3A_65 = tpu.memref_slice %arg8[%run_scoped3A, %dma_start3A_63, %dma_start3A_64] : memref<2x128x128xf32, #tpu.memory_space<vmem>> -> memref<1x128x128xf32, #tpu.memory_space<vmem>>
      %dma_start3A_66 = tpu.memref_squeeze %dma_start3A_65 : memref<1x128x128xf32, #tpu.memory_space<vmem>> -> memref<128x128xf32, #tpu.memory_space<vmem>>
      %dma_start3A_67 = arith.constant 0 : i32
      %dma_start3A_68 = tpu.memref_slice %arg9[%add3A_10, %dma_start3A_67] : memref<10240x128xf32, #tpu.memory_space<vmem_shared>> -> memref<128x128xf32, #tpu.memory_space<vmem_shared>>
      %dma_start3A_69 = arith.constant 0 : i32
      %dma_start3A_70 = tpu.memref_slice %arg9[%add3A_10, %dma_start3A_69] : memref<10240x128xf32, #tpu.memory_space<vmem_shared>> -> memref<128x128xf32, #tpu.memory_space<vmem_shared>>
      %dma_start3A_71 = arith.constant 0 : i32
      %dma_start3A_72 = arith.constant 0 : i32
      %dma_start3A_73 = tpu.memref_slice %arg8[%run_scoped3A, %dma_start3A_71, %dma_start3A_72] : memref<2x128x128xf32, #tpu.memory_space<vmem>> -> memref<1x128x128xf32, #tpu.memory_space<vmem>>
      %dma_start3A_74 = tpu.memref_squeeze %dma_start3A_73 : memref<1x128x128xf32, #tpu.memory_space<vmem>> -> memref<128x128xf32, #tpu.memory_space<vmem>>
      tpu.enqueue_dma source(%dma_start3A_74 : memref<128x128xf32, #tpu.memory_space<vmem>>) target(%dma_start3A_70 : memref<128x128xf32, #tpu.memory_space<vmem_shared>>) target_semaphore(%run_scoped3A_62 : memref<!tpu.dma_semaphore, #tpu.memory_space<semaphore_mem>>)
      %dma_wait3A = arith.constant 0 : i32
      %dma_wait3A_75 = arith.constant 0 : i32
      %dma_wait3A_76 = tpu.memref_slice %arg8[%run_scoped3A, %dma_wait3A, %dma_wait3A_75] : memref<2x128x128xf32, #tpu.memory_space<vmem>> -> memref<1x128x128xf32, #tpu.memory_space<vmem>>
      %dma_wait3A_77 = tpu.memref_squeeze %dma_wait3A_76 : memref<1x128x128xf32, #tpu.memory_space<vmem>> -> memref<128x128xf32, #tpu.memory_space<vmem>>
      %dma_wait3A_78 = arith.constant 0 : i32
      %dma_wait3A_79 = tpu.memref_slice %arg9[%add3A_10, %dma_wait3A_78] : memref<10240x128xf32, #tpu.memory_space<vmem_shared>> -> memref<128x128xf32, #tpu.memory_space<vmem_shared>>
      %dma_wait3A_80 = arith.constant 0 : i32
      %dma_wait3A_81 = tpu.memref_slice %arg9[%add3A_10, %dma_wait3A_80] : memref<10240x128xf32, #tpu.memory_space<vmem_shared>> -> memref<128x128xf32, #tpu.memory_space<vmem_shared>>
      %dma_wait3A_82 = arith.constant 0 : i32
      %dma_wait3A_83 = arith.constant 0 : i32
      %dma_wait3A_84 = tpu.memref_slice %arg8[%run_scoped3A, %dma_wait3A_82, %dma_wait3A_83] : memref<2x128x128xf32, #tpu.memory_space<vmem>> -> memref<1x128x128xf32, #tpu.memory_space<vmem>>
      %dma_wait3A_85 = tpu.memref_squeeze %dma_wait3A_84 : memref<1x128x128xf32, #tpu.memory_space<vmem>> -> memref<128x128xf32, #tpu.memory_space<vmem>>
      tpu.wait_dma2 semaphore(%run_scoped3A_62 : memref<!tpu.dma_semaphore, #tpu.memory_space<semaphore_mem>>) src(%dma_wait3A_85 : memref<128x128xf32, #tpu.memory_space<vmem>>) dst(%dma_wait3A_81 : memref<128x128xf32, #tpu.memory_space<vmem_shared>>)
      tpu.yield
    }) : () -> ()
    %add3A_11 = arith.constant 128 : i32
    %add3A_12 = arith.addi %mul3A_8, %add3A_11 : i32
    %run_scoped3A_13 = arith.constant 0 : i32
    "tpu.region"() ({
      %run_scoped3A_62 = tpu.sem_alloc : memref<!tpu.dma_semaphore, #tpu.memory_space<semaphore_mem>>
      %dma_start3A_63 = arith.constant 0 : i32
      %dma_start3A_64 = arith.constant 0 : i32
      %dma_start3A_65 = tpu.memref_slice %arg8[%run_scoped3A_13, %dma_start3A_63, %dma_start3A_64] : memref<2x128x128xf32, #tpu.memory_space<vmem>> -> memref<1x128x128xf32, #tpu.memory_space<vmem>>
      %dma_start3A_66 = tpu.memref_squeeze %dma_start3A_65 : memref<1x128x128xf32, #tpu.memory_space<vmem>> -> memref<128x128xf32, #tpu.memory_space<vmem>>
      %dma_start3A_67 = arith.constant 0 : i32
      %dma_start3A_68 = tpu.memref_slice %arg9[%add3A_12, %dma_start3A_67] : memref<10240x128xf32, #tpu.memory_space<vmem_shared>> -> memref<128x128xf32, #tpu.memory_space<vmem_shared>>
      %dma_start3A_69 = arith.constant 0 : i32
      %dma_start3A_70 = tpu.memref_slice %arg9[%add3A_12, %dma_start3A_69] : memref<10240x128xf32, #tpu.memory_space<vmem_shared>> -> memref<128x128xf32, #tpu.memory_space<vmem_shared>>
      %dma_start3A_71 = arith.constant 0 : i32
      %dma_start3A_72 = arith.constant 0 : i32
      %dma_start3A_73 = tpu.memref_slice %arg8[%run_scoped3A_13, %dma_start3A_71, %dma_start3A_72] : memref<2x128x128xf32, #tpu.memory_space<vmem>> -> memref<1x128x128xf32, #tpu.memory_space<vmem>>
      %dma_start3A_74 = tpu.memref_squeeze %dma_start3A_73 : memref<1x128x128xf32, #tpu.memory_space<vmem>> -> memref<128x128xf32, #tpu.memory_space<vmem>>
      tpu.enqueue_dma source(%dma_start3A_74 : memref<128x128xf32, #tpu.memory_space<vmem>>) target(%dma_start3A_70 : memref<128x128xf32, #tpu.memory_space<vmem_shared>>) target_semaphore(%run_scoped3A_62 : memref<!tpu.dma_semaphore, #tpu.memory_space<semaphore_mem>>)
      %dma_wait3A = arith.constant 0 : i32
      %dma_wait3A_75 = arith.constant 0 : i32
      %dma_wait3A_76 = tpu.memref_slice %arg8[%run_scoped3A_13, %dma_wait3A, %dma_wait3A_75] : memref<2x128x128xf32, #tpu.memory_space<vmem>> -> memref<1x128x128xf32, #tpu.memory_space<vmem>>
      %dma_wait3A_77 = tpu.memref_squeeze %dma_wait3A_76 : memref<1x128x128xf32, #tpu.memory_space<vmem>> -> memref<128x128xf32, #tpu.memory_space<vmem>>
      %dma_wait3A_78 = arith.constant 0 : i32
      %dma_wait3A_79 = tpu.memref_slice %arg9[%add3A_12, %dma_wait3A_78] : memref<10240x128xf32, #tpu.memory_space<vmem_shared>> -> memref<128x128xf32, #tpu.memory_space<vmem_shared>>
      %dma_wait3A_80 = arith.constant 0 : i32
      %dma_wait3A_81 = tpu.memref_slice %arg9[%add3A_12, %dma_wait3A_80] : memref<10240x128xf32, #tpu.memory_space<vmem_shared>> -> memref<128x128xf32, #tpu.memory_space<vmem_shared>>
      %dma_wait3A_82 = arith.constant 0 : i32
      %dma_wait3A_83 = arith.constant 0 : i32
      %dma_wait3A_84 = tpu.memref_slice %arg8[%run_scoped3A_13, %dma_wait3A_82, %dma_wait3A_83] : memref<2x128x128xf32, #tpu.memory_space<vmem>> -> memref<1x128x128xf32, #tpu.memory_space<vmem>>
      %dma_wait3A_85 = tpu.memref_squeeze %dma_wait3A_84 : memref<1x128x128xf32, #tpu.memory_space<vmem>> -> memref<128x128xf32, #tpu.memory_space<vmem>>
      tpu.wait_dma2 semaphore(%run_scoped3A_62 : memref<!tpu.dma_semaphore, #tpu.memory_space<semaphore_mem>>) src(%dma_wait3A_85 : memref<128x128xf32, #tpu.memory_space<vmem>>) dst(%dma_wait3A_81 : memref<128x128xf32, #tpu.memory_space<vmem_shared>>)
      tpu.yield
    }) : () -> ()
    %add3A_14 = arith.constant 256 : i32
    %add3A_15 = arith.addi %mul3A_8, %add3A_14 : i32
    %run_scoped3A_16 = arith.constant 0 : i32
    "tpu.region"() ({
      %run_scoped3A_62 = tpu.sem_alloc : memref<!tpu.dma_semaphore, #tpu.memory_space<semaphore_mem>>
      %dma_start3A_63 = arith.constant 0 : i32
      %dma_start3A_64 = arith.constant 0 : i32
      %dma_start3A_65 = tpu.memref_slice %arg8[%run_scoped3A_16, %dma_start3A_63, %dma_start3A_64] : memref<2x128x128xf32, #tpu.memory_space<vmem>> -> memref<1x128x128xf32, #tpu.memory_space<vmem>>
      %dma_start3A_66 = tpu.memref_squeeze %dma_start3A_65 : memref<1x128x128xf32, #tpu.memory_space<vmem>> -> memref<128x128xf32, #tpu.memory_space<vmem>>
      %dma_start3A_67 = arith.constant 0 : i32
      %dma_start3A_68 = tpu.memref_slice %arg9[%add3A_15, %dma_start3A_67] : memref<10240x128xf32, #tpu.memory_space<vmem_shared>> -> memref<128x128xf32, #tpu.memory_space<vmem_shared>>
      %dma_start3A_69 = arith.constant 0 : i32
      %dma_start3A_70 = tpu.memref_slice %arg9[%add3A_15, %dma_start3A_69] : memref<10240x128xf32, #tpu.memory_space<vmem_shared>> -> memref<128x128xf32, #tpu.memory_space<vmem_shared>>
      %dma_start3A_71 = arith.constant 0 : i32
      %dma_start3A_72 = arith.constant 0 : i32
      %dma_start3A_73 = tpu.memref_slice %arg8[%run_scoped3A_16, %dma_start3A_71, %dma_start3A_72] : memref<2x128x128xf32, #tpu.memory_space<vmem>> -> memref<1x128x128xf32, #tpu.memory_space<vmem>>
      %dma_start3A_74 = tpu.memref_squeeze %dma_start3A_73 : memref<1x128x128xf32, #tpu.memory_space<vmem>> -> memref<128x128xf32, #tpu.memory_space<vmem>>
      tpu.enqueue_dma source(%dma_start3A_74 : memref<128x128xf32, #tpu.memory_space<vmem>>) target(%dma_start3A_70 : memref<128x128xf32, #tpu.memory_space<vmem_shared>>) target_semaphore(%run_scoped3A_62 : memref<!tpu.dma_semaphore, #tpu.memory_space<semaphore_mem>>)
      %dma_wait3A = arith.constant 0 : i32
      %dma_wait3A_75 = arith.constant 0 : i32
      %dma_wait3A_76 = tpu.memref_slice %arg8[%run_scoped3A_16, %dma_wait3A, %dma_wait3A_75] : memref<2x128x128xf32, #tpu.memory_space<vmem>> -> memref<1x128x128xf32, #tpu.memory_space<vmem>>
      %dma_wait3A_77 = tpu.memref_squeeze %dma_wait3A_76 : memref<1x128x128xf32, #tpu.memory_space<vmem>> -> memref<128x128xf32, #tpu.memory_space<vmem>>
      %dma_wait3A_78 = arith.constant 0 : i32
      %dma_wait3A_79 = tpu.memref_slice %arg9[%add3A_15, %dma_wait3A_78] : memref<10240x128xf32, #tpu.memory_space<vmem_shared>> -> memref<128x128xf32, #tpu.memory_space<vmem_shared>>
      %dma_wait3A_80 = arith.constant 0 : i32
      %dma_wait3A_81 = tpu.memref_slice %arg9[%add3A_15, %dma_wait3A_80] : memref<10240x128xf32, #tpu.memory_space<vmem_shared>> -> memref<128x128xf32, #tpu.memory_space<vmem_shared>>
      %dma_wait3A_82 = arith.constant 0 : i32
      %dma_wait3A_83 = arith.constant 0 : i32
      %dma_wait3A_84 = tpu.memref_slice %arg8[%run_scoped3A_16, %dma_wait3A_82, %dma_wait3A_83] : memref<2x128x128xf32, #tpu.memory_space<vmem>> -> memref<1x128x128xf32, #tpu.memory_space<vmem>>
      %dma_wait3A_85 = tpu.memref_squeeze %dma_wait3A_84 : memref<1x128x128xf32, #tpu.memory_space<vmem>> -> memref<128x128xf32, #tpu.memory_space<vmem>>
      tpu.wait_dma2 semaphore(%run_scoped3A_62 : memref<!tpu.dma_semaphore, #tpu.memory_space<semaphore_mem>>) src(%dma_wait3A_85 : memref<128x128xf32, #tpu.memory_space<vmem>>) dst(%dma_wait3A_81 : memref<128x128xf32, #tpu.memory_space<vmem_shared>>)
      tpu.yield
    }) : () -> ()
    %add3A_17 = arith.constant 384 : i32
    %add3A_18 = arith.addi %mul3A_8, %add3A_17 : i32
    %run_scoped3A_19 = arith.constant 0 : i32
    "tpu.region"() ({
      %run_scoped3A_62 = tpu.sem_alloc : memref<!tpu.dma_semaphore, #tpu.memory_space<semaphore_mem>>
      %dma_start3A_63 = arith.constant 0 : i32
      %dma_start3A_64 = arith.constant 0 : i32
      %dma_start3A_65 = tpu.memref_slice %arg8[%run_scoped3A_19, %dma_start3A_63, %dma_start3A_64] : memref<2x128x128xf32, #tpu.memory_space<vmem>> -> memref<1x128x128xf32, #tpu.memory_space<vmem>>
      %dma_start3A_66 = tpu.memref_squeeze %dma_start3A_65 : memref<1x128x128xf32, #tpu.memory_space<vmem>> -> memref<128x128xf32, #tpu.memory_space<vmem>>
      %dma_start3A_67 = arith.constant 0 : i32
      %dma_start3A_68 = tpu.memref_slice %arg9[%add3A_18, %dma_start3A_67] : memref<10240x128xf32, #tpu.memory_space<vmem_shared>> -> memref<128x128xf32, #tpu.memory_space<vmem_shared>>
      %dma_start3A_69 = arith.constant 0 : i32
      %dma_start3A_70 = tpu.memref_slice %arg9[%add3A_18, %dma_start3A_69] : memref<10240x128xf32, #tpu.memory_space<vmem_shared>> -> memref<128x128xf32, #tpu.memory_space<vmem_shared>>
      %dma_start3A_71 = arith.constant 0 : i32
      %dma_start3A_72 = arith.constant 0 : i32
      %dma_start3A_73 = tpu.memref_slice %arg8[%run_scoped3A_19, %dma_start3A_71, %dma_start3A_72] : memref<2x128x128xf32, #tpu.memory_space<vmem>> -> memref<1x128x128xf32, #tpu.memory_space<vmem>>
      %dma_start3A_74 = tpu.memref_squeeze %dma_start3A_73 : memref<1x128x128xf32, #tpu.memory_space<vmem>> -> memref<128x128xf32, #tpu.memory_space<vmem>>
      tpu.enqueue_dma source(%dma_start3A_74 : memref<128x128xf32, #tpu.memory_space<vmem>>) target(%dma_start3A_70 : memref<128x128xf32, #tpu.memory_space<vmem_shared>>) target_semaphore(%run_scoped3A_62 : memref<!tpu.dma_semaphore, #tpu.memory_space<semaphore_mem>>)
      %dma_wait3A = arith.constant 0 : i32
      %dma_wait3A_75 = arith.constant 0 : i32
      %dma_wait3A_76 = tpu.memref_slice %arg8[%run_scoped3A_19, %dma_wait3A, %dma_wait3A_75] : memref<2x128x128xf32, #tpu.memory_space<vmem>> -> memref<1x128x128xf32, #tpu.memory_space<vmem>>
      %dma_wait3A_77 = tpu.memref_squeeze %dma_wait3A_76 : memref<1x128x128xf32, #tpu.memory_space<vmem>> -> memref<128x128xf32, #tpu.memory_space<vmem>>
      %dma_wait3A_78 = arith.constant 0 : i32
      %dma_wait3A_79 = tpu.memref_slice %arg9[%add3A_18, %dma_wait3A_78] : memref<10240x128xf32, #tpu.memory_space<vmem_shared>> -> memref<128x128xf32, #tpu.memory_space<vmem_shared>>
      %dma_wait3A_80 = arith.constant 0 : i32
      %dma_wait3A_81 = tpu.memref_slice %arg9[%add3A_18, %dma_wait3A_80] : memref<10240x128xf32, #tpu.memory_space<vmem_shared>> -> memref<128x128xf32, #tpu.memory_space<vmem_shared>>
      %dma_wait3A_82 = arith.constant 0 : i32
      %dma_wait3A_83 = arith.constant 0 : i32
      %dma_wait3A_84 = tpu.memref_slice %arg8[%run_scoped3A_19, %dma_wait3A_82, %dma_wait3A_83] : memref<2x128x128xf32, #tpu.memory_space<vmem>> -> memref<1x128x128xf32, #tpu.memory_space<vmem>>
      %dma_wait3A_85 = tpu.memref_squeeze %dma_wait3A_84 : memref<1x128x128xf32, #tpu.memory_space<vmem>> -> memref<128x128xf32, #tpu.memory_space<vmem>>
      tpu.wait_dma2 semaphore(%run_scoped3A_62 : memref<!tpu.dma_semaphore, #tpu.memory_space<semaphore_mem>>) src(%dma_wait3A_85 : memref<128x128xf32, #tpu.memory_space<vmem>>) dst(%dma_wait3A_81 : memref<128x128xf32, #tpu.memory_space<vmem_shared>>)
      tpu.yield
    }) : () -> ()
    %add3A_20 = arith.constant 512 : i32
    %add3A_21 = arith.addi %mul3A_8, %add3A_20 : i32
    %run_scoped3A_22 = arith.constant 0 : i32
    "tpu.region"() ({
      %run_scoped3A_62 = tpu.sem_alloc : memref<!tpu.dma_semaphore, #tpu.memory_space<semaphore_mem>>
      %dma_start3A_63 = arith.constant 0 : i32
      %dma_start3A_64 = arith.constant 0 : i32
      %dma_start3A_65 = tpu.memref_slice %arg8[%run_scoped3A_22, %dma_start3A_63, %dma_start3A_64] : memref<2x128x128xf32, #tpu.memory_space<vmem>> -> memref<1x128x128xf32, #tpu.memory_space<vmem>>
      %dma_start3A_66 = tpu.memref_squeeze %dma_start3A_65 : memref<1x128x128xf32, #tpu.memory_space<vmem>> -> memref<128x128xf32, #tpu.memory_space<vmem>>
      %dma_start3A_67 = arith.constant 0 : i32
      %dma_start3A_68 = tpu.memref_slice %arg9[%add3A_21, %dma_start3A_67] : memref<10240x128xf32, #tpu.memory_space<vmem_shared>> -> memref<128x128xf32, #tpu.memory_space<vmem_shared>>
      %dma_start3A_69 = arith.constant 0 : i32
      %dma_start3A_70 = tpu.memref_slice %arg9[%add3A_21, %dma_start3A_69] : memref<10240x128xf32, #tpu.memory_space<vmem_shared>> -> memref<128x128xf32, #tpu.memory_space<vmem_shared>>
      %dma_start3A_71 = arith.constant 0 : i32
      %dma_start3A_72 = arith.constant 0 : i32
      %dma_start3A_73 = tpu.memref_slice %arg8[%run_scoped3A_22, %dma_start3A_71, %dma_start3A_72] : memref<2x128x128xf32, #tpu.memory_space<vmem>> -> memref<1x128x128xf32, #tpu.memory_space<vmem>>
      %dma_start3A_74 = tpu.memref_squeeze %dma_start3A_73 : memref<1x128x128xf32, #tpu.memory_space<vmem>> -> memref<128x128xf32, #tpu.memory_space<vmem>>
      tpu.enqueue_dma source(%dma_start3A_74 : memref<128x128xf32, #tpu.memory_space<vmem>>) target(%dma_start3A_70 : memref<128x128xf32, #tpu.memory_space<vmem_shared>>) target_semaphore(%run_scoped3A_62 : memref<!tpu.dma_semaphore, #tpu.memory_space<semaphore_mem>>)
      %dma_wait3A = arith.constant 0 : i32
      %dma_wait3A_75 = arith.constant 0 : i32
      %dma_wait3A_76 = tpu.memref_slice %arg8[%run_scoped3A_22, %dma_wait3A, %dma_wait3A_75] : memref<2x128x128xf32, #tpu.memory_space<vmem>> -> memref<1x128x128xf32, #tpu.memory_space<vmem>>
      %dma_wait3A_77 = tpu.memref_squeeze %dma_wait3A_76 : memref<1x128x128xf32, #tpu.memory_space<vmem>> -> memref<128x128xf32, #tpu.memory_space<vmem>>
      %dma_wait3A_78 = arith.constant 0 : i32
      %dma_wait3A_79 = tpu.memref_slice %arg9[%add3A_21, %dma_wait3A_78] : memref<10240x128xf32, #tpu.memory_space<vmem_shared>> -> memref<128x128xf32, #tpu.memory_space<vmem_shared>>
      %dma_wait3A_80 = arith.constant 0 : i32
      %dma_wait3A_81 = tpu.memref_slice %arg9[%add3A_21, %dma_wait3A_80] : memref<10240x128xf32, #tpu.memory_space<vmem_shared>> -> memref<128x128xf32, #tpu.memory_space<vmem_shared>>
      %dma_wait3A_82 = arith.constant 0 : i32
      %dma_wait3A_83 = arith.constant 0 : i32
      %dma_wait3A_84 = tpu.memref_slice %arg8[%run_scoped3A_22, %dma_wait3A_82, %dma_wait3A_83] : memref<2x128x128xf32, #tpu.memory_space<vmem>> -> memref<1x128x128xf32, #tpu.memory_space<vmem>>
      %dma_wait3A_85 = tpu.memref_squeeze %dma_wait3A_84 : memref<1x128x128xf32, #tpu.memory_space<vmem>> -> memref<128x128xf32, #tpu.memory_space<vmem>>
      tpu.wait_dma2 semaphore(%run_scoped3A_62 : memref<!tpu.dma_semaphore, #tpu.memory_space<semaphore_mem>>) src(%dma_wait3A_85 : memref<128x128xf32, #tpu.memory_space<vmem>>) dst(%dma_wait3A_81 : memref<128x128xf32, #tpu.memory_space<vmem_shared>>)
      tpu.yield
    }) : () -> ()
    %barrier3A = arith.constant 0 : index
    tpu.barrier barrier_id(%barrier3A)
    "tpu.region"() ({
      %run_scoped3A_62 = tpu.sem_alloc : memref<!tpu.dma_semaphore, #tpu.memory_space<semaphore_mem>>
      %dma_start3A_63 = arith.constant 0 : i32
      %dma_start3A_64 = arith.constant 0 : i32
      %dma_start3A_65 = tpu.memref_slice %arg3[%add3A, %dma_start3A_63, %dma_start3A_64] : memref<32x40x128xi32, #tpu.memory_space<hbm>> -> memref<1x40x128xi32, #tpu.memory_space<hbm>>
      %dma_start3A_66 = tpu.memref_squeeze %dma_start3A_65 : memref<1x40x128xi32, #tpu.memory_space<hbm>> -> memref<40x128xi32, #tpu.memory_space<hbm>>
      %dma_start3A_67 = arith.constant 0 : i32
      %dma_start3A_68 = arith.constant 0 : i32
      %dma_start3A_69 = tpu.memref_slice %arg3[%add3A, %dma_start3A_67, %dma_start3A_68] : memref<32x40x128xi32, #tpu.memory_space<hbm>> -> memref<1x40x128xi32, #tpu.memory_space<hbm>>
      %dma_start3A_70 = tpu.memref_squeeze %dma_start3A_69 : memref<1x40x128xi32, #tpu.memory_space<hbm>> -> memref<40x128xi32, #tpu.memory_space<hbm>>
      tpu.enqueue_dma source(%dma_start3A_70 : memref<40x128xi32, #tpu.memory_space<hbm>>) target(%arg6 : memref<40x128xi32, #tpu.memory_space<vmem>>) target_semaphore(%run_scoped3A_62 : memref<!tpu.dma_semaphore, #tpu.memory_space<semaphore_mem>>)
      %dma_wait3A = arith.constant 0 : i32
      %dma_wait3A_71 = arith.constant 0 : i32
      %dma_wait3A_72 = tpu.memref_slice %arg3[%add3A, %dma_wait3A, %dma_wait3A_71] : memref<32x40x128xi32, #tpu.memory_space<hbm>> -> memref<1x40x128xi32, #tpu.memory_space<hbm>>
      %dma_wait3A_73 = tpu.memref_squeeze %dma_wait3A_72 : memref<1x40x128xi32, #tpu.memory_space<hbm>> -> memref<40x128xi32, #tpu.memory_space<hbm>>
      %dma_wait3A_74 = arith.constant 0 : i32
      %dma_wait3A_75 = arith.constant 0 : i32
      %dma_wait3A_76 = tpu.memref_slice %arg3[%add3A, %dma_wait3A_74, %dma_wait3A_75] : memref<32x40x128xi32, #tpu.memory_space<hbm>> -> memref<1x40x128xi32, #tpu.memory_space<hbm>>
      %dma_wait3A_77 = tpu.memref_squeeze %dma_wait3A_76 : memref<1x40x128xi32, #tpu.memory_space<hbm>> -> memref<40x128xi32, #tpu.memory_space<hbm>>
      tpu.wait_dma2 semaphore(%run_scoped3A_62 : memref<!tpu.dma_semaphore, #tpu.memory_space<semaphore_mem>>) src(%dma_wait3A_77 : memref<40x128xi32, #tpu.memory_space<hbm>>) dst(%arg6 : memref<40x128xi32, #tpu.memory_space<vmem>>)
      tpu.yield
    }) : () -> ()
    "tpu.region"() ({
      %run_scoped3A_62 = tpu.sem_alloc : memref<!tpu.dma_semaphore, #tpu.memory_space<semaphore_mem>>
      %dma_start3A_63 = arith.constant 0 : i32
      %dma_start3A_64 = arith.constant 0 : i32
      %dma_start3A_65 = tpu.memref_slice %arg4[%add3A, %dma_start3A_63, %dma_start3A_64] : memref<32x40x128xi32, #tpu.memory_space<hbm>> -> memref<1x40x128xi32, #tpu.memory_space<hbm>>
      %dma_start3A_66 = tpu.memref_squeeze %dma_start3A_65 : memref<1x40x128xi32, #tpu.memory_space<hbm>> -> memref<40x128xi32, #tpu.memory_space<hbm>>
      %dma_start3A_67 = arith.constant 0 : i32
      %dma_start3A_68 = arith.constant 0 : i32
      %dma_start3A_69 = tpu.memref_slice %arg4[%add3A, %dma_start3A_67, %dma_start3A_68] : memref<32x40x128xi32, #tpu.memory_space<hbm>> -> memref<1x40x128xi32, #tpu.memory_space<hbm>>
      %dma_start3A_70 = tpu.memref_squeeze %dma_start3A_69 : memref<1x40x128xi32, #tpu.memory_space<hbm>> -> memref<40x128xi32, #tpu.memory_space<hbm>>
      tpu.enqueue_dma source(%dma_start3A_70 : memref<40x128xi32, #tpu.memory_space<hbm>>) target(%arg7 : memref<40x128xi32, #tpu.memory_space<vmem>>) target_semaphore(%run_scoped3A_62 : memref<!tpu.dma_semaphore, #tpu.memory_space<semaphore_mem>>)
      %dma_wait3A = arith.constant 0 : i32
      %dma_wait3A_71 = arith.constant 0 : i32
      %dma_wait3A_72 = tpu.memref_slice %arg4[%add3A, %dma_wait3A, %dma_wait3A_71] : memref<32x40x128xi32, #tpu.memory_space<hbm>> -> memref<1x40x128xi32, #tpu.memory_space<hbm>>
      %dma_wait3A_73 = tpu.memref_squeeze %dma_wait3A_72 : memref<1x40x128xi32, #tpu.memory_space<hbm>> -> memref<40x128xi32, #tpu.memory_space<hbm>>
      %dma_wait3A_74 = arith.constant 0 : i32
      %dma_wait3A_75 = arith.constant 0 : i32
      %dma_wait3A_76 = tpu.memref_slice %arg4[%add3A, %dma_wait3A_74, %dma_wait3A_75] : memref<32x40x128xi32, #tpu.memory_space<hbm>> -> memref<1x40x128xi32, #tpu.memory_space<hbm>>
      %dma_wait3A_77 = tpu.memref_squeeze %dma_wait3A_76 : memref<1x40x128xi32, #tpu.memory_space<hbm>> -> memref<40x128xi32, #tpu.memory_space<hbm>>
      tpu.wait_dma2 semaphore(%run_scoped3A_62 : memref<!tpu.dma_semaphore, #tpu.memory_space<semaphore_mem>>) src(%dma_wait3A_77 : memref<40x128xi32, #tpu.memory_space<hbm>>) dst(%arg7 : memref<40x128xi32, #tpu.memory_space<vmem>>)
      tpu.yield
    }) : () -> ()
    %dma_start3A = arith.constant 0 : i32
    %dma_start3A_23 = arith.constant 0 : i32
    %dma_start3A_24 = arith.constant 0 : i32
    %dma_start3A_25 = arith.constant 0 : i32
    %dma_start3A_26 = tpu.memref_slice %arg8[%dma_start3A_23, %dma_start3A_24, %dma_start3A_25] : memref<2x128x128xf32, #tpu.memory_space<vmem>> -> memref<1x128x128xf32, #tpu.memory_space<vmem>>
    %dma_start3A_27 = tpu.memref_squeeze %dma_start3A_26 : memref<1x128x128xf32, #tpu.memory_space<vmem>> -> memref<128x128xf32, #tpu.memory_space<vmem>>
    %dma_start3A_28 = arith.constant 0 : i32
    %dma_start3A_29 = tpu.memref_slice %arg6[%dma_start3A, %dma_start3A_28] : memref<40x128xi32, #tpu.memory_space<vmem>> -> memref<1x128xi32, #tpu.memory_space<vmem>>
    %dma_start3A_30 = tpu.memref_squeeze %dma_start3A_29 : memref<1x128xi32, #tpu.memory_space<vmem>> -> memref<128xi32, #tpu.memory_space<vmem>>
    %dma_start3A_31 = arith.constant 0 : i32
    %dma_start3A_32 = arith.constant 0 : i32
    %dma_start3A_33 = tpu.memref_slice %arg2[%dma_start3A_31, %dma_start3A_32] : memref<10000x128xf32, #tpu.memory_space<hbm>> -> memref<10000x128xf32, #tpu.memory_space<hbm>>
    tpu.enqueue_indirect_dma source(%dma_start3A_33 : memref<10000x128xf32, #tpu.memory_space<hbm>>) target(%dma_start3A_27 : memref<128x128xf32, #tpu.memory_space<vmem>>) offsets(%dma_start3A_30 : memref<128xi32, #tpu.memory_space<vmem>>) semaphore(%arg10 : memref<!tpu.dma_semaphore, #tpu.memory_space<semaphore_mem>>)
    %scan3A_34 = arith.constant 0 : i32
    %scan3A_35 = arith.constant 0 : i32
    %scan3A_36 = arith.constant 20 : i32
    %scan3A_37 = arith.addi %scan3A_35, %scan3A_36 : i32
    %scan3A_38 = arith.constant 1 : i32
    %scan3A_39 = scf.for %scan3A_62 = %scan3A_35 to %scan3A_37 step %scan3A_38 iter_args(%scan3A_63 = %scan3A_34) -> (i32)  : i32 {
      %mul3A_64 = arith.constant 2 : i32
      %mul3A_65 = arith.muli %mul3A_64, %scan3A_62 : i32
      %add3A_66 = arith.constant 1 : i32
      %add3A_67 = arith.addi %mul3A_65, %add3A_66 : i32
      %dma_start3A_68 = arith.constant 1 : i32
      %dma_start3A_69 = arith.constant 0 : i32
      %dma_start3A_70 = arith.constant 0 : i32
      %dma_start3A_71 = tpu.memref_slice %arg8[%dma_start3A_68, %dma_start3A_69, %dma_start3A_70] : memref<2x128x128xf32, #tpu.memory_space<vmem>> -> memref<1x128x128xf32, #tpu.memory_space<vmem>>
      %dma_start3A_72 = tpu.memref_squeeze %dma_start3A_71 : memref<1x128x128xf32, #tpu.memory_space<vmem>> -> memref<128x128xf32, #tpu.memory_space<vmem>>
      %dma_start3A_73 = arith.constant 0 : i32
      %dma_start3A_74 = tpu.memref_slice %arg6[%add3A_67, %dma_start3A_73] : memref<40x128xi32, #tpu.memory_space<vmem>> -> memref<1x128xi32, #tpu.memory_space<vmem>>
      %dma_start3A_75 = tpu.memref_squeeze %dma_start3A_74 : memref<1x128xi32, #tpu.memory_space<vmem>> -> memref<128xi32, #tpu.memory_space<vmem>>
      %dma_start3A_76 = arith.constant 0 : i32
      %dma_start3A_77 = arith.constant 0 : i32
      %dma_start3A_78 = tpu.memref_slice %arg2[%dma_start3A_76, %dma_start3A_77] : memref<10000x128xf32, #tpu.memory_space<hbm>> -> memref<10000x128xf32, #tpu.memory_space<hbm>>
      tpu.enqueue_indirect_dma source(%dma_start3A_78 : memref<10000x128xf32, #tpu.memory_space<hbm>>) target(%dma_start3A_72 : memref<128x128xf32, #tpu.memory_space<vmem>>) offsets(%dma_start3A_75 : memref<128xi32, #tpu.memory_space<vmem>>) semaphore(%arg11 : memref<!tpu.dma_semaphore, #tpu.memory_space<semaphore_mem>>)
      %dma_wait3A = arith.constant 0 : i32
      %dma_wait3A_79 = arith.constant 0 : i32
      %dma_wait3A_80 = arith.constant 0 : i32
      %dma_wait3A_81 = tpu.memref_slice %arg8[%dma_wait3A, %dma_wait3A_79, %dma_wait3A_80] : memref<2x128x128xf32, #tpu.memory_space<vmem>> -> memref<1x128x128xf32, #tpu.memory_space<vmem>>
      %dma_wait3A_82 = tpu.memref_squeeze %dma_wait3A_81 : memref<1x128x128xf32, #tpu.memory_space<vmem>> -> memref<128x128xf32, #tpu.memory_space<vmem>>
      %dma_wait3A_83 = arith.constant 0 : i32
      %dma_wait3A_84 = tpu.memref_slice %arg6[%mul3A_65, %dma_wait3A_83] : memref<40x128xi32, #tpu.memory_space<vmem>> -> memref<1x128xi32, #tpu.memory_space<vmem>>
      %dma_wait3A_85 = tpu.memref_squeeze %dma_wait3A_84 : memref<1x128xi32, #tpu.memory_space<vmem>> -> memref<128xi32, #tpu.memory_space<vmem>>
      %dma_wait3A_86 = arith.constant 0 : i32
      %dma_wait3A_87 = arith.constant 0 : i32
      %dma_wait3A_88 = tpu.memref_slice %arg2[%dma_wait3A_86, %dma_wait3A_87] : memref<10000x128xf32, #tpu.memory_space<hbm>> -> memref<10000x128xf32, #tpu.memory_space<hbm>>
      tpu.wait_indirect_dma semaphore(%arg10 : memref<!tpu.dma_semaphore, #tpu.memory_space<semaphore_mem>>) src(%dma_wait3A_88 : memref<10000x128xf32, #tpu.memory_space<hbm>>) dst(%dma_wait3A_82 : memref<128x128xf32, #tpu.memory_space<vmem>>)
      %run_scoped3A_89 = arith.constant 0 : i32
      "tpu.region"() ({
        %run_scoped3A_109 = tpu.sem_alloc : memref<!tpu.dma_semaphore, #tpu.memory_space<semaphore_mem>>
        %dma_start3A_110 = arith.constant 0 : i32
        %dma_start3A_111 = arith.constant 0 : i32
        %dma_start3A_112 = tpu.memref_slice %arg8[%run_scoped3A_89, %dma_start3A_110, %dma_start3A_111] : memref<2x128x128xf32, #tpu.memory_space<vmem>> -> memref<1x128x128xf32, #tpu.memory_space<vmem>>
        %dma_start3A_113 = tpu.memref_squeeze %dma_start3A_112 : memref<1x128x128xf32, #tpu.memory_space<vmem>> -> memref<128x128xf32, #tpu.memory_space<vmem>>
        %dma_start3A_114 = arith.constant 0 : i32
        %dma_start3A_115 = tpu.memref_slice %arg7[%mul3A_65, %dma_start3A_114] : memref<40x128xi32, #tpu.memory_space<vmem>> -> memref<1x128xi32, #tpu.memory_space<vmem>>
        %dma_start3A_116 = tpu.memref_squeeze %dma_start3A_115 : memref<1x128xi32, #tpu.memory_space<vmem>> -> memref<128xi32, #tpu.memory_space<vmem>>
        %dma_start3A_117 = arith.constant 0 : i32
        %dma_start3A_118 = arith.constant 0 : i32
        %dma_start3A_119 = tpu.memref_slice %arg9[%dma_start3A_117, %dma_start3A_118] : memref<10240x128xf32, #tpu.memory_space<vmem_shared>> -> memref<10240x128xf32, #tpu.memory_space<vmem_shared>>
        tpu.enqueue_indirect_dma source(%dma_start3A_113 : memref<128x128xf32, #tpu.memory_space<vmem>>) target(%dma_start3A_119 : memref<10240x128xf32, #tpu.memory_space<vmem_shared>>) offsets(%dma_start3A_116 : memref<128xi32, #tpu.memory_space<vmem>>) semaphore(%run_scoped3A_109 : memref<!tpu.dma_semaphore, #tpu.memory_space<semaphore_mem>>) {add = true}
        %dma_wait3A_120 = arith.constant 0 : i32
        %dma_wait3A_121 = arith.constant 0 : i32
        %dma_wait3A_122 = tpu.memref_slice %arg8[%run_scoped3A_89, %dma_wait3A_120, %dma_wait3A_121] : memref<2x128x128xf32, #tpu.memory_space<vmem>> -> memref<1x128x128xf32, #tpu.memory_space<vmem>>
        %dma_wait3A_123 = tpu.memref_squeeze %dma_wait3A_122 : memref<1x128x128xf32, #tpu.memory_space<vmem>> -> memref<128x128xf32, #tpu.memory_space<vmem>>
        %dma_wait3A_124 = arith.constant 0 : i32
        %dma_wait3A_125 = tpu.memref_slice %arg7[%mul3A_65, %dma_wait3A_124] : memref<40x128xi32, #tpu.memory_space<vmem>> -> memref<1x128xi32, #tpu.memory_space<vmem>>
        %dma_wait3A_126 = tpu.memref_squeeze %dma_wait3A_125 : memref<1x128xi32, #tpu.memory_space<vmem>> -> memref<128xi32, #tpu.memory_space<vmem>>
        %dma_wait3A_127 = arith.constant 0 : i32
        %dma_wait3A_128 = arith.constant 0 : i32
        %dma_wait3A_129 = tpu.memref_slice %arg9[%dma_wait3A_127, %dma_wait3A_128] : memref<10240x128xf32, #tpu.memory_space<vmem_shared>> -> memref<10240x128xf32, #tpu.memory_space<vmem_shared>>
        tpu.wait_indirect_dma semaphore(%run_scoped3A_109 : memref<!tpu.dma_semaphore, #tpu.memory_space<semaphore_mem>>) src(%dma_wait3A_123 : memref<128x128xf32, #tpu.memory_space<vmem>>) dst(%dma_wait3A_129 : memref<10240x128xf32, #tpu.memory_space<vmem_shared>>)
        tpu.yield
      }) : () -> ()
      %lt3A = arith.constant 19 : i32
      %lt3A_90 = arith.cmpi slt, %scan3A_62, %lt3A : i32
      %convert_element_type3A = arith.extui %lt3A_90 : i1 to i32
      %cond3A = arith.constant 0 : i32
      %cond3A_91 = arith.cmpi ne, %convert_element_type3A, %cond3A : i32
      scf.if %cond3A_91 {
        %add3A_109 = arith.constant 2 : i32
        %add3A_110 = arith.addi %mul3A_65, %add3A_109 : i32
        %dma_start3A_111 = arith.constant 0 : i32
        %dma_start3A_112 = arith.constant 0 : i32
        %dma_start3A_113 = arith.constant 0 : i32
        %dma_start3A_114 = tpu.memref_slice %arg8[%dma_start3A_111, %dma_start3A_112, %dma_start3A_113] : memref<2x128x128xf32, #tpu.memory_space<vmem>> -> memref<1x128x128xf32, #tpu.memory_space<vmem>>
        %dma_start3A_115 = tpu.memref_squeeze %dma_start3A_114 : memref<1x128x128xf32, #tpu.memory_space<vmem>> -> memref<128x128xf32, #tpu.memory_space<vmem>>
        %dma_start3A_116 = arith.constant 0 : i32
        %dma_start3A_117 = tpu.memref_slice %arg6[%add3A_110, %dma_start3A_116] : memref<40x128xi32, #tpu.memory_space<vmem>> -> memref<1x128xi32, #tpu.memory_space<vmem>>
        %dma_start3A_118 = tpu.memref_squeeze %dma_start3A_117 : memref<1x128xi32, #tpu.memory_space<vmem>> -> memref<128xi32, #tpu.memory_space<vmem>>
        %dma_start3A_119 = arith.constant 0 : i32
        %dma_start3A_120 = arith.constant 0 : i32
        %dma_start3A_121 = tpu.memref_slice %arg2[%dma_start3A_119, %dma_start3A_120] : memref<10000x128xf32, #tpu.memory_space<hbm>> -> memref<10000x128xf32, #tpu.memory_space<hbm>>
        tpu.enqueue_indirect_dma source(%dma_start3A_121 : memref<10000x128xf32, #tpu.memory_space<hbm>>) target(%dma_start3A_115 : memref<128x128xf32, #tpu.memory_space<vmem>>) offsets(%dma_start3A_118 : memref<128xi32, #tpu.memory_space<vmem>>) semaphore(%arg10 : memref<!tpu.dma_semaphore, #tpu.memory_space<semaphore_mem>>)
      } else {
      }
      %add3A_92 = arith.constant 1 : i32
      %add3A_93 = arith.addi %mul3A_65, %add3A_92 : i32
      %dma_wait3A_94 = arith.constant 1 : i32
      %dma_wait3A_95 = arith.constant 0 : i32
      %dma_wait3A_96 = arith.constant 0 : i32
      %dma_wait3A_97 = tpu.memref_slice %arg8[%dma_wait3A_94, %dma_wait3A_95, %dma_wait3A_96] : memref<2x128x128xf32, #tpu.memory_space<vmem>> -> memref<1x128x128xf32, #tpu.memory_space<vmem>>
      %dma_wait3A_98 = tpu.memref_squeeze %dma_wait3A_97 : memref<1x128x128xf32, #tpu.memory_space<vmem>> -> memref<128x128xf32, #tpu.memory_space<vmem>>
      %dma_wait3A_99 = arith.constant 0 : i32
      %dma_wait3A_100 = tpu.memref_slice %arg6[%add3A_93, %dma_wait3A_99] : memref<40x128xi32, #tpu.memory_space<vmem>> -> memref<1x128xi32, #tpu.memory_space<vmem>>
      %dma_wait3A_101 = tpu.memref_squeeze %dma_wait3A_100 : memref<1x128xi32, #tpu.memory_space<vmem>> -> memref<128xi32, #tpu.memory_space<vmem>>
      %dma_wait3A_102 = arith.constant 0 : i32
      %dma_wait3A_103 = arith.constant 0 : i32
      %dma_wait3A_104 = tpu.memref_slice %arg2[%dma_wait3A_102, %dma_wait3A_103] : memref<10000x128xf32, #tpu.memory_space<hbm>> -> memref<10000x128xf32, #tpu.memory_space<hbm>>
      tpu.wait_indirect_dma semaphore(%arg11 : memref<!tpu.dma_semaphore, #tpu.memory_space<semaphore_mem>>) src(%dma_wait3A_104 : memref<10000x128xf32, #tpu.memory_space<hbm>>) dst(%dma_wait3A_98 : memref<128x128xf32, #tpu.memory_space<vmem>>)
      %add3A_105 = arith.constant 1 : i32
      %add3A_106 = arith.addi %mul3A_65, %add3A_105 : i32
      %run_scoped3A_107 = arith.constant 1 : i32
      "tpu.region"() ({
        %run_scoped3A_109 = tpu.sem_alloc : memref<!tpu.dma_semaphore, #tpu.memory_space<semaphore_mem>>
        %dma_start3A_110 = arith.constant 0 : i32
        %dma_start3A_111 = arith.constant 0 : i32
        %dma_start3A_112 = tpu.memref_slice %arg8[%run_scoped3A_107, %dma_start3A_110, %dma_start3A_111] : memref<2x128x128xf32, #tpu.memory_space<vmem>> -> memref<1x128x128xf32, #tpu.memory_space<vmem>>
        %dma_start3A_113 = tpu.memref_squeeze %dma_start3A_112 : memref<1x128x128xf32, #tpu.memory_space<vmem>> -> memref<128x128xf32, #tpu.memory_space<vmem>>
        %dma_start3A_114 = arith.constant 0 : i32
        %dma_start3A_115 = tpu.memref_slice %arg7[%add3A_106, %dma_start3A_114] : memref<40x128xi32, #tpu.memory_space<vmem>> -> memref<1x128xi32, #tpu.memory_space<vmem>>
        %dma_start3A_116 = tpu.memref_squeeze %dma_start3A_115 : memref<1x128xi32, #tpu.memory_space<vmem>> -> memref<128xi32, #tpu.memory_space<vmem>>
        %dma_start3A_117 = arith.constant 0 : i32
        %dma_start3A_118 = arith.constant 0 : i32
        %dma_start3A_119 = tpu.memref_slice %arg9[%dma_start3A_117, %dma_start3A_118] : memref<10240x128xf32, #tpu.memory_space<vmem_shared>> -> memref<10240x128xf32, #tpu.memory_space<vmem_shared>>
        tpu.enqueue_indirect_dma source(%dma_start3A_113 : memref<128x128xf32, #tpu.memory_space<vmem>>) target(%dma_start3A_119 : memref<10240x128xf32, #tpu.memory_space<vmem_shared>>) offsets(%dma_start3A_116 : memref<128xi32, #tpu.memory_space<vmem>>) semaphore(%run_scoped3A_109 : memref<!tpu.dma_semaphore, #tpu.memory_space<semaphore_mem>>) {add = true}
        %dma_wait3A_120 = arith.constant 0 : i32
        %dma_wait3A_121 = arith.constant 0 : i32
        %dma_wait3A_122 = tpu.memref_slice %arg8[%run_scoped3A_107, %dma_wait3A_120, %dma_wait3A_121] : memref<2x128x128xf32, #tpu.memory_space<vmem>> -> memref<1x128x128xf32, #tpu.memory_space<vmem>>
        %dma_wait3A_123 = tpu.memref_squeeze %dma_wait3A_122 : memref<1x128x128xf32, #tpu.memory_space<vmem>> -> memref<128x128xf32, #tpu.memory_space<vmem>>
        %dma_wait3A_124 = arith.constant 0 : i32
        %dma_wait3A_125 = tpu.memref_slice %arg7[%add3A_106, %dma_wait3A_124] : memref<40x128xi32, #tpu.memory_space<vmem>> -> memref<1x128xi32, #tpu.memory_space<vmem>>
        %dma_wait3A_126 = tpu.memref_squeeze %dma_wait3A_125 : memref<1x128xi32, #tpu.memory_space<vmem>> -> memref<128xi32, #tpu.memory_space<vmem>>
        %dma_wait3A_127 = arith.constant 0 : i32
        %dma_wait3A_128 = arith.constant 0 : i32
        %dma_wait3A_129 = tpu.memref_slice %arg9[%dma_wait3A_127, %dma_wait3A_128] : memref<10240x128xf32, #tpu.memory_space<vmem_shared>> -> memref<10240x128xf32, #tpu.memory_space<vmem_shared>>
        tpu.wait_indirect_dma semaphore(%run_scoped3A_109 : memref<!tpu.dma_semaphore, #tpu.memory_space<semaphore_mem>>) src(%dma_wait3A_123 : memref<128x128xf32, #tpu.memory_space<vmem>>) dst(%dma_wait3A_129 : memref<10240x128xf32, #tpu.memory_space<vmem_shared>>)
        tpu.yield
      }) : () -> ()
      %scan3A_108 = arith.constant 0 : i32
      scf.yield %scan3A_108 : i32
    }
    %scan3A_40 = arith.constant 20 : i32
    %barrier3A_41 = arith.constant 0 : index
    tpu.barrier barrier_id(%barrier3A_41)
    %add3A_42 = arith.constant 0 : i32
    %add3A_43 = arith.addi %mul3A_8, %add3A_42 : i32
    %add3A_44 = arith.constant 0 : i32
    %add3A_45 = arith.addi %mul3A_8, %add3A_44 : i32
    "tpu.region"() ({
      %run_scoped3A_62 = tpu.sem_alloc : memref<!tpu.dma_semaphore, #tpu.memory_space<semaphore_mem>>
      %dma_start3A_63 = arith.constant 0 : i32
      %dma_start3A_64 = tpu.memref_slice %arg5[%arg0, %add3A_45, %dma_start3A_63] : memref<2x10240x128xf32, #tpu.memory_space<hbm>> -> memref<1x128x128xf32, #tpu.memory_space<hbm>>
      %dma_start3A_65 = tpu.memref_squeeze %dma_start3A_64 : memref<1x128x128xf32, #tpu.memory_space<hbm>> -> memref<128x128xf32, #tpu.memory_space<hbm>>
      %dma_start3A_66 = arith.constant 0 : i32
      %dma_start3A_67 = tpu.memref_slice %arg9[%add3A_43, %dma_start3A_66] : memref<10240x128xf32, #tpu.memory_space<vmem_shared>> -> memref<128x128xf32, #tpu.memory_space<vmem_shared>>
      tpu.enqueue_dma source(%dma_start3A_67 : memref<128x128xf32, #tpu.memory_space<vmem_shared>>) target(%dma_start3A_65 : memref<128x128xf32, #tpu.memory_space<hbm>>) target_semaphore(%run_scoped3A_62 : memref<!tpu.dma_semaphore, #tpu.memory_space<semaphore_mem>>)
      %dma_wait3A = arith.constant 0 : i32
      %dma_wait3A_68 = tpu.memref_slice %arg5[%arg0, %add3A_45, %dma_wait3A] : memref<2x10240x128xf32, #tpu.memory_space<hbm>> -> memref<1x128x128xf32, #tpu.memory_space<hbm>>
      %dma_wait3A_69 = tpu.memref_squeeze %dma_wait3A_68 : memref<1x128x128xf32, #tpu.memory_space<hbm>> -> memref<128x128xf32, #tpu.memory_space<hbm>>
      %dma_wait3A_70 = arith.constant 0 : i32
      %dma_wait3A_71 = tpu.memref_slice %arg9[%add3A_43, %dma_wait3A_70] : memref<10240x128xf32, #tpu.memory_space<vmem_shared>> -> memref<128x128xf32, #tpu.memory_space<vmem_shared>>
      tpu.wait_dma2 semaphore(%run_scoped3A_62 : memref<!tpu.dma_semaphore, #tpu.memory_space<semaphore_mem>>) src(%dma_wait3A_71 : memref<128x128xf32, #tpu.memory_space<vmem_shared>>) dst(%dma_wait3A_69 : memref<128x128xf32, #tpu.memory_space<hbm>>)
      tpu.yield
    }) : () -> ()
    %add3A_46 = arith.constant 128 : i32
    %add3A_47 = arith.addi %mul3A_8, %add3A_46 : i32
    %add3A_48 = arith.constant 128 : i32
    %add3A_49 = arith.addi %mul3A_8, %add3A_48 : i32
    "tpu.region"() ({
      %run_scoped3A_62 = tpu.sem_alloc : memref<!tpu.dma_semaphore, #tpu.memory_space<semaphore_mem>>
      %dma_start3A_63 = arith.constant 0 : i32
      %dma_start3A_64 = tpu.memref_slice %arg5[%arg0, %add3A_49, %dma_start3A_63] : memref<2x10240x128xf32, #tpu.memory_space<hbm>> -> memref<1x128x128xf32, #tpu.memory_space<hbm>>
      %dma_start3A_65 = tpu.memref_squeeze %dma_start3A_64 : memref<1x128x128xf32, #tpu.memory_space<hbm>> -> memref<128x128xf32, #tpu.memory_space<hbm>>
      %dma_start3A_66 = arith.constant 0 : i32
      %dma_start3A_67 = tpu.memref_slice %arg9[%add3A_47, %dma_start3A_66] : memref<10240x128xf32, #tpu.memory_space<vmem_shared>> -> memref<128x128xf32, #tpu.memory_space<vmem_shared>>
      tpu.enqueue_dma source(%dma_start3A_67 : memref<128x128xf32, #tpu.memory_space<vmem_shared>>) target(%dma_start3A_65 : memref<128x128xf32, #tpu.memory_space<hbm>>) target_semaphore(%run_scoped3A_62 : memref<!tpu.dma_semaphore, #tpu.memory_space<semaphore_mem>>)
      %dma_wait3A = arith.constant 0 : i32
      %dma_wait3A_68 = tpu.memref_slice %arg5[%arg0, %add3A_49, %dma_wait3A] : memref<2x10240x128xf32, #tpu.memory_space<hbm>> -> memref<1x128x128xf32, #tpu.memory_space<hbm>>
      %dma_wait3A_69 = tpu.memref_squeeze %dma_wait3A_68 : memref<1x128x128xf32, #tpu.memory_space<hbm>> -> memref<128x128xf32, #tpu.memory_space<hbm>>
      %dma_wait3A_70 = arith.constant 0 : i32
      %dma_wait3A_71 = tpu.memref_slice %arg9[%add3A_47, %dma_wait3A_70] : memref<10240x128xf32, #tpu.memory_space<vmem_shared>> -> memref<128x128xf32, #tpu.memory_space<vmem_shared>>
      tpu.wait_dma2 semaphore(%run_scoped3A_62 : memref<!tpu.dma_semaphore, #tpu.memory_space<semaphore_mem>>) src(%dma_wait3A_71 : memref<128x128xf32, #tpu.memory_space<vmem_shared>>) dst(%dma_wait3A_69 : memref<128x128xf32, #tpu.memory_space<hbm>>)
      tpu.yield
    }) : () -> ()
    %add3A_50 = arith.constant 256 : i32
    %add3A_51 = arith.addi %mul3A_8, %add3A_50 : i32
    %add3A_52 = arith.constant 256 : i32
    %add3A_53 = arith.addi %mul3A_8, %add3A_52 : i32
    "tpu.region"() ({
      %run_scoped3A_62 = tpu.sem_alloc : memref<!tpu.dma_semaphore, #tpu.memory_space<semaphore_mem>>
      %dma_start3A_63 = arith.constant 0 : i32
      %dma_start3A_64 = tpu.memref_slice %arg5[%arg0, %add3A_53, %dma_start3A_63] : memref<2x10240x128xf32, #tpu.memory_space<hbm>> -> memref<1x128x128xf32, #tpu.memory_space<hbm>>
      %dma_start3A_65 = tpu.memref_squeeze %dma_start3A_64 : memref<1x128x128xf32, #tpu.memory_space<hbm>> -> memref<128x128xf32, #tpu.memory_space<hbm>>
      %dma_start3A_66 = arith.constant 0 : i32
      %dma_start3A_67 = tpu.memref_slice %arg9[%add3A_51, %dma_start3A_66] : memref<10240x128xf32, #tpu.memory_space<vmem_shared>> -> memref<128x128xf32, #tpu.memory_space<vmem_shared>>
      tpu.enqueue_dma source(%dma_start3A_67 : memref<128x128xf32, #tpu.memory_space<vmem_shared>>) target(%dma_start3A_65 : memref<128x128xf32, #tpu.memory_space<hbm>>) target_semaphore(%run_scoped3A_62 : memref<!tpu.dma_semaphore, #tpu.memory_space<semaphore_mem>>)
      %dma_wait3A = arith.constant 0 : i32
      %dma_wait3A_68 = tpu.memref_slice %arg5[%arg0, %add3A_53, %dma_wait3A] : memref<2x10240x128xf32, #tpu.memory_space<hbm>> -> memref<1x128x128xf32, #tpu.memory_space<hbm>>
      %dma_wait3A_69 = tpu.memref_squeeze %dma_wait3A_68 : memref<1x128x128xf32, #tpu.memory_space<hbm>> -> memref<128x128xf32, #tpu.memory_space<hbm>>
      %dma_wait3A_70 = arith.constant 0 : i32
      %dma_wait3A_71 = tpu.memref_slice %arg9[%add3A_51, %dma_wait3A_70] : memref<10240x128xf32, #tpu.memory_space<vmem_shared>> -> memref<128x128xf32, #tpu.memory_space<vmem_shared>>
      tpu.wait_dma2 semaphore(%run_scoped3A_62 : memref<!tpu.dma_semaphore, #tpu.memory_space<semaphore_mem>>) src(%dma_wait3A_71 : memref<128x128xf32, #tpu.memory_space<vmem_shared>>) dst(%dma_wait3A_69 : memref<128x128xf32, #tpu.memory_space<hbm>>)
      tpu.yield
    }) : () -> ()
    %add3A_54 = arith.constant 384 : i32
    %add3A_55 = arith.addi %mul3A_8, %add3A_54 : i32
    %add3A_56 = arith.constant 384 : i32
    %add3A_57 = arith.addi %mul3A_8, %add3A_56 : i32
    "tpu.region"() ({
      %run_scoped3A_62 = tpu.sem_alloc : memref<!tpu.dma_semaphore, #tpu.memory_space<semaphore_mem>>
      %dma_start3A_63 = arith.constant 0 : i32
      %dma_start3A_64 = tpu.memref_slice %arg5[%arg0, %add3A_57, %dma_start3A_63] : memref<2x10240x128xf32, #tpu.memory_space<hbm>> -> memref<1x128x128xf32, #tpu.memory_space<hbm>>
      %dma_start3A_65 = tpu.memref_squeeze %dma_start3A_64 : memref<1x128x128xf32, #tpu.memory_space<hbm>> -> memref<128x128xf32, #tpu.memory_space<hbm>>
      %dma_start3A_66 = arith.constant 0 : i32
      %dma_start3A_67 = tpu.memref_slice %arg9[%add3A_55, %dma_start3A_66] : memref<10240x128xf32, #tpu.memory_space<vmem_shared>> -> memref<128x128xf32, #tpu.memory_space<vmem_shared>>
      tpu.enqueue_dma source(%dma_start3A_67 : memref<128x128xf32, #tpu.memory_space<vmem_shared>>) target(%dma_start3A_65 : memref<128x128xf32, #tpu.memory_space<hbm>>) target_semaphore(%run_scoped3A_62 : memref<!tpu.dma_semaphore, #tpu.memory_space<semaphore_mem>>)
      %dma_wait3A = arith.constant 0 : i32
      %dma_wait3A_68 = tpu.memref_slice %arg5[%arg0, %add3A_57, %dma_wait3A] : memref<2x10240x128xf32, #tpu.memory_space<hbm>> -> memref<1x128x128xf32, #tpu.memory_space<hbm>>
      %dma_wait3A_69 = tpu.memref_squeeze %dma_wait3A_68 : memref<1x128x128xf32, #tpu.memory_space<hbm>> -> memref<128x128xf32, #tpu.memory_space<hbm>>
      %dma_wait3A_70 = arith.constant 0 : i32
      %dma_wait3A_71 = tpu.memref_slice %arg9[%add3A_55, %dma_wait3A_70] : memref<10240x128xf32, #tpu.memory_space<vmem_shared>> -> memref<128x128xf32, #tpu.memory_space<vmem_shared>>
      tpu.wait_dma2 semaphore(%run_scoped3A_62 : memref<!tpu.dma_semaphore, #tpu.memory_space<semaphore_mem>>) src(%dma_wait3A_71 : memref<128x128xf32, #tpu.memory_space<vmem_shared>>) dst(%dma_wait3A_69 : memref<128x128xf32, #tpu.memory_space<hbm>>)
      tpu.yield
    }) : () -> ()
    %add3A_58 = arith.constant 512 : i32
    %add3A_59 = arith.addi %mul3A_8, %add3A_58 : i32
    %add3A_60 = arith.constant 512 : i32
    %add3A_61 = arith.addi %mul3A_8, %add3A_60 : i32
    "tpu.region"() ({
      %run_scoped3A_62 = tpu.sem_alloc : memref<!tpu.dma_semaphore, #tpu.memory_space<semaphore_mem>>
      %dma_start3A_63 = arith.constant 0 : i32
      %dma_start3A_64 = tpu.memref_slice %arg5[%arg0, %add3A_61, %dma_start3A_63] : memref<2x10240x128xf32, #tpu.memory_space<hbm>> -> memref<1x128x128xf32, #tpu.memory_space<hbm>>
      %dma_start3A_65 = tpu.memref_squeeze %dma_start3A_64 : memref<1x128x128xf32, #tpu.memory_space<hbm>> -> memref<128x128xf32, #tpu.memory_space<hbm>>
      %dma_start3A_66 = arith.constant 0 : i32
      %dma_start3A_67 = tpu.memref_slice %arg9[%add3A_59, %dma_start3A_66] : memref<10240x128xf32, #tpu.memory_space<vmem_shared>> -> memref<128x128xf32, #tpu.memory_space<vmem_shared>>
      tpu.enqueue_dma source(%dma_start3A_67 : memref<128x128xf32, #tpu.memory_space<vmem_shared>>) target(%dma_start3A_65 : memref<128x128xf32, #tpu.memory_space<hbm>>) target_semaphore(%run_scoped3A_62 : memref<!tpu.dma_semaphore, #tpu.memory_space<semaphore_mem>>)
      %dma_wait3A = arith.constant 0 : i32
      %dma_wait3A_68 = tpu.memref_slice %arg5[%arg0, %add3A_61, %dma_wait3A] : memref<2x10240x128xf32, #tpu.memory_space<hbm>> -> memref<1x128x128xf32, #tpu.memory_space<hbm>>
      %dma_wait3A_69 = tpu.memref_squeeze %dma_wait3A_68 : memref<1x128x128xf32, #tpu.memory_space<hbm>> -> memref<128x128xf32, #tpu.memory_space<hbm>>
      %dma_wait3A_70 = arith.constant 0 : i32
      %dma_wait3A_71 = tpu.memref_slice %arg9[%add3A_59, %dma_wait3A_70] : memref<10240x128xf32, #tpu.memory_space<vmem_shared>> -> memref<128x128xf32, #tpu.memory_space<vmem_shared>>
      tpu.wait_dma2 semaphore(%run_scoped3A_62 : memref<!tpu.dma_semaphore, #tpu.memory_space<semaphore_mem>>) src(%dma_wait3A_71 : memref<128x128xf32, #tpu.memory_space<vmem_shared>>) dst(%dma_wait3A_69 : memref<128x128xf32, #tpu.memory_space<hbm>>)
      tpu.yield
    }) : () -> ()
    return
  }
}

#map = affine_map<(d0, d1) -> (0, 0)>
#map1 = affine_map<(d0, d1) -> (0, 0, 0)>
module attributes {stable_mosaic.version = 14 : i64} {
  func.func @k(%arg0: i32, %arg1: i32, %arg2: memref<10000x128xf32, #tpu.memory_space<hbm>>, %arg3: memref<32x40x128xi32, #tpu.memory_space<hbm>>, %arg4: memref<32x40x128xi32, #tpu.memory_space<hbm>>, %arg5: memref<2x10240x128xf32, #tpu.memory_space<hbm>>, %arg6: memref<40x128xi32, #tpu.memory_space<vmem>>, %arg7: memref<40x128xi32, #tpu.memory_space<vmem>>, %arg8: memref<2x128x128xf32, #tpu.memory_space<vmem>>, %arg9: memref<10240x128xf32, #tpu.memory_space<vmem_shared>>, %arg10: memref<!tpu.dma_semaphore, #tpu.memory_space<semaphore_mem>>, %arg11: memref<!tpu.dma_semaphore, #tpu.memory_space<semaphore_mem>>) attributes {dimension_semantics = [#tpu.dimension_semantics<core_parallel>, #tpu.dimension_semantics<subcore_parallel>], iteration_bounds = array<i64: 2, 16>, scalar_prefetch = 0 : i64, scratch_operands = 6 : i64, tpu.core_type = #tpu.core_type<sc_vector_subcore>, window_params = [{transform_indices = #map}, {transform_indices = #map1}, {transform_indices = #map1}, {transform_indices = #map1}]} {
    %mul3A = arith.constant 16 : i32
    %mul3A_0 = arith.muli %arg0, %mul3A : i32
    %add3A = arith.addi %mul3A_0, %arg1 : i32
    %scan3A = arith.constant 0 : i32
    %scan3A_1 = arith.constant 0 : i32
    %scan3A_2 = arith.constant 1024 : i32
    %scan3A_3 = arith.addi %scan3A_1, %scan3A_2 : i32
    %scan3A_4 = arith.constant 1 : i32
    %scan3A_5 = scf.for %scan3A_62 = %scan3A_1 to %scan3A_3 step %scan3A_4 iter_args(%scan3A_63 = %scan3A) -> (i32)  : i32 {
      %jit3A = arith.constant 8 : i32
      %div3A = arith.divsi %scan3A_62, %jit3A : i32
      %sign3A = arith.constant 0 : i32
      %sign3A_64 = arith.cmpi sgt, %scan3A_62, %sign3A : i32
      %sign3A_65 = arith.extui %sign3A_64 : i1 to i32
      %sign3A_66 = arith.constant 0 : i32
      %sign3A_67 = arith.cmpi slt, %scan3A_62, %sign3A_66 : i32
      %sign3A_68 = arith.extui %sign3A_67 : i1 to i32
      %sign3A_69 = arith.subi %sign3A_65, %sign3A_68 : i32
      %sign3A_70 = arith.constant 0 : i32
      %sign3A_71 = arith.cmpi sgt, %jit3A, %sign3A_70 : i32
      %sign3A_72 = arith.extui %sign3A_71 : i1 to i32
      %sign3A_73 = arith.constant 0 : i32
      %sign3A_74 = arith.cmpi slt, %jit3A, %sign3A_73 : i32
      %sign3A_75 = arith.extui %sign3A_74 : i1 to i32
      %sign3A_76 = arith.subi %sign3A_72, %sign3A_75 : i32
      %ne3A = arith.cmpi ne, %sign3A_69, %sign3A_76 : i32
      %rem3A = arith.remsi %scan3A_62, %jit3A : i32
      %ne3A_77 = arith.constant 0 : i32
      %ne3A_78 = arith.cmpi ne, %rem3A, %ne3A_77 : i32
      %and3A = arith.andi %ne3A, %ne3A_78 : i1
      %sub3A = arith.constant 1 : i32
      %sub3A_79 = arith.subi %div3A, %sub3A : i32
      %select_n3A = arith.select %and3A, %sub3A_79, %div3A : i32
      %jit3A_80 = arith.constant 8 : i32
      %eq3A = arith.constant 0 : i32
      %eq3A_81 = arith.cmpi eq, %jit3A_80, %eq3A : i32
      %jit3A_82 = arith.constant 1 : i32
      %select_n3A_83 = arith.select %eq3A_81, %jit3A_82, %jit3A_80 : i32
      %rem3A_84 = arith.remsi %scan3A_62, %select_n3A_83 : i32
      %ne3A_85 = arith.constant 0 : i32
      %ne3A_86 = arith.cmpi ne, %rem3A_84, %ne3A_85 : i32
      %lt3A = arith.constant 0 : i32
      %lt3A_87 = arith.cmpi slt, %rem3A_84, %lt3A : i32
      %lt3A_88 = arith.constant 0 : i32
      %lt3A_89 = arith.cmpi slt, %select_n3A_83, %lt3A_88 : i32
      %ne3A_90 = arith.xori %lt3A_87, %lt3A_89 : i1
      %and3A_91 = arith.andi %ne3A_90, %ne3A_86 : i1
      %add3A_92 = arith.addi %rem3A_84, %select_n3A_83 : i32
      %select_n3A_93 = arith.select %and3A_91, %add3A_92, %rem3A_84 : i32
      %mul3A_94 = arith.constant 16 : i32
      %mul3A_95 = arith.muli %select_n3A_93, %mul3A_94 : i32
      %broadcast_in_dim3A = arith.constant 0.000000e+00 : f32
      %broadcast_in_dim3A_96 = vector.broadcast %broadcast_in_dim3A : f32 to vector<16xf32>
      %swap3A = arith.constant 0 : i32
      %swap3A_97 = arith.index_cast %swap3A : i32 to index
      %swap3A_98 = arith.index_cast %select_n3A : i32 to index
      %swap3A_99 = arith.index_cast %mul3A_95 : i32 to index
      %swap3A_100 = tpu.vector_load %arg8[%swap3A_97, %swap3A_98, %swap3A_99] {strides = array<i32>} : memref<2x128x128xf32, #tpu.memory_space<vmem>>, vector<1x1x16xf32>,
      %swap3A_101 = vector.shape_cast %swap3A_100 : vector<1x1x16xf32> to vector<16xf32>
      %swap3A_102 = vector.shape_cast %broadcast_in_dim3A_96 : vector<16xf32> to vector<1x1x16xf32>
      tpu.vector_store %arg8[%swap3A_97, %swap3A_98, %swap3A_99], %swap3A_102 {strides = array<i32>} : memref<2x128x128xf32, #tpu.memory_space<vmem>>, vector<1x1x16xf32>,
      %scan3A_103 = arith.constant 0 : i32
      scf.yield %scan3A_103 : i32
    }
    %scan3A_6 = arith.constant 1024 : i32
    %mul3A_7 = arith.constant 640 : i32
    %mul3A_8 = arith.muli %arg1, %mul3A_7 : i32
    %add3A_9 = arith.constant 0 : i32
    %add3A_10 = arith.addi %mul3A_8, %add3A_9 : i32
    %run_scoped3A = arith.constant 0 : i32
    "tpu.region"() ({
      %run_scoped3A_62 = tpu.sem_alloc : memref<!tpu.dma_semaphore, #tpu.memory_space<semaphore_mem>>
      %dma_start3A_63 = arith.constant 0 : i32
      %dma_start3A_64 = arith.constant 0 : i32
      %dma_start3A_65 = tpu.memref_slice %arg8[%run_scoped3A, %dma_start3A_63, %dma_start3A_64] : memref<2x128x128xf32, #tpu.memory_space<vmem>> -> memref<1x128x128xf32, #tpu.memory_space<vmem>>
      %dma_start3A_66 = tpu.memref_squeeze %dma_start3A_65 : memref<1x128x128xf32, #tpu.memory_space<vmem>> -> memref<128x128xf32, #tpu.memory_space<vmem>>
      %dma_start3A_67 = arith.constant 0 : i32
      %dma_start3A_68 = tpu.memref_slice %arg9[%add3A_10, %dma_start3A_67] : memref<10240x128xf32, #tpu.memory_space<vmem_shared>> -> memref<128x128xf32, #tpu.memory_space<vmem_shared>>
      %dma_start3A_69 = arith.constant 0 : i32
      %dma_start3A_70 = tpu.memref_slice %arg9[%add3A_10, %dma_start3A_69] : memref<10240x128xf32, #tpu.memory_space<vmem_shared>> -> memref<128x128xf32, #tpu.memory_space<vmem_shared>>
      %dma_start3A_71 = arith.constant 0 : i32
      %dma_start3A_72 = arith.constant 0 : i32
      %dma_start3A_73 = tpu.memref_slice %arg8[%run_scoped3A, %dma_start3A_71, %dma_start3A_72] : memref<2x128x128xf32, #tpu.memory_space<vmem>> -> memref<1x128x128xf32, #tpu.memory_space<vmem>>
      %dma_start3A_74 = tpu.memref_squeeze %dma_start3A_73 : memref<1x128x128xf32, #tpu.memory_space<vmem>> -> memref<128x128xf32, #tpu.memory_space<vmem>>
      tpu.enqueue_dma source(%dma_start3A_74 : memref<128x128xf32, #tpu.memory_space<vmem>>) target(%dma_start3A_70 : memref<128x128xf32, #tpu.memory_space<vmem_shared>>) target_semaphore(%run_scoped3A_62 : memref<!tpu.dma_semaphore, #tpu.memory_space<semaphore_mem>>)
      %dma_wait3A = arith.constant 0 : i32
      %dma_wait3A_75 = arith.constant 0 : i32
      %dma_wait3A_76 = tpu.memref_slice %arg8[%run_scoped3A, %dma_wait3A, %dma_wait3A_75] : memref<2x128x128xf32, #tpu.memory_space<vmem>> -> memref<1x128x128xf32, #tpu.memory_space<vmem>>
      %dma_wait3A_77 = tpu.memref_squeeze %dma_wait3A_76 : memref<1x128x128xf32, #tpu.memory_space<vmem>> -> memref<128x128xf32, #tpu.memory_space<vmem>>
      %dma_wait3A_78 = arith.constant 0 : i32
      %dma_wait3A_79 = tpu.memref_slice %arg9[%add3A_10, %dma_wait3A_78] : memref<10240x128xf32, #tpu.memory_space<vmem_shared>> -> memref<128x128xf32, #tpu.memory_space<vmem_shared>>
      %dma_wait3A_80 = arith.constant 0 : i32
      %dma_wait3A_81 = tpu.memref_slice %arg9[%add3A_10, %dma_wait3A_80] : memref<10240x128xf32, #tpu.memory_space<vmem_shared>> -> memref<128x128xf32, #tpu.memory_space<vmem_shared>>
      %dma_wait3A_82 = arith.constant 0 : i32
      %dma_wait3A_83 = arith.constant 0 : i32
      %dma_wait3A_84 = tpu.memref_slice %arg8[%run_scoped3A, %dma_wait3A_82, %dma_wait3A_83] : memref<2x128x128xf32, #tpu.memory_space<vmem>> -> memref<1x128x128xf32, #tpu.memory_space<vmem>>
      %dma_wait3A_85 = tpu.memref_squeeze %dma_wait3A_84 : memref<1x128x128xf32, #tpu.memory_space<vmem>> -> memref<128x128xf32, #tpu.memory_space<vmem>>
      tpu.wait_dma2 semaphore(%run_scoped3A_62 : memref<!tpu.dma_semaphore, #tpu.memory_space<semaphore_mem>>) src(%dma_wait3A_85 : memref<128x128xf32, #tpu.memory_space<vmem>>) dst(%dma_wait3A_81 : memref<128x128xf32, #tpu.memory_space<vmem_shared>>)
      tpu.yield
    }) : () -> ()
    %add3A_11 = arith.constant 128 : i32
    %add3A_12 = arith.addi %mul3A_8, %add3A_11 : i32
    %run_scoped3A_13 = arith.constant 0 : i32
    "tpu.region"() ({
      %run_scoped3A_62 = tpu.sem_alloc : memref<!tpu.dma_semaphore, #tpu.memory_space<semaphore_mem>>
      %dma_start3A_63 = arith.constant 0 : i32
      %dma_start3A_64 = arith.constant 0 : i32
      %dma_start3A_65 = tpu.memref_slice %arg8[%run_scoped3A_13, %dma_start3A_63, %dma_start3A_64] : memref<2x128x128xf32, #tpu.memory_space<vmem>> -> memref<1x128x128xf32, #tpu.memory_space<vmem>>
      %dma_start3A_66 = tpu.memref_squeeze %dma_start3A_65 : memref<1x128x128xf32, #tpu.memory_space<vmem>> -> memref<128x128xf32, #tpu.memory_space<vmem>>
      %dma_start3A_67 = arith.constant 0 : i32
      %dma_start3A_68 = tpu.memref_slice %arg9[%add3A_12, %dma_start3A_67] : memref<10240x128xf32, #tpu.memory_space<vmem_shared>> -> memref<128x128xf32, #tpu.memory_space<vmem_shared>>
      %dma_start3A_69 = arith.constant 0 : i32
      %dma_start3A_70 = tpu.memref_slice %arg9[%add3A_12, %dma_start3A_69] : memref<10240x128xf32, #tpu.memory_space<vmem_shared>> -> memref<128x128xf32, #tpu.memory_space<vmem_shared>>
      %dma_start3A_71 = arith.constant 0 : i32
      %dma_start3A_72 = arith.constant 0 : i32
      %dma_start3A_73 = tpu.memref_slice %arg8[%run_scoped3A_13, %dma_start3A_71, %dma_start3A_72] : memref<2x128x128xf32, #tpu.memory_space<vmem>> -> memref<1x128x128xf32, #tpu.memory_space<vmem>>
      %dma_start3A_74 = tpu.memref_squeeze %dma_start3A_73 : memref<1x128x128xf32, #tpu.memory_space<vmem>> -> memref<128x128xf32, #tpu.memory_space<vmem>>
      tpu.enqueue_dma source(%dma_start3A_74 : memref<128x128xf32, #tpu.memory_space<vmem>>) target(%dma_start3A_70 : memref<128x128xf32, #tpu.memory_space<vmem_shared>>) target_semaphore(%run_scoped3A_62 : memref<!tpu.dma_semaphore, #tpu.memory_space<semaphore_mem>>)
      %dma_wait3A = arith.constant 0 : i32
      %dma_wait3A_75 = arith.constant 0 : i32
      %dma_wait3A_76 = tpu.memref_slice %arg8[%run_scoped3A_13, %dma_wait3A, %dma_wait3A_75] : memref<2x128x128xf32, #tpu.memory_space<vmem>> -> memref<1x128x128xf32, #tpu.memory_space<vmem>>
      %dma_wait3A_77 = tpu.memref_squeeze %dma_wait3A_76 : memref<1x128x128xf32, #tpu.memory_space<vmem>> -> memref<128x128xf32, #tpu.memory_space<vmem>>
      %dma_wait3A_78 = arith.constant 0 : i32
      %dma_wait3A_79 = tpu.memref_slice %arg9[%add3A_12, %dma_wait3A_78] : memref<10240x128xf32, #tpu.memory_space<vmem_shared>> -> memref<128x128xf32, #tpu.memory_space<vmem_shared>>
      %dma_wait3A_80 = arith.constant 0 : i32
      %dma_wait3A_81 = tpu.memref_slice %arg9[%add3A_12, %dma_wait3A_80] : memref<10240x128xf32, #tpu.memory_space<vmem_shared>> -> memref<128x128xf32, #tpu.memory_space<vmem_shared>>
      %dma_wait3A_82 = arith.constant 0 : i32
      %dma_wait3A_83 = arith.constant 0 : i32
      %dma_wait3A_84 = tpu.memref_slice %arg8[%run_scoped3A_13, %dma_wait3A_82, %dma_wait3A_83] : memref<2x128x128xf32, #tpu.memory_space<vmem>> -> memref<1x128x128xf32, #tpu.memory_space<vmem>>
      %dma_wait3A_85 = tpu.memref_squeeze %dma_wait3A_84 : memref<1x128x128xf32, #tpu.memory_space<vmem>> -> memref<128x128xf32, #tpu.memory_space<vmem>>
      tpu.wait_dma2 semaphore(%run_scoped3A_62 : memref<!tpu.dma_semaphore, #tpu.memory_space<semaphore_mem>>) src(%dma_wait3A_85 : memref<128x128xf32, #tpu.memory_space<vmem>>) dst(%dma_wait3A_81 : memref<128x128xf32, #tpu.memory_space<vmem_shared>>)
      tpu.yield
    }) : () -> ()
    %add3A_14 = arith.constant 256 : i32
    %add3A_15 = arith.addi %mul3A_8, %add3A_14 : i32
    %run_scoped3A_16 = arith.constant 0 : i32
    "tpu.region"() ({
      %run_scoped3A_62 = tpu.sem_alloc : memref<!tpu.dma_semaphore, #tpu.memory_space<semaphore_mem>>
      %dma_start3A_63 = arith.constant 0 : i32
      %dma_start3A_64 = arith.constant 0 : i32
      %dma_start3A_65 = tpu.memref_slice %arg8[%run_scoped3A_16, %dma_start3A_63, %dma_start3A_64] : memref<2x128x128xf32, #tpu.memory_space<vmem>> -> memref<1x128x128xf32, #tpu.memory_space<vmem>>
      %dma_start3A_66 = tpu.memref_squeeze %dma_start3A_65 : memref<1x128x128xf32, #tpu.memory_space<vmem>> -> memref<128x128xf32, #tpu.memory_space<vmem>>
      %dma_start3A_67 = arith.constant 0 : i32
      %dma_start3A_68 = tpu.memref_slice %arg9[%add3A_15, %dma_start3A_67] : memref<10240x128xf32, #tpu.memory_space<vmem_shared>> -> memref<128x128xf32, #tpu.memory_space<vmem_shared>>
      %dma_start3A_69 = arith.constant 0 : i32
      %dma_start3A_70 = tpu.memref_slice %arg9[%add3A_15, %dma_start3A_69] : memref<10240x128xf32, #tpu.memory_space<vmem_shared>> -> memref<128x128xf32, #tpu.memory_space<vmem_shared>>
      %dma_start3A_71 = arith.constant 0 : i32
      %dma_start3A_72 = arith.constant 0 : i32
      %dma_start3A_73 = tpu.memref_slice %arg8[%run_scoped3A_16, %dma_start3A_71, %dma_start3A_72] : memref<2x128x128xf32, #tpu.memory_space<vmem>> -> memref<1x128x128xf32, #tpu.memory_space<vmem>>
      %dma_start3A_74 = tpu.memref_squeeze %dma_start3A_73 : memref<1x128x128xf32, #tpu.memory_space<vmem>> -> memref<128x128xf32, #tpu.memory_space<vmem>>
      tpu.enqueue_dma source(%dma_start3A_74 : memref<128x128xf32, #tpu.memory_space<vmem>>) target(%dma_start3A_70 : memref<128x128xf32, #tpu.memory_space<vmem_shared>>) target_semaphore(%run_scoped3A_62 : memref<!tpu.dma_semaphore, #tpu.memory_space<semaphore_mem>>)
      %dma_wait3A = arith.constant 0 : i32
      %dma_wait3A_75 = arith.constant 0 : i32
      %dma_wait3A_76 = tpu.memref_slice %arg8[%run_scoped3A_16, %dma_wait3A, %dma_wait3A_75] : memref<2x128x128xf32, #tpu.memory_space<vmem>> -> memref<1x128x128xf32, #tpu.memory_space<vmem>>
      %dma_wait3A_77 = tpu.memref_squeeze %dma_wait3A_76 : memref<1x128x128xf32, #tpu.memory_space<vmem>> -> memref<128x128xf32, #tpu.memory_space<vmem>>
      %dma_wait3A_78 = arith.constant 0 : i32
      %dma_wait3A_79 = tpu.memref_slice %arg9[%add3A_15, %dma_wait3A_78] : memref<10240x128xf32, #tpu.memory_space<vmem_shared>> -> memref<128x128xf32, #tpu.memory_space<vmem_shared>>
      %dma_wait3A_80 = arith.constant 0 : i32
      %dma_wait3A_81 = tpu.memref_slice %arg9[%add3A_15, %dma_wait3A_80] : memref<10240x128xf32, #tpu.memory_space<vmem_shared>> -> memref<128x128xf32, #tpu.memory_space<vmem_shared>>
      %dma_wait3A_82 = arith.constant 0 : i32
      %dma_wait3A_83 = arith.constant 0 : i32
      %dma_wait3A_84 = tpu.memref_slice %arg8[%run_scoped3A_16, %dma_wait3A_82, %dma_wait3A_83] : memref<2x128x128xf32, #tpu.memory_space<vmem>> -> memref<1x128x128xf32, #tpu.memory_space<vmem>>
      %dma_wait3A_85 = tpu.memref_squeeze %dma_wait3A_84 : memref<1x128x128xf32, #tpu.memory_space<vmem>> -> memref<128x128xf32, #tpu.memory_space<vmem>>
      tpu.wait_dma2 semaphore(%run_scoped3A_62 : memref<!tpu.dma_semaphore, #tpu.memory_space<semaphore_mem>>) src(%dma_wait3A_85 : memref<128x128xf32, #tpu.memory_space<vmem>>) dst(%dma_wait3A_81 : memref<128x128xf32, #tpu.memory_space<vmem_shared>>)
      tpu.yield
    }) : () -> ()
    %add3A_17 = arith.constant 384 : i32
    %add3A_18 = arith.addi %mul3A_8, %add3A_17 : i32
    %run_scoped3A_19 = arith.constant 0 : i32
    "tpu.region"() ({
      %run_scoped3A_62 = tpu.sem_alloc : memref<!tpu.dma_semaphore, #tpu.memory_space<semaphore_mem>>
      %dma_start3A_63 = arith.constant 0 : i32
      %dma_start3A_64 = arith.constant 0 : i32
      %dma_start3A_65 = tpu.memref_slice %arg8[%run_scoped3A_19, %dma_start3A_63, %dma_start3A_64] : memref<2x128x128xf32, #tpu.memory_space<vmem>> -> memref<1x128x128xf32, #tpu.memory_space<vmem>>
      %dma_start3A_66 = tpu.memref_squeeze %dma_start3A_65 : memref<1x128x128xf32, #tpu.memory_space<vmem>> -> memref<128x128xf32, #tpu.memory_space<vmem>>
      %dma_start3A_67 = arith.constant 0 : i32
      %dma_start3A_68 = tpu.memref_slice %arg9[%add3A_18, %dma_start3A_67] : memref<10240x128xf32, #tpu.memory_space<vmem_shared>> -> memref<128x128xf32, #tpu.memory_space<vmem_shared>>
      %dma_start3A_69 = arith.constant 0 : i32
      %dma_start3A_70 = tpu.memref_slice %arg9[%add3A_18, %dma_start3A_69] : memref<10240x128xf32, #tpu.memory_space<vmem_shared>> -> memref<128x128xf32, #tpu.memory_space<vmem_shared>>
      %dma_start3A_71 = arith.constant 0 : i32
      %dma_start3A_72 = arith.constant 0 : i32
      %dma_start3A_73 = tpu.memref_slice %arg8[%run_scoped3A_19, %dma_start3A_71, %dma_start3A_72] : memref<2x128x128xf32, #tpu.memory_space<vmem>> -> memref<1x128x128xf32, #tpu.memory_space<vmem>>
      %dma_start3A_74 = tpu.memref_squeeze %dma_start3A_73 : memref<1x128x128xf32, #tpu.memory_space<vmem>> -> memref<128x128xf32, #tpu.memory_space<vmem>>
      tpu.enqueue_dma source(%dma_start3A_74 : memref<128x128xf32, #tpu.memory_space<vmem>>) target(%dma_start3A_70 : memref<128x128xf32, #tpu.memory_space<vmem_shared>>) target_semaphore(%run_scoped3A_62 : memref<!tpu.dma_semaphore, #tpu.memory_space<semaphore_mem>>)
      %dma_wait3A = arith.constant 0 : i32
      %dma_wait3A_75 = arith.constant 0 : i32
      %dma_wait3A_76 = tpu.memref_slice %arg8[%run_scoped3A_19, %dma_wait3A, %dma_wait3A_75] : memref<2x128x128xf32, #tpu.memory_space<vmem>> -> memref<1x128x128xf32, #tpu.memory_space<vmem>>
      %dma_wait3A_77 = tpu.memref_squeeze %dma_wait3A_76 : memref<1x128x128xf32, #tpu.memory_space<vmem>> -> memref<128x128xf32, #tpu.memory_space<vmem>>
      %dma_wait3A_78 = arith.constant 0 : i32
      %dma_wait3A_79 = tpu.memref_slice %arg9[%add3A_18, %dma_wait3A_78] : memref<10240x128xf32, #tpu.memory_space<vmem_shared>> -> memref<128x128xf32, #tpu.memory_space<vmem_shared>>
      %dma_wait3A_80 = arith.constant 0 : i32
      %dma_wait3A_81 = tpu.memref_slice %arg9[%add3A_18, %dma_wait3A_80] : memref<10240x128xf32, #tpu.memory_space<vmem_shared>> -> memref<128x128xf32, #tpu.memory_space<vmem_shared>>
      %dma_wait3A_82 = arith.constant 0 : i32
      %dma_wait3A_83 = arith.constant 0 : i32
      %dma_wait3A_84 = tpu.memref_slice %arg8[%run_scoped3A_19, %dma_wait3A_82, %dma_wait3A_83] : memref<2x128x128xf32, #tpu.memory_space<vmem>> -> memref<1x128x128xf32, #tpu.memory_space<vmem>>
      %dma_wait3A_85 = tpu.memref_squeeze %dma_wait3A_84 : memref<1x128x128xf32, #tpu.memory_space<vmem>> -> memref<128x128xf32, #tpu.memory_space<vmem>>
      tpu.wait_dma2 semaphore(%run_scoped3A_62 : memref<!tpu.dma_semaphore, #tpu.memory_space<semaphore_mem>>) src(%dma_wait3A_85 : memref<128x128xf32, #tpu.memory_space<vmem>>) dst(%dma_wait3A_81 : memref<128x128xf32, #tpu.memory_space<vmem_shared>>)
      tpu.yield
    }) : () -> ()
    %add3A_20 = arith.constant 512 : i32
    %add3A_21 = arith.addi %mul3A_8, %add3A_20 : i32
    %run_scoped3A_22 = arith.constant 0 : i32
    "tpu.region"() ({
      %run_scoped3A_62 = tpu.sem_alloc : memref<!tpu.dma_semaphore, #tpu.memory_space<semaphore_mem>>
      %dma_start3A_63 = arith.constant 0 : i32
      %dma_start3A_64 = arith.constant 0 : i32
      %dma_start3A_65 = tpu.memref_slice %arg8[%run_scoped3A_22, %dma_start3A_63, %dma_start3A_64] : memref<2x128x128xf32, #tpu.memory_space<vmem>> -> memref<1x128x128xf32, #tpu.memory_space<vmem>>
      %dma_start3A_66 = tpu.memref_squeeze %dma_start3A_65 : memref<1x128x128xf32, #tpu.memory_space<vmem>> -> memref<128x128xf32, #tpu.memory_space<vmem>>
      %dma_start3A_67 = arith.constant 0 : i32
      %dma_start3A_68 = tpu.memref_slice %arg9[%add3A_21, %dma_start3A_67] : memref<10240x128xf32, #tpu.memory_space<vmem_shared>> -> memref<128x128xf32, #tpu.memory_space<vmem_shared>>
      %dma_start3A_69 = arith.constant 0 : i32
      %dma_start3A_70 = tpu.memref_slice %arg9[%add3A_21, %dma_start3A_69] : memref<10240x128xf32, #tpu.memory_space<vmem_shared>> -> memref<128x128xf32, #tpu.memory_space<vmem_shared>>
      %dma_start3A_71 = arith.constant 0 : i32
      %dma_start3A_72 = arith.constant 0 : i32
      %dma_start3A_73 = tpu.memref_slice %arg8[%run_scoped3A_22, %dma_start3A_71, %dma_start3A_72] : memref<2x128x128xf32, #tpu.memory_space<vmem>> -> memref<1x128x128xf32, #tpu.memory_space<vmem>>
      %dma_start3A_74 = tpu.memref_squeeze %dma_start3A_73 : memref<1x128x128xf32, #tpu.memory_space<vmem>> -> memref<128x128xf32, #tpu.memory_space<vmem>>
      tpu.enqueue_dma source(%dma_start3A_74 : memref<128x128xf32, #tpu.memory_space<vmem>>) target(%dma_start3A_70 : memref<128x128xf32, #tpu.memory_space<vmem_shared>>) target_semaphore(%run_scoped3A_62 : memref<!tpu.dma_semaphore, #tpu.memory_space<semaphore_mem>>)
      %dma_wait3A = arith.constant 0 : i32
      %dma_wait3A_75 = arith.constant 0 : i32
      %dma_wait3A_76 = tpu.memref_slice %arg8[%run_scoped3A_22, %dma_wait3A, %dma_wait3A_75] : memref<2x128x128xf32, #tpu.memory_space<vmem>> -> memref<1x128x128xf32, #tpu.memory_space<vmem>>
      %dma_wait3A_77 = tpu.memref_squeeze %dma_wait3A_76 : memref<1x128x128xf32, #tpu.memory_space<vmem>> -> memref<128x128xf32, #tpu.memory_space<vmem>>
      %dma_wait3A_78 = arith.constant 0 : i32
      %dma_wait3A_79 = tpu.memref_slice %arg9[%add3A_21, %dma_wait3A_78] : memref<10240x128xf32, #tpu.memory_space<vmem_shared>> -> memref<128x128xf32, #tpu.memory_space<vmem_shared>>
      %dma_wait3A_80 = arith.constant 0 : i32
      %dma_wait3A_81 = tpu.memref_slice %arg9[%add3A_21, %dma_wait3A_80] : memref<10240x128xf32, #tpu.memory_space<vmem_shared>> -> memref<128x128xf32, #tpu.memory_space<vmem_shared>>
      %dma_wait3A_82 = arith.constant 0 : i32
      %dma_wait3A_83 = arith.constant 0 : i32
      %dma_wait3A_84 = tpu.memref_slice %arg8[%run_scoped3A_22, %dma_wait3A_82, %dma_wait3A_83] : memref<2x128x128xf32, #tpu.memory_space<vmem>> -> memref<1x128x128xf32, #tpu.memory_space<vmem>>
      %dma_wait3A_85 = tpu.memref_squeeze %dma_wait3A_84 : memref<1x128x128xf32, #tpu.memory_space<vmem>> -> memref<128x128xf32, #tpu.memory_space<vmem>>
      tpu.wait_dma2 semaphore(%run_scoped3A_62 : memref<!tpu.dma_semaphore, #tpu.memory_space<semaphore_mem>>) src(%dma_wait3A_85 : memref<128x128xf32, #tpu.memory_space<vmem>>) dst(%dma_wait3A_81 : memref<128x128xf32, #tpu.memory_space<vmem_shared>>)
      tpu.yield
    }) : () -> ()
    %barrier3A = arith.constant 0 : index
    tpu.barrier barrier_id(%barrier3A)
    "tpu.region"() ({
      %run_scoped3A_62 = tpu.sem_alloc : memref<!tpu.dma_semaphore, #tpu.memory_space<semaphore_mem>>
      %dma_start3A_63 = arith.constant 0 : i32
      %dma_start3A_64 = arith.constant 0 : i32
      %dma_start3A_65 = tpu.memref_slice %arg3[%add3A, %dma_start3A_63, %dma_start3A_64] : memref<32x40x128xi32, #tpu.memory_space<hbm>> -> memref<1x40x128xi32, #tpu.memory_space<hbm>>
      %dma_start3A_66 = tpu.memref_squeeze %dma_start3A_65 : memref<1x40x128xi32, #tpu.memory_space<hbm>> -> memref<40x128xi32, #tpu.memory_space<hbm>>
      %dma_start3A_67 = arith.constant 0 : i32
      %dma_start3A_68 = arith.constant 0 : i32
      %dma_start3A_69 = tpu.memref_slice %arg3[%add3A, %dma_start3A_67, %dma_start3A_68] : memref<32x40x128xi32, #tpu.memory_space<hbm>> -> memref<1x40x128xi32, #tpu.memory_space<hbm>>
      %dma_start3A_70 = tpu.memref_squeeze %dma_start3A_69 : memref<1x40x128xi32, #tpu.memory_space<hbm>> -> memref<40x128xi32, #tpu.memory_space<hbm>>
      tpu.enqueue_dma source(%dma_start3A_70 : memref<40x128xi32, #tpu.memory_space<hbm>>) target(%arg6 : memref<40x128xi32, #tpu.memory_space<vmem>>) target_semaphore(%run_scoped3A_62 : memref<!tpu.dma_semaphore, #tpu.memory_space<semaphore_mem>>)
      %dma_wait3A = arith.constant 0 : i32
      %dma_wait3A_71 = arith.constant 0 : i32
      %dma_wait3A_72 = tpu.memref_slice %arg3[%add3A, %dma_wait3A, %dma_wait3A_71] : memref<32x40x128xi32, #tpu.memory_space<hbm>> -> memref<1x40x128xi32, #tpu.memory_space<hbm>>
      %dma_wait3A_73 = tpu.memref_squeeze %dma_wait3A_72 : memref<1x40x128xi32, #tpu.memory_space<hbm>> -> memref<40x128xi32, #tpu.memory_space<hbm>>
      %dma_wait3A_74 = arith.constant 0 : i32
      %dma_wait3A_75 = arith.constant 0 : i32
      %dma_wait3A_76 = tpu.memref_slice %arg3[%add3A, %dma_wait3A_74, %dma_wait3A_75] : memref<32x40x128xi32, #tpu.memory_space<hbm>> -> memref<1x40x128xi32, #tpu.memory_space<hbm>>
      %dma_wait3A_77 = tpu.memref_squeeze %dma_wait3A_76 : memref<1x40x128xi32, #tpu.memory_space<hbm>> -> memref<40x128xi32, #tpu.memory_space<hbm>>
      tpu.wait_dma2 semaphore(%run_scoped3A_62 : memref<!tpu.dma_semaphore, #tpu.memory_space<semaphore_mem>>) src(%dma_wait3A_77 : memref<40x128xi32, #tpu.memory_space<hbm>>) dst(%arg6 : memref<40x128xi32, #tpu.memory_space<vmem>>)
      tpu.yield
    }) : () -> ()
    "tpu.region"() ({
      %run_scoped3A_62 = tpu.sem_alloc : memref<!tpu.dma_semaphore, #tpu.memory_space<semaphore_mem>>
      %dma_start3A_63 = arith.constant 0 : i32
      %dma_start3A_64 = arith.constant 0 : i32
      %dma_start3A_65 = tpu.memref_slice %arg4[%add3A, %dma_start3A_63, %dma_start3A_64] : memref<32x40x128xi32, #tpu.memory_space<hbm>> -> memref<1x40x128xi32, #tpu.memory_space<hbm>>
      %dma_start3A_66 = tpu.memref_squeeze %dma_start3A_65 : memref<1x40x128xi32, #tpu.memory_space<hbm>> -> memref<40x128xi32, #tpu.memory_space<hbm>>
      %dma_start3A_67 = arith.constant 0 : i32
      %dma_start3A_68 = arith.constant 0 : i32
      %dma_start3A_69 = tpu.memref_slice %arg4[%add3A, %dma_start3A_67, %dma_start3A_68] : memref<32x40x128xi32, #tpu.memory_space<hbm>> -> memref<1x40x128xi32, #tpu.memory_space<hbm>>
      %dma_start3A_70 = tpu.memref_squeeze %dma_start3A_69 : memref<1x40x128xi32, #tpu.memory_space<hbm>> -> memref<40x128xi32, #tpu.memory_space<hbm>>
      tpu.enqueue_dma source(%dma_start3A_70 : memref<40x128xi32, #tpu.memory_space<hbm>>) target(%arg7 : memref<40x128xi32, #tpu.memory_space<vmem>>) target_semaphore(%run_scoped3A_62 : memref<!tpu.dma_semaphore, #tpu.memory_space<semaphore_mem>>)
      %dma_wait3A = arith.constant 0 : i32
      %dma_wait3A_71 = arith.constant 0 : i32
      %dma_wait3A_72 = tpu.memref_slice %arg4[%add3A, %dma_wait3A, %dma_wait3A_71] : memref<32x40x128xi32, #tpu.memory_space<hbm>> -> memref<1x40x128xi32, #tpu.memory_space<hbm>>
      %dma_wait3A_73 = tpu.memref_squeeze %dma_wait3A_72 : memref<1x40x128xi32, #tpu.memory_space<hbm>> -> memref<40x128xi32, #tpu.memory_space<hbm>>
      %dma_wait3A_74 = arith.constant 0 : i32
      %dma_wait3A_75 = arith.constant 0 : i32
      %dma_wait3A_76 = tpu.memref_slice %arg4[%add3A, %dma_wait3A_74, %dma_wait3A_75] : memref<32x40x128xi32, #tpu.memory_space<hbm>> -> memref<1x40x128xi32, #tpu.memory_space<hbm>>
      %dma_wait3A_77 = tpu.memref_squeeze %dma_wait3A_76 : memref<1x40x128xi32, #tpu.memory_space<hbm>> -> memref<40x128xi32, #tpu.memory_space<hbm>>
      tpu.wait_dma2 semaphore(%run_scoped3A_62 : memref<!tpu.dma_semaphore, #tpu.memory_space<semaphore_mem>>) src(%dma_wait3A_77 : memref<40x128xi32, #tpu.memory_space<hbm>>) dst(%arg7 : memref<40x128xi32, #tpu.memory_space<vmem>>)
      tpu.yield
    }) : () -> ()
    %dma_start3A = arith.constant 0 : i32
    %dma_start3A_23 = arith.constant 0 : i32
    %dma_start3A_24 = arith.constant 0 : i32
    %dma_start3A_25 = arith.constant 0 : i32
    %dma_start3A_26 = tpu.memref_slice %arg8[%dma_start3A_23, %dma_start3A_24, %dma_start3A_25] : memref<2x128x128xf32, #tpu.memory_space<vmem>> -> memref<1x128x128xf32, #tpu.memory_space<vmem>>
    %dma_start3A_27 = tpu.memref_squeeze %dma_start3A_26 : memref<1x128x128xf32, #tpu.memory_space<vmem>> -> memref<128x128xf32, #tpu.memory_space<vmem>>
    %dma_start3A_28 = arith.constant 0 : i32
    %dma_start3A_29 = tpu.memref_slice %arg6[%dma_start3A, %dma_start3A_28] : memref<40x128xi32, #tpu.memory_space<vmem>> -> memref<1x128xi32, #tpu.memory_space<vmem>>
    %dma_start3A_30 = tpu.memref_squeeze %dma_start3A_29 : memref<1x128xi32, #tpu.memory_space<vmem>> -> memref<128xi32, #tpu.memory_space<vmem>>
    %dma_start3A_31 = arith.constant 0 : i32
    %dma_start3A_32 = arith.constant 0 : i32
    %dma_start3A_33 = tpu.memref_slice %arg2[%dma_start3A_31, %dma_start3A_32] : memref<10000x128xf32, #tpu.memory_space<hbm>> -> memref<10000x128xf32, #tpu.memory_space<hbm>>
    tpu.enqueue_indirect_dma source(%dma_start3A_33 : memref<10000x128xf32, #tpu.memory_space<hbm>>) target(%dma_start3A_27 : memref<128x128xf32, #tpu.memory_space<vmem>>) offsets(%dma_start3A_30 : memref<128xi32, #tpu.memory_space<vmem>>) semaphore(%arg10 : memref<!tpu.dma_semaphore, #tpu.memory_space<semaphore_mem>>)
    %scan3A_34 = arith.constant 0 : i32
    %scan3A_35 = arith.constant 0 : i32
    %scan3A_36 = arith.constant 20 : i32
    %scan3A_37 = arith.addi %scan3A_35, %scan3A_36 : i32
    %scan3A_38 = arith.constant 1 : i32
    %scan3A_39 = scf.for %scan3A_62 = %scan3A_35 to %scan3A_37 step %scan3A_38 iter_args(%scan3A_63 = %scan3A_34) -> (i32)  : i32 {
      %mul3A_64 = arith.constant 2 : i32
      %mul3A_65 = arith.muli %mul3A_64, %scan3A_62 : i32
      %add3A_66 = arith.constant 1 : i32
      %add3A_67 = arith.addi %mul3A_65, %add3A_66 : i32
      %dma_start3A_68 = arith.constant 1 : i32
      %dma_start3A_69 = arith.constant 0 : i32
      %dma_start3A_70 = arith.constant 0 : i32
      %dma_start3A_71 = tpu.memref_slice %arg8[%dma_start3A_68, %dma_start3A_69, %dma_start3A_70] : memref<2x128x128xf32, #tpu.memory_space<vmem>> -> memref<1x128x128xf32, #tpu.memory_space<vmem>>
      %dma_start3A_72 = tpu.memref_squeeze %dma_start3A_71 : memref<1x128x128xf32, #tpu.memory_space<vmem>> -> memref<128x128xf32, #tpu.memory_space<vmem>>
      %dma_start3A_73 = arith.constant 0 : i32
      %dma_start3A_74 = tpu.memref_slice %arg6[%add3A_67, %dma_start3A_73] : memref<40x128xi32, #tpu.memory_space<vmem>> -> memref<1x128xi32, #tpu.memory_space<vmem>>
      %dma_start3A_75 = tpu.memref_squeeze %dma_start3A_74 : memref<1x128xi32, #tpu.memory_space<vmem>> -> memref<128xi32, #tpu.memory_space<vmem>>
      %dma_start3A_76 = arith.constant 0 : i32
      %dma_start3A_77 = arith.constant 0 : i32
      %dma_start3A_78 = tpu.memref_slice %arg2[%dma_start3A_76, %dma_start3A_77] : memref<10000x128xf32, #tpu.memory_space<hbm>> -> memref<10000x128xf32, #tpu.memory_space<hbm>>
      tpu.enqueue_indirect_dma source(%dma_start3A_78 : memref<10000x128xf32, #tpu.memory_space<hbm>>) target(%dma_start3A_72 : memref<128x128xf32, #tpu.memory_space<vmem>>) offsets(%dma_start3A_75 : memref<128xi32, #tpu.memory_space<vmem>>) semaphore(%arg11 : memref<!tpu.dma_semaphore, #tpu.memory_space<semaphore_mem>>)
      %dma_wait3A = arith.constant 0 : i32
      %dma_wait3A_79 = arith.constant 0 : i32
      %dma_wait3A_80 = arith.constant 0 : i32
      %dma_wait3A_81 = tpu.memref_slice %arg8[%dma_wait3A, %dma_wait3A_79, %dma_wait3A_80] : memref<2x128x128xf32, #tpu.memory_space<vmem>> -> memref<1x128x128xf32, #tpu.memory_space<vmem>>
      %dma_wait3A_82 = tpu.memref_squeeze %dma_wait3A_81 : memref<1x128x128xf32, #tpu.memory_space<vmem>> -> memref<128x128xf32, #tpu.memory_space<vmem>>
      %dma_wait3A_83 = arith.constant 0 : i32
      %dma_wait3A_84 = tpu.memref_slice %arg6[%mul3A_65, %dma_wait3A_83] : memref<40x128xi32, #tpu.memory_space<vmem>> -> memref<1x128xi32, #tpu.memory_space<vmem>>
      %dma_wait3A_85 = tpu.memref_squeeze %dma_wait3A_84 : memref<1x128xi32, #tpu.memory_space<vmem>> -> memref<128xi32, #tpu.memory_space<vmem>>
      %dma_wait3A_86 = arith.constant 0 : i32
      %dma_wait3A_87 = arith.constant 0 : i32
      %dma_wait3A_88 = tpu.memref_slice %arg2[%dma_wait3A_86, %dma_wait3A_87] : memref<10000x128xf32, #tpu.memory_space<hbm>> -> memref<10000x128xf32, #tpu.memory_space<hbm>>
      tpu.wait_indirect_dma semaphore(%arg10 : memref<!tpu.dma_semaphore, #tpu.memory_space<semaphore_mem>>) src(%dma_wait3A_88 : memref<10000x128xf32, #tpu.memory_space<hbm>>) dst(%dma_wait3A_82 : memref<128x128xf32, #tpu.memory_space<vmem>>)
      %run_scoped3A_89 = arith.constant 0 : i32
      "tpu.region"() ({
        %run_scoped3A_109 = tpu.sem_alloc : memref<!tpu.dma_semaphore, #tpu.memory_space<semaphore_mem>>
        %dma_start3A_110 = arith.constant 0 : i32
        %dma_start3A_111 = arith.constant 0 : i32
        %dma_start3A_112 = tpu.memref_slice %arg8[%run_scoped3A_89, %dma_start3A_110, %dma_start3A_111] : memref<2x128x128xf32, #tpu.memory_space<vmem>> -> memref<1x128x128xf32, #tpu.memory_space<vmem>>
        %dma_start3A_113 = tpu.memref_squeeze %dma_start3A_112 : memref<1x128x128xf32, #tpu.memory_space<vmem>> -> memref<128x128xf32, #tpu.memory_space<vmem>>
        %dma_start3A_114 = arith.constant 0 : i32
        %dma_start3A_115 = tpu.memref_slice %arg7[%mul3A_65, %dma_start3A_114] : memref<40x128xi32, #tpu.memory_space<vmem>> -> memref<1x128xi32, #tpu.memory_space<vmem>>
        %dma_start3A_116 = tpu.memref_squeeze %dma_start3A_115 : memref<1x128xi32, #tpu.memory_space<vmem>> -> memref<128xi32, #tpu.memory_space<vmem>>
        %dma_start3A_117 = arith.constant 0 : i32
        %dma_start3A_118 = arith.constant 0 : i32
        %dma_start3A_119 = tpu.memref_slice %arg9[%dma_start3A_117, %dma_start3A_118] : memref<10240x128xf32, #tpu.memory_space<vmem_shared>> -> memref<10240x128xf32, #tpu.memory_space<vmem_shared>>
        tpu.enqueue_indirect_dma source(%dma_start3A_113 : memref<128x128xf32, #tpu.memory_space<vmem>>) target(%dma_start3A_119 : memref<10240x128xf32, #tpu.memory_space<vmem_shared>>) offsets(%dma_start3A_116 : memref<128xi32, #tpu.memory_space<vmem>>) semaphore(%run_scoped3A_109 : memref<!tpu.dma_semaphore, #tpu.memory_space<semaphore_mem>>) {add = true}
        %dma_wait3A_120 = arith.constant 0 : i32
        %dma_wait3A_121 = arith.constant 0 : i32
        %dma_wait3A_122 = tpu.memref_slice %arg8[%run_scoped3A_89, %dma_wait3A_120, %dma_wait3A_121] : memref<2x128x128xf32, #tpu.memory_space<vmem>> -> memref<1x128x128xf32, #tpu.memory_space<vmem>>
        %dma_wait3A_123 = tpu.memref_squeeze %dma_wait3A_122 : memref<1x128x128xf32, #tpu.memory_space<vmem>> -> memref<128x128xf32, #tpu.memory_space<vmem>>
        %dma_wait3A_124 = arith.constant 0 : i32
        %dma_wait3A_125 = tpu.memref_slice %arg7[%mul3A_65, %dma_wait3A_124] : memref<40x128xi32, #tpu.memory_space<vmem>> -> memref<1x128xi32, #tpu.memory_space<vmem>>
        %dma_wait3A_126 = tpu.memref_squeeze %dma_wait3A_125 : memref<1x128xi32, #tpu.memory_space<vmem>> -> memref<128xi32, #tpu.memory_space<vmem>>
        %dma_wait3A_127 = arith.constant 0 : i32
        %dma_wait3A_128 = arith.constant 0 : i32
        %dma_wait3A_129 = tpu.memref_slice %arg9[%dma_wait3A_127, %dma_wait3A_128] : memref<10240x128xf32, #tpu.memory_space<vmem_shared>> -> memref<10240x128xf32, #tpu.memory_space<vmem_shared>>
        tpu.wait_indirect_dma semaphore(%run_scoped3A_109 : memref<!tpu.dma_semaphore, #tpu.memory_space<semaphore_mem>>) src(%dma_wait3A_123 : memref<128x128xf32, #tpu.memory_space<vmem>>) dst(%dma_wait3A_129 : memref<10240x128xf32, #tpu.memory_space<vmem_shared>>)
        tpu.yield
      }) : () -> ()
      %lt3A = arith.constant 19 : i32
      %lt3A_90 = arith.cmpi slt, %scan3A_62, %lt3A : i32
      %convert_element_type3A = arith.extui %lt3A_90 : i1 to i32
      %cond3A = arith.constant 0 : i32
      %cond3A_91 = arith.cmpi ne, %convert_element_type3A, %cond3A : i32
      scf.if %cond3A_91 {
        %add3A_109 = arith.constant 2 : i32
        %add3A_110 = arith.addi %mul3A_65, %add3A_109 : i32
        %dma_start3A_111 = arith.constant 0 : i32
        %dma_start3A_112 = arith.constant 0 : i32
        %dma_start3A_113 = arith.constant 0 : i32
        %dma_start3A_114 = tpu.memref_slice %arg8[%dma_start3A_111, %dma_start3A_112, %dma_start3A_113] : memref<2x128x128xf32, #tpu.memory_space<vmem>> -> memref<1x128x128xf32, #tpu.memory_space<vmem>>
        %dma_start3A_115 = tpu.memref_squeeze %dma_start3A_114 : memref<1x128x128xf32, #tpu.memory_space<vmem>> -> memref<128x128xf32, #tpu.memory_space<vmem>>
        %dma_start3A_116 = arith.constant 0 : i32
        %dma_start3A_117 = tpu.memref_slice %arg6[%add3A_110, %dma_start3A_116] : memref<40x128xi32, #tpu.memory_space<vmem>> -> memref<1x128xi32, #tpu.memory_space<vmem>>
        %dma_start3A_118 = tpu.memref_squeeze %dma_start3A_117 : memref<1x128xi32, #tpu.memory_space<vmem>> -> memref<128xi32, #tpu.memory_space<vmem>>
        %dma_start3A_119 = arith.constant 0 : i32
        %dma_start3A_120 = arith.constant 0 : i32
        %dma_start3A_121 = tpu.memref_slice %arg2[%dma_start3A_119, %dma_start3A_120] : memref<10000x128xf32, #tpu.memory_space<hbm>> -> memref<10000x128xf32, #tpu.memory_space<hbm>>
        tpu.enqueue_indirect_dma source(%dma_start3A_121 : memref<10000x128xf32, #tpu.memory_space<hbm>>) target(%dma_start3A_115 : memref<128x128xf32, #tpu.memory_space<vmem>>) offsets(%dma_start3A_118 : memref<128xi32, #tpu.memory_space<vmem>>) semaphore(%arg10 : memref<!tpu.dma_semaphore, #tpu.memory_space<semaphore_mem>>)
      } else {
      }
      %add3A_92 = arith.constant 1 : i32
      %add3A_93 = arith.addi %mul3A_65, %add3A_92 : i32
      %dma_wait3A_94 = arith.constant 1 : i32
      %dma_wait3A_95 = arith.constant 0 : i32
      %dma_wait3A_96 = arith.constant 0 : i32
      %dma_wait3A_97 = tpu.memref_slice %arg8[%dma_wait3A_94, %dma_wait3A_95, %dma_wait3A_96] : memref<2x128x128xf32, #tpu.memory_space<vmem>> -> memref<1x128x128xf32, #tpu.memory_space<vmem>>
      %dma_wait3A_98 = tpu.memref_squeeze %dma_wait3A_97 : memref<1x128x128xf32, #tpu.memory_space<vmem>> -> memref<128x128xf32, #tpu.memory_space<vmem>>
      %dma_wait3A_99 = arith.constant 0 : i32
      %dma_wait3A_100 = tpu.memref_slice %arg6[%add3A_93, %dma_wait3A_99] : memref<40x128xi32, #tpu.memory_space<vmem>> -> memref<1x128xi32, #tpu.memory_space<vmem>>
      %dma_wait3A_101 = tpu.memref_squeeze %dma_wait3A_100 : memref<1x128xi32, #tpu.memory_space<vmem>> -> memref<128xi32, #tpu.memory_space<vmem>>
      %dma_wait3A_102 = arith.constant 0 : i32
      %dma_wait3A_103 = arith.constant 0 : i32
      %dma_wait3A_104 = tpu.memref_slice %arg2[%dma_wait3A_102, %dma_wait3A_103] : memref<10000x128xf32, #tpu.memory_space<hbm>> -> memref<10000x128xf32, #tpu.memory_space<hbm>>
      tpu.wait_indirect_dma semaphore(%arg11 : memref<!tpu.dma_semaphore, #tpu.memory_space<semaphore_mem>>) src(%dma_wait3A_104 : memref<10000x128xf32, #tpu.memory_space<hbm>>) dst(%dma_wait3A_98 : memref<128x128xf32, #tpu.memory_space<vmem>>)
      %add3A_105 = arith.constant 1 : i32
      %add3A_106 = arith.addi %mul3A_65, %add3A_105 : i32
      %run_scoped3A_107 = arith.constant 1 : i32
      "tpu.region"() ({
        %run_scoped3A_109 = tpu.sem_alloc : memref<!tpu.dma_semaphore, #tpu.memory_space<semaphore_mem>>
        %dma_start3A_110 = arith.constant 0 : i32
        %dma_start3A_111 = arith.constant 0 : i32
        %dma_start3A_112 = tpu.memref_slice %arg8[%run_scoped3A_107, %dma_start3A_110, %dma_start3A_111] : memref<2x128x128xf32, #tpu.memory_space<vmem>> -> memref<1x128x128xf32, #tpu.memory_space<vmem>>
        %dma_start3A_113 = tpu.memref_squeeze %dma_start3A_112 : memref<1x128x128xf32, #tpu.memory_space<vmem>> -> memref<128x128xf32, #tpu.memory_space<vmem>>
        %dma_start3A_114 = arith.constant 0 : i32
        %dma_start3A_115 = tpu.memref_slice %arg7[%add3A_106, %dma_start3A_114] : memref<40x128xi32, #tpu.memory_space<vmem>> -> memref<1x128xi32, #tpu.memory_space<vmem>>
        %dma_start3A_116 = tpu.memref_squeeze %dma_start3A_115 : memref<1x128xi32, #tpu.memory_space<vmem>> -> memref<128xi32, #tpu.memory_space<vmem>>
        %dma_start3A_117 = arith.constant 0 : i32
        %dma_start3A_118 = arith.constant 0 : i32
        %dma_start3A_119 = tpu.memref_slice %arg9[%dma_start3A_117, %dma_start3A_118] : memref<10240x128xf32, #tpu.memory_space<vmem_shared>> -> memref<10240x128xf32, #tpu.memory_space<vmem_shared>>
        tpu.enqueue_indirect_dma source(%dma_start3A_113 : memref<128x128xf32, #tpu.memory_space<vmem>>) target(%dma_start3A_119 : memref<10240x128xf32, #tpu.memory_space<vmem_shared>>) offsets(%dma_start3A_116 : memref<128xi32, #tpu.memory_space<vmem>>) semaphore(%run_scoped3A_109 : memref<!tpu.dma_semaphore, #tpu.memory_space<semaphore_mem>>) {add = true}
        %dma_wait3A_120 = arith.constant 0 : i32
        %dma_wait3A_121 = arith.constant 0 : i32
        %dma_wait3A_122 = tpu.memref_slice %arg8[%run_scoped3A_107, %dma_wait3A_120, %dma_wait3A_121] : memref<2x128x128xf32, #tpu.memory_space<vmem>> -> memref<1x128x128xf32, #tpu.memory_space<vmem>>
        %dma_wait3A_123 = tpu.memref_squeeze %dma_wait3A_122 : memref<1x128x128xf32, #tpu.memory_space<vmem>> -> memref<128x128xf32, #tpu.memory_space<vmem>>
        %dma_wait3A_124 = arith.constant 0 : i32
        %dma_wait3A_125 = tpu.memref_slice %arg7[%add3A_106, %dma_wait3A_124] : memref<40x128xi32, #tpu.memory_space<vmem>> -> memref<1x128xi32, #tpu.memory_space<vmem>>
        %dma_wait3A_126 = tpu.memref_squeeze %dma_wait3A_125 : memref<1x128xi32, #tpu.memory_space<vmem>> -> memref<128xi32, #tpu.memory_space<vmem>>
        %dma_wait3A_127 = arith.constant 0 : i32
        %dma_wait3A_128 = arith.constant 0 : i32
        %dma_wait3A_129 = tpu.memref_slice %arg9[%dma_wait3A_127, %dma_wait3A_128] : memref<10240x128xf32, #tpu.memory_space<vmem_shared>> -> memref<10240x128xf32, #tpu.memory_space<vmem_shared>>
        tpu.wait_indirect_dma semaphore(%run_scoped3A_109 : memref<!tpu.dma_semaphore, #tpu.memory_space<semaphore_mem>>) src(%dma_wait3A_123 : memref<128x128xf32, #tpu.memory_space<vmem>>) dst(%dma_wait3A_129 : memref<10240x128xf32, #tpu.memory_space<vmem_shared>>)
        tpu.yield
      }) : () -> ()
      %scan3A_108 = arith.constant 0 : i32
      scf.yield %scan3A_108 : i32
    }
    %scan3A_40 = arith.constant 20 : i32
    %barrier3A_41 = arith.constant 0 : index
    tpu.barrier barrier_id(%barrier3A_41)
    %add3A_42 = arith.constant 0 : i32
    %add3A_43 = arith.addi %mul3A_8, %add3A_42 : i32
    %add3A_44 = arith.constant 0 : i32
    %add3A_45 = arith.addi %mul3A_8, %add3A_44 : i32
    "tpu.region"() ({
      %run_scoped3A_62 = tpu.sem_alloc : memref<!tpu.dma_semaphore, #tpu.memory_space<semaphore_mem>>
      %dma_start3A_63 = arith.constant 0 : i32
      %dma_start3A_64 = tpu.memref_slice %arg5[%arg0, %add3A_45, %dma_start3A_63] : memref<2x10240x128xf32, #tpu.memory_space<hbm>> -> memref<1x128x128xf32, #tpu.memory_space<hbm>>
      %dma_start3A_65 = tpu.memref_squeeze %dma_start3A_64 : memref<1x128x128xf32, #tpu.memory_space<hbm>> -> memref<128x128xf32, #tpu.memory_space<hbm>>
      %dma_start3A_66 = arith.constant 0 : i32
      %dma_start3A_67 = tpu.memref_slice %arg9[%add3A_43, %dma_start3A_66] : memref<10240x128xf32, #tpu.memory_space<vmem_shared>> -> memref<128x128xf32, #tpu.memory_space<vmem_shared>>
      tpu.enqueue_dma source(%dma_start3A_67 : memref<128x128xf32, #tpu.memory_space<vmem_shared>>) target(%dma_start3A_65 : memref<128x128xf32, #tpu.memory_space<hbm>>) target_semaphore(%run_scoped3A_62 : memref<!tpu.dma_semaphore, #tpu.memory_space<semaphore_mem>>)
      %dma_wait3A = arith.constant 0 : i32
      %dma_wait3A_68 = tpu.memref_slice %arg5[%arg0, %add3A_45, %dma_wait3A] : memref<2x10240x128xf32, #tpu.memory_space<hbm>> -> memref<1x128x128xf32, #tpu.memory_space<hbm>>
      %dma_wait3A_69 = tpu.memref_squeeze %dma_wait3A_68 : memref<1x128x128xf32, #tpu.memory_space<hbm>> -> memref<128x128xf32, #tpu.memory_space<hbm>>
      %dma_wait3A_70 = arith.constant 0 : i32
      %dma_wait3A_71 = tpu.memref_slice %arg9[%add3A_43, %dma_wait3A_70] : memref<10240x128xf32, #tpu.memory_space<vmem_shared>> -> memref<128x128xf32, #tpu.memory_space<vmem_shared>>
      tpu.wait_dma2 semaphore(%run_scoped3A_62 : memref<!tpu.dma_semaphore, #tpu.memory_space<semaphore_mem>>) src(%dma_wait3A_71 : memref<128x128xf32, #tpu.memory_space<vmem_shared>>) dst(%dma_wait3A_69 : memref<128x128xf32, #tpu.memory_space<hbm>>)
      tpu.yield
    }) : () -> ()
    %add3A_46 = arith.constant 128 : i32
    %add3A_47 = arith.addi %mul3A_8, %add3A_46 : i32
    %add3A_48 = arith.constant 128 : i32
    %add3A_49 = arith.addi %mul3A_8, %add3A_48 : i32
    "tpu.region"() ({
      %run_scoped3A_62 = tpu.sem_alloc : memref<!tpu.dma_semaphore, #tpu.memory_space<semaphore_mem>>
      %dma_start3A_63 = arith.constant 0 : i32
      %dma_start3A_64 = tpu.memref_slice %arg5[%arg0, %add3A_49, %dma_start3A_63] : memref<2x10240x128xf32, #tpu.memory_space<hbm>> -> memref<1x128x128xf32, #tpu.memory_space<hbm>>
      %dma_start3A_65 = tpu.memref_squeeze %dma_start3A_64 : memref<1x128x128xf32, #tpu.memory_space<hbm>> -> memref<128x128xf32, #tpu.memory_space<hbm>>
      %dma_start3A_66 = arith.constant 0 : i32
      %dma_start3A_67 = tpu.memref_slice %arg9[%add3A_47, %dma_start3A_66] : memref<10240x128xf32, #tpu.memory_space<vmem_shared>> -> memref<128x128xf32, #tpu.memory_space<vmem_shared>>
      tpu.enqueue_dma source(%dma_start3A_67 : memref<128x128xf32, #tpu.memory_space<vmem_shared>>) target(%dma_start3A_65 : memref<128x128xf32, #tpu.memory_space<hbm>>) target_semaphore(%run_scoped3A_62 : memref<!tpu.dma_semaphore, #tpu.memory_space<semaphore_mem>>)
      %dma_wait3A = arith.constant 0 : i32
      %dma_wait3A_68 = tpu.memref_slice %arg5[%arg0, %add3A_49, %dma_wait3A] : memref<2x10240x128xf32, #tpu.memory_space<hbm>> -> memref<1x128x128xf32, #tpu.memory_space<hbm>>
      %dma_wait3A_69 = tpu.memref_squeeze %dma_wait3A_68 : memref<1x128x128xf32, #tpu.memory_space<hbm>> -> memref<128x128xf32, #tpu.memory_space<hbm>>
      %dma_wait3A_70 = arith.constant 0 : i32
      %dma_wait3A_71 = tpu.memref_slice %arg9[%add3A_47, %dma_wait3A_70] : memref<10240x128xf32, #tpu.memory_space<vmem_shared>> -> memref<128x128xf32, #tpu.memory_space<vmem_shared>>
      tpu.wait_dma2 semaphore(%run_scoped3A_62 : memref<!tpu.dma_semaphore, #tpu.memory_space<semaphore_mem>>) src(%dma_wait3A_71 : memref<128x128xf32, #tpu.memory_space<vmem_shared>>) dst(%dma_wait3A_69 : memref<128x128xf32, #tpu.memory_space<hbm>>)
      tpu.yield
    }) : () -> ()
    %add3A_50 = arith.constant 256 : i32
    %add3A_51 = arith.addi %mul3A_8, %add3A_50 : i32
    %add3A_52 = arith.constant 256 : i32
    %add3A_53 = arith.addi %mul3A_8, %add3A_52 : i32
    "tpu.region"() ({
      %run_scoped3A_62 = tpu.sem_alloc : memref<!tpu.dma_semaphore, #tpu.memory_space<semaphore_mem>>
      %dma_start3A_63 = arith.constant 0 : i32
      %dma_start3A_64 = tpu.memref_slice %arg5[%arg0, %add3A_53, %dma_start3A_63] : memref<2x10240x128xf32, #tpu.memory_space<hbm>> -> memref<1x128x128xf32, #tpu.memory_space<hbm>>
      %dma_start3A_65 = tpu.memref_squeeze %dma_start3A_64 : memref<1x128x128xf32, #tpu.memory_space<hbm>> -> memref<128x128xf32, #tpu.memory_space<hbm>>
      %dma_start3A_66 = arith.constant 0 : i32
      %dma_start3A_67 = tpu.memref_slice %arg9[%add3A_51, %dma_start3A_66] : memref<10240x128xf32, #tpu.memory_space<vmem_shared>> -> memref<128x128xf32, #tpu.memory_space<vmem_shared>>
      tpu.enqueue_dma source(%dma_start3A_67 : memref<128x128xf32, #tpu.memory_space<vmem_shared>>) target(%dma_start3A_65 : memref<128x128xf32, #tpu.memory_space<hbm>>) target_semaphore(%run_scoped3A_62 : memref<!tpu.dma_semaphore, #tpu.memory_space<semaphore_mem>>)
      %dma_wait3A = arith.constant 0 : i32
      %dma_wait3A_68 = tpu.memref_slice %arg5[%arg0, %add3A_53, %dma_wait3A] : memref<2x10240x128xf32, #tpu.memory_space<hbm>> -> memref<1x128x128xf32, #tpu.memory_space<hbm>>
      %dma_wait3A_69 = tpu.memref_squeeze %dma_wait3A_68 : memref<1x128x128xf32, #tpu.memory_space<hbm>> -> memref<128x128xf32, #tpu.memory_space<hbm>>
      %dma_wait3A_70 = arith.constant 0 : i32
      %dma_wait3A_71 = tpu.memref_slice %arg9[%add3A_51, %dma_wait3A_70] : memref<10240x128xf32, #tpu.memory_space<vmem_shared>> -> memref<128x128xf32, #tpu.memory_space<vmem_shared>>
      tpu.wait_dma2 semaphore(%run_scoped3A_62 : memref<!tpu.dma_semaphore, #tpu.memory_space<semaphore_mem>>) src(%dma_wait3A_71 : memref<128x128xf32, #tpu.memory_space<vmem_shared>>) dst(%dma_wait3A_69 : memref<128x128xf32, #tpu.memory_space<hbm>>)
      tpu.yield
    }) : () -> ()
    %add3A_54 = arith.constant 384 : i32
    %add3A_55 = arith.addi %mul3A_8, %add3A_54 : i32
    %add3A_56 = arith.constant 384 : i32
    %add3A_57 = arith.addi %mul3A_8, %add3A_56 : i32
    "tpu.region"() ({
      %run_scoped3A_62 = tpu.sem_alloc : memref<!tpu.dma_semaphore, #tpu.memory_space<semaphore_mem>>
      %dma_start3A_63 = arith.constant 0 : i32
      %dma_start3A_64 = tpu.memref_slice %arg5[%arg0, %add3A_57, %dma_start3A_63] : memref<2x10240x128xf32, #tpu.memory_space<hbm>> -> memref<1x128x128xf32, #tpu.memory_space<hbm>>
      %dma_start3A_65 = tpu.memref_squeeze %dma_start3A_64 : memref<1x128x128xf32, #tpu.memory_space<hbm>> -> memref<128x128xf32, #tpu.memory_space<hbm>>
      %dma_start3A_66 = arith.constant 0 : i32
      %dma_start3A_67 = tpu.memref_slice %arg9[%add3A_55, %dma_start3A_66] : memref<10240x128xf32, #tpu.memory_space<vmem_shared>> -> memref<128x128xf32, #tpu.memory_space<vmem_shared>>
      tpu.enqueue_dma source(%dma_start3A_67 : memref<128x128xf32, #tpu.memory_space<vmem_shared>>) target(%dma_start3A_65 : memref<128x128xf32, #tpu.memory_space<hbm>>) target_semaphore(%run_scoped3A_62 : memref<!tpu.dma_semaphore, #tpu.memory_space<semaphore_mem>>)
      %dma_wait3A = arith.constant 0 : i32
      %dma_wait3A_68 = tpu.memref_slice %arg5[%arg0, %add3A_57, %dma_wait3A] : memref<2x10240x128xf32, #tpu.memory_space<hbm>> -> memref<1x128x128xf32, #tpu.memory_space<hbm>>
      %dma_wait3A_69 = tpu.memref_squeeze %dma_wait3A_68 : memref<1x128x128xf32, #tpu.memory_space<hbm>> -> memref<128x128xf32, #tpu.memory_space<hbm>>
      %dma_wait3A_70 = arith.constant 0 : i32
      %dma_wait3A_71 = tpu.memref_slice %arg9[%add3A_55, %dma_wait3A_70] : memref<10240x128xf32, #tpu.memory_space<vmem_shared>> -> memref<128x128xf32, #tpu.memory_space<vmem_shared>>
      tpu.wait_dma2 semaphore(%run_scoped3A_62 : memref<!tpu.dma_semaphore, #tpu.memory_space<semaphore_mem>>) src(%dma_wait3A_71 : memref<128x128xf32, #tpu.memory_space<vmem_shared>>) dst(%dma_wait3A_69 : memref<128x128xf32, #tpu.memory_space<hbm>>)
      tpu.yield
    }) : () -> ()
    %add3A_58 = arith.constant 512 : i32
    %add3A_59 = arith.addi %mul3A_8, %add3A_58 : i32
    %add3A_60 = arith.constant 512 : i32
    %add3A_61 = arith.addi %mul3A_8, %add3A_60 : i32
    "tpu.region"() ({
      %run_scoped3A_62 = tpu.sem_alloc : memref<!tpu.dma_semaphore, #tpu.memory_space<semaphore_mem>>
      %dma_start3A_63 = arith.constant 0 : i32
      %dma_start3A_64 = tpu.memref_slice %arg5[%arg0, %add3A_61, %dma_start3A_63] : memref<2x10240x128xf32, #tpu.memory_space<hbm>> -> memref<1x128x128xf32, #tpu.memory_space<hbm>>
      %dma_start3A_65 = tpu.memref_squeeze %dma_start3A_64 : memref<1x128x128xf32, #tpu.memory_space<hbm>> -> memref<128x128xf32, #tpu.memory_space<hbm>>
      %dma_start3A_66 = arith.constant 0 : i32
      %dma_start3A_67 = tpu.memref_slice %arg9[%add3A_59, %dma_start3A_66] : memref<10240x128xf32, #tpu.memory_space<vmem_shared>> -> memref<128x128xf32, #tpu.memory_space<vmem_shared>>
      tpu.enqueue_dma source(%dma_start3A_67 : memref<128x128xf32, #tpu.memory_space<vmem_shared>>) target(%dma_start3A_65 : memref<128x128xf32, #tpu.memory_space<hbm>>) target_semaphore(%run_scoped3A_62 : memref<!tpu.dma_semaphore, #tpu.memory_space<semaphore_mem>>)
      %dma_wait3A = arith.constant 0 : i32
      %dma_wait3A_68 = tpu.memref_slice %arg5[%arg0, %add3A_61, %dma_wait3A] : memref<2x10240x128xf32, #tpu.memory_space<hbm>> -> memref<1x128x128xf32, #tpu.memory_space<hbm>>
      %dma_wait3A_69 = tpu.memref_squeeze %dma_wait3A_68 : memref<1x128x128xf32, #tpu.memory_space<hbm>> -> memref<128x128xf32, #tpu.memory_space<hbm>>
      %dma_wait3A_70 = arith.constant 0 : i32
      %dma_wait3A_71 = tpu.memref_slice %arg9[%add3A_59, %dma_wait3A_70] : memref<10240x128xf32, #tpu.memory_space<vmem_shared>> -> memref<128x128xf32, #tpu.memory_space<vmem_shared>>
      tpu.wait_dma2 semaphore(%run_scoped3A_62 : memref<!tpu.dma_semaphore, #tpu.memory_space<semaphore_mem>>) src(%dma_wait3A_71 : memref<128x128xf32, #tpu.memory_space<vmem_shared>>) dst(%dma_wait3A_69 : memref<128x128xf32, #tpu.memory_space<hbm>>)
      tpu.yield
    }) : () -> ()
    return
  }
}

#map = affine_map<(d0, d1) -> (0, 0)>
#map1 = affine_map<(d0, d1) -> (0, 0, 0)>
module attributes {stable_mosaic.version = 14 : i64} {
  func.func @k(%arg0: i32, %arg1: i32, %arg2: memref<10000x128xf32, #tpu.memory_space<hbm>>, %arg3: memref<32x40x128xi32, #tpu.memory_space<hbm>>, %arg4: memref<32x40x128xi32, #tpu.memory_space<hbm>>, %arg5: memref<2x10240x128xf32, #tpu.memory_space<hbm>>, %arg6: memref<40x128xi32, #tpu.memory_space<vmem>>, %arg7: memref<40x128xi32, #tpu.memory_space<vmem>>, %arg8: memref<2x128x128xf32, #tpu.memory_space<vmem>>, %arg9: memref<10240x128xf32, #tpu.memory_space<vmem_shared>>, %arg10: memref<!tpu.dma_semaphore, #tpu.memory_space<semaphore_mem>>, %arg11: memref<!tpu.dma_semaphore, #tpu.memory_space<semaphore_mem>>) attributes {dimension_semantics = [#tpu.dimension_semantics<core_parallel>, #tpu.dimension_semantics<subcore_parallel>], iteration_bounds = array<i64: 2, 16>, scalar_prefetch = 0 : i64, scratch_operands = 6 : i64, tpu.core_type = #tpu.core_type<sc_vector_subcore>, window_params = [{transform_indices = #map}, {transform_indices = #map1}, {transform_indices = #map1}, {transform_indices = #map1}]} {
    %mul3A = arith.constant 16 : i32
    %mul3A_0 = arith.muli %arg0, %mul3A : i32
    %add3A = arith.addi %mul3A_0, %arg1 : i32
    %scan3A = arith.constant 0 : i32
    %scan3A_1 = arith.constant 0 : i32
    %scan3A_2 = arith.constant 1024 : i32
    %scan3A_3 = arith.addi %scan3A_1, %scan3A_2 : i32
    %scan3A_4 = arith.constant 1 : i32
    %scan3A_5 = scf.for %scan3A_62 = %scan3A_1 to %scan3A_3 step %scan3A_4 iter_args(%scan3A_63 = %scan3A) -> (i32)  : i32 {
      %jit3A = arith.constant 8 : i32
      %div3A = arith.divsi %scan3A_62, %jit3A : i32
      %sign3A = arith.constant 0 : i32
      %sign3A_64 = arith.cmpi sgt, %scan3A_62, %sign3A : i32
      %sign3A_65 = arith.extui %sign3A_64 : i1 to i32
      %sign3A_66 = arith.constant 0 : i32
      %sign3A_67 = arith.cmpi slt, %scan3A_62, %sign3A_66 : i32
      %sign3A_68 = arith.extui %sign3A_67 : i1 to i32
      %sign3A_69 = arith.subi %sign3A_65, %sign3A_68 : i32
      %sign3A_70 = arith.constant 0 : i32
      %sign3A_71 = arith.cmpi sgt, %jit3A, %sign3A_70 : i32
      %sign3A_72 = arith.extui %sign3A_71 : i1 to i32
      %sign3A_73 = arith.constant 0 : i32
      %sign3A_74 = arith.cmpi slt, %jit3A, %sign3A_73 : i32
      %sign3A_75 = arith.extui %sign3A_74 : i1 to i32
      %sign3A_76 = arith.subi %sign3A_72, %sign3A_75 : i32
      %ne3A = arith.cmpi ne, %sign3A_69, %sign3A_76 : i32
      %rem3A = arith.remsi %scan3A_62, %jit3A : i32
      %ne3A_77 = arith.constant 0 : i32
      %ne3A_78 = arith.cmpi ne, %rem3A, %ne3A_77 : i32
      %and3A = arith.andi %ne3A, %ne3A_78 : i1
      %sub3A = arith.constant 1 : i32
      %sub3A_79 = arith.subi %div3A, %sub3A : i32
      %select_n3A = arith.select %and3A, %sub3A_79, %div3A : i32
      %jit3A_80 = arith.constant 8 : i32
      %eq3A = arith.constant 0 : i32
      %eq3A_81 = arith.cmpi eq, %jit3A_80, %eq3A : i32
      %jit3A_82 = arith.constant 1 : i32
      %select_n3A_83 = arith.select %eq3A_81, %jit3A_82, %jit3A_80 : i32
      %rem3A_84 = arith.remsi %scan3A_62, %select_n3A_83 : i32
      %ne3A_85 = arith.constant 0 : i32
      %ne3A_86 = arith.cmpi ne, %rem3A_84, %ne3A_85 : i32
      %lt3A = arith.constant 0 : i32
      %lt3A_87 = arith.cmpi slt, %rem3A_84, %lt3A : i32
      %lt3A_88 = arith.constant 0 : i32
      %lt3A_89 = arith.cmpi slt, %select_n3A_83, %lt3A_88 : i32
      %ne3A_90 = arith.xori %lt3A_87, %lt3A_89 : i1
      %and3A_91 = arith.andi %ne3A_90, %ne3A_86 : i1
      %add3A_92 = arith.addi %rem3A_84, %select_n3A_83 : i32
      %select_n3A_93 = arith.select %and3A_91, %add3A_92, %rem3A_84 : i32
      %mul3A_94 = arith.constant 16 : i32
      %mul3A_95 = arith.muli %select_n3A_93, %mul3A_94 : i32
      %broadcast_in_dim3A = arith.constant 0.000000e+00 : f32
      %broadcast_in_dim3A_96 = vector.broadcast %broadcast_in_dim3A : f32 to vector<16xf32>
      %swap3A = arith.constant 0 : i32
      %swap3A_97 = arith.index_cast %swap3A : i32 to index
      %swap3A_98 = arith.index_cast %select_n3A : i32 to index
      %swap3A_99 = arith.index_cast %mul3A_95 : i32 to index
      %swap3A_100 = tpu.vector_load %arg8[%swap3A_97, %swap3A_98, %swap3A_99] {strides = array<i32>} : memref<2x128x128xf32, #tpu.memory_space<vmem>>, vector<1x1x16xf32>,
      %swap3A_101 = vector.shape_cast %swap3A_100 : vector<1x1x16xf32> to vector<16xf32>
      %swap3A_102 = vector.shape_cast %broadcast_in_dim3A_96 : vector<16xf32> to vector<1x1x16xf32>
      tpu.vector_store %arg8[%swap3A_97, %swap3A_98, %swap3A_99], %swap3A_102 {strides = array<i32>} : memref<2x128x128xf32, #tpu.memory_space<vmem>>, vector<1x1x16xf32>,
      %scan3A_103 = arith.constant 0 : i32
      scf.yield %scan3A_103 : i32
    }
    %scan3A_6 = arith.constant 1024 : i32
    %mul3A_7 = arith.constant 640 : i32
    %mul3A_8 = arith.muli %arg1, %mul3A_7 : i32
    %add3A_9 = arith.constant 0 : i32
    %add3A_10 = arith.addi %mul3A_8, %add3A_9 : i32
    %run_scoped3A = arith.constant 0 : i32
    "tpu.region"() ({
      %run_scoped3A_62 = tpu.sem_alloc : memref<!tpu.dma_semaphore, #tpu.memory_space<semaphore_mem>>
      %dma_start3A_63 = arith.constant 0 : i32
      %dma_start3A_64 = arith.constant 0 : i32
      %dma_start3A_65 = tpu.memref_slice %arg8[%run_scoped3A, %dma_start3A_63, %dma_start3A_64] : memref<2x128x128xf32, #tpu.memory_space<vmem>> -> memref<1x128x128xf32, #tpu.memory_space<vmem>>
      %dma_start3A_66 = tpu.memref_squeeze %dma_start3A_65 : memref<1x128x128xf32, #tpu.memory_space<vmem>> -> memref<128x128xf32, #tpu.memory_space<vmem>>
      %dma_start3A_67 = arith.constant 0 : i32
      %dma_start3A_68 = tpu.memref_slice %arg9[%add3A_10, %dma_start3A_67] : memref<10240x128xf32, #tpu.memory_space<vmem_shared>> -> memref<128x128xf32, #tpu.memory_space<vmem_shared>>
      %dma_start3A_69 = arith.constant 0 : i32
      %dma_start3A_70 = tpu.memref_slice %arg9[%add3A_10, %dma_start3A_69] : memref<10240x128xf32, #tpu.memory_space<vmem_shared>> -> memref<128x128xf32, #tpu.memory_space<vmem_shared>>
      %dma_start3A_71 = arith.constant 0 : i32
      %dma_start3A_72 = arith.constant 0 : i32
      %dma_start3A_73 = tpu.memref_slice %arg8[%run_scoped3A, %dma_start3A_71, %dma_start3A_72] : memref<2x128x128xf32, #tpu.memory_space<vmem>> -> memref<1x128x128xf32, #tpu.memory_space<vmem>>
      %dma_start3A_74 = tpu.memref_squeeze %dma_start3A_73 : memref<1x128x128xf32, #tpu.memory_space<vmem>> -> memref<128x128xf32, #tpu.memory_space<vmem>>
      tpu.enqueue_dma source(%dma_start3A_74 : memref<128x128xf32, #tpu.memory_space<vmem>>) target(%dma_start3A_70 : memref<128x128xf32, #tpu.memory_space<vmem_shared>>) target_semaphore(%run_scoped3A_62 : memref<!tpu.dma_semaphore, #tpu.memory_space<semaphore_mem>>)
      %dma_wait3A = arith.constant 0 : i32
      %dma_wait3A_75 = arith.constant 0 : i32
      %dma_wait3A_76 = tpu.memref_slice %arg8[%run_scoped3A, %dma_wait3A, %dma_wait3A_75] : memref<2x128x128xf32, #tpu.memory_space<vmem>> -> memref<1x128x128xf32, #tpu.memory_space<vmem>>
      %dma_wait3A_77 = tpu.memref_squeeze %dma_wait3A_76 : memref<1x128x128xf32, #tpu.memory_space<vmem>> -> memref<128x128xf32, #tpu.memory_space<vmem>>
      %dma_wait3A_78 = arith.constant 0 : i32
      %dma_wait3A_79 = tpu.memref_slice %arg9[%add3A_10, %dma_wait3A_78] : memref<10240x128xf32, #tpu.memory_space<vmem_shared>> -> memref<128x128xf32, #tpu.memory_space<vmem_shared>>
      %dma_wait3A_80 = arith.constant 0 : i32
      %dma_wait3A_81 = tpu.memref_slice %arg9[%add3A_10, %dma_wait3A_80] : memref<10240x128xf32, #tpu.memory_space<vmem_shared>> -> memref<128x128xf32, #tpu.memory_space<vmem_shared>>
      %dma_wait3A_82 = arith.constant 0 : i32
      %dma_wait3A_83 = arith.constant 0 : i32
      %dma_wait3A_84 = tpu.memref_slice %arg8[%run_scoped3A, %dma_wait3A_82, %dma_wait3A_83] : memref<2x128x128xf32, #tpu.memory_space<vmem>> -> memref<1x128x128xf32, #tpu.memory_space<vmem>>
      %dma_wait3A_85 = tpu.memref_squeeze %dma_wait3A_84 : memref<1x128x128xf32, #tpu.memory_space<vmem>> -> memref<128x128xf32, #tpu.memory_space<vmem>>
      tpu.wait_dma2 semaphore(%run_scoped3A_62 : memref<!tpu.dma_semaphore, #tpu.memory_space<semaphore_mem>>) src(%dma_wait3A_85 : memref<128x128xf32, #tpu.memory_space<vmem>>) dst(%dma_wait3A_81 : memref<128x128xf32, #tpu.memory_space<vmem_shared>>)
      tpu.yield
    }) : () -> ()
    %add3A_11 = arith.constant 128 : i32
    %add3A_12 = arith.addi %mul3A_8, %add3A_11 : i32
    %run_scoped3A_13 = arith.constant 0 : i32
    "tpu.region"() ({
      %run_scoped3A_62 = tpu.sem_alloc : memref<!tpu.dma_semaphore, #tpu.memory_space<semaphore_mem>>
      %dma_start3A_63 = arith.constant 0 : i32
      %dma_start3A_64 = arith.constant 0 : i32
      %dma_start3A_65 = tpu.memref_slice %arg8[%run_scoped3A_13, %dma_start3A_63, %dma_start3A_64] : memref<2x128x128xf32, #tpu.memory_space<vmem>> -> memref<1x128x128xf32, #tpu.memory_space<vmem>>
      %dma_start3A_66 = tpu.memref_squeeze %dma_start3A_65 : memref<1x128x128xf32, #tpu.memory_space<vmem>> -> memref<128x128xf32, #tpu.memory_space<vmem>>
      %dma_start3A_67 = arith.constant 0 : i32
      %dma_start3A_68 = tpu.memref_slice %arg9[%add3A_12, %dma_start3A_67] : memref<10240x128xf32, #tpu.memory_space<vmem_shared>> -> memref<128x128xf32, #tpu.memory_space<vmem_shared>>
      %dma_start3A_69 = arith.constant 0 : i32
      %dma_start3A_70 = tpu.memref_slice %arg9[%add3A_12, %dma_start3A_69] : memref<10240x128xf32, #tpu.memory_space<vmem_shared>> -> memref<128x128xf32, #tpu.memory_space<vmem_shared>>
      %dma_start3A_71 = arith.constant 0 : i32
      %dma_start3A_72 = arith.constant 0 : i32
      %dma_start3A_73 = tpu.memref_slice %arg8[%run_scoped3A_13, %dma_start3A_71, %dma_start3A_72] : memref<2x128x128xf32, #tpu.memory_space<vmem>> -> memref<1x128x128xf32, #tpu.memory_space<vmem>>
      %dma_start3A_74 = tpu.memref_squeeze %dma_start3A_73 : memref<1x128x128xf32, #tpu.memory_space<vmem>> -> memref<128x128xf32, #tpu.memory_space<vmem>>
      tpu.enqueue_dma source(%dma_start3A_74 : memref<128x128xf32, #tpu.memory_space<vmem>>) target(%dma_start3A_70 : memref<128x128xf32, #tpu.memory_space<vmem_shared>>) target_semaphore(%run_scoped3A_62 : memref<!tpu.dma_semaphore, #tpu.memory_space<semaphore_mem>>)
      %dma_wait3A = arith.constant 0 : i32
      %dma_wait3A_75 = arith.constant 0 : i32
      %dma_wait3A_76 = tpu.memref_slice %arg8[%run_scoped3A_13, %dma_wait3A, %dma_wait3A_75] : memref<2x128x128xf32, #tpu.memory_space<vmem>> -> memref<1x128x128xf32, #tpu.memory_space<vmem>>
      %dma_wait3A_77 = tpu.memref_squeeze %dma_wait3A_76 : memref<1x128x128xf32, #tpu.memory_space<vmem>> -> memref<128x128xf32, #tpu.memory_space<vmem>>
      %dma_wait3A_78 = arith.constant 0 : i32
      %dma_wait3A_79 = tpu.memref_slice %arg9[%add3A_12, %dma_wait3A_78] : memref<10240x128xf32, #tpu.memory_space<vmem_shared>> -> memref<128x128xf32, #tpu.memory_space<vmem_shared>>
      %dma_wait3A_80 = arith.constant 0 : i32
      %dma_wait3A_81 = tpu.memref_slice %arg9[%add3A_12, %dma_wait3A_80] : memref<10240x128xf32, #tpu.memory_space<vmem_shared>> -> memref<128x128xf32, #tpu.memory_space<vmem_shared>>
      %dma_wait3A_82 = arith.constant 0 : i32
      %dma_wait3A_83 = arith.constant 0 : i32
      %dma_wait3A_84 = tpu.memref_slice %arg8[%run_scoped3A_13, %dma_wait3A_82, %dma_wait3A_83] : memref<2x128x128xf32, #tpu.memory_space<vmem>> -> memref<1x128x128xf32, #tpu.memory_space<vmem>>
      %dma_wait3A_85 = tpu.memref_squeeze %dma_wait3A_84 : memref<1x128x128xf32, #tpu.memory_space<vmem>> -> memref<128x128xf32, #tpu.memory_space<vmem>>
      tpu.wait_dma2 semaphore(%run_scoped3A_62 : memref<!tpu.dma_semaphore, #tpu.memory_space<semaphore_mem>>) src(%dma_wait3A_85 : memref<128x128xf32, #tpu.memory_space<vmem>>) dst(%dma_wait3A_81 : memref<128x128xf32, #tpu.memory_space<vmem_shared>>)
      tpu.yield
    }) : () -> ()
    %add3A_14 = arith.constant 256 : i32
    %add3A_15 = arith.addi %mul3A_8, %add3A_14 : i32
    %run_scoped3A_16 = arith.constant 0 : i32
    "tpu.region"() ({
      %run_scoped3A_62 = tpu.sem_alloc : memref<!tpu.dma_semaphore, #tpu.memory_space<semaphore_mem>>
      %dma_start3A_63 = arith.constant 0 : i32
      %dma_start3A_64 = arith.constant 0 : i32
      %dma_start3A_65 = tpu.memref_slice %arg8[%run_scoped3A_16, %dma_start3A_63, %dma_start3A_64] : memref<2x128x128xf32, #tpu.memory_space<vmem>> -> memref<1x128x128xf32, #tpu.memory_space<vmem>>
      %dma_start3A_66 = tpu.memref_squeeze %dma_start3A_65 : memref<1x128x128xf32, #tpu.memory_space<vmem>> -> memref<128x128xf32, #tpu.memory_space<vmem>>
      %dma_start3A_67 = arith.constant 0 : i32
      %dma_start3A_68 = tpu.memref_slice %arg9[%add3A_15, %dma_start3A_67] : memref<10240x128xf32, #tpu.memory_space<vmem_shared>> -> memref<128x128xf32, #tpu.memory_space<vmem_shared>>
      %dma_start3A_69 = arith.constant 0 : i32
      %dma_start3A_70 = tpu.memref_slice %arg9[%add3A_15, %dma_start3A_69] : memref<10240x128xf32, #tpu.memory_space<vmem_shared>> -> memref<128x128xf32, #tpu.memory_space<vmem_shared>>
      %dma_start3A_71 = arith.constant 0 : i32
      %dma_start3A_72 = arith.constant 0 : i32
      %dma_start3A_73 = tpu.memref_slice %arg8[%run_scoped3A_16, %dma_start3A_71, %dma_start3A_72] : memref<2x128x128xf32, #tpu.memory_space<vmem>> -> memref<1x128x128xf32, #tpu.memory_space<vmem>>
      %dma_start3A_74 = tpu.memref_squeeze %dma_start3A_73 : memref<1x128x128xf32, #tpu.memory_space<vmem>> -> memref<128x128xf32, #tpu.memory_space<vmem>>
      tpu.enqueue_dma source(%dma_start3A_74 : memref<128x128xf32, #tpu.memory_space<vmem>>) target(%dma_start3A_70 : memref<128x128xf32, #tpu.memory_space<vmem_shared>>) target_semaphore(%run_scoped3A_62 : memref<!tpu.dma_semaphore, #tpu.memory_space<semaphore_mem>>)
      %dma_wait3A = arith.constant 0 : i32
      %dma_wait3A_75 = arith.constant 0 : i32
      %dma_wait3A_76 = tpu.memref_slice %arg8[%run_scoped3A_16, %dma_wait3A, %dma_wait3A_75] : memref<2x128x128xf32, #tpu.memory_space<vmem>> -> memref<1x128x128xf32, #tpu.memory_space<vmem>>
      %dma_wait3A_77 = tpu.memref_squeeze %dma_wait3A_76 : memref<1x128x128xf32, #tpu.memory_space<vmem>> -> memref<128x128xf32, #tpu.memory_space<vmem>>
      %dma_wait3A_78 = arith.constant 0 : i32
      %dma_wait3A_79 = tpu.memref_slice %arg9[%add3A_15, %dma_wait3A_78] : memref<10240x128xf32, #tpu.memory_space<vmem_shared>> -> memref<128x128xf32, #tpu.memory_space<vmem_shared>>
      %dma_wait3A_80 = arith.constant 0 : i32
      %dma_wait3A_81 = tpu.memref_slice %arg9[%add3A_15, %dma_wait3A_80] : memref<10240x128xf32, #tpu.memory_space<vmem_shared>> -> memref<128x128xf32, #tpu.memory_space<vmem_shared>>
      %dma_wait3A_82 = arith.constant 0 : i32
      %dma_wait3A_83 = arith.constant 0 : i32
      %dma_wait3A_84 = tpu.memref_slice %arg8[%run_scoped3A_16, %dma_wait3A_82, %dma_wait3A_83] : memref<2x128x128xf32, #tpu.memory_space<vmem>> -> memref<1x128x128xf32, #tpu.memory_space<vmem>>
      %dma_wait3A_85 = tpu.memref_squeeze %dma_wait3A_84 : memref<1x128x128xf32, #tpu.memory_space<vmem>> -> memref<128x128xf32, #tpu.memory_space<vmem>>
      tpu.wait_dma2 semaphore(%run_scoped3A_62 : memref<!tpu.dma_semaphore, #tpu.memory_space<semaphore_mem>>) src(%dma_wait3A_85 : memref<128x128xf32, #tpu.memory_space<vmem>>) dst(%dma_wait3A_81 : memref<128x128xf32, #tpu.memory_space<vmem_shared>>)
      tpu.yield
    }) : () -> ()
    %add3A_17 = arith.constant 384 : i32
    %add3A_18 = arith.addi %mul3A_8, %add3A_17 : i32
    %run_scoped3A_19 = arith.constant 0 : i32
    "tpu.region"() ({
      %run_scoped3A_62 = tpu.sem_alloc : memref<!tpu.dma_semaphore, #tpu.memory_space<semaphore_mem>>
      %dma_start3A_63 = arith.constant 0 : i32
      %dma_start3A_64 = arith.constant 0 : i32
      %dma_start3A_65 = tpu.memref_slice %arg8[%run_scoped3A_19, %dma_start3A_63, %dma_start3A_64] : memref<2x128x128xf32, #tpu.memory_space<vmem>> -> memref<1x128x128xf32, #tpu.memory_space<vmem>>
      %dma_start3A_66 = tpu.memref_squeeze %dma_start3A_65 : memref<1x128x128xf32, #tpu.memory_space<vmem>> -> memref<128x128xf32, #tpu.memory_space<vmem>>
      %dma_start3A_67 = arith.constant 0 : i32
      %dma_start3A_68 = tpu.memref_slice %arg9[%add3A_18, %dma_start3A_67] : memref<10240x128xf32, #tpu.memory_space<vmem_shared>> -> memref<128x128xf32, #tpu.memory_space<vmem_shared>>
      %dma_start3A_69 = arith.constant 0 : i32
      %dma_start3A_70 = tpu.memref_slice %arg9[%add3A_18, %dma_start3A_69] : memref<10240x128xf32, #tpu.memory_space<vmem_shared>> -> memref<128x128xf32, #tpu.memory_space<vmem_shared>>
      %dma_start3A_71 = arith.constant 0 : i32
      %dma_start3A_72 = arith.constant 0 : i32
      %dma_start3A_73 = tpu.memref_slice %arg8[%run_scoped3A_19, %dma_start3A_71, %dma_start3A_72] : memref<2x128x128xf32, #tpu.memory_space<vmem>> -> memref<1x128x128xf32, #tpu.memory_space<vmem>>
      %dma_start3A_74 = tpu.memref_squeeze %dma_start3A_73 : memref<1x128x128xf32, #tpu.memory_space<vmem>> -> memref<128x128xf32, #tpu.memory_space<vmem>>
      tpu.enqueue_dma source(%dma_start3A_74 : memref<128x128xf32, #tpu.memory_space<vmem>>) target(%dma_start3A_70 : memref<128x128xf32, #tpu.memory_space<vmem_shared>>) target_semaphore(%run_scoped3A_62 : memref<!tpu.dma_semaphore, #tpu.memory_space<semaphore_mem>>)
      %dma_wait3A = arith.constant 0 : i32
      %dma_wait3A_75 = arith.constant 0 : i32
      %dma_wait3A_76 = tpu.memref_slice %arg8[%run_scoped3A_19, %dma_wait3A, %dma_wait3A_75] : memref<2x128x128xf32, #tpu.memory_space<vmem>> -> memref<1x128x128xf32, #tpu.memory_space<vmem>>
      %dma_wait3A_77 = tpu.memref_squeeze %dma_wait3A_76 : memref<1x128x128xf32, #tpu.memory_space<vmem>> -> memref<128x128xf32, #tpu.memory_space<vmem>>
      %dma_wait3A_78 = arith.constant 0 : i32
      %dma_wait3A_79 = tpu.memref_slice %arg9[%add3A_18, %dma_wait3A_78] : memref<10240x128xf32, #tpu.memory_space<vmem_shared>> -> memref<128x128xf32, #tpu.memory_space<vmem_shared>>
      %dma_wait3A_80 = arith.constant 0 : i32
      %dma_wait3A_81 = tpu.memref_slice %arg9[%add3A_18, %dma_wait3A_80] : memref<10240x128xf32, #tpu.memory_space<vmem_shared>> -> memref<128x128xf32, #tpu.memory_space<vmem_shared>>
      %dma_wait3A_82 = arith.constant 0 : i32
      %dma_wait3A_83 = arith.constant 0 : i32
      %dma_wait3A_84 = tpu.memref_slice %arg8[%run_scoped3A_19, %dma_wait3A_82, %dma_wait3A_83] : memref<2x128x128xf32, #tpu.memory_space<vmem>> -> memref<1x128x128xf32, #tpu.memory_space<vmem>>
      %dma_wait3A_85 = tpu.memref_squeeze %dma_wait3A_84 : memref<1x128x128xf32, #tpu.memory_space<vmem>> -> memref<128x128xf32, #tpu.memory_space<vmem>>
      tpu.wait_dma2 semaphore(%run_scoped3A_62 : memref<!tpu.dma_semaphore, #tpu.memory_space<semaphore_mem>>) src(%dma_wait3A_85 : memref<128x128xf32, #tpu.memory_space<vmem>>) dst(%dma_wait3A_81 : memref<128x128xf32, #tpu.memory_space<vmem_shared>>)
      tpu.yield
    }) : () -> ()
    %add3A_20 = arith.constant 512 : i32
    %add3A_21 = arith.addi %mul3A_8, %add3A_20 : i32
    %run_scoped3A_22 = arith.constant 0 : i32
    "tpu.region"() ({
      %run_scoped3A_62 = tpu.sem_alloc : memref<!tpu.dma_semaphore, #tpu.memory_space<semaphore_mem>>
      %dma_start3A_63 = arith.constant 0 : i32
      %dma_start3A_64 = arith.constant 0 : i32
      %dma_start3A_65 = tpu.memref_slice %arg8[%run_scoped3A_22, %dma_start3A_63, %dma_start3A_64] : memref<2x128x128xf32, #tpu.memory_space<vmem>> -> memref<1x128x128xf32, #tpu.memory_space<vmem>>
      %dma_start3A_66 = tpu.memref_squeeze %dma_start3A_65 : memref<1x128x128xf32, #tpu.memory_space<vmem>> -> memref<128x128xf32, #tpu.memory_space<vmem>>
      %dma_start3A_67 = arith.constant 0 : i32
      %dma_start3A_68 = tpu.memref_slice %arg9[%add3A_21, %dma_start3A_67] : memref<10240x128xf32, #tpu.memory_space<vmem_shared>> -> memref<128x128xf32, #tpu.memory_space<vmem_shared>>
      %dma_start3A_69 = arith.constant 0 : i32
      %dma_start3A_70 = tpu.memref_slice %arg9[%add3A_21, %dma_start3A_69] : memref<10240x128xf32, #tpu.memory_space<vmem_shared>> -> memref<128x128xf32, #tpu.memory_space<vmem_shared>>
      %dma_start3A_71 = arith.constant 0 : i32
      %dma_start3A_72 = arith.constant 0 : i32
      %dma_start3A_73 = tpu.memref_slice %arg8[%run_scoped3A_22, %dma_start3A_71, %dma_start3A_72] : memref<2x128x128xf32, #tpu.memory_space<vmem>> -> memref<1x128x128xf32, #tpu.memory_space<vmem>>
      %dma_start3A_74 = tpu.memref_squeeze %dma_start3A_73 : memref<1x128x128xf32, #tpu.memory_space<vmem>> -> memref<128x128xf32, #tpu.memory_space<vmem>>
      tpu.enqueue_dma source(%dma_start3A_74 : memref<128x128xf32, #tpu.memory_space<vmem>>) target(%dma_start3A_70 : memref<128x128xf32, #tpu.memory_space<vmem_shared>>) target_semaphore(%run_scoped3A_62 : memref<!tpu.dma_semaphore, #tpu.memory_space<semaphore_mem>>)
      %dma_wait3A = arith.constant 0 : i32
      %dma_wait3A_75 = arith.constant 0 : i32
      %dma_wait3A_76 = tpu.memref_slice %arg8[%run_scoped3A_22, %dma_wait3A, %dma_wait3A_75] : memref<2x128x128xf32, #tpu.memory_space<vmem>> -> memref<1x128x128xf32, #tpu.memory_space<vmem>>
      %dma_wait3A_77 = tpu.memref_squeeze %dma_wait3A_76 : memref<1x128x128xf32, #tpu.memory_space<vmem>> -> memref<128x128xf32, #tpu.memory_space<vmem>>
      %dma_wait3A_78 = arith.constant 0 : i32
      %dma_wait3A_79 = tpu.memref_slice %arg9[%add3A_21, %dma_wait3A_78] : memref<10240x128xf32, #tpu.memory_space<vmem_shared>> -> memref<128x128xf32, #tpu.memory_space<vmem_shared>>
      %dma_wait3A_80 = arith.constant 0 : i32
      %dma_wait3A_81 = tpu.memref_slice %arg9[%add3A_21, %dma_wait3A_80] : memref<10240x128xf32, #tpu.memory_space<vmem_shared>> -> memref<128x128xf32, #tpu.memory_space<vmem_shared>>
      %dma_wait3A_82 = arith.constant 0 : i32
      %dma_wait3A_83 = arith.constant 0 : i32
      %dma_wait3A_84 = tpu.memref_slice %arg8[%run_scoped3A_22, %dma_wait3A_82, %dma_wait3A_83] : memref<2x128x128xf32, #tpu.memory_space<vmem>> -> memref<1x128x128xf32, #tpu.memory_space<vmem>>
      %dma_wait3A_85 = tpu.memref_squeeze %dma_wait3A_84 : memref<1x128x128xf32, #tpu.memory_space<vmem>> -> memref<128x128xf32, #tpu.memory_space<vmem>>
      tpu.wait_dma2 semaphore(%run_scoped3A_62 : memref<!tpu.dma_semaphore, #tpu.memory_space<semaphore_mem>>) src(%dma_wait3A_85 : memref<128x128xf32, #tpu.memory_space<vmem>>) dst(%dma_wait3A_81 : memref<128x128xf32, #tpu.memory_space<vmem_shared>>)
      tpu.yield
    }) : () -> ()
    %barrier3A = arith.constant 0 : index
    tpu.barrier barrier_id(%barrier3A)
    "tpu.region"() ({
      %run_scoped3A_62 = tpu.sem_alloc : memref<!tpu.dma_semaphore, #tpu.memory_space<semaphore_mem>>
      %dma_start3A_63 = arith.constant 0 : i32
      %dma_start3A_64 = arith.constant 0 : i32
      %dma_start3A_65 = tpu.memref_slice %arg3[%add3A, %dma_start3A_63, %dma_start3A_64] : memref<32x40x128xi32, #tpu.memory_space<hbm>> -> memref<1x40x128xi32, #tpu.memory_space<hbm>>
      %dma_start3A_66 = tpu.memref_squeeze %dma_start3A_65 : memref<1x40x128xi32, #tpu.memory_space<hbm>> -> memref<40x128xi32, #tpu.memory_space<hbm>>
      %dma_start3A_67 = arith.constant 0 : i32
      %dma_start3A_68 = arith.constant 0 : i32
      %dma_start3A_69 = tpu.memref_slice %arg3[%add3A, %dma_start3A_67, %dma_start3A_68] : memref<32x40x128xi32, #tpu.memory_space<hbm>> -> memref<1x40x128xi32, #tpu.memory_space<hbm>>
      %dma_start3A_70 = tpu.memref_squeeze %dma_start3A_69 : memref<1x40x128xi32, #tpu.memory_space<hbm>> -> memref<40x128xi32, #tpu.memory_space<hbm>>
      tpu.enqueue_dma source(%dma_start3A_70 : memref<40x128xi32, #tpu.memory_space<hbm>>) target(%arg6 : memref<40x128xi32, #tpu.memory_space<vmem>>) target_semaphore(%run_scoped3A_62 : memref<!tpu.dma_semaphore, #tpu.memory_space<semaphore_mem>>)
      %dma_wait3A = arith.constant 0 : i32
      %dma_wait3A_71 = arith.constant 0 : i32
      %dma_wait3A_72 = tpu.memref_slice %arg3[%add3A, %dma_wait3A, %dma_wait3A_71] : memref<32x40x128xi32, #tpu.memory_space<hbm>> -> memref<1x40x128xi32, #tpu.memory_space<hbm>>
      %dma_wait3A_73 = tpu.memref_squeeze %dma_wait3A_72 : memref<1x40x128xi32, #tpu.memory_space<hbm>> -> memref<40x128xi32, #tpu.memory_space<hbm>>
      %dma_wait3A_74 = arith.constant 0 : i32
      %dma_wait3A_75 = arith.constant 0 : i32
      %dma_wait3A_76 = tpu.memref_slice %arg3[%add3A, %dma_wait3A_74, %dma_wait3A_75] : memref<32x40x128xi32, #tpu.memory_space<hbm>> -> memref<1x40x128xi32, #tpu.memory_space<hbm>>
      %dma_wait3A_77 = tpu.memref_squeeze %dma_wait3A_76 : memref<1x40x128xi32, #tpu.memory_space<hbm>> -> memref<40x128xi32, #tpu.memory_space<hbm>>
      tpu.wait_dma2 semaphore(%run_scoped3A_62 : memref<!tpu.dma_semaphore, #tpu.memory_space<semaphore_mem>>) src(%dma_wait3A_77 : memref<40x128xi32, #tpu.memory_space<hbm>>) dst(%arg6 : memref<40x128xi32, #tpu.memory_space<vmem>>)
      tpu.yield
    }) : () -> ()
    "tpu.region"() ({
      %run_scoped3A_62 = tpu.sem_alloc : memref<!tpu.dma_semaphore, #tpu.memory_space<semaphore_mem>>
      %dma_start3A_63 = arith.constant 0 : i32
      %dma_start3A_64 = arith.constant 0 : i32
      %dma_start3A_65 = tpu.memref_slice %arg4[%add3A, %dma_start3A_63, %dma_start3A_64] : memref<32x40x128xi32, #tpu.memory_space<hbm>> -> memref<1x40x128xi32, #tpu.memory_space<hbm>>
      %dma_start3A_66 = tpu.memref_squeeze %dma_start3A_65 : memref<1x40x128xi32, #tpu.memory_space<hbm>> -> memref<40x128xi32, #tpu.memory_space<hbm>>
      %dma_start3A_67 = arith.constant 0 : i32
      %dma_start3A_68 = arith.constant 0 : i32
      %dma_start3A_69 = tpu.memref_slice %arg4[%add3A, %dma_start3A_67, %dma_start3A_68] : memref<32x40x128xi32, #tpu.memory_space<hbm>> -> memref<1x40x128xi32, #tpu.memory_space<hbm>>
      %dma_start3A_70 = tpu.memref_squeeze %dma_start3A_69 : memref<1x40x128xi32, #tpu.memory_space<hbm>> -> memref<40x128xi32, #tpu.memory_space<hbm>>
      tpu.enqueue_dma source(%dma_start3A_70 : memref<40x128xi32, #tpu.memory_space<hbm>>) target(%arg7 : memref<40x128xi32, #tpu.memory_space<vmem>>) target_semaphore(%run_scoped3A_62 : memref<!tpu.dma_semaphore, #tpu.memory_space<semaphore_mem>>)
      %dma_wait3A = arith.constant 0 : i32
      %dma_wait3A_71 = arith.constant 0 : i32
      %dma_wait3A_72 = tpu.memref_slice %arg4[%add3A, %dma_wait3A, %dma_wait3A_71] : memref<32x40x128xi32, #tpu.memory_space<hbm>> -> memref<1x40x128xi32, #tpu.memory_space<hbm>>
      %dma_wait3A_73 = tpu.memref_squeeze %dma_wait3A_72 : memref<1x40x128xi32, #tpu.memory_space<hbm>> -> memref<40x128xi32, #tpu.memory_space<hbm>>
      %dma_wait3A_74 = arith.constant 0 : i32
      %dma_wait3A_75 = arith.constant 0 : i32
      %dma_wait3A_76 = tpu.memref_slice %arg4[%add3A, %dma_wait3A_74, %dma_wait3A_75] : memref<32x40x128xi32, #tpu.memory_space<hbm>> -> memref<1x40x128xi32, #tpu.memory_space<hbm>>
      %dma_wait3A_77 = tpu.memref_squeeze %dma_wait3A_76 : memref<1x40x128xi32, #tpu.memory_space<hbm>> -> memref<40x128xi32, #tpu.memory_space<hbm>>
      tpu.wait_dma2 semaphore(%run_scoped3A_62 : memref<!tpu.dma_semaphore, #tpu.memory_space<semaphore_mem>>) src(%dma_wait3A_77 : memref<40x128xi32, #tpu.memory_space<hbm>>) dst(%arg7 : memref<40x128xi32, #tpu.memory_space<vmem>>)
      tpu.yield
    }) : () -> ()
    %dma_start3A = arith.constant 0 : i32
    %dma_start3A_23 = arith.constant 0 : i32
    %dma_start3A_24 = arith.constant 0 : i32
    %dma_start3A_25 = arith.constant 0 : i32
    %dma_start3A_26 = tpu.memref_slice %arg8[%dma_start3A_23, %dma_start3A_24, %dma_start3A_25] : memref<2x128x128xf32, #tpu.memory_space<vmem>> -> memref<1x128x128xf32, #tpu.memory_space<vmem>>
    %dma_start3A_27 = tpu.memref_squeeze %dma_start3A_26 : memref<1x128x128xf32, #tpu.memory_space<vmem>> -> memref<128x128xf32, #tpu.memory_space<vmem>>
    %dma_start3A_28 = arith.constant 0 : i32
    %dma_start3A_29 = tpu.memref_slice %arg6[%dma_start3A, %dma_start3A_28] : memref<40x128xi32, #tpu.memory_space<vmem>> -> memref<1x128xi32, #tpu.memory_space<vmem>>
    %dma_start3A_30 = tpu.memref_squeeze %dma_start3A_29 : memref<1x128xi32, #tpu.memory_space<vmem>> -> memref<128xi32, #tpu.memory_space<vmem>>
    %dma_start3A_31 = arith.constant 0 : i32
    %dma_start3A_32 = arith.constant 0 : i32
    %dma_start3A_33 = tpu.memref_slice %arg2[%dma_start3A_31, %dma_start3A_32] : memref<10000x128xf32, #tpu.memory_space<hbm>> -> memref<10000x128xf32, #tpu.memory_space<hbm>>
    tpu.enqueue_indirect_dma source(%dma_start3A_33 : memref<10000x128xf32, #tpu.memory_space<hbm>>) target(%dma_start3A_27 : memref<128x128xf32, #tpu.memory_space<vmem>>) offsets(%dma_start3A_30 : memref<128xi32, #tpu.memory_space<vmem>>) semaphore(%arg10 : memref<!tpu.dma_semaphore, #tpu.memory_space<semaphore_mem>>)
    %scan3A_34 = arith.constant 0 : i32
    %scan3A_35 = arith.constant 0 : i32
    %scan3A_36 = arith.constant 20 : i32
    %scan3A_37 = arith.addi %scan3A_35, %scan3A_36 : i32
    %scan3A_38 = arith.constant 1 : i32
    %scan3A_39 = scf.for %scan3A_62 = %scan3A_35 to %scan3A_37 step %scan3A_38 iter_args(%scan3A_63 = %scan3A_34) -> (i32)  : i32 {
      %mul3A_64 = arith.constant 2 : i32
      %mul3A_65 = arith.muli %mul3A_64, %scan3A_62 : i32
      %add3A_66 = arith.constant 1 : i32
      %add3A_67 = arith.addi %mul3A_65, %add3A_66 : i32
      %dma_start3A_68 = arith.constant 1 : i32
      %dma_start3A_69 = arith.constant 0 : i32
      %dma_start3A_70 = arith.constant 0 : i32
      %dma_start3A_71 = tpu.memref_slice %arg8[%dma_start3A_68, %dma_start3A_69, %dma_start3A_70] : memref<2x128x128xf32, #tpu.memory_space<vmem>> -> memref<1x128x128xf32, #tpu.memory_space<vmem>>
      %dma_start3A_72 = tpu.memref_squeeze %dma_start3A_71 : memref<1x128x128xf32, #tpu.memory_space<vmem>> -> memref<128x128xf32, #tpu.memory_space<vmem>>
      %dma_start3A_73 = arith.constant 0 : i32
      %dma_start3A_74 = tpu.memref_slice %arg6[%add3A_67, %dma_start3A_73] : memref<40x128xi32, #tpu.memory_space<vmem>> -> memref<1x128xi32, #tpu.memory_space<vmem>>
      %dma_start3A_75 = tpu.memref_squeeze %dma_start3A_74 : memref<1x128xi32, #tpu.memory_space<vmem>> -> memref<128xi32, #tpu.memory_space<vmem>>
      %dma_start3A_76 = arith.constant 0 : i32
      %dma_start3A_77 = arith.constant 0 : i32
      %dma_start3A_78 = tpu.memref_slice %arg2[%dma_start3A_76, %dma_start3A_77] : memref<10000x128xf32, #tpu.memory_space<hbm>> -> memref<10000x128xf32, #tpu.memory_space<hbm>>
      tpu.enqueue_indirect_dma source(%dma_start3A_78 : memref<10000x128xf32, #tpu.memory_space<hbm>>) target(%dma_start3A_72 : memref<128x128xf32, #tpu.memory_space<vmem>>) offsets(%dma_start3A_75 : memref<128xi32, #tpu.memory_space<vmem>>) semaphore(%arg11 : memref<!tpu.dma_semaphore, #tpu.memory_space<semaphore_mem>>)
      %dma_wait3A = arith.constant 0 : i32
      %dma_wait3A_79 = arith.constant 0 : i32
      %dma_wait3A_80 = arith.constant 0 : i32
      %dma_wait3A_81 = tpu.memref_slice %arg8[%dma_wait3A, %dma_wait3A_79, %dma_wait3A_80] : memref<2x128x128xf32, #tpu.memory_space<vmem>> -> memref<1x128x128xf32, #tpu.memory_space<vmem>>
      %dma_wait3A_82 = tpu.memref_squeeze %dma_wait3A_81 : memref<1x128x128xf32, #tpu.memory_space<vmem>> -> memref<128x128xf32, #tpu.memory_space<vmem>>
      %dma_wait3A_83 = arith.constant 0 : i32
      %dma_wait3A_84 = tpu.memref_slice %arg6[%mul3A_65, %dma_wait3A_83] : memref<40x128xi32, #tpu.memory_space<vmem>> -> memref<1x128xi32, #tpu.memory_space<vmem>>
      %dma_wait3A_85 = tpu.memref_squeeze %dma_wait3A_84 : memref<1x128xi32, #tpu.memory_space<vmem>> -> memref<128xi32, #tpu.memory_space<vmem>>
      %dma_wait3A_86 = arith.constant 0 : i32
      %dma_wait3A_87 = arith.constant 0 : i32
      %dma_wait3A_88 = tpu.memref_slice %arg2[%dma_wait3A_86, %dma_wait3A_87] : memref<10000x128xf32, #tpu.memory_space<hbm>> -> memref<10000x128xf32, #tpu.memory_space<hbm>>
      tpu.wait_indirect_dma semaphore(%arg10 : memref<!tpu.dma_semaphore, #tpu.memory_space<semaphore_mem>>) src(%dma_wait3A_88 : memref<10000x128xf32, #tpu.memory_space<hbm>>) dst(%dma_wait3A_82 : memref<128x128xf32, #tpu.memory_space<vmem>>)
      %run_scoped3A_89 = arith.constant 0 : i32
      "tpu.region"() ({
        %run_scoped3A_109 = tpu.sem_alloc : memref<!tpu.dma_semaphore, #tpu.memory_space<semaphore_mem>>
        %dma_start3A_110 = arith.constant 0 : i32
        %dma_start3A_111 = arith.constant 0 : i32
        %dma_start3A_112 = tpu.memref_slice %arg8[%run_scoped3A_89, %dma_start3A_110, %dma_start3A_111] : memref<2x128x128xf32, #tpu.memory_space<vmem>> -> memref<1x128x128xf32, #tpu.memory_space<vmem>>
        %dma_start3A_113 = tpu.memref_squeeze %dma_start3A_112 : memref<1x128x128xf32, #tpu.memory_space<vmem>> -> memref<128x128xf32, #tpu.memory_space<vmem>>
        %dma_start3A_114 = arith.constant 0 : i32
        %dma_start3A_115 = tpu.memref_slice %arg7[%mul3A_65, %dma_start3A_114] : memref<40x128xi32, #tpu.memory_space<vmem>> -> memref<1x128xi32, #tpu.memory_space<vmem>>
        %dma_start3A_116 = tpu.memref_squeeze %dma_start3A_115 : memref<1x128xi32, #tpu.memory_space<vmem>> -> memref<128xi32, #tpu.memory_space<vmem>>
        %dma_start3A_117 = arith.constant 0 : i32
        %dma_start3A_118 = arith.constant 0 : i32
        %dma_start3A_119 = tpu.memref_slice %arg9[%dma_start3A_117, %dma_start3A_118] : memref<10240x128xf32, #tpu.memory_space<vmem_shared>> -> memref<10240x128xf32, #tpu.memory_space<vmem_shared>>
        tpu.enqueue_indirect_dma source(%dma_start3A_113 : memref<128x128xf32, #tpu.memory_space<vmem>>) target(%dma_start3A_119 : memref<10240x128xf32, #tpu.memory_space<vmem_shared>>) offsets(%dma_start3A_116 : memref<128xi32, #tpu.memory_space<vmem>>) semaphore(%run_scoped3A_109 : memref<!tpu.dma_semaphore, #tpu.memory_space<semaphore_mem>>) {add = true}
        %dma_wait3A_120 = arith.constant 0 : i32
        %dma_wait3A_121 = arith.constant 0 : i32
        %dma_wait3A_122 = tpu.memref_slice %arg8[%run_scoped3A_89, %dma_wait3A_120, %dma_wait3A_121] : memref<2x128x128xf32, #tpu.memory_space<vmem>> -> memref<1x128x128xf32, #tpu.memory_space<vmem>>
        %dma_wait3A_123 = tpu.memref_squeeze %dma_wait3A_122 : memref<1x128x128xf32, #tpu.memory_space<vmem>> -> memref<128x128xf32, #tpu.memory_space<vmem>>
        %dma_wait3A_124 = arith.constant 0 : i32
        %dma_wait3A_125 = tpu.memref_slice %arg7[%mul3A_65, %dma_wait3A_124] : memref<40x128xi32, #tpu.memory_space<vmem>> -> memref<1x128xi32, #tpu.memory_space<vmem>>
        %dma_wait3A_126 = tpu.memref_squeeze %dma_wait3A_125 : memref<1x128xi32, #tpu.memory_space<vmem>> -> memref<128xi32, #tpu.memory_space<vmem>>
        %dma_wait3A_127 = arith.constant 0 : i32
        %dma_wait3A_128 = arith.constant 0 : i32
        %dma_wait3A_129 = tpu.memref_slice %arg9[%dma_wait3A_127, %dma_wait3A_128] : memref<10240x128xf32, #tpu.memory_space<vmem_shared>> -> memref<10240x128xf32, #tpu.memory_space<vmem_shared>>
        tpu.wait_indirect_dma semaphore(%run_scoped3A_109 : memref<!tpu.dma_semaphore, #tpu.memory_space<semaphore_mem>>) src(%dma_wait3A_123 : memref<128x128xf32, #tpu.memory_space<vmem>>) dst(%dma_wait3A_129 : memref<10240x128xf32, #tpu.memory_space<vmem_shared>>)
        tpu.yield
      }) : () -> ()
      %lt3A = arith.constant 19 : i32
      %lt3A_90 = arith.cmpi slt, %scan3A_62, %lt3A : i32
      %convert_element_type3A = arith.extui %lt3A_90 : i1 to i32
      %cond3A = arith.constant 0 : i32
      %cond3A_91 = arith.cmpi ne, %convert_element_type3A, %cond3A : i32
      scf.if %cond3A_91 {
        %add3A_109 = arith.constant 2 : i32
        %add3A_110 = arith.addi %mul3A_65, %add3A_109 : i32
        %dma_start3A_111 = arith.constant 0 : i32
        %dma_start3A_112 = arith.constant 0 : i32
        %dma_start3A_113 = arith.constant 0 : i32
        %dma_start3A_114 = tpu.memref_slice %arg8[%dma_start3A_111, %dma_start3A_112, %dma_start3A_113] : memref<2x128x128xf32, #tpu.memory_space<vmem>> -> memref<1x128x128xf32, #tpu.memory_space<vmem>>
        %dma_start3A_115 = tpu.memref_squeeze %dma_start3A_114 : memref<1x128x128xf32, #tpu.memory_space<vmem>> -> memref<128x128xf32, #tpu.memory_space<vmem>>
        %dma_start3A_116 = arith.constant 0 : i32
        %dma_start3A_117 = tpu.memref_slice %arg6[%add3A_110, %dma_start3A_116] : memref<40x128xi32, #tpu.memory_space<vmem>> -> memref<1x128xi32, #tpu.memory_space<vmem>>
        %dma_start3A_118 = tpu.memref_squeeze %dma_start3A_117 : memref<1x128xi32, #tpu.memory_space<vmem>> -> memref<128xi32, #tpu.memory_space<vmem>>
        %dma_start3A_119 = arith.constant 0 : i32
        %dma_start3A_120 = arith.constant 0 : i32
        %dma_start3A_121 = tpu.memref_slice %arg2[%dma_start3A_119, %dma_start3A_120] : memref<10000x128xf32, #tpu.memory_space<hbm>> -> memref<10000x128xf32, #tpu.memory_space<hbm>>
        tpu.enqueue_indirect_dma source(%dma_start3A_121 : memref<10000x128xf32, #tpu.memory_space<hbm>>) target(%dma_start3A_115 : memref<128x128xf32, #tpu.memory_space<vmem>>) offsets(%dma_start3A_118 : memref<128xi32, #tpu.memory_space<vmem>>) semaphore(%arg10 : memref<!tpu.dma_semaphore, #tpu.memory_space<semaphore_mem>>)
      } else {
      }
      %add3A_92 = arith.constant 1 : i32
      %add3A_93 = arith.addi %mul3A_65, %add3A_92 : i32
      %dma_wait3A_94 = arith.constant 1 : i32
      %dma_wait3A_95 = arith.constant 0 : i32
      %dma_wait3A_96 = arith.constant 0 : i32
      %dma_wait3A_97 = tpu.memref_slice %arg8[%dma_wait3A_94, %dma_wait3A_95, %dma_wait3A_96] : memref<2x128x128xf32, #tpu.memory_space<vmem>> -> memref<1x128x128xf32, #tpu.memory_space<vmem>>
      %dma_wait3A_98 = tpu.memref_squeeze %dma_wait3A_97 : memref<1x128x128xf32, #tpu.memory_space<vmem>> -> memref<128x128xf32, #tpu.memory_space<vmem>>
      %dma_wait3A_99 = arith.constant 0 : i32
      %dma_wait3A_100 = tpu.memref_slice %arg6[%add3A_93, %dma_wait3A_99] : memref<40x128xi32, #tpu.memory_space<vmem>> -> memref<1x128xi32, #tpu.memory_space<vmem>>
      %dma_wait3A_101 = tpu.memref_squeeze %dma_wait3A_100 : memref<1x128xi32, #tpu.memory_space<vmem>> -> memref<128xi32, #tpu.memory_space<vmem>>
      %dma_wait3A_102 = arith.constant 0 : i32
      %dma_wait3A_103 = arith.constant 0 : i32
      %dma_wait3A_104 = tpu.memref_slice %arg2[%dma_wait3A_102, %dma_wait3A_103] : memref<10000x128xf32, #tpu.memory_space<hbm>> -> memref<10000x128xf32, #tpu.memory_space<hbm>>
      tpu.wait_indirect_dma semaphore(%arg11 : memref<!tpu.dma_semaphore, #tpu.memory_space<semaphore_mem>>) src(%dma_wait3A_104 : memref<10000x128xf32, #tpu.memory_space<hbm>>) dst(%dma_wait3A_98 : memref<128x128xf32, #tpu.memory_space<vmem>>)
      %add3A_105 = arith.constant 1 : i32
      %add3A_106 = arith.addi %mul3A_65, %add3A_105 : i32
      %run_scoped3A_107 = arith.constant 1 : i32
      "tpu.region"() ({
        %run_scoped3A_109 = tpu.sem_alloc : memref<!tpu.dma_semaphore, #tpu.memory_space<semaphore_mem>>
        %dma_start3A_110 = arith.constant 0 : i32
        %dma_start3A_111 = arith.constant 0 : i32
        %dma_start3A_112 = tpu.memref_slice %arg8[%run_scoped3A_107, %dma_start3A_110, %dma_start3A_111] : memref<2x128x128xf32, #tpu.memory_space<vmem>> -> memref<1x128x128xf32, #tpu.memory_space<vmem>>
        %dma_start3A_113 = tpu.memref_squeeze %dma_start3A_112 : memref<1x128x128xf32, #tpu.memory_space<vmem>> -> memref<128x128xf32, #tpu.memory_space<vmem>>
        %dma_start3A_114 = arith.constant 0 : i32
        %dma_start3A_115 = tpu.memref_slice %arg7[%add3A_106, %dma_start3A_114] : memref<40x128xi32, #tpu.memory_space<vmem>> -> memref<1x128xi32, #tpu.memory_space<vmem>>
        %dma_start3A_116 = tpu.memref_squeeze %dma_start3A_115 : memref<1x128xi32, #tpu.memory_space<vmem>> -> memref<128xi32, #tpu.memory_space<vmem>>
        %dma_start3A_117 = arith.constant 0 : i32
        %dma_start3A_118 = arith.constant 0 : i32
        %dma_start3A_119 = tpu.memref_slice %arg9[%dma_start3A_117, %dma_start3A_118] : memref<10240x128xf32, #tpu.memory_space<vmem_shared>> -> memref<10240x128xf32, #tpu.memory_space<vmem_shared>>
        tpu.enqueue_indirect_dma source(%dma_start3A_113 : memref<128x128xf32, #tpu.memory_space<vmem>>) target(%dma_start3A_119 : memref<10240x128xf32, #tpu.memory_space<vmem_shared>>) offsets(%dma_start3A_116 : memref<128xi32, #tpu.memory_space<vmem>>) semaphore(%run_scoped3A_109 : memref<!tpu.dma_semaphore, #tpu.memory_space<semaphore_mem>>) {add = true}
        %dma_wait3A_120 = arith.constant 0 : i32
        %dma_wait3A_121 = arith.constant 0 : i32
        %dma_wait3A_122 = tpu.memref_slice %arg8[%run_scoped3A_107, %dma_wait3A_120, %dma_wait3A_121] : memref<2x128x128xf32, #tpu.memory_space<vmem>> -> memref<1x128x128xf32, #tpu.memory_space<vmem>>
        %dma_wait3A_123 = tpu.memref_squeeze %dma_wait3A_122 : memref<1x128x128xf32, #tpu.memory_space<vmem>> -> memref<128x128xf32, #tpu.memory_space<vmem>>
        %dma_wait3A_124 = arith.constant 0 : i32
        %dma_wait3A_125 = tpu.memref_slice %arg7[%add3A_106, %dma_wait3A_124] : memref<40x128xi32, #tpu.memory_space<vmem>> -> memref<1x128xi32, #tpu.memory_space<vmem>>
        %dma_wait3A_126 = tpu.memref_squeeze %dma_wait3A_125 : memref<1x128xi32, #tpu.memory_space<vmem>> -> memref<128xi32, #tpu.memory_space<vmem>>
        %dma_wait3A_127 = arith.constant 0 : i32
        %dma_wait3A_128 = arith.constant 0 : i32
        %dma_wait3A_129 = tpu.memref_slice %arg9[%dma_wait3A_127, %dma_wait3A_128] : memref<10240x128xf32, #tpu.memory_space<vmem_shared>> -> memref<10240x128xf32, #tpu.memory_space<vmem_shared>>
        tpu.wait_indirect_dma semaphore(%run_scoped3A_109 : memref<!tpu.dma_semaphore, #tpu.memory_space<semaphore_mem>>) src(%dma_wait3A_123 : memref<128x128xf32, #tpu.memory_space<vmem>>) dst(%dma_wait3A_129 : memref<10240x128xf32, #tpu.memory_space<vmem_shared>>)
        tpu.yield
      }) : () -> ()
      %scan3A_108 = arith.constant 0 : i32
      scf.yield %scan3A_108 : i32
    }
    %scan3A_40 = arith.constant 20 : i32
    %barrier3A_41 = arith.constant 0 : index
    tpu.barrier barrier_id(%barrier3A_41)
    %add3A_42 = arith.constant 0 : i32
    %add3A_43 = arith.addi %mul3A_8, %add3A_42 : i32
    %add3A_44 = arith.constant 0 : i32
    %add3A_45 = arith.addi %mul3A_8, %add3A_44 : i32
    "tpu.region"() ({
      %run_scoped3A_62 = tpu.sem_alloc : memref<!tpu.dma_semaphore, #tpu.memory_space<semaphore_mem>>
      %dma_start3A_63 = arith.constant 0 : i32
      %dma_start3A_64 = tpu.memref_slice %arg5[%arg0, %add3A_45, %dma_start3A_63] : memref<2x10240x128xf32, #tpu.memory_space<hbm>> -> memref<1x128x128xf32, #tpu.memory_space<hbm>>
      %dma_start3A_65 = tpu.memref_squeeze %dma_start3A_64 : memref<1x128x128xf32, #tpu.memory_space<hbm>> -> memref<128x128xf32, #tpu.memory_space<hbm>>
      %dma_start3A_66 = arith.constant 0 : i32
      %dma_start3A_67 = tpu.memref_slice %arg9[%add3A_43, %dma_start3A_66] : memref<10240x128xf32, #tpu.memory_space<vmem_shared>> -> memref<128x128xf32, #tpu.memory_space<vmem_shared>>
      tpu.enqueue_dma source(%dma_start3A_67 : memref<128x128xf32, #tpu.memory_space<vmem_shared>>) target(%dma_start3A_65 : memref<128x128xf32, #tpu.memory_space<hbm>>) target_semaphore(%run_scoped3A_62 : memref<!tpu.dma_semaphore, #tpu.memory_space<semaphore_mem>>)
      %dma_wait3A = arith.constant 0 : i32
      %dma_wait3A_68 = tpu.memref_slice %arg5[%arg0, %add3A_45, %dma_wait3A] : memref<2x10240x128xf32, #tpu.memory_space<hbm>> -> memref<1x128x128xf32, #tpu.memory_space<hbm>>
      %dma_wait3A_69 = tpu.memref_squeeze %dma_wait3A_68 : memref<1x128x128xf32, #tpu.memory_space<hbm>> -> memref<128x128xf32, #tpu.memory_space<hbm>>
      %dma_wait3A_70 = arith.constant 0 : i32
      %dma_wait3A_71 = tpu.memref_slice %arg9[%add3A_43, %dma_wait3A_70] : memref<10240x128xf32, #tpu.memory_space<vmem_shared>> -> memref<128x128xf32, #tpu.memory_space<vmem_shared>>
      tpu.wait_dma2 semaphore(%run_scoped3A_62 : memref<!tpu.dma_semaphore, #tpu.memory_space<semaphore_mem>>) src(%dma_wait3A_71 : memref<128x128xf32, #tpu.memory_space<vmem_shared>>) dst(%dma_wait3A_69 : memref<128x128xf32, #tpu.memory_space<hbm>>)
      tpu.yield
    }) : () -> ()
    %add3A_46 = arith.constant 128 : i32
    %add3A_47 = arith.addi %mul3A_8, %add3A_46 : i32
    %add3A_48 = arith.constant 128 : i32
    %add3A_49 = arith.addi %mul3A_8, %add3A_48 : i32
    "tpu.region"() ({
      %run_scoped3A_62 = tpu.sem_alloc : memref<!tpu.dma_semaphore, #tpu.memory_space<semaphore_mem>>
      %dma_start3A_63 = arith.constant 0 : i32
      %dma_start3A_64 = tpu.memref_slice %arg5[%arg0, %add3A_49, %dma_start3A_63] : memref<2x10240x128xf32, #tpu.memory_space<hbm>> -> memref<1x128x128xf32, #tpu.memory_space<hbm>>
      %dma_start3A_65 = tpu.memref_squeeze %dma_start3A_64 : memref<1x128x128xf32, #tpu.memory_space<hbm>> -> memref<128x128xf32, #tpu.memory_space<hbm>>
      %dma_start3A_66 = arith.constant 0 : i32
      %dma_start3A_67 = tpu.memref_slice %arg9[%add3A_47, %dma_start3A_66] : memref<10240x128xf32, #tpu.memory_space<vmem_shared>> -> memref<128x128xf32, #tpu.memory_space<vmem_shared>>
      tpu.enqueue_dma source(%dma_start3A_67 : memref<128x128xf32, #tpu.memory_space<vmem_shared>>) target(%dma_start3A_65 : memref<128x128xf32, #tpu.memory_space<hbm>>) target_semaphore(%run_scoped3A_62 : memref<!tpu.dma_semaphore, #tpu.memory_space<semaphore_mem>>)
      %dma_wait3A = arith.constant 0 : i32
      %dma_wait3A_68 = tpu.memref_slice %arg5[%arg0, %add3A_49, %dma_wait3A] : memref<2x10240x128xf32, #tpu.memory_space<hbm>> -> memref<1x128x128xf32, #tpu.memory_space<hbm>>
      %dma_wait3A_69 = tpu.memref_squeeze %dma_wait3A_68 : memref<1x128x128xf32, #tpu.memory_space<hbm>> -> memref<128x128xf32, #tpu.memory_space<hbm>>
      %dma_wait3A_70 = arith.constant 0 : i32
      %dma_wait3A_71 = tpu.memref_slice %arg9[%add3A_47, %dma_wait3A_70] : memref<10240x128xf32, #tpu.memory_space<vmem_shared>> -> memref<128x128xf32, #tpu.memory_space<vmem_shared>>
      tpu.wait_dma2 semaphore(%run_scoped3A_62 : memref<!tpu.dma_semaphore, #tpu.memory_space<semaphore_mem>>) src(%dma_wait3A_71 : memref<128x128xf32, #tpu.memory_space<vmem_shared>>) dst(%dma_wait3A_69 : memref<128x128xf32, #tpu.memory_space<hbm>>)
      tpu.yield
    }) : () -> ()
    %add3A_50 = arith.constant 256 : i32
    %add3A_51 = arith.addi %mul3A_8, %add3A_50 : i32
    %add3A_52 = arith.constant 256 : i32
    %add3A_53 = arith.addi %mul3A_8, %add3A_52 : i32
    "tpu.region"() ({
      %run_scoped3A_62 = tpu.sem_alloc : memref<!tpu.dma_semaphore, #tpu.memory_space<semaphore_mem>>
      %dma_start3A_63 = arith.constant 0 : i32
      %dma_start3A_64 = tpu.memref_slice %arg5[%arg0, %add3A_53, %dma_start3A_63] : memref<2x10240x128xf32, #tpu.memory_space<hbm>> -> memref<1x128x128xf32, #tpu.memory_space<hbm>>
      %dma_start3A_65 = tpu.memref_squeeze %dma_start3A_64 : memref<1x128x128xf32, #tpu.memory_space<hbm>> -> memref<128x128xf32, #tpu.memory_space<hbm>>
      %dma_start3A_66 = arith.constant 0 : i32
      %dma_start3A_67 = tpu.memref_slice %arg9[%add3A_51, %dma_start3A_66] : memref<10240x128xf32, #tpu.memory_space<vmem_shared>> -> memref<128x128xf32, #tpu.memory_space<vmem_shared>>
      tpu.enqueue_dma source(%dma_start3A_67 : memref<128x128xf32, #tpu.memory_space<vmem_shared>>) target(%dma_start3A_65 : memref<128x128xf32, #tpu.memory_space<hbm>>) target_semaphore(%run_scoped3A_62 : memref<!tpu.dma_semaphore, #tpu.memory_space<semaphore_mem>>)
      %dma_wait3A = arith.constant 0 : i32
      %dma_wait3A_68 = tpu.memref_slice %arg5[%arg0, %add3A_53, %dma_wait3A] : memref<2x10240x128xf32, #tpu.memory_space<hbm>> -> memref<1x128x128xf32, #tpu.memory_space<hbm>>
      %dma_wait3A_69 = tpu.memref_squeeze %dma_wait3A_68 : memref<1x128x128xf32, #tpu.memory_space<hbm>> -> memref<128x128xf32, #tpu.memory_space<hbm>>
      %dma_wait3A_70 = arith.constant 0 : i32
      %dma_wait3A_71 = tpu.memref_slice %arg9[%add3A_51, %dma_wait3A_70] : memref<10240x128xf32, #tpu.memory_space<vmem_shared>> -> memref<128x128xf32, #tpu.memory_space<vmem_shared>>
      tpu.wait_dma2 semaphore(%run_scoped3A_62 : memref<!tpu.dma_semaphore, #tpu.memory_space<semaphore_mem>>) src(%dma_wait3A_71 : memref<128x128xf32, #tpu.memory_space<vmem_shared>>) dst(%dma_wait3A_69 : memref<128x128xf32, #tpu.memory_space<hbm>>)
      tpu.yield
    }) : () -> ()
    %add3A_54 = arith.constant 384 : i32
    %add3A_55 = arith.addi %mul3A_8, %add3A_54 : i32
    %add3A_56 = arith.constant 384 : i32
    %add3A_57 = arith.addi %mul3A_8, %add3A_56 : i32
    "tpu.region"() ({
      %run_scoped3A_62 = tpu.sem_alloc : memref<!tpu.dma_semaphore, #tpu.memory_space<semaphore_mem>>
      %dma_start3A_63 = arith.constant 0 : i32
      %dma_start3A_64 = tpu.memref_slice %arg5[%arg0, %add3A_57, %dma_start3A_63] : memref<2x10240x128xf32, #tpu.memory_space<hbm>> -> memref<1x128x128xf32, #tpu.memory_space<hbm>>
      %dma_start3A_65 = tpu.memref_squeeze %dma_start3A_64 : memref<1x128x128xf32, #tpu.memory_space<hbm>> -> memref<128x128xf32, #tpu.memory_space<hbm>>
      %dma_start3A_66 = arith.constant 0 : i32
      %dma_start3A_67 = tpu.memref_slice %arg9[%add3A_55, %dma_start3A_66] : memref<10240x128xf32, #tpu.memory_space<vmem_shared>> -> memref<128x128xf32, #tpu.memory_space<vmem_shared>>
      tpu.enqueue_dma source(%dma_start3A_67 : memref<128x128xf32, #tpu.memory_space<vmem_shared>>) target(%dma_start3A_65 : memref<128x128xf32, #tpu.memory_space<hbm>>) target_semaphore(%run_scoped3A_62 : memref<!tpu.dma_semaphore, #tpu.memory_space<semaphore_mem>>)
      %dma_wait3A = arith.constant 0 : i32
      %dma_wait3A_68 = tpu.memref_slice %arg5[%arg0, %add3A_57, %dma_wait3A] : memref<2x10240x128xf32, #tpu.memory_space<hbm>> -> memref<1x128x128xf32, #tpu.memory_space<hbm>>
      %dma_wait3A_69 = tpu.memref_squeeze %dma_wait3A_68 : memref<1x128x128xf32, #tpu.memory_space<hbm>> -> memref<128x128xf32, #tpu.memory_space<hbm>>
      %dma_wait3A_70 = arith.constant 0 : i32
      %dma_wait3A_71 = tpu.memref_slice %arg9[%add3A_55, %dma_wait3A_70] : memref<10240x128xf32, #tpu.memory_space<vmem_shared>> -> memref<128x128xf32, #tpu.memory_space<vmem_shared>>
      tpu.wait_dma2 semaphore(%run_scoped3A_62 : memref<!tpu.dma_semaphore, #tpu.memory_space<semaphore_mem>>) src(%dma_wait3A_71 : memref<128x128xf32, #tpu.memory_space<vmem_shared>>) dst(%dma_wait3A_69 : memref<128x128xf32, #tpu.memory_space<hbm>>)
      tpu.yield
    }) : () -> ()
    %add3A_58 = arith.constant 512 : i32
    %add3A_59 = arith.addi %mul3A_8, %add3A_58 : i32
    %add3A_60 = arith.constant 512 : i32
    %add3A_61 = arith.addi %mul3A_8, %add3A_60 : i32
    "tpu.region"() ({
      %run_scoped3A_62 = tpu.sem_alloc : memref<!tpu.dma_semaphore, #tpu.memory_space<semaphore_mem>>
      %dma_start3A_63 = arith.constant 0 : i32
      %dma_start3A_64 = tpu.memref_slice %arg5[%arg0, %add3A_61, %dma_start3A_63] : memref<2x10240x128xf32, #tpu.memory_space<hbm>> -> memref<1x128x128xf32, #tpu.memory_space<hbm>>
      %dma_start3A_65 = tpu.memref_squeeze %dma_start3A_64 : memref<1x128x128xf32, #tpu.memory_space<hbm>> -> memref<128x128xf32, #tpu.memory_space<hbm>>
      %dma_start3A_66 = arith.constant 0 : i32
      %dma_start3A_67 = tpu.memref_slice %arg9[%add3A_59, %dma_start3A_66] : memref<10240x128xf32, #tpu.memory_space<vmem_shared>> -> memref<128x128xf32, #tpu.memory_space<vmem_shared>>
      tpu.enqueue_dma source(%dma_start3A_67 : memref<128x128xf32, #tpu.memory_space<vmem_shared>>) target(%dma_start3A_65 : memref<128x128xf32, #tpu.memory_space<hbm>>) target_semaphore(%run_scoped3A_62 : memref<!tpu.dma_semaphore, #tpu.memory_space<semaphore_mem>>)
      %dma_wait3A = arith.constant 0 : i32
      %dma_wait3A_68 = tpu.memref_slice %arg5[%arg0, %add3A_61, %dma_wait3A] : memref<2x10240x128xf32, #tpu.memory_space<hbm>> -> memref<1x128x128xf32, #tpu.memory_space<hbm>>
      %dma_wait3A_69 = tpu.memref_squeeze %dma_wait3A_68 : memref<1x128x128xf32, #tpu.memory_space<hbm>> -> memref<128x128xf32, #tpu.memory_space<hbm>>
      %dma_wait3A_70 = arith.constant 0 : i32
      %dma_wait3A_71 = tpu.memref_slice %arg9[%add3A_59, %dma_wait3A_70] : memref<10240x128xf32, #tpu.memory_space<vmem_shared>> -> memref<128x128xf32, #tpu.memory_space<vmem_shared>>
      tpu.wait_dma2 semaphore(%run_scoped3A_62 : memref<!tpu.dma_semaphore, #tpu.memory_space<semaphore_mem>>) src(%dma_wait3A_71 : memref<128x128xf32, #tpu.memory_space<vmem_shared>>) dst(%dma_wait3A_69 : memref<128x128xf32, #tpu.memory_space<hbm>>)
      tpu.yield
    }) : () -> ()
    return
  }
}

module attributes {stable_mosaic.version = 14 : i64} {
  func.func @_tc_pre_body(%arg0: i32, %arg1: memref<1000x128xf32, #tpu.memory_space<vmem>>, %arg2: memref<128x128xf32, #tpu.memory_space<vmem>>, %arg3: memref<1x1000x128xf32, #tpu.memory_space<vmem>>, %arg4: memref<1x1000x128xf32, #tpu.memory_space<vmem>>, %arg5: memref<1000x128xf32, #tpu.memory_space<vmem>>, %arg6: memref<1000x1xf32, #tpu.memory_space<vmem>>) attributes {dimension_semantics = [#tpu.dimension_semantics<arbitrary>], iteration_bounds = array<i64: 10>, scalar_prefetch = 0 : i64, scratch_operands = 0 : i64, tpu.core_type = #tpu.core_type<tc>, window_params = [{transform_indices = @transform_0, window_bounds = array<i64: 1000, 128>}, {pipeline_mode = #tpu.pipeline_mode<synchronous>, transform_indices = @transform_1, window_bounds = array<i64: 128, 128>}, {transform_indices = @transform_2, window_bounds = array<i64: 1, 1000, 128>}, {transform_indices = @transform_3, window_bounds = array<i64: 1, 1000, 128>}, {transform_indices = @transform_4, window_bounds = array<i64: 1000, 128>}, {transform_indices = @transform_5, window_bounds = array<i64: 1000, 1>}]} {
    %get3A = arith.constant 0 : index
    %get3A_0 = arith.constant 0 : index
    %get3A_1 = arith.constant 0 : index
    %get3A_2 = vector.load %arg3[%get3A, %get3A_0, %get3A_1] : memref<1x1000x128xf32, #tpu.memory_space<vmem>>, vector<1x1000x1xf32>
    %get3A_3 = vector.shape_cast %get3A_2 : vector<1x1000x1xf32> to vector<1000x1xf32>
    %get3A_4 = arith.constant 0 : index
    %get3A_5 = arith.constant 0 : index
    %get3A_6 = arith.constant 0 : index
    %get3A_7 = vector.load %arg4[%get3A_4, %get3A_5, %get3A_6] : memref<1x1000x128xf32, #tpu.memory_space<vmem>>, vector<1x1000x1xf32>
    %get3A_8 = vector.shape_cast %get3A_7 : vector<1x1000x1xf32> to vector<1000x1xf32>
    %add3A = arith.addf %get3A_3, %get3A_8 : vector<1000x1xf32>
    %add3A_9 = arith.constant 1.000000e+00 : f32
    %add3A_10 = vector.broadcast %add3A_9 : f32 to vector<1000x1xf32>
    %add3A_11 = arith.addf %add3A_10, %add3A : vector<1000x1xf32>
    %max3A = arith.constant 1.000000e+00 : f32
    %max3A_12 = vector.broadcast %max3A : f32 to vector<1000x1xf32>
    %max3A_13 = arith.maximumf %add3A_11, %max3A_12 : vector<1000x1xf32>
    %rsqrt3A = math.rsqrt %max3A_13 : vector<1000x1xf32>
    %swap3A = arith.constant 0 : index
    %swap3A_14 = arith.constant 0 : index
    %swap3A_15 = vector.load %arg6[%swap3A, %swap3A_14] : memref<1000x1xf32, #tpu.memory_space<vmem>>, vector<1000x1xf32>
    tpu.vector_store %arg6[%swap3A, %swap3A_14], %rsqrt3A {strides = array<i32>} : memref<1000x1xf32, #tpu.memory_space<vmem>>, vector<1000x1xf32>,
    %get3A_16 = arith.constant 0 : index
    %get3A_17 = arith.constant 0 : index
    %get3A_18 = vector.load %arg1[%get3A_16, %get3A_17] : memref<1000x128xf32, #tpu.memory_space<vmem>>, vector<1000x128xf32>
    %get3A_19 = arith.constant 0 : index
    %get3A_20 = arith.constant 0 : index
    %get3A_21 = vector.load %arg2[%get3A_19, %get3A_20] : memref<128x128xf32, #tpu.memory_space<vmem>>, vector<128x128xf32>
    %dot_general3A = arith.constant dense<0.000000e+00> : vector<1000x128xf32>
    %dot_general3A_22 = tpu.matmul %get3A_18, %get3A_21, %dot_general3A {dimension_numbers = #tpu.dot_dimension_numbers<[1], [0], [0], [1], [0, 0, 1, 1], [], []>, transpose_lhs_hint = false} : vector<1000x128xf32>, vector<128x128xf32>, vector<1000x128xf32> -> vector<1000x128xf32>
    %mul3A = vector.broadcast %rsqrt3A : vector<1000x1xf32> to vector<1000x128xf32>
    %mul3A_23 = arith.mulf %dot_general3A_22, %mul3A : vector<1000x128xf32>
    %swap3A_24 = arith.constant 0 : index
    %swap3A_25 = arith.constant 0 : index
    %swap3A_26 = vector.load %arg5[%swap3A_24, %swap3A_25] : memref<1000x128xf32, #tpu.memory_space<vmem>>, vector<1000x128xf32>
    tpu.vector_store %arg5[%swap3A_24, %swap3A_25], %mul3A_23 {strides = array<i32>} : memref<1000x128xf32, #tpu.memory_space<vmem>>, vector<1000x128xf32>,
    return
  }
  func.func @transform_0(%arg0: i32) -> (i32, i32) {
    %c0_i32 = arith.constant 0 : i32
    %c0_i32_0 = arith.constant 0 : i32
    return %arg0, %c0_i32 : i32, i32
  }
  func.func @transform_1(%arg0: i32) -> (i32, i32) {
    %c0_i32 = arith.constant 0 : i32
    %c0_i32_0 = arith.constant 0 : i32
    %c0_i32_1 = arith.constant 0 : i32
    return %c0_i32, %c0_i32_0 : i32, i32
  }
  func.func @transform_2(%arg0: i32) -> (i32, i32, i32) {
    %c0_i32 = arith.constant 0 : i32
    %c0_i32_0 = arith.constant 0 : i32
    %c0_i32_1 = arith.constant 0 : i32
    return %c0_i32, %arg0, %c0_i32_0 : i32, i32, i32
  }
  func.func @transform_3(%arg0: i32) -> (i32, i32, i32) {
    %c1_i32 = arith.constant 1 : i32
    %c0_i32 = arith.constant 0 : i32
    %c0_i32_0 = arith.constant 0 : i32
    return %c1_i32, %arg0, %c0_i32 : i32, i32, i32
  }
  func.func @transform_4(%arg0: i32) -> (i32, i32) {
    %c0_i32 = arith.constant 0 : i32
    %c0_i32_0 = arith.constant 0 : i32
    return %arg0, %c0_i32 : i32, i32
  }
  func.func @transform_5(%arg0: i32) -> (i32, i32) {
    %c0_i32 = arith.constant 0 : i32
    %c0_i32_0 = arith.constant 0 : i32
    return %arg0, %c0_i32 : i32, i32
  }
}

module attributes {stable_mosaic.version = 14 : i64} {
  func.func @_tc_mid_body(%arg0: i32, %arg1: memref<1x1000x128xf32, #tpu.memory_space<vmem>>, %arg2: memref<1x1000x128xf32, #tpu.memory_space<vmem>>, %arg3: memref<1x1000x128xf32, #tpu.memory_space<vmem>>, %arg4: memref<1x1000x128xf32, #tpu.memory_space<vmem>>, %arg5: memref<1000x128xf32, #tpu.memory_space<vmem>>, %arg6: memref<1000x1xf32, #tpu.memory_space<vmem>>, %arg7: memref<1x128xf32, #tpu.memory_space<vmem>>, %arg8: memref<128x128xf32, #tpu.memory_space<vmem>>, %arg9: memref<1000x128xf32, #tpu.memory_space<vmem>>) attributes {dimension_semantics = [#tpu.dimension_semantics<arbitrary>], iteration_bounds = array<i64: 10>, scalar_prefetch = 0 : i64, scratch_operands = 0 : i64, tpu.core_type = #tpu.core_type<tc>, window_params = [{transform_indices = @transform_0, window_bounds = array<i64: 1, 1000, 128>}, {transform_indices = @transform_1, window_bounds = array<i64: 1, 1000, 128>}, {transform_indices = @transform_2, window_bounds = array<i64: 1, 1000, 128>}, {transform_indices = @transform_3, window_bounds = array<i64: 1, 1000, 128>}, {transform_indices = @transform_4, window_bounds = array<i64: 1000, 128>}, {transform_indices = @transform_5, window_bounds = array<i64: 1000, 1>}, {pipeline_mode = #tpu.pipeline_mode<synchronous>, transform_indices = @transform_6, window_bounds = array<i64: 1, 128>}, {pipeline_mode = #tpu.pipeline_mode<synchronous>, transform_indices = @transform_7, window_bounds = array<i64: 128, 128>}, {transform_indices = @transform_8, window_bounds = array<i64: 1000, 128>}]} {
    %get3A = arith.constant 0 : index
    %get3A_0 = arith.constant 0 : index
    %get3A_1 = vector.load %arg6[%get3A, %get3A_0] : memref<1000x1xf32, #tpu.memory_space<vmem>>, vector<1000x1xf32>
    %get3A_2 = arith.constant 0 : index
    %get3A_3 = arith.constant 0 : index
    %get3A_4 = arith.constant 0 : index
    %get3A_5 = vector.load %arg1[%get3A_2, %get3A_3, %get3A_4] : memref<1x1000x128xf32, #tpu.memory_space<vmem>>, vector<1x1000x128xf32>
    %get3A_6 = vector.shape_cast %get3A_5 : vector<1x1000x128xf32> to vector<1000x128xf32>
    %get3A_7 = arith.constant 0 : index
    %get3A_8 = arith.constant 0 : index
    %get3A_9 = arith.constant 0 : index
    %get3A_10 = vector.load %arg2[%get3A_7, %get3A_8, %get3A_9] : memref<1x1000x128xf32, #tpu.memory_space<vmem>>, vector<1x1000x128xf32>
    %get3A_11 = vector.shape_cast %get3A_10 : vector<1x1000x128xf32> to vector<1000x128xf32>
    %add3A = arith.addf %get3A_6, %get3A_11 : vector<1000x128xf32>
    %get3A_12 = arith.constant 0 : index
    %get3A_13 = arith.constant 0 : index
    %get3A_14 = arith.constant 0 : index
    %get3A_15 = vector.load %arg3[%get3A_12, %get3A_13, %get3A_14] : memref<1x1000x128xf32, #tpu.memory_space<vmem>>, vector<1x1000x128xf32>
    %get3A_16 = vector.shape_cast %get3A_15 : vector<1x1000x128xf32> to vector<1000x128xf32>
    %get3A_17 = arith.constant 0 : index
    %get3A_18 = arith.constant 0 : index
    %get3A_19 = arith.constant 0 : index
    %get3A_20 = vector.load %arg4[%get3A_17, %get3A_18, %get3A_19] : memref<1x1000x128xf32, #tpu.memory_space<vmem>>, vector<1x1000x128xf32>
    %get3A_21 = vector.shape_cast %get3A_20 : vector<1x1000x128xf32> to vector<1000x128xf32>
    %add3A_22 = arith.addf %get3A_16, %get3A_21 : vector<1000x128xf32>
    %add3A_23 = arith.addf %add3A, %add3A_22 : vector<1000x128xf32>
    %get3A_24 = arith.constant 0 : index
    %get3A_25 = arith.constant 0 : index
    %get3A_26 = vector.load %arg5[%get3A_24, %get3A_25] : memref<1000x128xf32, #tpu.memory_space<vmem>>, vector<1000x128xf32>
    %add3A_27 = arith.addf %add3A_23, %get3A_26 : vector<1000x128xf32>
    %mul3A = vector.broadcast %get3A_1 : vector<1000x1xf32> to vector<1000x128xf32>
    %mul3A_28 = arith.mulf %mul3A, %add3A_27 : vector<1000x128xf32>
    %get3A_29 = arith.constant 0 : index
    %get3A_30 = arith.constant 0 : index
    %get3A_31 = vector.load %arg7[%get3A_29, %get3A_30] : memref<1x128xf32, #tpu.memory_space<vmem>>, vector<1x128xf32>
    %add3A_32 = vector.broadcast %get3A_31 : vector<1x128xf32> to vector<1000x128xf32>
    %add3A_33 = arith.addf %mul3A_28, %add3A_32 : vector<1000x128xf32>
    %max3A = arith.constant 0.000000e+00 : f32
    %max3A_34 = vector.broadcast %max3A : f32 to vector<1000x128xf32>
    %max3A_35 = arith.maximumf %add3A_33, %max3A_34 : vector<1000x128xf32>
    %get3A_36 = arith.constant 0 : index
    %get3A_37 = arith.constant 0 : index
    %get3A_38 = vector.load %arg8[%get3A_36, %get3A_37] : memref<128x128xf32, #tpu.memory_space<vmem>>, vector<128x128xf32>
    %dot_general3A = arith.constant dense<0.000000e+00> : vector<1000x128xf32>
    %dot_general3A_39 = tpu.matmul %max3A_35, %get3A_38, %dot_general3A {dimension_numbers = #tpu.dot_dimension_numbers<[1], [0], [0], [1], [0, 0, 1, 1], [], []>, transpose_lhs_hint = false} : vector<1000x128xf32>, vector<128x128xf32>, vector<1000x128xf32> -> vector<1000x128xf32>
    %mul3A_40 = vector.broadcast %get3A_1 : vector<1000x1xf32> to vector<1000x128xf32>
    %mul3A_41 = arith.mulf %dot_general3A_39, %mul3A_40 : vector<1000x128xf32>
    %swap3A = arith.constant 0 : index
    %swap3A_42 = arith.constant 0 : index
    %swap3A_43 = vector.load %arg9[%swap3A, %swap3A_42] : memref<1000x128xf32, #tpu.memory_space<vmem>>, vector<1000x128xf32>
    tpu.vector_store %arg9[%swap3A, %swap3A_42], %mul3A_41 {strides = array<i32>} : memref<1000x128xf32, #tpu.memory_space<vmem>>, vector<1000x128xf32>,
    return
  }
  func.func @transform_0(%arg0: i32) -> (i32, i32, i32) {
    %c0_i32 = arith.constant 0 : i32
    %c0_i32_0 = arith.constant 0 : i32
    %c0_i32_1 = arith.constant 0 : i32
    return %c0_i32, %arg0, %c0_i32_0 : i32, i32, i32
  }
  func.func @transform_1(%arg0: i32) -> (i32, i32, i32) {
    %c1_i32 = arith.constant 1 : i32
    %c0_i32 = arith.constant 0 : i32
    %c0_i32_0 = arith.constant 0 : i32
    return %c1_i32, %arg0, %c0_i32 : i32, i32, i32
  }
  func.func @transform_2(%arg0: i32) -> (i32, i32, i32) {
    %c0_i32 = arith.constant 0 : i32
    %c0_i32_0 = arith.constant 0 : i32
    %c0_i32_1 = arith.constant 0 : i32
    return %c0_i32, %arg0, %c0_i32_0 : i32, i32, i32
  }
  func.func @transform_3(%arg0: i32) -> (i32, i32, i32) {
    %c1_i32 = arith.constant 1 : i32
    %c0_i32 = arith.constant 0 : i32
    %c0_i32_0 = arith.constant 0 : i32
    return %c1_i32, %arg0, %c0_i32 : i32, i32, i32
  }
  func.func @transform_4(%arg0: i32) -> (i32, i32) {
    %c0_i32 = arith.constant 0 : i32
    %c0_i32_0 = arith.constant 0 : i32
    return %arg0, %c0_i32 : i32, i32
  }
  func.func @transform_5(%arg0: i32) -> (i32, i32) {
    %c0_i32 = arith.constant 0 : i32
    %c0_i32_0 = arith.constant 0 : i32
    return %arg0, %c0_i32 : i32, i32
  }
  func.func @transform_6(%arg0: i32) -> (i32, i32) {
    %c0_i32 = arith.constant 0 : i32
    %c0_i32_0 = arith.constant 0 : i32
    %c0_i32_1 = arith.constant 0 : i32
    return %c0_i32, %c0_i32_0 : i32, i32
  }
  func.func @transform_7(%arg0: i32) -> (i32, i32) {
    %c0_i32 = arith.constant 0 : i32
    %c0_i32_0 = arith.constant 0 : i32
    %c0_i32_1 = arith.constant 0 : i32
    return %c0_i32, %c0_i32_0 : i32, i32
  }
  func.func @transform_8(%arg0: i32) -> (i32, i32) {
    %c0_i32 = arith.constant 0 : i32
    %c0_i32_0 = arith.constant 0 : i32
    return %arg0, %c0_i32 : i32, i32
  }
}

module attributes {stable_mosaic.version = 14 : i64} {
  func.func @_tc_post_body(%arg0: i32, %arg1: memref<1x1000x128xf32, #tpu.memory_space<vmem>>, %arg2: memref<1x1000x128xf32, #tpu.memory_space<vmem>>, %arg3: memref<1x1000x128xf32, #tpu.memory_space<vmem>>, %arg4: memref<1x1000x128xf32, #tpu.memory_space<vmem>>, %arg5: memref<1000x128xf32, #tpu.memory_space<vmem>>, %arg6: memref<1000x1xf32, #tpu.memory_space<vmem>>, %arg7: memref<1x128xf32, #tpu.memory_space<vmem>>, %arg8: memref<1000x128xf32, #tpu.memory_space<vmem>>) attributes {dimension_semantics = [#tpu.dimension_semantics<arbitrary>], iteration_bounds = array<i64: 10>, scalar_prefetch = 0 : i64, scratch_operands = 0 : i64, tpu.core_type = #tpu.core_type<tc>, window_params = [{transform_indices = @transform_0, window_bounds = array<i64: 1, 1000, 128>}, {transform_indices = @transform_1, window_bounds = array<i64: 1, 1000, 128>}, {transform_indices = @transform_2, window_bounds = array<i64: 1, 1000, 128>}, {transform_indices = @transform_3, window_bounds = array<i64: 1, 1000, 128>}, {transform_indices = @transform_4, window_bounds = array<i64: 1000, 128>}, {transform_indices = @transform_5, window_bounds = array<i64: 1000, 1>}, {pipeline_mode = #tpu.pipeline_mode<synchronous>, transform_indices = @transform_6, window_bounds = array<i64: 1, 128>}, {transform_indices = @transform_7, window_bounds = array<i64: 1000, 128>}]} {
    %get3A = arith.constant 0 : index
    %get3A_0 = arith.constant 0 : index
    %get3A_1 = vector.load %arg6[%get3A, %get3A_0] : memref<1000x1xf32, #tpu.memory_space<vmem>>, vector<1000x1xf32>
    %get3A_2 = arith.constant 0 : index
    %get3A_3 = arith.constant 0 : index
    %get3A_4 = arith.constant 0 : index
    %get3A_5 = vector.load %arg1[%get3A_2, %get3A_3, %get3A_4] : memref<1x1000x128xf32, #tpu.memory_space<vmem>>, vector<1x1000x128xf32>
    %get3A_6 = vector.shape_cast %get3A_5 : vector<1x1000x128xf32> to vector<1000x128xf32>
    %get3A_7 = arith.constant 0 : index
    %get3A_8 = arith.constant 0 : index
    %get3A_9 = arith.constant 0 : index
    %get3A_10 = vector.load %arg2[%get3A_7, %get3A_8, %get3A_9] : memref<1x1000x128xf32, #tpu.memory_space<vmem>>, vector<1x1000x128xf32>
    %get3A_11 = vector.shape_cast %get3A_10 : vector<1x1000x128xf32> to vector<1000x128xf32>
    %add3A = arith.addf %get3A_6, %get3A_11 : vector<1000x128xf32>
    %get3A_12 = arith.constant 0 : index
    %get3A_13 = arith.constant 0 : index
    %get3A_14 = arith.constant 0 : index
    %get3A_15 = vector.load %arg3[%get3A_12, %get3A_13, %get3A_14] : memref<1x1000x128xf32, #tpu.memory_space<vmem>>, vector<1x1000x128xf32>
    %get3A_16 = vector.shape_cast %get3A_15 : vector<1x1000x128xf32> to vector<1000x128xf32>
    %get3A_17 = arith.constant 0 : index
    %get3A_18 = arith.constant 0 : index
    %get3A_19 = arith.constant 0 : index
    %get3A_20 = vector.load %arg4[%get3A_17, %get3A_18, %get3A_19] : memref<1x1000x128xf32, #tpu.memory_space<vmem>>, vector<1x1000x128xf32>
    %get3A_21 = vector.shape_cast %get3A_20 : vector<1x1000x128xf32> to vector<1000x128xf32>
    %add3A_22 = arith.addf %get3A_16, %get3A_21 : vector<1000x128xf32>
    %add3A_23 = arith.addf %add3A, %add3A_22 : vector<1000x128xf32>
    %get3A_24 = arith.constant 0 : index
    %get3A_25 = arith.constant 0 : index
    %get3A_26 = vector.load %arg5[%get3A_24, %get3A_25] : memref<1000x128xf32, #tpu.memory_space<vmem>>, vector<1000x128xf32>
    %add3A_27 = arith.addf %add3A_23, %get3A_26 : vector<1000x128xf32>
    %mul3A = vector.broadcast %get3A_1 : vector<1000x1xf32> to vector<1000x128xf32>
    %mul3A_28 = arith.mulf %mul3A, %add3A_27 : vector<1000x128xf32>
    %get3A_29 = arith.constant 0 : index
    %get3A_30 = arith.constant 0 : index
    %get3A_31 = vector.load %arg7[%get3A_29, %get3A_30] : memref<1x128xf32, #tpu.memory_space<vmem>>, vector<1x128xf32>
    %add3A_32 = vector.broadcast %get3A_31 : vector<1x128xf32> to vector<1000x128xf32>
    %add3A_33 = arith.addf %mul3A_28, %add3A_32 : vector<1000x128xf32>
    %max3A = arith.constant 0.000000e+00 : f32
    %max3A_34 = vector.broadcast %max3A : f32 to vector<1000x128xf32>
    %max3A_35 = arith.maximumf %add3A_33, %max3A_34 : vector<1000x128xf32>
    %swap3A = arith.constant 0 : index
    %swap3A_36 = arith.constant 0 : index
    %swap3A_37 = vector.load %arg8[%swap3A, %swap3A_36] : memref<1000x128xf32, #tpu.memory_space<vmem>>, vector<1000x128xf32>
    tpu.vector_store %arg8[%swap3A, %swap3A_36], %max3A_35 {strides = array<i32>} : memref<1000x128xf32, #tpu.memory_space<vmem>>, vector<1000x128xf32>,
    return
  }
  func.func @transform_0(%arg0: i32) -> (i32, i32, i32) {
    %c0_i32 = arith.constant 0 : i32
    %c0_i32_0 = arith.constant 0 : i32
    %c0_i32_1 = arith.constant 0 : i32
    return %c0_i32, %arg0, %c0_i32_0 : i32, i32, i32
  }
  func.func @transform_1(%arg0: i32) -> (i32, i32, i32) {
    %c1_i32 = arith.constant 1 : i32
    %c0_i32 = arith.constant 0 : i32
    %c0_i32_0 = arith.constant 0 : i32
    return %c1_i32, %arg0, %c0_i32 : i32, i32, i32
  }
  func.func @transform_2(%arg0: i32) -> (i32, i32, i32) {
    %c0_i32 = arith.constant 0 : i32
    %c0_i32_0 = arith.constant 0 : i32
    %c0_i32_1 = arith.constant 0 : i32
    return %c0_i32, %arg0, %c0_i32_0 : i32, i32, i32
  }
  func.func @transform_3(%arg0: i32) -> (i32, i32, i32) {
    %c1_i32 = arith.constant 1 : i32
    %c0_i32 = arith.constant 0 : i32
    %c0_i32_0 = arith.constant 0 : i32
    return %c1_i32, %arg0, %c0_i32 : i32, i32, i32
  }
  func.func @transform_4(%arg0: i32) -> (i32, i32) {
    %c0_i32 = arith.constant 0 : i32
    %c0_i32_0 = arith.constant 0 : i32
    return %arg0, %c0_i32 : i32, i32
  }
  func.func @transform_5(%arg0: i32) -> (i32, i32) {
    %c0_i32 = arith.constant 0 : i32
    %c0_i32_0 = arith.constant 0 : i32
    return %arg0, %c0_i32 : i32, i32
  }
  func.func @transform_6(%arg0: i32) -> (i32, i32) {
    %c0_i32 = arith.constant 0 : i32
    %c0_i32_0 = arith.constant 0 : i32
    %c0_i32_1 = arith.constant 0 : i32
    return %c0_i32, %c0_i32_0 : i32, i32
  }
  func.func @transform_7(%arg0: i32) -> (i32, i32) {
    %c0_i32 = arith.constant 0 : i32
    %c0_i32_0 = arith.constant 0 : i32
    return %arg0, %c0_i32 : i32, i32
  }
}

</mosaic_0001>

<sc_bundles>
// kernel: kernel.10.cloned.1.call-start
scs
__scs_entry_jumppad:
0x0: {  	(pc) =	sbr.rel $0x88, $3  }
0x1: {  	(tag) =	ssettag $0x0;
	lr =	simm.s32 $0x1  }
0x2: {  	[smem:$0x3F9D] =	sst lr;
	_ =	strace $0xD0000000  }
0x3: {  	_ = 	snop  }
0x4: {  	_ = 	snop  }
0x5: {  	_ = 	snop  }
0x6: {  	_ = 	snop  }
0x7: {  	_ = 	snop  }
__scs_overlays_trampoline_lowered:
0x8: {  	[smem:$0x3FAC] =	sst s0  }
0x9: {  	[smem:$0x3FAD] =	sst s1  }
0xa: {  	[smem:$0x3FAE] =	sst s2  }
0xb: {  	[smem:$0x3FAF] =	sst s3  }
0xc: {  	[smem:$0x3FB0] =	sst s4  }
0xd: {  	[smem:$0x3FB1] =	sst s5  }
0xe: {  	[smem:$0x3FB2] =	sst s6  }
0xf: {  	[smem:$0x3FB3] =	sst s7  }
0x10: {  	[smem:$0x3FB4] =	sst s8  }
0x11: {  	[smem:$0x3FB5] =	sst s9;
	s0 =	simm.s32 @!p0 $0x0  }
0x12: {  	s1 =	sld [smem:$0x3F9B];
	s0 =	simm.s32 @p0 $0x1  }
0x13: {  	[smem:$0x3FB6] =	sst s0;
	s0 =	simm.s32 @!p1 $0x0  }
0x14: {  	s2 =	sld [smem:$0x3F9A];
	s0 =	simm.s32 @p1 $0x1  }
0x15: {  	[smem:$0x3FB7] =	sst s0;
	s0 =	simm.s32 @!p2 $0x0  }
0x16: {  	s3 =	sld [smem:$0x3FDB];
	s0 =	simm.s32 @p2 $0x1  }
0x17: {  	s4 =	simm.s32 $0x1BF5;
	[smem:$0x3FB9] =	sst s0  }
0x18: {  	s0 =	sld [smem:$0x3F9C];
	_ =	swait.ge [sflag:s4], $0x0  }
0x19: {  	s7 =	sld [smem:$0x3F9D]  }
0x1a: {  	s8 =	sadd.s32 $0xFFFFE003, lr  }
0x1b: {  	s9 =	sadd.s32 $0xFFFFFEF7, lr;
	s5 =	simm.s32 $0xFFFFFFFF;
	p2 =	slt.u32 s8, $0xFFFFF086  }
0x1c: {  	p1 =	slt.u32 s9, $0xF7A;
	s5 =	simm.s32 @!p2 $0x0  }
0x1d: {  	s5 =	simm.s32 @p1 $0x1;
	p0 =	seq.s32 s7, s2  }
0x1e: {  	s7 =	smul.u32 @!p0 $0xF7A, s2;
	p2 =	seq.s32 @!p0 s5, $0x0  }
0x1f: {  	s9 =	smul.u32 $0xF7A, s1;
	s8 =	simm.s32 @!p0 $0x1BF5;
	p2 =	por !p2, p0  }
0x20: {  	[sflag:s8] =	ssyncset.s32 @!p0 $0xFFFFF086;
	s6 =	sadd.s32 @!p0 s3, s7;
	s7 =	simm.s32 @!p0 $0x108  }
0x21: {  	s3 =	sadd.s32 s3, s9;
	s6 =	sadd.s32 @!p0 $0x88, s6;
	s7 =	simm.s32 @p2 $0x1082  }
0x22: {  	[simem:s7], [sflag:s8] =	dma.local @!p0 [hbm:s6], $0xF7A  }
0x23: {  	s9 =	sor.u32 $0xD0000000, s2;
	s6 =	simm.s32 $0x108;
	_ =	swait.ge @!p0 [sflag:s8], $0x0  }
0x24: {  	s3 =	sadd.s32 $0x88, s3;
	s6 =	simm.s32 @!p1 $0x1082;
	[sflag:s4] =	ssyncset.s32 $0xFFFFF086  }
0x25: {  	[simem:s6], [sflag:s4] =	dma.local [hbm:s3], $0xF7A  }
0x26: {  	[smem:$0x3F9D] =	sst s1;
	(tag) =	ssettag s2;
	_ =	strace s9  }
0x27: {  	s1 =	sld [smem:$0x3FAD]  }
0x28: {  	s2 =	sld [smem:$0x3FAE]  }
0x29: {  	s4 =	sld [smem:$0x3FB0]  }
0x2a: {  	p0 =	seq.s32 s5, $0x0;
	s5 =	sld [smem:$0x3FB1]  }
0x2b: {  	s6 =	sld [smem:$0x3FB2]  }
0x2c: {  	s7 =	sld [smem:$0x3FB3]  }
0x2d: {  	s3 =	simm.s32 $0x108;
	s8 =	sld [smem:$0x3FB4]  }
0x2e: {  	s3 =	simm.s32 @!p0 $0x1082;
	s9 =	sld [smem:$0x3FB5]  }
0x2f: {  	lr =	sadd.s32 s0, s3;
	s0 =	sld [smem:$0x3FAC]  }
0x30: {  	s3 =	sld [smem:$0x3FAF]  }
0x31: {  	[smem:$0x3FB8] =	sst s10  }
0x32: {  	s10 =	sld [smem:$0x3FB6];
	_ =	sdelay $0x3  }
0x33: {  	p0 =	seq.s32 s10, $0x1;
	s10 =	sld [smem:$0x3FB8];
	_ =	sdelay $0x3  }
0x34: {  	[smem:$0x3FB8] =	sst s10  }
0x35: {  	s10 =	sld [smem:$0x3FB7];
	_ =	sdelay $0x3  }
0x36: {  	p1 =	seq.s32 s10, $0x1;
	s10 =	sld [smem:$0x3FB8];
	_ =	sdelay $0x3  }
0x37: {  	[smem:$0x3FB8] =	sst s10  }
0x38: {  	s10 =	sld [smem:$0x3FB9]  }
0x39: {  	_ = 	snop;
	(pc) =	sbr.ind lr, $3  }
0x3a: {  	_ = 	snop  }
0x3b: {  	_ = 	snop  }
0x3c: {  	p2 =	seq.s32 s10, $0x1;
	s10 =	sld [smem:$0x3FB8]  }
0x3d: {  	_ =	shalt  }
0x3e: {  	_ =	shalt  }
0x3f: {  	_ =	shalt  }
0x40: {  	_ =	shalt  }
0x41: {  	_ =	shalt  }
0x42: {  	_ =	shalt  }
0x43: {  	_ =	shalt  }
0x44: {  	_ =	shalt  }
0x45: {  	_ =	shalt  }
0x46: {  	_ =	shalt  }
0x47: {  	_ =	shalt  }
0x48: {  	_ =	shalt  }
0x49: {  	_ =	shalt  }
0x4a: {  	_ =	shalt  }
0x4b: {  	_ =	shalt  }
0x4c: {  	_ =	shalt  }
0x4d: {  	_ =	shalt  }
0x4e: {  	_ =	shalt  }
0x4f: {  	_ =	shalt  }
0x50: {  	_ =	shalt  }
0x51: {  	_ =	shalt  }
0x52: {  	_ =	shalt  }
0x53: {  	_ =	shalt  }
0x54: {  	_ =	shalt  }
0x55: {  	_ =	shalt  }
0x56: {  	_ =	shalt  }
0x57: {  	_ =	shalt  }
0x58: {  	_ =	shalt  }
0x59: {  	_ =	shalt  }
0x5a: {  	_ =	shalt  }
0x5b: {  	_ =	shalt  }
0x5c: {  	_ =	shalt  }
0x5d: {  	_ =	shalt  }
0x5e: {  	_ =	shalt  }
0x5f: {  	_ =	shalt  }
0x60: {  	_ =	shalt  }
0x61: {  	_ =	shalt  }
0x62: {  	_ =	shalt  }
0x63: {  	_ =	shalt  }
0x64: {  	_ =	shalt  }
0x65: {  	_ =	shalt  }
0x66: {  	_ =	shalt  }
0x67: {  	_ =	shalt  }
0x68: {  	_ =	shalt  }
0x69: {  	_ =	shalt  }
0x6a: {  	_ =	shalt  }
0x6b: {  	_ =	shalt  }
0x6c: {  	_ =	shalt  }
0x6d: {  	_ =	shalt  }
0x6e: {  	_ =	shalt  }
0x6f: {  	_ =	shalt  }
0x70: {  	_ =	shalt  }
0x71: {  	_ =	shalt  }
0x72: {  	_ =	shalt  }
0x73: {  	_ =	shalt  }
0x74: {  	_ =	shalt  }
0x75: {  	_ =	shalt  }
0x76: {  	_ =	shalt  }
0x77: {  	_ =	shalt  }
0x78: {  	_ =	shalt  }
0x79: {  	_ =	shalt  }
0x7a: {  	_ =	shalt  }
0x7b: {  	_ =	shalt  }
0x7c: {  	_ =	shalt  }
0x7d: {  	_ =	shalt  }
0x7e: {  	_ =	shalt  }
0x7f: {  	_ =	shalt  }
0x80: {  	_ =	shalt  }
0x81: {  	_ =	shalt  }
0x82: {  	_ =	shalt  }
0x83: {  	_ =	shalt  }
0x84: {  	_ =	shalt  }
0x85: {  	_ =	shalt  }
0x86: {  	_ =	shalt  }
0x87: {  	_ =	shalt  }
.Lfunc_end0:
.L_simem_size_0:
called_computation_lowered:
.L_overlay_start_0:
0x88: {  	s2 =	sld [smem:$0x3FD9]  }
0x89: {  	s3 =	sld [smem:$0x3FFE];
	_ =	sdelay $0x1  }
0x8a: {  	s1 =	srdreg.scid  }
0x8b: {  	s0 =	sand.u32 $0x1, s1  }
0x8c: {  	s17 =	sshll.u32 s0, $0xA;
	s2 =	sadd.s32 s3, s2  }
0x8d: {  	s2 =	sadd.s32 s2, s17  }
0x8e: {  	[smem:$0x3FC4] =	sst s2  }
0x8f: {  	_ = 	snop  }
0x90: {  	s2 =	sld [smem:$0x3FD0];
	(tm) =	ssettm $0x1  }
0x91: {  	s18 =	sld [smem:$0x3FFB];
	_ =	sdelay $0x3  }
0x92: {  	_ =	strace s18  }
0x93: {  	s3 =	sld [smem:$0x3FFC];
	_ =	sdelay $0x3  }
0x94: {  	_ =	strace s3  }
0x95: {  	s3 =	sld [smem:$0x3FFD];
	_ =	sdelay $0x3  }
0x96: {  	_ =	strace s3  }
0x97: {  	_ =	strace $0x8FFFFFFF  }
0x98: {  	s19 =	sld [smem:$0x3FDB];
	_ =	sdelay $0x1  }
0x99: {  	s4 =	simm.s32 $_scs_section_size  }
0x9a: {  	s5 =	simm.s32 $_size__tile_overlayer_lowered;
	s6 =	simm.s32 $_tile_overlayer_lowered  }
0x9b: {  	s22 =	simm.s32 $0x1BFF;
	s21 =	sshll.u32 s6, $0x1;
	s3 =	sadd.s32 s4, s19  }
0x9c: {  	s7 =	simm.s32 $0x0;
	s20 =	sshll.u32 s5, $0x1;
	s5 =	sadd.s32 s21, s3  }
0x9d: {  	[timem:s7], [sflag:s22] =	dma.local [hbm:s5], s20  }
0x9e: {  	_ =	swait.ge [sflag:s22], s20  }
0x9f: {  	s4 =	ssub.s32 $0x0, s20;
	[sflag:s22] =	ssyncset.done $0x0  }
0xa0: {  	[sflag:s22] =	ssyncadd.s32 s4;
	_ =	sdelay $0x1  }
0xa1: {  	s23 =	simm.s32 $0x1B8B  }
0xa2: {  	_ =	swait.ge [sflag:s23], $0x1  }
0xa3: {  	[sflag:s23] =	ssyncset.done $0x0  }
0xa4: {  	s25 =	simm.s32 $0x1B8E;
	s24 =	sld [smem:$0x3FFE];
	[sflag:s23] =	ssyncadd.s32 $0xFFFFFFFF  }
0xa5: {  	s26 =	simm.s32 $execute0_lowered;
	[smem:$0x3FD2] =	sst s25  }
0xa6: {  	s5 =	sshll.u32 s26, $0x1;
	_ =	strace $0x80000046;
	[dreg:$0x1] =	wrdreg $0xFFFFFFFF  }
0xa7: {  	s28 =	simm.s32 $_size_execute0_lowered;
	s3 =	sadd.s32 s3, s5;
	[dreg:$0x0] =	wrdreg $0x0  }
0xa8: {  	s5 =	sshll.u32 s28, $0x1;
	[dreg:$0x2] =	wrdreg s3  }
0xa9: {  	[dreg:$0x3] =	wrdreg s5  }
0xaa: {  	[dreg:$0x4] =	wrdreg $0xC0  }
0xab: {  	_ =	task [dreg:s7], $0x5FFFF  }
0xac: {  	[dreg:$0x1] =	wrdreg $0xFFFFFFFF  }
0xad: {  	[dreg:$0x0] =	wrdreg $0x60  }
0xae: {  	[dreg:$0x2] =	wrdreg s2  }
0xaf: {  	[dreg:$0x3] =	wrdreg s24  }
0xb0: {  	[dreg:$0x4] =	wrdreg $0x94000  }
0xb1: {  	[dreg:$0x5] =	wrdreg $0x9  }
0xb2: {  	_ =	task.clear_ibuf [dreg:s7], $0x6FFFF;
	_ =	strace $0x90000046  }
0xb3: {  	s29 =	simm.s32 $0x9;
	_ =	strace $0x80000048  }
0xb4: {  	_ =	swait.ge [sflag:s29], $0x1  }
0xb5: {  	[sflag:s29] =	ssyncadd.s32 $0xFFFFFFFF  }
0xb6: {  	_ =	strace $0x90000048  }
0xb7: {  	_ =	sfence  }
0xb8: {  	s30 =	sld [smem:$0x0];
	_ =	sdelay $0x2  }
0xb9: {  	s31 =	sshll.u32 s1, $0xD;
	s1 =	sshrl.u32 s1, $0x2  }
0xba: {  	s3 =	sand.u32 $0x4000, s31;
	s1 =	sadd.s32 s1, s30  }
0xbb: {  	s0 =	sor.u32 s3, s0;
	s1 =	sshll.u32 s1, $0x11  }
0xbc: {  	s0 =	sor.u32 s1, s0  }
0xbd: {  	s0 =	sadd.s32 $0x8F2B, s0  }
0xbe: {  	[sflag:s0] =	ssyncadd.remote.s32 $0x1  }
0xbf: {  	_ =	sfence.sel $0xFFFF  }
0xc0: {  	[dreg:$0x0] =	wrdreg $0xFFFFFFFF;
	(pc) =	sbr.abs _section_cstart, $3  }
0xc1: {  	[dreg:$0x1] =	wrdreg $0xFFFFFFFF  }
0xc2: {  	_ =	task.clear_ibuf [dreg:s7], $0x2FFFF;
	_ =	strace $0x9FFFFFFF  }
0xc3: {  	(tm) =	ssettm $0x7FFFFFFF  }
tec
execute0_lowered:
.L_overlay_start_1:
0x0: {  	(tag) =	ssettag $0x1  }
0x1: {  	s9 =	rddreg [dreg:$0x0]  }
0x2: {  	s4 =	rddreg [dreg:$0x1]  }
0x3: {  	s2 =	rddreg [dreg:$0x2]  }
0x4: {  	s0 =	rddreg [dreg:$0x3];
	s5 =	srdreg.scid  }
0x5: {  	s3 =	simm.s32 $0x0;
	s1 =	stileid.u32;
	s20 =	simm.s32 $0x1400  }
0x6: {  	s6 =	sand.u32 $0x1, s5;
	[smem:$0x7FF] =	sst s3;
	s7 =	smul.u32 $0x50000, s1  }
0x7: {  	s10 =	smul.u32 $0x14000, s1;
	s15 =	sadd.s32 $0x3C00, s4;
	s5 =	ssub.s32 $0x2, s6  }
0x8: {  	_ =	strace $0x80000047;
	s26 =	sshll.u32 s6, $0x4;
	s17 =	smul.u32 $0x140000, s6  }
0x9: {  	s8 =	sshrl.u32 s5, $0x1;
	s28 =	sor.u32 s1, s26;
	s29 =	sshrl.u32 s7, $0x2  }
0xa: {  	s11 =	sadd.s32 $0x4000, s10;
	s13 =	sadd.s32 $0x8000, s10;
	s14 =	sadd.s32 $0xC000, s10  }
0xb: {  	s18 =	sadd.s32 $0x10000, s10;
	s16 =	ssub.s32 s5, s8;
	s4 =	sadd.s32 s29, s2  }
0xc: {  	s5 =	sadd.s32 s11, s2;
	s12 =	smul.u32 $0x1400, s28;
	s6 =	sadd.s32 s13, s2  }
0xd: {  	s7 =	sadd.s32 s14, s2;
	s8 =	sadd.s32 s18, s2;
	s10 =	sadd.s32 s10, s17  }
0xe: {  	s19 =	sadd.s32 s17, s11;
	s13 =	sadd.s32 s17, s13;
	s14 =	sadd.s32 s17, s14  }
0xf: {  	s17 =	sadd.s32 s17, s18;
	s18 =	simm.s32 $0x1;
	s30 =	sshrl.u32 s10, $0x3  }
0x10: {  	s31 =	sshrl.u32 s19, $0x3;
	s13 =	sshrl.u32 s13, $0x3;
	s14 =	sshrl.u32 s14, $0x3  }
0x11: {  	s17 =	sshrl.u32 s17, $0x3;
	s16 =	smax.u32 s16, $0x1;
	s19 =	simm.s32 $0x80  }
0x12: {  	s12 =	sshrl.u32 s12, $0x3;
	s11 =	sadd.s32 s15, s30;
	s13 =	sadd.s32 s15, s13  }
0x13: {  	s14 =	sadd.s32 s15, s14;
	s9 =	sadd.s32 s9, s12;
	s12 =	sadd.s32 s15, s31  }
0x14: {  	v0 =	vimm.f32 $0.0e+00;
	v1 =	vimm.f32 $1.000000000e+00;
	s15 =	sadd.s32 s15, s17;
	s17 =	simm.s32 $0x5400;
	s10 =	sadd.s32 $0x5000, s9  }
.LBB2_1:
0x15: {  	s21 =	simm.s32 $0x40;
	s22 =	simm.s32 $0x0  }
.LBB2_2:
0x16: {  	p0 =	sne.s32 s21, $0xFFC0;
	[tilespmem:s22+$0x5400] =	vst v0;
	s23 =	smov.u32 s21;
	s21 =	sadd.s32 $0x40, s21  }
.Ltmp0:
0x17: {  	[tilespmem:s22+$0x1400] =	vst v1;
	(pc) =	sbr.rel @p0 .LBB2_2-.Ltmp0, $2  }
0x18: {  	_ =	sdelay $0x2  }
0x19: {  	s22 =	sshra.s32 s23, $0x2  }
0x1a: {  	[tilespmem:s22+$0x5400] =	vst v0  }
0x1b: {  	[tilespmem:s22+$0x1400] =	vst v1  }
0x1c: {  	[spmem:s4] =	stream.linear.scatter [tilespmem:s17], [sflag:$0x1], $0x4000, $0x38;
	[tilespmem:$0x1D400] =	vst v63  }
0x1d: {  	_ =	swait.ge [sflag:s18], $0x4000  }
0x1e: {  	[sflag:s18] =	ssyncset.done $0x0  }
0x1f: {  	[sflag:s18] =	ssyncadd.s32 $0xFFFFC000  }
0x20: {  	[spmem:s5] =	stream.linear.scatter [tilespmem:s17], [sflag:$0x1], $0x4000, $0x38;
	[tilespmem:$0x1D400] =	vst v63  }
0x21: {  	_ =	swait.ge [sflag:s18], $0x4000  }
0x22: {  	[sflag:s18] =	ssyncset.done $0x0  }
0x23: {  	[sflag:s18] =	ssyncadd.s32 $0xFFFFC000  }
0x24: {  	[spmem:s6] =	stream.linear.scatter [tilespmem:s17], [sflag:$0x1], $0x4000, $0x38;
	[tilespmem:$0x1D400] =	vst v63  }
0x25: {  	_ =	swait.ge [sflag:s18], $0x4000  }
0x26: {  	[sflag:s18] =	ssyncset.done $0x0  }
0x27: {  	[sflag:s18] =	ssyncadd.s32 $0xFFFFC000  }
0x28: {  	[spmem:s7] =	stream.linear.scatter [tilespmem:s17], [sflag:$0x1], $0x4000, $0x38;
	[tilespmem:$0x1D400] =	vst v63  }
0x29: {  	_ =	swait.ge [sflag:s18], $0x4000  }
0x2a: {  	[sflag:s18] =	ssyncset.done $0x0  }
0x2b: {  	[sflag:s18] =	ssyncadd.s32 $0xFFFFC000  }
0x2c: {  	[spmem:s8] =	stream.linear.scatter [tilespmem:s17], [sflag:$0x1], $0x4000, $0x38;
	[tilespmem:$0x1D400] =	vst v63  }
0x2d: {  	_ =	swait.ge [sflag:s18], $0x4000  }
0x2e: {  	[sflag:s18] =	ssyncset.done $0x0  }
0x2f: {  	[sflag:s18] =	ssyncadd.s32 $0xFFFFC000  }
0x30: {  	s21 =	simm.s32 $0x0;
	[bflag:$0x0] =	sbarrier.arrive $0xFFFF  }
0x31: {  	[tilespmem:s21], [sflag:$0x1] =	stream.linear.gather [hbm4b:s9+s21], $0x1400, $0x38;
	[tilespmem:$0x1D400] =	vst v63  }
0x32: {  	_ =	swait.ge [sflag:s18], $0x1400  }
0x33: {  	[sflag:s18] =	ssyncset.done $0x0  }
0x34: {  	s31 =	simm.s32 $0x0;
	[sflag:s18] =	ssyncadd.s32 $0xFFFFEC00  }
0x35: {  	[spmem:s2] =	stream.indirect.scatter.add.f32 [tilespmem:s20], [sflag:$0x1], $0x80, s31, s19, $0xb8;
	[tilespmem:$0x1D400] =	vst v63  }
0x36: {  	_ =	swait.ge [sflag:s18], $0x4000  }
0x37: {  	s21 =	simm.s32 $0x200;
	[sflag:s18] =	ssyncset.done $0x0  }
.LBB2_4:
0x38: {  	s22 =	sshra.s32 s21, $0x2;
	[sflag:s18] =	ssyncadd.s32 $0xFFFFC000;
	p0 =	sne.s32 s21, $0x4E00  }
0x39: {  	[spmem:s2] =	stream.indirect.scatter.add.f32 [tilespmem:s20], [sflag:$0x1], $0x80, s22, s19, $0xb8;
	[tilespmem:$0x1D400] =	vst v63  }
.Ltmp1:
0x3a: {  	_ = 	snop;
	(pc) =	sbr.rel @p0 .LBB2_4-.Ltmp1, $4  }
0x3b: {  	_ = 	snop  }
0x3c: {  	s21 =	sadd.s32 $0x200, s21  }
0x3d: {  	_ =	swait.ge [sflag:s18], $0x4000  }
0x3e: {  	[sflag:s18] =	ssyncset.done $0x0  }
0x3f: {  	[sflag:s18] =	ssyncadd.s32 $0xFFFFC000;
	s21 =	simm.s32 $0x0  }
0x40: {  	[tilespmem:s21], [sflag:$0x1] =	stream.linear.gather [hbm4b:s10+s21], $0x1400, $0x38;
	[tilespmem:$0x1D400] =	vst v63  }
0x41: {  	_ =	swait.ge [sflag:s18], $0x1400  }
0x42: {  	[sflag:s18] =	ssyncset.done $0x0  }
0x43: {  	s31 =	simm.s32 $0x0;
	[sflag:s18] =	ssyncadd.s32 $0xFFFFEC00  }
0x44: {  	[spmem:s2] =	stream.indirect.scatter.add.f32 [tilespmem:s20], [sflag:$0x1], $0x80, s31, s19, $0xb8;
	[tilespmem:$0x1D400] =	vst v63  }
0x45: {  	_ =	swait.ge [sflag:s18], $0x4000  }
0x46: {  	s21 =	simm.s32 $0x200;
	[sflag:s18] =	ssyncset.done $0x0  }
.LBB2_6:
0x47: {  	s22 =	sshra.s32 s21, $0x2;
	[sflag:s18] =	ssyncadd.s32 $0xFFFFC000;
	p0 =	sne.s32 s21, $0x4E00  }
0x48: {  	[spmem:s2] =	stream.indirect.scatter.add.f32 [tilespmem:s20], [sflag:$0x1], $0x80, s22, s19, $0xb8;
	[tilespmem:$0x1D400] =	vst v63  }
.Ltmp2:
0x49: {  	_ = 	snop;
	(pc) =	sbr.rel @p0 .LBB2_6-.Ltmp2, $4  }
0x4a: {  	_ = 	snop  }
0x4b: {  	s21 =	sadd.s32 $0x200, s21  }
0x4c: {  	_ =	swait.ge [sflag:s18], $0x4000  }
0x4d: {  	[sflag:s18] =	ssyncset.done $0x0  }
0x4e: {  	[sflag:s18] =	ssyncadd.s32 $0xFFFFC000;
	s21 =	sshll.u32 s1, $0x6  }
0x4f: {  	s22 =	sshrl.u32 s4, $0x3;
	[bflag:$0x0] =	sbarrier.arrive $0xFFFF;
	s21 =	sor.u32 $0x1C01, s21  }
0x50: {  	[hbm:s11], [sflag:s21] =	dma.local [spmem:s22], $0x800  }
0x51: {  	_ =	swait.ge [sflag:s18], $0x800  }
0x52: {  	[sflag:s18] =	ssyncset.done $0x0  }
0x53: {  	s28 =	sshrl.u32 s5, $0x3;
	[sflag:s18] =	ssyncadd.s32 $0xFFFFF800  }
0x54: {  	[hbm:s12], [sflag:s21] =	dma.local [spmem:s28], $0x800  }
0x55: {  	_ =	swait.ge [sflag:s18], $0x800  }
0x56: {  	[sflag:s18] =	ssyncset.done $0x0  }
0x57: {  	s29 =	sshrl.u32 s6, $0x3;
	[sflag:s18] =	ssyncadd.s32 $0xFFFFF800  }
0x58: {  	[hbm:s13], [sflag:s21] =	dma.local [spmem:s29], $0x800  }
0x59: {  	_ =	swait.ge [sflag:s18], $0x800  }
0x5a: {  	[sflag:s18] =	ssyncset.done $0x0  }
0x5b: {  	s30 =	sshrl.u32 s7, $0x3;
	[sflag:s18] =	ssyncadd.s32 $0xFFFFF800  }
0x5c: {  	[hbm:s14], [sflag:s21] =	dma.local [spmem:s30], $0x800  }
0x5d: {  	s3 =	sadd.s32 $0x1, s3;
	_ =	swait.ge [sflag:s18], $0x800  }
0x5e: {  	p0 =	sne.s32 s3, s16;
	[sflag:s18] =	ssyncset.done $0x0  }
.Ltmp3:
0x5f: {  	s31 =	sshrl.u32 s8, $0x3;
	[sflag:s18] =	ssyncadd.s32 $0xFFFFF800;
	(pc) =	sbr.rel @p0 .LBB2_1-.Ltmp3, $4  }
0x60: {  	[hbm:s15], [sflag:s21] =	dma.local [spmem:s31], $0x800  }
0x61: {  	_ =	swait.ge [sflag:s18], $0x800  }
0x62: {  	[sflag:s18] =	ssyncset.done $0x0  }
0x63: {  	[sflag:s18] =	ssyncadd.s32 $0xFFFFF800  }
0x64: {  	_ =	sfence.sel $0x180000  }
0x65: {  	[bflag:$0x0] =	sbarrier.arrive $0xFFFF  }
0x66: {  	p0 =	sne.s32 s1, $0x0;
	_ =	strace $0x90000047  }
0x67: {  	s0 =	sadd.s32 @!p0 $0x100000, s0;
	[bflag:$0x2] =	sbarrier.arrive $0xFFFF  }
0x68: {  	[sflag:s0] =	ssyncadd.tile.s32 @!p0 $0x1;
	_ =	shalt  }
.Lfunc_end2:
_tile_overlayer_lowered:
.L_overlay_start_2:
0x69: {  	(tag) =	ssettag $0x2  }
0x6a: {  	s0 =	rddreg [dreg:$0x0];
	s2 =	stileid.u32  }
0x6b: {  	s1 =	rddreg [dreg:$0x1];
	p0 =	sne.s32 s2, $0x0  }
0x6c: {  	s3 =	rddreg [dreg:$0x2];
	[bflag:$0x3] =	sbarrier.arrive $0xFFFF;
	s2 =	simm.s32 @!p0 $0x1C01  }
0x6d: {  	[timem:s3], [sflag:s2] =	dma.local @!p0 [hbm:s0], s1  }
0x6e: {  	s0 =	simm.s32 @!p0 $0x1  }
0x6f: {  	_ =	swait.ge @!p0 [sflag:s0], s1  }
0x70: {  	s1 =	ssub.s32 @!p0 $0x0, s1;
	[sflag:s0] =	ssyncset.done @!p0 $0x0  }
0x71: {  	[sflag:s0] =	ssyncadd.s32 @!p0 s1  }
0x72: {  	[bflag:$0x3] =	sbarrier.arrive $0xFFFF  }
0x73: {  	_ =	shalt  }

// kernel: kernel.13.cloned.1.call-start
scs
__scs_entry_jumppad:
0x0: {  	(pc) =	sbr.rel $0x88, $3  }
0x1: {  	(tag) =	ssettag $0x0;
	lr =	simm.s32 $0x1  }
0x2: {  	[smem:$0x3F9D] =	sst lr;
	_ =	strace $0xD0000000  }
0x3: {  	_ = 	snop  }
0x4: {  	_ = 	snop  }
0x5: {  	_ = 	snop  }
0x6: {  	_ = 	snop  }
0x7: {  	_ = 	snop  }
__scs_overlays_trampoline_lowered:
0x8: {  	[smem:$0x3FAC] =	sst s0  }
0x9: {  	[smem:$0x3FAD] =	sst s1  }
0xa: {  	[smem:$0x3FAE] =	sst s2  }
0xb: {  	[smem:$0x3FAF] =	sst s3  }
0xc: {  	[smem:$0x3FB0] =	sst s4  }
0xd: {  	[smem:$0x3FB1] =	sst s5  }
0xe: {  	[smem:$0x3FB2] =	sst s6  }
0xf: {  	[smem:$0x3FB3] =	sst s7  }
0x10: {  	[smem:$0x3FB4] =	sst s8  }
0x11: {  	[smem:$0x3FB5] =	sst s9;
	s0 =	simm.s32 @!p0 $0x0  }
0x12: {  	s1 =	sld [smem:$0x3F9B];
	s0 =	simm.s32 @p0 $0x1  }
0x13: {  	[smem:$0x3FB6] =	sst s0;
	s0 =	simm.s32 @!p1 $0x0  }
0x14: {  	s2 =	sld [smem:$0x3F9A];
	s0 =	simm.s32 @p1 $0x1  }
0x15: {  	[smem:$0x3FB7] =	sst s0;
	s0 =	simm.s32 @!p2 $0x0  }
0x16: {  	s3 =	sld [smem:$0x3FDB];
	s0 =	simm.s32 @p2 $0x1  }
0x17: {  	s4 =	simm.s32 $0x1BF5;
	[smem:$0x3FB9] =	sst s0  }
0x18: {  	s0 =	sld [smem:$0x3F9C];
	_ =	swait.ge [sflag:s4], $0x0  }
0x19: {  	s7 =	sld [smem:$0x3F9D]  }
0x1a: {  	s8 =	sadd.s32 $0xFFFFE003, lr  }
0x1b: {  	s9 =	sadd.s32 $0xFFFFFEF7, lr;
	s5 =	simm.s32 $0xFFFFFFFF;
	p2 =	slt.u32 s8, $0xFFFFF086  }
0x1c: {  	p1 =	slt.u32 s9, $0xF7A;
	s5 =	simm.s32 @!p2 $0x0  }
0x1d: {  	s5 =	simm.s32 @p1 $0x1;
	p0 =	seq.s32 s7, s2  }
0x1e: {  	s7 =	smul.u32 @!p0 $0xF7A, s2;
	p2 =	seq.s32 @!p0 s5, $0x0  }
0x1f: {  	s9 =	smul.u32 $0xF7A, s1;
	s8 =	simm.s32 @!p0 $0x1BF5;
	p2 =	por !p2, p0  }
0x20: {  	[sflag:s8] =	ssyncset.s32 @!p0 $0xFFFFF086;
	s6 =	sadd.s32 @!p0 s3, s7;
	s7 =	simm.s32 @!p0 $0x108  }
0x21: {  	s3 =	sadd.s32 s3, s9;
	s6 =	sadd.s32 @!p0 $0x88, s6;
	s7 =	simm.s32 @p2 $0x1082  }
0x22: {  	[simem:s7], [sflag:s8] =	dma.local @!p0 [hbm:s6], $0xF7A  }
0x23: {  	s9 =	sor.u32 $0xD0000000, s2;
	s6 =	simm.s32 $0x108;
	_ =	swait.ge @!p0 [sflag:s8], $0x0  }
0x24: {  	s3 =	sadd.s32 $0x88, s3;
	s6 =	simm.s32 @!p1 $0x1082;
	[sflag:s4] =	ssyncset.s32 $0xFFFFF086  }
0x25: {  	[simem:s6], [sflag:s4] =	dma.local [hbm:s3], $0xF7A  }
0x26: {  	[smem:$0x3F9D] =	sst s1;
	(tag) =	ssettag s2;
	_ =	strace s9  }
0x27: {  	s1 =	sld [smem:$0x3FAD]  }
0x28: {  	s2 =	sld [smem:$0x3FAE]  }
0x29: {  	s4 =	sld [smem:$0x3FB0]  }
0x2a: {  	p0 =	seq.s32 s5, $0x0;
	s5 =	sld [smem:$0x3FB1]  }
0x2b: {  	s6 =	sld [smem:$0x3FB2]  }
0x2c: {  	s7 =	sld [smem:$0x3FB3]  }
0x2d: {  	s3 =	simm.s32 $0x108;
	s8 =	sld [smem:$0x3FB4]  }
0x2e: {  	s3 =	simm.s32 @!p0 $0x1082;
	s9 =	sld [smem:$0x3FB5]  }
0x2f: {  	lr =	sadd.s32 s0, s3;
	s0 =	sld [smem:$0x3FAC]  }
0x30: {  	s3 =	sld [smem:$0x3FAF]  }
0x31: {  	[smem:$0x3FB8] =	sst s10  }
0x32: {  	s10 =	sld [smem:$0x3FB6];
	_ =	sdelay $0x3  }
0x33: {  	p0 =	seq.s32 s10, $0x1;
	s10 =	sld [smem:$0x3FB8];
	_ =	sdelay $0x3  }
0x34: {  	[smem:$0x3FB8] =	sst s10  }
0x35: {  	s10 =	sld [smem:$0x3FB7];
	_ =	sdelay $0x3  }
0x36: {  	p1 =	seq.s32 s10, $0x1;
	s10 =	sld [smem:$0x3FB8];
	_ =	sdelay $0x3  }
0x37: {  	[smem:$0x3FB8] =	sst s10  }
0x38: {  	s10 =	sld [smem:$0x3FB9]  }
0x39: {  	_ = 	snop;
	(pc) =	sbr.ind lr, $3  }
0x3a: {  	_ = 	snop  }
0x3b: {  	_ = 	snop  }
0x3c: {  	p2 =	seq.s32 s10, $0x1;
	s10 =	sld [smem:$0x3FB8]  }
0x3d: {  	_ =	shalt  }
0x3e: {  	_ =	shalt  }
0x3f: {  	_ =	shalt  }
0x40: {  	_ =	shalt  }
0x41: {  	_ =	shalt  }
0x42: {  	_ =	shalt  }
0x43: {  	_ =	shalt  }
0x44: {  	_ =	shalt  }
0x45: {  	_ =	shalt  }
0x46: {  	_ =	shalt  }
0x47: {  	_ =	shalt  }
0x48: {  	_ =	shalt  }
0x49: {  	_ =	shalt  }
0x4a: {  	_ =	shalt  }
0x4b: {  	_ =	shalt  }
0x4c: {  	_ =	shalt  }
0x4d: {  	_ =	shalt  }
0x4e: {  	_ =	shalt  }
0x4f: {  	_ =	shalt  }
0x50: {  	_ =	shalt  }
0x51: {  	_ =	shalt  }
0x52: {  	_ =	shalt  }
0x53: {  	_ =	shalt  }
0x54: {  	_ =	shalt  }
0x55: {  	_ =	shalt  }
0x56: {  	_ =	shalt  }
0x57: {  	_ =	shalt  }
0x58: {  	_ =	shalt  }
0x59: {  	_ =	shalt  }
0x5a: {  	_ =	shalt  }
0x5b: {  	_ =	shalt  }
0x5c: {  	_ =	shalt  }
0x5d: {  	_ =	shalt  }
0x5e: {  	_ =	shalt  }
0x5f: {  	_ =	shalt  }
0x60: {  	_ =	shalt  }
0x61: {  	_ =	shalt  }
0x62: {  	_ =	shalt  }
0x63: {  	_ =	shalt  }
0x64: {  	_ =	shalt  }
0x65: {  	_ =	shalt  }
0x66: {  	_ =	shalt  }
0x67: {  	_ =	shalt  }
0x68: {  	_ =	shalt  }
0x69: {  	_ =	shalt  }
0x6a: {  	_ =	shalt  }
0x6b: {  	_ =	shalt  }
0x6c: {  	_ =	shalt  }
0x6d: {  	_ =	shalt  }
0x6e: {  	_ =	shalt  }
0x6f: {  	_ =	shalt  }
0x70: {  	_ =	shalt  }
0x71: {  	_ =	shalt  }
0x72: {  	_ =	shalt  }
0x73: {  	_ =	shalt  }
0x74: {  	_ =	shalt  }
0x75: {  	_ =	shalt  }
0x76: {  	_ =	shalt  }
0x77: {  	_ =	shalt  }
0x78: {  	_ =	shalt  }
0x79: {  	_ =	shalt  }
0x7a: {  	_ =	shalt  }
0x7b: {  	_ =	shalt  }
0x7c: {  	_ =	shalt  }
0x7d: {  	_ =	shalt  }
0x7e: {  	_ =	shalt  }
0x7f: {  	_ =	shalt  }
0x80: {  	_ =	shalt  }
0x81: {  	_ =	shalt  }
0x82: {  	_ =	shalt  }
0x83: {  	_ =	shalt  }
0x84: {  	_ =	shalt  }
0x85: {  	_ =	shalt  }
0x86: {  	_ =	shalt  }
0x87: {  	_ =	shalt  }
.Lfunc_end0:
.L_simem_size_0:
called_computation.1_lowered:
.L_overlay_start_0:
0x88: {  	s2 =	sld [smem:$0x3FD9]  }
0x89: {  	s3 =	sld [smem:$0x3FFE];
	_ =	sdelay $0x1  }
0x8a: {  	s1 =	srdreg.scid  }
0x8b: {  	s0 =	sand.u32 $0x1, s1  }
0x8c: {  	s17 =	sshll.u32 s0, $0xA;
	s2 =	sadd.s32 s3, s2  }
0x8d: {  	s2 =	sadd.s32 s2, s17  }
0x8e: {  	[smem:$0x3FC4] =	sst s2  }
0x8f: {  	_ = 	snop  }
0x90: {  	s18 =	sld [smem:$0x3FD0];
	(tm) =	ssettm $0x1  }
0x91: {  	s19 =	sld [smem:$0x3FFB];
	_ =	sdelay $0x3  }
0x92: {  	_ =	strace s19  }
0x93: {  	s2 =	sld [smem:$0x3FFC];
	_ =	sdelay $0x3  }
0x94: {  	_ =	strace s2  }
0x95: {  	s2 =	sld [smem:$0x3FFD];
	_ =	sdelay $0x3  }
0x96: {  	_ =	strace s2  }
0x97: {  	_ =	strace $0x8FFFFFFF  }
0x98: {  	s20 =	sld [smem:$0x3FDB];
	_ =	sdelay $0x1  }
0x99: {  	s4 =	simm.s32 $_scs_section_size  }
0x9a: {  	s5 =	simm.s32 $_size__tile_overlayer_lowered;
	s6 =	simm.s32 $_tile_overlayer_lowered  }
0x9b: {  	s7 =	simm.s32 $0x1BFF;
	s21 =	sshll.u32 s6, $0x1;
	s4 =	sadd.s32 s4, s20  }
0x9c: {  	s22 =	simm.s32 $0x0;
	s5 =	sshll.u32 s5, $0x1;
	s6 =	sadd.s32 s21, s4  }
0x9d: {  	[timem:s22], [sflag:s7] =	dma.local [hbm:s6], s5  }
0x9e: {  	_ =	swait.ge [sflag:s7], s5  }
0x9f: {  	s5 =	ssub.s32 $0x0, s5;
	[sflag:s7] =	ssyncset.done $0x0  }
0xa0: {  	[sflag:s7] =	ssyncadd.s32 s5;
	_ =	sdelay $0x1  }
0xa1: {  	s23 =	simm.s32 $0x1B8B  }
0xa2: {  	_ =	swait.ge [sflag:s23], $0x1  }
0xa3: {  	[sflag:s23] =	ssyncset.done $0x0  }
0xa4: {  	[sflag:s23] =	ssyncadd.s32 $0xFFFFFFFF  }
0xa5: {  	s5 =	sld [smem:$0x0]  }
0xa6: {  	s6 =	sand.u32 $0xFFFFFFFE, s1  }
0xa7: {  	p0 =	sne.s32 s1, s6  }
0xa8: {  	s6 =	sshll.u32 @p0 s6, $0xE  }
0xa9: {  	s6 =	sadd.s32 @p0 $0x11B8D, s6;
	s7 =	sshll.u32 @p0 s5, $0x11  }
0xaa: {  	s6 =	sor.u32 @p0 s7, s6  }
0xab: {  	[sflag:s6] =	ssyncadd.remote.s32 @p0 $0x1;
	_ =	sdelay $0x1  }
0xac: {  	s6 =	simm.s32 @p0 $0x1B8D  }
0xad: {  	_ =	swait.eq @p0 [sflag:s6], $0x1  }
0xae: {  	[sflag:s6] =	ssyncadd.s32 @p0 $0xFFFFFFFF  }
0xaf: {  	s7 =	sshll.u32 @!p0 s1, $0xE  }
0xb0: {  	s7 =	sor.u32 @!p0 $0x4000, s7;
	s6 =	simm.s32 @!p0 $0x1B8D  }
0xb1: {  	s5 =	sshll.u32 @!p0 s5, $0x11;
	s7 =	sadd.s32 @!p0 $0x11B8D, s7;
	_ =	swait.eq @!p0 [sflag:s6], $0x1  }
0xb2: {  	s5 =	sor.u32 @!p0 s5, s7;
	[sflag:s6] =	ssyncadd.s32 @!p0 $0xFFFFFFFF  }
0xb3: {  	s25 =	simm.s32 $0x1B8E;
	s24 =	sld [smem:$0x3FFE];
	[sflag:s5] =	ssyncadd.remote.s32 @!p0 $0x1  }
0xb4: {  	s26 =	simm.s32 $execute0_lowered;
	[smem:$0x3FD2] =	sst s25  }
0xb5: {  	s6 =	sshll.u32 s26, $0x1;
	_ =	strace $0x8000004C;
	[dreg:$0x1] =	wrdreg $0xFFFFFFFF  }
0xb6: {  	s28 =	simm.s32 $_size_execute0_lowered;
	s4 =	sadd.s32 s4, s6;
	[dreg:$0x0] =	wrdreg $0x0  }
0xb7: {  	s6 =	sshll.u32 s28, $0x1;
	[dreg:$0x2] =	wrdreg s4  }
0xb8: {  	[dreg:$0x3] =	wrdreg s6  }
0xb9: {  	[dreg:$0x4] =	wrdreg $0xC0  }
0xba: {  	_ =	task [dreg:s22], $0x5FFFF  }
0xbb: {  	[dreg:$0x1] =	wrdreg $0xFFFFFFFF  }
0xbc: {  	[dreg:$0x0] =	wrdreg $0x60  }
0xbd: {  	[dreg:$0x2] =	wrdreg s18  }
0xbe: {  	[dreg:$0x3] =	wrdreg s24  }
0xbf: {  	[dreg:$0x4] =	wrdreg $0xA8000  }
0xc0: {  	[dreg:$0x5] =	wrdreg $0x9  }
0xc1: {  	_ =	task.clear_ibuf [dreg:s22], $0x6FFFF;
	_ =	strace $0x9000004C  }
0xc2: {  	s29 =	simm.s32 $0x9;
	_ =	strace $0x8000004E  }
0xc3: {  	_ =	swait.ge [sflag:s29], $0x1  }
0xc4: {  	[sflag:s29] =	ssyncadd.s32 $0xFFFFFFFF  }
0xc5: {  	_ =	strace $0x9000004E  }
0xc6: {  	_ =	sfence  }
0xc7: {  	s30 =	sld [smem:$0x0];
	_ =	sdelay $0x2  }
0xc8: {  	s31 =	sshll.u32 s1, $0xD;
	s1 =	sshrl.u32 s1, $0x2  }
0xc9: {  	s4 =	sand.u32 $0x4000, s31;
	s1 =	sadd.s32 s1, s30  }
0xca: {  	s0 =	sor.u32 s4, s0;
	s1 =	sshll.u32 s1, $0x11  }
0xcb: {  	s0 =	sor.u32 s1, s0  }
0xcc: {  	s0 =	sadd.s32 $0x8F2B, s0  }
0xcd: {  	[sflag:s0] =	ssyncadd.remote.s32 $0x1  }
0xce: {  	_ =	sfence.sel $0xFFFF  }
0xcf: {  	[dreg:$0x0] =	wrdreg $0xFFFFFFFF;
	(pc) =	sbr.abs _section_cstart, $3  }
0xd0: {  	[dreg:$0x1] =	wrdreg $0xFFFFFFFF  }
0xd1: {  	_ =	task.clear_ibuf [dreg:s22], $0x2FFFF;
	_ =	strace $0x9FFFFFFF  }
0xd2: {  	(tm) =	ssettm $0x7FFFFFFF  }
0xd3: {  	_ =	shalt  }
tec
execute0_lowered:
.L_overlay_start_1:
0x0: {  	(tag) =	ssettag $0x1  }
0x1: {  	s0 =	srdreg.scid;
	s1 =	rddreg [dreg:$0x0]  }
0x2: {  	s5 =	rddreg [dreg:$0x1];
	s26 =	stileid.u32  }
0x3: {  	s3 =	rddreg [dreg:$0x2];
	s21 =	simm.s32 $0x80;
	s22 =	simm.s32 $0x6800  }
0x4: {  	s23 =	simm.s32 $0x1;
	s24 =	simm.s32 $0x2;
	s25 =	simm.s32 $0x1380  }
0x5: {  	s28 =	simm.s32 $0x2780;
	s29 =	simm.s32 $0x0;
	s7 =	smul.u32 $0x50000, s26  }
0x6: {  	s2 =	sand.u32 $0x1, s0;
	s10 =	smul.u32 $0x14000, s26;
	s16 =	sadd.s32 $0x67C00, s5  }
0x7: {  	s4 =	sshll.u32 s2, $0x4;
	s30 =	ssub.s32 $0x2, s2;
	s2 =	smul.u32 $0x140000, s2  }
0x8: {  	s6 =	sor.u32 s26, s4;
	s4 =	simm.s32 $0x0;
	s31 =	sshrl.u32 s30, $0x1  }
0x9: {  	s7 =	sshrl.u32 s7, $0x2;
	s12 =	sadd.s32 $0x4000, s10;
	s14 =	sadd.s32 $0x8000, s10  }
0xa: {  	s15 =	sadd.s32 $0xC000, s10;
	s18 =	sadd.s32 $0x10000, s10;
	s26 =	simm.s32 $0x2700  }
0xb: {  	s6 =	smul.u32 $0x280, s6;
	[smem:$0x7FF] =	sst s4;
	s17 =	ssub.s32 s30, s31  }
0xc: {  	s8 =	sadd.s32 s15, s3;
	s9 =	sadd.s32 s18, s3;
	s13 =	sadd.s32 s10, s2  }
0xd: {  	s15 =	sadd.s32 s2, s15;
	_ =	strace $0x8000004D;
	s13 =	sshrl.u32 s13, $0x3  }
0xe: {  	s15 =	sshrl.u32 s15, $0x3;
	s17 =	smax.u32 s17, $0x1;
	s11 =	sadd.s32 s6, s5  }
0xf: {  	s5 =	sadd.s32 s7, s3;
	s6 =	sadd.s32 s12, s3;
	s7 =	sadd.s32 s14, s3  }
0x10: {  	s12 =	sadd.s32 s2, s12;
	s14 =	sadd.s32 s2, s14;
	s2 =	sadd.s32 s2, s18  }
0x11: {  	s15 =	sadd.s32 s16, s15;
	s18 =	simm.s32 $0x2800;
	s10 =	sadd.s32 $0x62C00, s11  }
0x12: {  	s19 =	sshrl.u32 s12, $0x3;
	s11 =	sadd.s32 $0x5DC00, s11;
	s12 =	sadd.s32 s16, s13  }
0x13: {  	s14 =	sshrl.u32 s14, $0x3;
	s2 =	sshrl.u32 s2, $0x3;
	s13 =	sadd.s32 s16, s19  }
0x14: {  	v0 =	vimm.f32 $0.0e+00;
	s14 =	sadd.s32 s16, s14;
	s16 =	sadd.s32 s16, s2;
	s19 =	simm.s32 $0x3  }
.LBB2_1:
0x15: {  	s2 =	sand.u32 $0xFE00, s4  }
0x16: {  	s31 =	sand.u32 $0x70, s4;
	s2 =	sshrl.u32 s2, $0x2  }
0x17: {  	s30 =	simm.s32 $0x40;
	s2 =	sor.u32 s31, s2;
	s31 =	simm.s32 $0x0  }
.LBB2_2:
0x18: {  	p0 =	sne.s32 s30, $0xFFC0  }
0x19: {  	[tilespmem:s2+$0x2800] =	vst v0;
	s31 =	sadd.s32 $0x10, s31;
	s2 =	smov.u32 s30;
	s30 =	sadd.s32 $0x40, s30  }
.Ltmp0:
0x1a: {  	(pc) =	sbr.rel @p0 .LBB2_2-.Ltmp0, $4  }
0x1b: {  	_ = 	snop  }
0x1c: {  	s2 =	sand.u32 $0xFE00, s2  }
0x1d: {  	s0 =	sand.u32 $0x70, s31;
	s2 =	sshrl.u32 s2, $0x2  }
0x1e: {  	s2 =	sor.u32 s0, s2  }
0x1f: {  	[tilespmem:s2+$0x2800] =	vst v0  }
0x20: {  	[spmem:s5] =	stream.linear.scatter [tilespmem:s18], [sflag:$0x3], $0x4000, $0x38;
	[tilespmem:$0x1E800] =	vst v63  }
0x21: {  	_ =	swait.ge [sflag:s19], $0x4000  }
0x22: {  	[sflag:s19] =	ssyncset.done $0x0  }
0x23: {  	[sflag:s19] =	ssyncadd.s32 $0xFFFFC000  }
0x24: {  	[spmem:s6] =	stream.linear.scatter [tilespmem:s18], [sflag:$0x3], $0x4000, $0x38;
	[tilespmem:$0x1E800] =	vst v63  }
0x25: {  	_ =	swait.ge [sflag:s19], $0x4000  }
0x26: {  	[sflag:s19] =	ssyncset.done $0x0  }
0x27: {  	[sflag:s19] =	ssyncadd.s32 $0xFFFFC000  }
0x28: {  	[spmem:s7] =	stream.linear.scatter [tilespmem:s18], [sflag:$0x3], $0x4000, $0x38;
	[tilespmem:$0x1E800] =	vst v63  }
0x29: {  	_ =	swait.ge [sflag:s19], $0x4000  }
0x2a: {  	[sflag:s19] =	ssyncset.done $0x0  }
0x2b: {  	[sflag:s19] =	ssyncadd.s32 $0xFFFFC000  }
0x2c: {  	[spmem:s8] =	stream.linear.scatter [tilespmem:s18], [sflag:$0x3], $0x4000, $0x38;
	[tilespmem:$0x1E800] =	vst v63  }
0x2d: {  	_ =	swait.ge [sflag:s19], $0x4000  }
0x2e: {  	[sflag:s19] =	ssyncset.done $0x0  }
0x2f: {  	[sflag:s19] =	ssyncadd.s32 $0xFFFFC000  }
0x30: {  	[spmem:s9] =	stream.linear.scatter [tilespmem:s18], [sflag:$0x3], $0x4000, $0x38;
	[tilespmem:$0x1E800] =	vst v63  }
0x31: {  	_ =	swait.ge [sflag:s19], $0x4000  }
0x32: {  	[sflag:s19] =	ssyncset.done $0x0  }
0x33: {  	[sflag:s19] =	ssyncadd.s32 $0xFFFFC000  }
0x34: {  	s0 =	simm.s32 $0x0;
	[bflag:$0x0] =	sbarrier.arrive $0xFFFF  }
0x35: {  	[tilespmem:s0], [sflag:$0x3] =	stream.linear.gather [hbm4b:s10+s0], $0x1400, $0x38;
	[tilespmem:$0x1E800] =	vst v63  }
0x36: {  	_ =	swait.ge [sflag:s19], $0x1400  }
0x37: {  	[sflag:s19] =	ssyncset.done $0x0  }
0x38: {  	s20 =	simm.s32 $0x1400;
	[sflag:s19] =	ssyncadd.s32 $0xFFFFEC00  }
0x39: {  	[tilespmem:s20], [sflag:$0x3] =	stream.linear.gather [hbm4b:s11+s0], $0x1400, $0x38;
	[tilespmem:$0x1E800] =	vst v63  }
0x3a: {  	_ =	swait.ge [sflag:s19], $0x1400  }
0x3b: {  	[sflag:s19] =	ssyncset.done $0x0  }
0x3c: {  	[sflag:s19] =	ssyncadd.s32 $0xFFFFEC00  }
0x3d: {  	[tilespmem:s18], [sflag:$0x1] =	stream.indirect.gather [hbm4b:s1+s21], $0x80, s0, s21, $0xb8;
	[tilespmem:$0x1E800] =	vst v63  }
0x3e: {  	s2 =	simm.s32 $0x80  }
0x3f: {  	[tilespmem:s22], [sflag:$0x2] =	stream.indirect.gather [hbm4b:s1+s21], $0x80, s2, s21, $0xb8;
	[tilespmem:$0x1E800] =	vst v63  }
0x40: {  	_ =	swait.ge [sflag:s23], $0x4000  }
0x41: {  	[sflag:s23] =	ssyncset.done $0x0  }
0x42: {  	s20 =	simm.s32 $0x1400;
	[sflag:s23] =	ssyncadd.s32 $0xFFFFC000  }
0x43: {  	[spmem:s3] =	stream.indirect.scatter.add.f32 [tilespmem:s18], [sflag:$0x3], $0x80, s20, s21, $0xb8;
	[tilespmem:$0x1E800] =	vst v63  }
0x44: {  	_ =	swait.ge [sflag:s19], $0x4000  }
0x45: {  	[sflag:s19] =	ssyncset.done $0x0  }
0x46: {  	s2 =	simm.s32 $0x100;
	[sflag:s19] =	ssyncadd.s32 $0xFFFFC000  }
0x47: {  	[tilespmem:s18], [sflag:$0x1] =	stream.indirect.gather [hbm4b:s1+s21], $0x80, s2, s21, $0xb8;
	[tilespmem:$0x1E800] =	vst v63  }
0x48: {  	_ =	swait.ge [sflag:s24], $0x4000  }
0x49: {  	[sflag:s24] =	ssyncset.done $0x0  }
0x4a: {  	s20 =	simm.s32 $0x1480;
	[sflag:s24] =	ssyncadd.s32 $0xFFFFC000  }
0x4b: {  	[spmem:s3] =	stream.indirect.scatter.add.f32 [tilespmem:s22], [sflag:$0x3], $0x80, s20, s21, $0xb8;
	[tilespmem:$0x1E800] =	vst v63  }
0x4c: {  	_ =	swait.ge [sflag:s19], $0x4000  }
0x4d: {  	s31 =	simm.s32 $0x800;
	s30 =	simm.s32 $0x100;
	[sflag:s19] =	ssyncset.done $0x0  }
.LBB2_4:
0x4e: {  	s0 =	sadd.s32 $0x80, s30  }
0x4f: {  	[sflag:s19] =	ssyncadd.s32 $0xFFFFC000;
	s2 =	smov.u32 s31;
	s20 =	sadd.s32 $0x400, s31  }
0x50: {  	[tilespmem:s22], [sflag:$0x2] =	stream.indirect.gather [hbm4b:s1+s21], $0x80, s0, s21, $0xb8;
	[tilespmem:$0x1E800] =	vst v63  }
0x51: {  	p0 =	sne.s32 s31, $0x4800;
	_ =	swait.ge [sflag:s23], $0x4000  }
0x52: {  	[sflag:s23] =	ssyncset.done $0x0  }
0x53: {  	s0 =	sadd.s32 $0x1400, s30;
	[sflag:s23] =	ssyncadd.s32 $0xFFFFC000  }
0x54: {  	[spmem:s3] =	stream.indirect.scatter.add.f32 [tilespmem:s18], [sflag:$0x3], $0x80, s0, s21, $0xb8;
	[tilespmem:$0x1E800] =	vst v63  }
0x55: {  	_ =	swait.ge [sflag:s19], $0x4000  }
0x56: {  	[sflag:s19] =	ssyncset.done $0x0  }
0x57: {  	s0 =	sadd.s32 $0x100, s30;
	[sflag:s19] =	ssyncadd.s32 $0xFFFFC000  }
0x58: {  	[tilespmem:s18], [sflag:$0x1] =	stream.indirect.gather [hbm4b:s1+s21], $0x80, s0, s21, $0xb8;
	[tilespmem:$0x1E800] =	vst v63  }
0x59: {  	_ =	swait.ge [sflag:s24], $0x4000  }
.Ltmp1:
0x5a: {  	[sflag:s24] =	ssyncset.done $0x0;
	(pc) =	sbr.rel @p0 .LBB2_4-.Ltmp1, $4  }
0x5b: {  	s0 =	sadd.s32 $0x1480, s30;
	[sflag:s24] =	ssyncadd.s32 $0xFFFFC000  }
0x5c: {  	[spmem:s3] =	stream.indirect.scatter.add.f32 [tilespmem:s22], [sflag:$0x3], $0x80, s0, s21, $0xb8;
	[tilespmem:$0x1E800] =	vst v63  }
0x5d: {  	_ =	swait.ge [sflag:s19], $0x4000  }
0x5e: {  	s31 =	smov.u32 s20;
	s30 =	sshra.s32 s2, $0x2;
	[sflag:s19] =	ssyncset.done $0x0  }
0x5f: {  	s0 =	sadd.s32 $0x80, s30;
	[sflag:s19] =	ssyncadd.s32 $0xFFFFC000  }
0x60: {  	[tilespmem:s22], [sflag:$0x2] =	stream.indirect.gather [hbm4b:s1+s21], $0x80, s0, s21, $0xb8;
	[tilespmem:$0x1E800] =	vst v63  }
0x61: {  	_ =	swait.ge [sflag:s23], $0x4000  }
0x62: {  	[sflag:s23] =	ssyncset.done $0x0  }
0x63: {  	s31 =	sadd.s32 $0x1400, s30;
	[sflag:s23] =	ssyncadd.s32 $0xFFFFC000  }
0x64: {  	[spmem:s3] =	stream.indirect.scatter.add.f32 [tilespmem:s18], [sflag:$0x3], $0x80, s31, s21, $0xb8;
	[tilespmem:$0x1E800] =	vst v63  }
0x65: {  	_ =	swait.ge [sflag:s19], $0x4000  }
0x66: {  	[sflag:s19] =	ssyncset.done $0x0  }
0x67: {  	s2 =	sadd.s32 $0x100, s30;
	[sflag:s19] =	ssyncadd.s32 $0xFFFFC000  }
0x68: {  	[tilespmem:s18], [sflag:$0x1] =	stream.indirect.gather [hbm4b:s1+s21], $0x80, s2, s21, $0xb8;
	[tilespmem:$0x1E800] =	vst v63  }
0x69: {  	_ =	swait.ge [sflag:s24], $0x4000  }
0x6a: {  	[sflag:s24] =	ssyncset.done $0x0  }
0x6b: {  	s20 =	sadd.s32 $0x1480, s30;
	[sflag:s24] =	ssyncadd.s32 $0xFFFFC000  }
0x6c: {  	[spmem:s3] =	stream.indirect.scatter.add.f32 [tilespmem:s22], [sflag:$0x3], $0x80, s20, s21, $0xb8;
	[tilespmem:$0x1E800] =	vst v63  }
0x6d: {  	_ =	swait.ge [sflag:s19], $0x4000  }
0x6e: {  	[sflag:s19] =	ssyncset.done $0x0  }
0x6f: {  	[sflag:s19] =	ssyncadd.s32 $0xFFFFC000  }
0x70: {  	[tilespmem:s22], [sflag:$0x2] =	stream.indirect.gather [hbm4b:s1+s21], $0x80, s25, s21, $0xb8;
	[tilespmem:$0x1E800] =	vst v63  }
0x71: {  	_ =	swait.ge [sflag:s23], $0x4000  }
0x72: {  	[sflag:s23] =	ssyncset.done $0x0  }
0x73: {  	[sflag:s23] =	ssyncadd.s32 $0xFFFFC000  }
0x74: {  	[spmem:s3] =	stream.indirect.scatter.add.f32 [tilespmem:s18], [sflag:$0x3], $0x80, s26, s21, $0xb8;
	[tilespmem:$0x1E800] =	vst v63  }
0x75: {  	_ =	swait.ge [sflag:s19], $0x4000  }
0x76: {  	[sflag:s19] =	ssyncset.done $0x0  }
0x77: {  	[sflag:s19] =	ssyncadd.s32 $0xFFFFC000  }
0x78: {  	_ =	swait.ge [sflag:s24], $0x4000  }
0x79: {  	[sflag:s24] =	ssyncset.done $0x0  }
0x7a: {  	[sflag:s24] =	ssyncadd.s32 $0xFFFFC000  }
0x7b: {  	[spmem:s3] =	stream.indirect.scatter.add.f32 [tilespmem:s22], [sflag:$0x3], $0x80, s28, s21, $0xb8;
	[tilespmem:$0x1E800] =	vst v63  }
0x7c: {  	_ =	swait.ge [sflag:s19], $0x4000  }
0x7d: {  	s30 =	stileid.u32;
	[sflag:s19] =	ssyncset.done $0x0  }
0x7e: {  	s0 =	sshll.u32 s30, $0x6;
	[sflag:s19] =	ssyncadd.s32 $0xFFFFC000  }
0x7f: {  	s0 =	sor.u32 $0x1C03, s0;
	s2 =	sshrl.u32 s5, $0x3;
	[bflag:$0x0] =	sbarrier.arrive $0xFFFF  }
0x80: {  	[hbm:s12], [sflag:s0] =	dma.local [spmem:s2], $0x800  }
0x81: {  	_ =	swait.ge [sflag:s19], $0x800  }
0x82: {  	[sflag:s19] =	ssyncset.done $0x0  }
0x83: {  	s31 =	sshrl.u32 s6, $0x3;
	[sflag:s19] =	ssyncadd.s32 $0xFFFFF800  }
0x84: {  	[hbm:s13], [sflag:s0] =	dma.local [spmem:s31], $0x800  }
0x85: {  	_ =	swait.ge [sflag:s19], $0x800  }
0x86: {  	[sflag:s19] =	ssyncset.done $0x0  }
0x87: {  	s20 =	sshrl.u32 s7, $0x3;
	[sflag:s19] =	ssyncadd.s32 $0xFFFFF800  }
0x88: {  	[hbm:s14], [sflag:s0] =	dma.local [spmem:s20], $0x800  }
0x89: {  	_ =	swait.ge [sflag:s19], $0x800  }
0x8a: {  	[sflag:s19] =	ssyncset.done $0x0  }
0x8b: {  	s30 =	sshrl.u32 s8, $0x3;
	[sflag:s19] =	ssyncadd.s32 $0xFFFFF800  }
0x8c: {  	[hbm:s15], [sflag:s0] =	dma.local [spmem:s30], $0x800  }
0x8d: {  	s29 =	sadd.s32 $0x1, s29;
	_ =	swait.ge [sflag:s19], $0x800  }
0x8e: {  	p0 =	sne.s32 s29, s17;
	[sflag:s19] =	ssyncset.done $0x0  }
.Ltmp2:
0x8f: {  	s31 =	sshrl.u32 s9, $0x3;
	[sflag:s19] =	ssyncadd.s32 $0xFFFFF800;
	(pc) =	sbr.rel @p0 .LBB2_1-.Ltmp2, $4  }
0x90: {  	[hbm:s16], [sflag:s0] =	dma.local [spmem:s31], $0x800  }
0x91: {  	_ =	swait.ge [sflag:s19], $0x800  }
0x92: {  	[sflag:s19] =	ssyncset.done $0x0  }
0x93: {  	[sflag:s19] =	ssyncadd.s32 $0xFFFFF800  }
0x94: {  	_ =	sfence.sel $0x180000  }
0x95: {  	[bflag:$0x0] =	sbarrier.arrive $0xFFFF  }
0x96: {  	_ =	strace $0x9000004D  }
0x97: {  	s0 =	stileid.u32;
	[bflag:$0x2] =	sbarrier.arrive $0xFFFF  }
0x98: {  	p0 =	sne.s32 s0, $0x0;
	s0 =	rddreg [dreg:$0x3]  }
0x99: {  	s0 =	sadd.s32 @!p0 $0x100000, s0  }
0x9a: {  	[sflag:s0] =	ssyncadd.tile.s32 @!p0 $0x1;
	_ =	shalt  }
.Lfunc_end2:
_tile_overlayer_lowered:
.L_overlay_start_2:
0x9b: {  	(tag) =	ssettag $0x2  }
0x9c: {  	s0 =	rddreg [dreg:$0x0];
	s2 =	stileid.u32  }
0x9d: {  	s1 =	rddreg [dreg:$0x1];
	p0 =	sne.s32 s2, $0x0  }
0x9e: {  	s3 =	rddreg [dreg:$0x2];
	[bflag:$0x3] =	sbarrier.arrive $0xFFFF;
	s2 =	simm.s32 @!p0 $0x1C03  }
0x9f: {  	[timem:s3], [sflag:s2] =	dma.local @!p0 [hbm:s0], s1  }
0xa0: {  	s0 =	simm.s32 @!p0 $0x3  }
0xa1: {  	_ =	swait.ge @!p0 [sflag:s0], s1  }
0xa2: {  	s1 =	ssub.s32 @!p0 $0x0, s1;
	[sflag:s0] =	ssyncset.done @!p0 $0x0  }
0xa3: {  	[sflag:s0] =	ssyncadd.s32 @!p0 s1  }
0xa4: {  	[bflag:$0x3] =	sbarrier.arrive $0xFFFF  }
0xa5: {  	_ =	shalt  }

// kernel: kernel.16.cloned.1.call-start
scs
__scs_entry_jumppad:
0x0: {  	(pc) =	sbr.rel $0x88, $3  }
0x1: {  	(tag) =	ssettag $0x0;
	lr =	simm.s32 $0x1  }
0x2: {  	[smem:$0x3F9D] =	sst lr;
	_ =	strace $0xD0000000  }
0x3: {  	_ = 	snop  }
0x4: {  	_ = 	snop  }
0x5: {  	_ = 	snop  }
0x6: {  	_ = 	snop  }
0x7: {  	_ = 	snop  }
__scs_overlays_trampoline_lowered:
0x8: {  	[smem:$0x3FAC] =	sst s0  }
0x9: {  	[smem:$0x3FAD] =	sst s1  }
0xa: {  	[smem:$0x3FAE] =	sst s2  }
0xb: {  	[smem:$0x3FAF] =	sst s3  }
0xc: {  	[smem:$0x3FB0] =	sst s4  }
0xd: {  	[smem:$0x3FB1] =	sst s5  }
0xe: {  	[smem:$0x3FB2] =	sst s6  }
0xf: {  	[smem:$0x3FB3] =	sst s7  }
0x10: {  	[smem:$0x3FB4] =	sst s8  }
0x11: {  	[smem:$0x3FB5] =	sst s9;
	s0 =	simm.s32 @!p0 $0x0  }
0x12: {  	s1 =	sld [smem:$0x3F9B];
	s0 =	simm.s32 @p0 $0x1  }
0x13: {  	[smem:$0x3FB6] =	sst s0;
	s0 =	simm.s32 @!p1 $0x0  }
0x14: {  	s2 =	sld [smem:$0x3F9A];
	s0 =	simm.s32 @p1 $0x1  }
0x15: {  	[smem:$0x3FB7] =	sst s0;
	s0 =	simm.s32 @!p2 $0x0  }
0x16: {  	s3 =	sld [smem:$0x3FDB];
	s0 =	simm.s32 @p2 $0x1  }
0x17: {  	s4 =	simm.s32 $0x1BF5;
	[smem:$0x3FB9] =	sst s0  }
0x18: {  	s0 =	sld [smem:$0x3F9C];
	_ =	swait.ge [sflag:s4], $0x0  }
0x19: {  	s7 =	sld [smem:$0x3F9D]  }
0x1a: {  	s8 =	sadd.s32 $0xFFFFE003, lr  }
0x1b: {  	s9 =	sadd.s32 $0xFFFFFEF7, lr;
	s5 =	simm.s32 $0xFFFFFFFF;
	p2 =	slt.u32 s8, $0xFFFFF086  }
0x1c: {  	p1 =	slt.u32 s9, $0xF7A;
	s5 =	simm.s32 @!p2 $0x0  }
0x1d: {  	s5 =	simm.s32 @p1 $0x1;
	p0 =	seq.s32 s7, s2  }
0x1e: {  	s7 =	smul.u32 @!p0 $0xF7A, s2;
	p2 =	seq.s32 @!p0 s5, $0x0  }
0x1f: {  	s9 =	smul.u32 $0xF7A, s1;
	s8 =	simm.s32 @!p0 $0x1BF5;
	p2 =	por !p2, p0  }
0x20: {  	[sflag:s8] =	ssyncset.s32 @!p0 $0xFFFFF086;
	s6 =	sadd.s32 @!p0 s3, s7;
	s7 =	simm.s32 @!p0 $0x108  }
0x21: {  	s3 =	sadd.s32 s3, s9;
	s6 =	sadd.s32 @!p0 $0x88, s6;
	s7 =	simm.s32 @p2 $0x1082  }
0x22: {  	[simem:s7], [sflag:s8] =	dma.local @!p0 [hbm:s6], $0xF7A  }
0x23: {  	s9 =	sor.u32 $0xD0000000, s2;
	s6 =	simm.s32 $0x108;
	_ =	swait.ge @!p0 [sflag:s8], $0x0  }
0x24: {  	s3 =	sadd.s32 $0x88, s3;
	s6 =	simm.s32 @!p1 $0x1082;
	[sflag:s4] =	ssyncset.s32 $0xFFFFF086  }
0x25: {  	[simem:s6], [sflag:s4] =	dma.local [hbm:s3], $0xF7A  }
0x26: {  	[smem:$0x3F9D] =	sst s1;
	(tag) =	ssettag s2;
	_ =	strace s9  }
0x27: {  	s1 =	sld [smem:$0x3FAD]  }
0x28: {  	s2 =	sld [smem:$0x3FAE]  }
0x29: {  	s4 =	sld [smem:$0x3FB0]  }
0x2a: {  	p0 =	seq.s32 s5, $0x0;
	s5 =	sld [smem:$0x3FB1]  }
0x2b: {  	s6 =	sld [smem:$0x3FB2]  }
0x2c: {  	s7 =	sld [smem:$0x3FB3]  }
0x2d: {  	s3 =	simm.s32 $0x108;
	s8 =	sld [smem:$0x3FB4]  }
0x2e: {  	s3 =	simm.s32 @!p0 $0x1082;
	s9 =	sld [smem:$0x3FB5]  }
0x2f: {  	lr =	sadd.s32 s0, s3;
	s0 =	sld [smem:$0x3FAC]  }
0x30: {  	s3 =	sld [smem:$0x3FAF]  }
0x31: {  	[smem:$0x3FB8] =	sst s10  }
0x32: {  	s10 =	sld [smem:$0x3FB6];
	_ =	sdelay $0x3  }
0x33: {  	p0 =	seq.s32 s10, $0x1;
	s10 =	sld [smem:$0x3FB8];
	_ =	sdelay $0x3  }
0x34: {  	[smem:$0x3FB8] =	sst s10  }
0x35: {  	s10 =	sld [smem:$0x3FB7];
	_ =	sdelay $0x3  }
0x36: {  	p1 =	seq.s32 s10, $0x1;
	s10 =	sld [smem:$0x3FB8];
	_ =	sdelay $0x3  }
0x37: {  	[smem:$0x3FB8] =	sst s10  }
0x38: {  	s10 =	sld [smem:$0x3FB9]  }
0x39: {  	_ = 	snop;
	(pc) =	sbr.ind lr, $3  }
0x3a: {  	_ = 	snop  }
0x3b: {  	_ = 	snop  }
0x3c: {  	p2 =	seq.s32 s10, $0x1;
	s10 =	sld [smem:$0x3FB8]  }
0x3d: {  	_ =	shalt  }
0x3e: {  	_ =	shalt  }
0x3f: {  	_ =	shalt  }
0x40: {  	_ =	shalt  }
0x41: {  	_ =	shalt  }
0x42: {  	_ =	shalt  }
0x43: {  	_ =	shalt  }
0x44: {  	_ =	shalt  }
0x45: {  	_ =	shalt  }
0x46: {  	_ =	shalt  }
0x47: {  	_ =	shalt  }
0x48: {  	_ =	shalt  }
0x49: {  	_ =	shalt  }
0x4a: {  	_ =	shalt  }
0x4b: {  	_ =	shalt  }
0x4c: {  	_ =	shalt  }
0x4d: {  	_ =	shalt  }
0x4e: {  	_ =	shalt  }
0x4f: {  	_ =	shalt  }
0x50: {  	_ =	shalt  }
0x51: {  	_ =	shalt  }
0x52: {  	_ =	shalt  }
0x53: {  	_ =	shalt  }
0x54: {  	_ =	shalt  }
0x55: {  	_ =	shalt  }
0x56: {  	_ =	shalt  }
0x57: {  	_ =	shalt  }
0x58: {  	_ =	shalt  }
0x59: {  	_ =	shalt  }
0x5a: {  	_ =	shalt  }
0x5b: {  	_ =	shalt  }
0x5c: {  	_ =	shalt  }
0x5d: {  	_ =	shalt  }
0x5e: {  	_ =	shalt  }
0x5f: {  	_ =	shalt  }
0x60: {  	_ =	shalt  }
0x61: {  	_ =	shalt  }
0x62: {  	_ =	shalt  }
0x63: {  	_ =	shalt  }
0x64: {  	_ =	shalt  }
0x65: {  	_ =	shalt  }
0x66: {  	_ =	shalt  }
0x67: {  	_ =	shalt  }
0x68: {  	_ =	shalt  }
0x69: {  	_ =	shalt  }
0x6a: {  	_ =	shalt  }
0x6b: {  	_ =	shalt  }
0x6c: {  	_ =	shalt  }
0x6d: {  	_ =	shalt  }
0x6e: {  	_ =	shalt  }
0x6f: {  	_ =	shalt  }
0x70: {  	_ =	shalt  }
0x71: {  	_ =	shalt  }
0x72: {  	_ =	shalt  }
0x73: {  	_ =	shalt  }
0x74: {  	_ =	shalt  }
0x75: {  	_ =	shalt  }
0x76: {  	_ =	shalt  }
0x77: {  	_ =	shalt  }
0x78: {  	_ =	shalt  }
0x79: {  	_ =	shalt  }
0x7a: {  	_ =	shalt  }
0x7b: {  	_ =	shalt  }
0x7c: {  	_ =	shalt  }
0x7d: {  	_ =	shalt  }
0x7e: {  	_ =	shalt  }
0x7f: {  	_ =	shalt  }
0x80: {  	_ =	shalt  }
0x81: {  	_ =	shalt  }
0x82: {  	_ =	shalt  }
0x83: {  	_ =	shalt  }
0x84: {  	_ =	shalt  }
0x85: {  	_ =	shalt  }
0x86: {  	_ =	shalt  }
0x87: {  	_ =	shalt  }
.Lfunc_end0:
.L_simem_size_0:
called_computation.2_lowered:
.L_overlay_start_0:
0x88: {  	s2 =	sld [smem:$0x3FD9]  }
0x89: {  	s3 =	sld [smem:$0x3FFE];
	_ =	sdelay $0x1  }
0x8a: {  	s1 =	srdreg.scid  }
0x8b: {  	s0 =	sand.u32 $0x1, s1  }
0x8c: {  	s17 =	sshll.u32 s0, $0xA;
	s2 =	sadd.s32 s3, s2  }
0x8d: {  	s2 =	sadd.s32 s2, s17  }
0x8e: {  	[smem:$0x3FC4] =	sst s2  }
0x8f: {  	_ = 	snop  }
0x90: {  	s2 =	sld [smem:$0x3FD0];
	(tm) =	ssettm $0x1  }
0x91: {  	s18 =	sld [smem:$0x3FFB];
	_ =	sdelay $0x3  }
0x92: {  	_ =	strace s18  }
0x93: {  	s3 =	sld [smem:$0x3FFC];
	_ =	sdelay $0x3  }
0x94: {  	_ =	strace s3  }
0x95: {  	s3 =	sld [smem:$0x3FFD];
	_ =	sdelay $0x3  }
0x96: {  	_ =	strace s3  }
0x97: {  	_ =	strace $0x8FFFFFFF  }
0x98: {  	s19 =	sld [smem:$0x3FDB];
	_ =	sdelay $0x1  }
0x99: {  	s4 =	simm.s32 $_scs_section_size  }
0x9a: {  	s5 =	simm.s32 $_size__tile_overlayer_lowered;
	s6 =	simm.s32 $_tile_overlayer_lowered  }
0x9b: {  	s22 =	simm.s32 $0x1BFF;
	s21 =	sshll.u32 s6, $0x1;
	s3 =	sadd.s32 s4, s19  }
0x9c: {  	s7 =	simm.s32 $0x0;
	s20 =	sshll.u32 s5, $0x1;
	s5 =	sadd.s32 s21, s3  }
0x9d: {  	[timem:s7], [sflag:s22] =	dma.local [hbm:s5], s20  }
0x9e: {  	_ =	swait.ge [sflag:s22], s20  }
0x9f: {  	s4 =	ssub.s32 $0x0, s20;
	[sflag:s22] =	ssyncset.done $0x0  }
0xa0: {  	[sflag:s22] =	ssyncadd.s32 s4;
	_ =	sdelay $0x1  }
0xa1: {  	s23 =	simm.s32 $0x1B8B  }
0xa2: {  	_ =	swait.ge [sflag:s23], $0x1  }
0xa3: {  	[sflag:s23] =	ssyncset.done $0x0  }
0xa4: {  	s25 =	simm.s32 $0x1B8E;
	s24 =	sld [smem:$0x3FFE];
	[sflag:s23] =	ssyncadd.s32 $0xFFFFFFFF  }
0xa5: {  	s26 =	simm.s32 $execute0_lowered;
	[smem:$0x3FD2] =	sst s25  }
0xa6: {  	s5 =	sshll.u32 s26, $0x1;
	_ =	strace $0x80000049;
	[dreg:$0x1] =	wrdreg $0xFFFFFFFF  }
0xa7: {  	s28 =	simm.s32 $_size_execute0_lowered;
	s3 =	sadd.s32 s3, s5;
	[dreg:$0x0] =	wrdreg $0x0  }
0xa8: {  	s5 =	sshll.u32 s28, $0x1;
	[dreg:$0x2] =	wrdreg s3  }
0xa9: {  	[dreg:$0x3] =	wrdreg s5  }
0xaa: {  	[dreg:$0x4] =	wrdreg $0xC0  }
0xab: {  	_ =	task [dreg:s7], $0x5FFFF  }
0xac: {  	[dreg:$0x1] =	wrdreg $0xFFFFFFFF  }
0xad: {  	[dreg:$0x0] =	wrdreg $0x60  }
0xae: {  	[dreg:$0x2] =	wrdreg s2  }
0xaf: {  	[dreg:$0x3] =	wrdreg s24  }
0xb0: {  	[dreg:$0x4] =	wrdreg $0xA8000  }
0xb1: {  	[dreg:$0x5] =	wrdreg $0xA  }
0xb2: {  	_ =	task.clear_ibuf [dreg:s7], $0x6FFFF;
	_ =	strace $0x90000049  }
0xb3: {  	s29 =	simm.s32 $0xA;
	_ =	strace $0x8000004B  }
0xb4: {  	_ =	swait.ge [sflag:s29], $0x1  }
0xb5: {  	[sflag:s29] =	ssyncadd.s32 $0xFFFFFFFF  }
0xb6: {  	_ =	strace $0x9000004B  }
0xb7: {  	_ =	sfence  }
0xb8: {  	s30 =	sld [smem:$0x0];
	_ =	sdelay $0x2  }
0xb9: {  	s31 =	sshll.u32 s1, $0xD;
	s1 =	sshrl.u32 s1, $0x2  }
0xba: {  	s3 =	sand.u32 $0x4000, s31;
	s1 =	sadd.s32 s1, s30  }
0xbb: {  	s0 =	sor.u32 s3, s0;
	s1 =	sshll.u32 s1, $0x11  }
0xbc: {  	s0 =	sor.u32 s1, s0  }
0xbd: {  	s0 =	sadd.s32 $0x8F2B, s0  }
0xbe: {  	[sflag:s0] =	ssyncadd.remote.s32 $0x1  }
0xbf: {  	_ =	sfence.sel $0xFFFF  }
0xc0: {  	[dreg:$0x0] =	wrdreg $0xFFFFFFFF;
	(pc) =	sbr.abs _section_cstart, $3  }
0xc1: {  	[dreg:$0x1] =	wrdreg $0xFFFFFFFF  }
0xc2: {  	_ =	task.clear_ibuf [dreg:s7], $0x2FFFF;
	_ =	strace $0x9FFFFFFF  }
0xc3: {  	(tm) =	ssettm $0x7FFFFFFF  }
tec
execute0_lowered:
.L_overlay_start_1:
0x0: {  	(tag) =	ssettag $0x1  }
0x1: {  	s0 =	srdreg.scid;
	s1 =	rddreg [dreg:$0x0]  }
0x2: {  	s5 =	rddreg [dreg:$0x1];
	s26 =	stileid.u32  }
0x3: {  	s3 =	rddreg [dreg:$0x2];
	s21 =	simm.s32 $0x80;
	s22 =	simm.s32 $0x6800  }
0x4: {  	s23 =	simm.s32 $0x1;
	s24 =	simm.s32 $0x2;
	s25 =	simm.s32 $0x1380  }
0x5: {  	s28 =	simm.s32 $0x2780;
	s29 =	simm.s32 $0x0;
	s7 =	smul.u32 $0x50000, s26  }
0x6: {  	s2 =	sand.u32 $0x1, s0;
	s10 =	smul.u32 $0x14000, s26;
	s16 =	sadd.s32 $0x3C00, s5  }
0x7: {  	s4 =	sshll.u32 s2, $0x4;
	s30 =	ssub.s32 $0x2, s2;
	s2 =	smul.u32 $0x140000, s2  }
0x8: {  	s6 =	sor.u32 s26, s4;
	s4 =	simm.s32 $0x0;
	s31 =	sshrl.u32 s30, $0x1  }
0x9: {  	s7 =	sshrl.u32 s7, $0x2;
	s12 =	sadd.s32 $0x4000, s10;
	s14 =	sadd.s32 $0x8000, s10  }
0xa: {  	s15 =	sadd.s32 $0xC000, s10;
	s18 =	sadd.s32 $0x10000, s10;
	s26 =	simm.s32 $0x2700  }
0xb: {  	s6 =	smul.u32 $0x280, s6;
	[smem:$0x7FF] =	sst s4;
	s17 =	ssub.s32 s30, s31  }
0xc: {  	s8 =	sadd.s32 s15, s3;
	s9 =	sadd.s32 s18, s3;
	s13 =	sadd.s32 s10, s2  }
0xd: {  	s15 =	sadd.s32 s2, s15;
	_ =	strace $0x8000004A;
	s13 =	sshrl.u32 s13, $0x3  }
0xe: {  	s15 =	sshrl.u32 s15, $0x3;
	s17 =	smax.u32 s17, $0x1;
	s11 =	sadd.s32 s6, s5  }
0xf: {  	s5 =	sadd.s32 s7, s3;
	s6 =	sadd.s32 s12, s3;
	s7 =	sadd.s32 s14, s3  }
0x10: {  	s12 =	sadd.s32 s2, s12;
	s14 =	sadd.s32 s2, s14;
	s2 =	sadd.s32 s2, s18  }
0x11: {  	s15 =	sadd.s32 s16, s15;
	s18 =	simm.s32 $0x2800;
	s10 =	sadd.s32 $0x58C00, s11  }
0x12: {  	s19 =	sshrl.u32 s12, $0x3;
	s11 =	sadd.s32 $0x53C00, s11;
	s12 =	sadd.s32 s16, s13  }
0x13: {  	s14 =	sshrl.u32 s14, $0x3;
	s2 =	sshrl.u32 s2, $0x3;
	s13 =	sadd.s32 s16, s19  }
0x14: {  	v0 =	vimm.f32 $0.0e+00;
	s14 =	sadd.s32 s16, s14;
	s16 =	sadd.s32 s16, s2;
	s19 =	simm.s32 $0x3  }
.LBB2_1:
0x15: {  	s2 =	sand.u32 $0xFE00, s4  }
0x16: {  	s31 =	sand.u32 $0x70, s4;
	s2 =	sshrl.u32 s2, $0x2  }
0x17: {  	s30 =	simm.s32 $0x40;
	s2 =	sor.u32 s31, s2;
	s31 =	simm.s32 $0x0  }
.LBB2_2:
0x18: {  	p0 =	sne.s32 s30, $0xFFC0  }
0x19: {  	[tilespmem:s2+$0x2800] =	vst v0;
	s31 =	sadd.s32 $0x10, s31;
	s2 =	smov.u32 s30;
	s30 =	sadd.s32 $0x40, s30  }
.Ltmp0:
0x1a: {  	(pc) =	sbr.rel @p0 .LBB2_2-.Ltmp0, $4  }
0x1b: {  	_ = 	snop  }
0x1c: {  	s2 =	sand.u32 $0xFE00, s2  }
0x1d: {  	s0 =	sand.u32 $0x70, s31;
	s2 =	sshrl.u32 s2, $0x2  }
0x1e: {  	s2 =	sor.u32 s0, s2  }
0x1f: {  	[tilespmem:s2+$0x2800] =	vst v0  }
0x20: {  	[spmem:s5] =	stream.linear.scatter [tilespmem:s18], [sflag:$0x3], $0x4000, $0x38;
	[tilespmem:$0x1E800] =	vst v63  }
0x21: {  	_ =	swait.ge [sflag:s19], $0x4000  }
0x22: {  	[sflag:s19] =	ssyncset.done $0x0  }
0x23: {  	[sflag:s19] =	ssyncadd.s32 $0xFFFFC000  }
0x24: {  	[spmem:s6] =	stream.linear.scatter [tilespmem:s18], [sflag:$0x3], $0x4000, $0x38;
	[tilespmem:$0x1E800] =	vst v63  }
0x25: {  	_ =	swait.ge [sflag:s19], $0x4000  }
0x26: {  	[sflag:s19] =	ssyncset.done $0x0  }
0x27: {  	[sflag:s19] =	ssyncadd.s32 $0xFFFFC000  }
0x28: {  	[spmem:s7] =	stream.linear.scatter [tilespmem:s18], [sflag:$0x3], $0x4000, $0x38;
	[tilespmem:$0x1E800] =	vst v63  }
0x29: {  	_ =	swait.ge [sflag:s19], $0x4000  }
0x2a: {  	[sflag:s19] =	ssyncset.done $0x0  }
0x2b: {  	[sflag:s19] =	ssyncadd.s32 $0xFFFFC000  }
0x2c: {  	[spmem:s8] =	stream.linear.scatter [tilespmem:s18], [sflag:$0x3], $0x4000, $0x38;
	[tilespmem:$0x1E800] =	vst v63  }
0x2d: {  	_ =	swait.ge [sflag:s19], $0x4000  }
0x2e: {  	[sflag:s19] =	ssyncset.done $0x0  }
0x2f: {  	[sflag:s19] =	ssyncadd.s32 $0xFFFFC000  }
0x30: {  	[spmem:s9] =	stream.linear.scatter [tilespmem:s18], [sflag:$0x3], $0x4000, $0x38;
	[tilespmem:$0x1E800] =	vst v63  }
0x31: {  	_ =	swait.ge [sflag:s19], $0x4000  }
0x32: {  	[sflag:s19] =	ssyncset.done $0x0  }
0x33: {  	[sflag:s19] =	ssyncadd.s32 $0xFFFFC000  }
0x34: {  	s0 =	simm.s32 $0x0;
	[bflag:$0x0] =	sbarrier.arrive $0xFFFF  }
0x35: {  	[tilespmem:s0], [sflag:$0x3] =	stream.linear.gather [hbm4b:s10+s0], $0x1400, $0x38;
	[tilespmem:$0x1E800] =	vst v63  }
0x36: {  	_ =	swait.ge [sflag:s19], $0x1400  }
0x37: {  	[sflag:s19] =	ssyncset.done $0x0  }
0x38: {  	s20 =	simm.s32 $0x1400;
	[sflag:s19] =	ssyncadd.s32 $0xFFFFEC00  }
0x39: {  	[tilespmem:s20], [sflag:$0x3] =	stream.linear.gather [hbm4b:s11+s0], $0x1400, $0x38;
	[tilespmem:$0x1E800] =	vst v63  }
0x3a: {  	_ =	swait.ge [sflag:s19], $0x1400  }
0x3b: {  	[sflag:s19] =	ssyncset.done $0x0  }
0x3c: {  	[sflag:s19] =	ssyncadd.s32 $0xFFFFEC00  }
0x3d: {  	[tilespmem:s18], [sflag:$0x1] =	stream.indirect.gather [hbm4b:s1+s21], $0x80, s0, s21, $0xb8;
	[tilespmem:$0x1E800] =	vst v63  }
0x3e: {  	s2 =	simm.s32 $0x80  }
0x3f: {  	[tilespmem:s22], [sflag:$0x2] =	stream.indirect.gather [hbm4b:s1+s21], $0x80, s2, s21, $0xb8;
	[tilespmem:$0x1E800] =	vst v63  }
0x40: {  	_ =	swait.ge [sflag:s23], $0x4000  }
0x41: {  	[sflag:s23] =	ssyncset.done $0x0  }
0x42: {  	s20 =	simm.s32 $0x1400;
	[sflag:s23] =	ssyncadd.s32 $0xFFFFC000  }
0x43: {  	[spmem:s3] =	stream.indirect.scatter.add.f32 [tilespmem:s18], [sflag:$0x3], $0x80, s20, s21, $0xb8;
	[tilespmem:$0x1E800] =	vst v63  }
0x44: {  	_ =	swait.ge [sflag:s19], $0x4000  }
0x45: {  	[sflag:s19] =	ssyncset.done $0x0  }
0x46: {  	s2 =	simm.s32 $0x100;
	[sflag:s19] =	ssyncadd.s32 $0xFFFFC000  }
0x47: {  	[tilespmem:s18], [sflag:$0x1] =	stream.indirect.gather [hbm4b:s1+s21], $0x80, s2, s21, $0xb8;
	[tilespmem:$0x1E800] =	vst v63  }
0x48: {  	_ =	swait.ge [sflag:s24], $0x4000  }
0x49: {  	[sflag:s24] =	ssyncset.done $0x0  }
0x4a: {  	s20 =	simm.s32 $0x1480;
	[sflag:s24] =	ssyncadd.s32 $0xFFFFC000  }
0x4b: {  	[spmem:s3] =	stream.indirect.scatter.add.f32 [tilespmem:s22], [sflag:$0x3], $0x80, s20, s21, $0xb8;
	[tilespmem:$0x1E800] =	vst v63  }
0x4c: {  	_ =	swait.ge [sflag:s19], $0x4000  }
0x4d: {  	s31 =	simm.s32 $0x800;
	s30 =	simm.s32 $0x100;
	[sflag:s19] =	ssyncset.done $0x0  }
.LBB2_4:
0x4e: {  	s0 =	sadd.s32 $0x80, s30  }
0x4f: {  	[sflag:s19] =	ssyncadd.s32 $0xFFFFC000;
	s2 =	smov.u32 s31;
	s20 =	sadd.s32 $0x400, s31  }
0x50: {  	[tilespmem:s22], [sflag:$0x2] =	stream.indirect.gather [hbm4b:s1+s21], $0x80, s0, s21, $0xb8;
	[tilespmem:$0x1E800] =	vst v63  }
0x51: {  	p0 =	sne.s32 s31, $0x4800;
	_ =	swait.ge [sflag:s23], $0x4000  }
0x52: {  	[sflag:s23] =	ssyncset.done $0x0  }
0x53: {  	s0 =	sadd.s32 $0x1400, s30;
	[sflag:s23] =	ssyncadd.s32 $0xFFFFC000  }
0x54: {  	[spmem:s3] =	stream.indirect.scatter.add.f32 [tilespmem:s18], [sflag:$0x3], $0x80, s0, s21, $0xb8;
	[tilespmem:$0x1E800] =	vst v63  }
0x55: {  	_ =	swait.ge [sflag:s19], $0x4000  }
0x56: {  	[sflag:s19] =	ssyncset.done $0x0  }
0x57: {  	s0 =	sadd.s32 $0x100, s30;
	[sflag:s19] =	ssyncadd.s32 $0xFFFFC000  }
0x58: {  	[tilespmem:s18], [sflag:$0x1] =	stream.indirect.gather [hbm4b:s1+s21], $0x80, s0, s21, $0xb8;
	[tilespmem:$0x1E800] =	vst v63  }
0x59: {  	_ =	swait.ge [sflag:s24], $0x4000  }
.Ltmp1:
0x5a: {  	[sflag:s24] =	ssyncset.done $0x0;
	(pc) =	sbr.rel @p0 .LBB2_4-.Ltmp1, $4  }
0x5b: {  	s0 =	sadd.s32 $0x1480, s30;
	[sflag:s24] =	ssyncadd.s32 $0xFFFFC000  }
0x5c: {  	[spmem:s3] =	stream.indirect.scatter.add.f32 [tilespmem:s22], [sflag:$0x3], $0x80, s0, s21, $0xb8;
	[tilespmem:$0x1E800] =	vst v63  }
0x5d: {  	_ =	swait.ge [sflag:s19], $0x4000  }
0x5e: {  	s31 =	smov.u32 s20;
	s30 =	sshra.s32 s2, $0x2;
	[sflag:s19] =	ssyncset.done $0x0  }
0x5f: {  	s0 =	sadd.s32 $0x80, s30;
	[sflag:s19] =	ssyncadd.s32 $0xFFFFC000  }
0x60: {  	[tilespmem:s22], [sflag:$0x2] =	stream.indirect.gather [hbm4b:s1+s21], $0x80, s0, s21, $0xb8;
	[tilespmem:$0x1E800] =	vst v63  }
0x61: {  	_ =	swait.ge [sflag:s23], $0x4000  }
0x62: {  	[sflag:s23] =	ssyncset.done $0x0  }
0x63: {  	s31 =	sadd.s32 $0x1400, s30;
	[sflag:s23] =	ssyncadd.s32 $0xFFFFC000  }
0x64: {  	[spmem:s3] =	stream.indirect.scatter.add.f32 [tilespmem:s18], [sflag:$0x3], $0x80, s31, s21, $0xb8;
	[tilespmem:$0x1E800] =	vst v63  }
0x65: {  	_ =	swait.ge [sflag:s19], $0x4000  }
0x66: {  	[sflag:s19] =	ssyncset.done $0x0  }
0x67: {  	s2 =	sadd.s32 $0x100, s30;
	[sflag:s19] =	ssyncadd.s32 $0xFFFFC000  }
0x68: {  	[tilespmem:s18], [sflag:$0x1] =	stream.indirect.gather [hbm4b:s1+s21], $0x80, s2, s21, $0xb8;
	[tilespmem:$0x1E800] =	vst v63  }
0x69: {  	_ =	swait.ge [sflag:s24], $0x4000  }
0x6a: {  	[sflag:s24] =	ssyncset.done $0x0  }
0x6b: {  	s20 =	sadd.s32 $0x1480, s30;
	[sflag:s24] =	ssyncadd.s32 $0xFFFFC000  }
0x6c: {  	[spmem:s3] =	stream.indirect.scatter.add.f32 [tilespmem:s22], [sflag:$0x3], $0x80, s20, s21, $0xb8;
	[tilespmem:$0x1E800] =	vst v63  }
0x6d: {  	_ =	swait.ge [sflag:s19], $0x4000  }
0x6e: {  	[sflag:s19] =	ssyncset.done $0x0  }
0x6f: {  	[sflag:s19] =	ssyncadd.s32 $0xFFFFC000  }
0x70: {  	[tilespmem:s22], [sflag:$0x2] =	stream.indirect.gather [hbm4b:s1+s21], $0x80, s25, s21, $0xb8;
	[tilespmem:$0x1E800] =	vst v63  }
0x71: {  	_ =	swait.ge [sflag:s23], $0x4000  }
0x72: {  	[sflag:s23] =	ssyncset.done $0x0  }
0x73: {  	[sflag:s23] =	ssyncadd.s32 $0xFFFFC000  }
0x74: {  	[spmem:s3] =	stream.indirect.scatter.add.f32 [tilespmem:s18], [sflag:$0x3], $0x80, s26, s21, $0xb8;
	[tilespmem:$0x1E800] =	vst v63  }
0x75: {  	_ =	swait.ge [sflag:s19], $0x4000  }
0x76: {  	[sflag:s19] =	ssyncset.done $0x0  }
0x77: {  	[sflag:s19] =	ssyncadd.s32 $0xFFFFC000  }
0x78: {  	_ =	swait.ge [sflag:s24], $0x4000  }
0x79: {  	[sflag:s24] =	ssyncset.done $0x0  }
0x7a: {  	[sflag:s24] =	ssyncadd.s32 $0xFFFFC000  }
0x7b: {  	[spmem:s3] =	stream.indirect.scatter.add.f32 [tilespmem:s22], [sflag:$0x3], $0x80, s28, s21, $0xb8;
	[tilespmem:$0x1E800] =	vst v63  }
0x7c: {  	_ =	swait.ge [sflag:s19], $0x4000  }
0x7d: {  	s30 =	stileid.u32;
	[sflag:s19] =	ssyncset.done $0x0  }
0x7e: {  	s0 =	sshll.u32 s30, $0x6;
	[sflag:s19] =	ssyncadd.s32 $0xFFFFC000  }
0x7f: {  	s0 =	sor.u32 $0x1C03, s0;
	s2 =	sshrl.u32 s5, $0x3;
	[bflag:$0x0] =	sbarrier.arrive $0xFFFF  }
0x80: {  	[hbm:s12], [sflag:s0] =	dma.local [spmem:s2], $0x800  }
0x81: {  	_ =	swait.ge [sflag:s19], $0x800  }
0x82: {  	[sflag:s19] =	ssyncset.done $0x0  }
0x83: {  	s31 =	sshrl.u32 s6, $0x3;
	[sflag:s19] =	ssyncadd.s32 $0xFFFFF800  }
0x84: {  	[hbm:s13], [sflag:s0] =	dma.local [spmem:s31], $0x800  }
0x85: {  	_ =	swait.ge [sflag:s19], $0x800  }
0x86: {  	[sflag:s19] =	ssyncset.done $0x0  }
0x87: {  	s20 =	sshrl.u32 s7, $0x3;
	[sflag:s19] =	ssyncadd.s32 $0xFFFFF800  }
0x88: {  	[hbm:s14], [sflag:s0] =	dma.local [spmem:s20], $0x800  }
0x89: {  	_ =	swait.ge [sflag:s19], $0x800  }
0x8a: {  	[sflag:s19] =	ssyncset.done $0x0  }
0x8b: {  	s30 =	sshrl.u32 s8, $0x3;
	[sflag:s19] =	ssyncadd.s32 $0xFFFFF800  }
0x8c: {  	[hbm:s15], [sflag:s0] =	dma.local [spmem:s30], $0x800  }
0x8d: {  	s29 =	sadd.s32 $0x1, s29;
	_ =	swait.ge [sflag:s19], $0x800  }
0x8e: {  	p0 =	sne.s32 s29, s17;
	[sflag:s19] =	ssyncset.done $0x0  }
.Ltmp2:
0x8f: {  	s31 =	sshrl.u32 s9, $0x3;
	[sflag:s19] =	ssyncadd.s32 $0xFFFFF800;
	(pc) =	sbr.rel @p0 .LBB2_1-.Ltmp2, $4  }
0x90: {  	[hbm:s16], [sflag:s0] =	dma.local [spmem:s31], $0x800  }
0x91: {  	_ =	swait.ge [sflag:s19], $0x800  }
0x92: {  	[sflag:s19] =	ssyncset.done $0x0  }
0x93: {  	[sflag:s19] =	ssyncadd.s32 $0xFFFFF800  }
0x94: {  	_ =	sfence.sel $0x180000  }
0x95: {  	[bflag:$0x0] =	sbarrier.arrive $0xFFFF  }
0x96: {  	_ =	strace $0x9000004A  }
0x97: {  	s0 =	stileid.u32;
	[bflag:$0x2] =	sbarrier.arrive $0xFFFF  }
0x98: {  	p0 =	sne.s32 s0, $0x0;
	s0 =	rddreg [dreg:$0x3]  }
0x99: {  	s0 =	sadd.s32 @!p0 $0x100000, s0  }
0x9a: {  	[sflag:s0] =	ssyncadd.tile.s32 @!p0 $0x1;
	_ =	shalt  }
.Lfunc_end2:
_tile_overlayer_lowered:
.L_overlay_start_2:
0x9b: {  	(tag) =	ssettag $0x2  }
0x9c: {  	s0 =	rddreg [dreg:$0x0];
	s2 =	stileid.u32  }
0x9d: {  	s1 =	rddreg [dreg:$0x1];
	p0 =	sne.s32 s2, $0x0  }
0x9e: {  	s3 =	rddreg [dreg:$0x2];
	[bflag:$0x3] =	sbarrier.arrive $0xFFFF;
	s2 =	simm.s32 @!p0 $0x1C03  }
0x9f: {  	[timem:s3], [sflag:s2] =	dma.local @!p0 [hbm:s0], s1  }
0xa0: {  	s0 =	simm.s32 @!p0 $0x3  }
0xa1: {  	_ =	swait.ge @!p0 [sflag:s0], s1  }
0xa2: {  	s1 =	ssub.s32 @!p0 $0x0, s1;
	[sflag:s0] =	ssyncset.done @!p0 $0x0  }
0xa3: {  	[sflag:s0] =	ssyncadd.s32 @!p0 s1  }
0xa4: {  	[bflag:$0x3] =	sbarrier.arrive $0xFFFF  }
0xa5: {  	_ =	shalt  }

// kernel: kernel.19.cloned.1.call-start
scs
__scs_entry_jumppad:
0x0: {  	(pc) =	sbr.rel $0x88, $3  }
0x1: {  	(tag) =	ssettag $0x0;
	lr =	simm.s32 $0x1  }
0x2: {  	[smem:$0x3F9D] =	sst lr;
	_ =	strace $0xD0000000  }
0x3: {  	_ = 	snop  }
0x4: {  	_ = 	snop  }
0x5: {  	_ = 	snop  }
0x6: {  	_ = 	snop  }
0x7: {  	_ = 	snop  }
__scs_overlays_trampoline_lowered:
0x8: {  	[smem:$0x3FAC] =	sst s0  }
0x9: {  	[smem:$0x3FAD] =	sst s1  }
0xa: {  	[smem:$0x3FAE] =	sst s2  }
0xb: {  	[smem:$0x3FAF] =	sst s3  }
0xc: {  	[smem:$0x3FB0] =	sst s4  }
0xd: {  	[smem:$0x3FB1] =	sst s5  }
0xe: {  	[smem:$0x3FB2] =	sst s6  }
0xf: {  	[smem:$0x3FB3] =	sst s7  }
0x10: {  	[smem:$0x3FB4] =	sst s8  }
0x11: {  	[smem:$0x3FB5] =	sst s9;
	s0 =	simm.s32 @!p0 $0x0  }
0x12: {  	s1 =	sld [smem:$0x3F9B];
	s0 =	simm.s32 @p0 $0x1  }
0x13: {  	[smem:$0x3FB6] =	sst s0;
	s0 =	simm.s32 @!p1 $0x0  }
0x14: {  	s2 =	sld [smem:$0x3F9A];
	s0 =	simm.s32 @p1 $0x1  }
0x15: {  	[smem:$0x3FB7] =	sst s0;
	s0 =	simm.s32 @!p2 $0x0  }
0x16: {  	s3 =	sld [smem:$0x3FDB];
	s0 =	simm.s32 @p2 $0x1  }
0x17: {  	s4 =	simm.s32 $0x1BF5;
	[smem:$0x3FB9] =	sst s0  }
0x18: {  	s0 =	sld [smem:$0x3F9C];
	_ =	swait.ge [sflag:s4], $0x0  }
0x19: {  	s7 =	sld [smem:$0x3F9D]  }
0x1a: {  	s8 =	sadd.s32 $0xFFFFE003, lr  }
0x1b: {  	s9 =	sadd.s32 $0xFFFFFEF7, lr;
	s5 =	simm.s32 $0xFFFFFFFF;
	p2 =	slt.u32 s8, $0xFFFFF086  }
0x1c: {  	p1 =	slt.u32 s9, $0xF7A;
	s5 =	simm.s32 @!p2 $0x0  }
0x1d: {  	s5 =	simm.s32 @p1 $0x1;
	p0 =	seq.s32 s7, s2  }
0x1e: {  	s7 =	smul.u32 @!p0 $0xF7A, s2;
	p2 =	seq.s32 @!p0 s5, $0x0  }
0x1f: {  	s9 =	smul.u32 $0xF7A, s1;
	s8 =	simm.s32 @!p0 $0x1BF5;
	p2 =	por !p2, p0  }
0x20: {  	[sflag:s8] =	ssyncset.s32 @!p0 $0xFFFFF086;
	s6 =	sadd.s32 @!p0 s3, s7;
	s7 =	simm.s32 @!p0 $0x108  }
0x21: {  	s3 =	sadd.s32 s3, s9;
	s6 =	sadd.s32 @!p0 $0x88, s6;
	s7 =	simm.s32 @p2 $0x1082  }
0x22: {  	[simem:s7], [sflag:s8] =	dma.local @!p0 [hbm:s6], $0xF7A  }
0x23: {  	s9 =	sor.u32 $0xD0000000, s2;
	s6 =	simm.s32 $0x108;
	_ =	swait.ge @!p0 [sflag:s8], $0x0  }
0x24: {  	s3 =	sadd.s32 $0x88, s3;
	s6 =	simm.s32 @!p1 $0x1082;
	[sflag:s4] =	ssyncset.s32 $0xFFFFF086  }
0x25: {  	[simem:s6], [sflag:s4] =	dma.local [hbm:s3], $0xF7A  }
0x26: {  	[smem:$0x3F9D] =	sst s1;
	(tag) =	ssettag s2;
	_ =	strace s9  }
0x27: {  	s1 =	sld [smem:$0x3FAD]  }
0x28: {  	s2 =	sld [smem:$0x3FAE]  }
0x29: {  	s4 =	sld [smem:$0x3FB0]  }
0x2a: {  	p0 =	seq.s32 s5, $0x0;
	s5 =	sld [smem:$0x3FB1]  }
0x2b: {  	s6 =	sld [smem:$0x3FB2]  }
0x2c: {  	s7 =	sld [smem:$0x3FB3]  }
0x2d: {  	s3 =	simm.s32 $0x108;
	s8 =	sld [smem:$0x3FB4]  }
0x2e: {  	s3 =	simm.s32 @!p0 $0x1082;
	s9 =	sld [smem:$0x3FB5]  }
0x2f: {  	lr =	sadd.s32 s0, s3;
	s0 =	sld [smem:$0x3FAC]  }
0x30: {  	s3 =	sld [smem:$0x3FAF]  }
0x31: {  	[smem:$0x3FB8] =	sst s10  }
0x32: {  	s10 =	sld [smem:$0x3FB6];
	_ =	sdelay $0x3  }
0x33: {  	p0 =	seq.s32 s10, $0x1;
	s10 =	sld [smem:$0x3FB8];
	_ =	sdelay $0x3  }
0x34: {  	[smem:$0x3FB8] =	sst s10  }
0x35: {  	s10 =	sld [smem:$0x3FB7];
	_ =	sdelay $0x3  }
0x36: {  	p1 =	seq.s32 s10, $0x1;
	s10 =	sld [smem:$0x3FB8];
	_ =	sdelay $0x3  }
0x37: {  	[smem:$0x3FB8] =	sst s10  }
0x38: {  	s10 =	sld [smem:$0x3FB9]  }
0x39: {  	_ = 	snop;
	(pc) =	sbr.ind lr, $3  }
0x3a: {  	_ = 	snop  }
0x3b: {  	_ = 	snop  }
0x3c: {  	p2 =	seq.s32 s10, $0x1;
	s10 =	sld [smem:$0x3FB8]  }
0x3d: {  	_ =	shalt  }
0x3e: {  	_ =	shalt  }
0x3f: {  	_ =	shalt  }
0x40: {  	_ =	shalt  }
0x41: {  	_ =	shalt  }
0x42: {  	_ =	shalt  }
0x43: {  	_ =	shalt  }
0x44: {  	_ =	shalt  }
0x45: {  	_ =	shalt  }
0x46: {  	_ =	shalt  }
0x47: {  	_ =	shalt  }
0x48: {  	_ =	shalt  }
0x49: {  	_ =	shalt  }
0x4a: {  	_ =	shalt  }
0x4b: {  	_ =	shalt  }
0x4c: {  	_ =	shalt  }
0x4d: {  	_ =	shalt  }
0x4e: {  	_ =	shalt  }
0x4f: {  	_ =	shalt  }
0x50: {  	_ =	shalt  }
0x51: {  	_ =	shalt  }
0x52: {  	_ =	shalt  }
0x53: {  	_ =	shalt  }
0x54: {  	_ =	shalt  }
0x55: {  	_ =	shalt  }
0x56: {  	_ =	shalt  }
0x57: {  	_ =	shalt  }
0x58: {  	_ =	shalt  }
0x59: {  	_ =	shalt  }
0x5a: {  	_ =	shalt  }
0x5b: {  	_ =	shalt  }
0x5c: {  	_ =	shalt  }
0x5d: {  	_ =	shalt  }
0x5e: {  	_ =	shalt  }
0x5f: {  	_ =	shalt  }
0x60: {  	_ =	shalt  }
0x61: {  	_ =	shalt  }
0x62: {  	_ =	shalt  }
0x63: {  	_ =	shalt  }
0x64: {  	_ =	shalt  }
0x65: {  	_ =	shalt  }
0x66: {  	_ =	shalt  }
0x67: {  	_ =	shalt  }
0x68: {  	_ =	shalt  }
0x69: {  	_ =	shalt  }
0x6a: {  	_ =	shalt  }
0x6b: {  	_ =	shalt  }
0x6c: {  	_ =	shalt  }
0x6d: {  	_ =	shalt  }
0x6e: {  	_ =	shalt  }
0x6f: {  	_ =	shalt  }
0x70: {  	_ =	shalt  }
0x71: {  	_ =	shalt  }
0x72: {  	_ =	shalt  }
0x73: {  	_ =	shalt  }
0x74: {  	_ =	shalt  }
0x75: {  	_ =	shalt  }
0x76: {  	_ =	shalt  }
0x77: {  	_ =	shalt  }
0x78: {  	_ =	shalt  }
0x79: {  	_ =	shalt  }
0x7a: {  	_ =	shalt  }
0x7b: {  	_ =	shalt  }
0x7c: {  	_ =	shalt  }
0x7d: {  	_ =	shalt  }
0x7e: {  	_ =	shalt  }
0x7f: {  	_ =	shalt  }
0x80: {  	_ =	shalt  }
0x81: {  	_ =	shalt  }
0x82: {  	_ =	shalt  }
0x83: {  	_ =	shalt  }
0x84: {  	_ =	shalt  }
0x85: {  	_ =	shalt  }
0x86: {  	_ =	shalt  }
0x87: {  	_ =	shalt  }
.Lfunc_end0:
.L_simem_size_0:
called_computation.3_lowered:
.L_overlay_start_0:
0x88: {  	s2 =	sld [smem:$0x3FD9]  }
0x89: {  	s3 =	sld [smem:$0x3FFE];
	_ =	sdelay $0x1  }
0x8a: {  	s1 =	srdreg.scid  }
0x8b: {  	s0 =	sand.u32 $0x1, s1  }
0x8c: {  	s17 =	sshll.u32 s0, $0xA;
	s2 =	sadd.s32 s3, s2  }
0x8d: {  	s2 =	sadd.s32 s2, s17  }
0x8e: {  	[smem:$0x3FC4] =	sst s2  }
0x8f: {  	_ = 	snop  }
0x90: {  	s18 =	sld [smem:$0x3FD0];
	(tm) =	ssettm $0x1  }
0x91: {  	s19 =	sld [smem:$0x3FFB];
	_ =	sdelay $0x3  }
0x92: {  	_ =	strace s19  }
0x93: {  	s2 =	sld [smem:$0x3FFC];
	_ =	sdelay $0x3  }
0x94: {  	_ =	strace s2  }
0x95: {  	s2 =	sld [smem:$0x3FFD];
	_ =	sdelay $0x3  }
0x96: {  	_ =	strace s2  }
0x97: {  	_ =	strace $0x8FFFFFFF  }
0x98: {  	s20 =	sld [smem:$0x3FDB];
	_ =	sdelay $0x1  }
0x99: {  	s4 =	simm.s32 $_scs_section_size  }
0x9a: {  	s5 =	simm.s32 $_size__tile_overlayer_lowered;
	s6 =	simm.s32 $_tile_overlayer_lowered  }
0x9b: {  	s7 =	simm.s32 $0x1BFF;
	s21 =	sshll.u32 s6, $0x1;
	s4 =	sadd.s32 s4, s20  }
0x9c: {  	s22 =	simm.s32 $0x0;
	s5 =	sshll.u32 s5, $0x1;
	s6 =	sadd.s32 s21, s4  }
0x9d: {  	[timem:s22], [sflag:s7] =	dma.local [hbm:s6], s5  }
0x9e: {  	_ =	swait.ge [sflag:s7], s5  }
0x9f: {  	s5 =	ssub.s32 $0x0, s5;
	[sflag:s7] =	ssyncset.done $0x0  }
0xa0: {  	[sflag:s7] =	ssyncadd.s32 s5;
	_ =	sdelay $0x1  }
0xa1: {  	s23 =	simm.s32 $0x1B8B  }
0xa2: {  	_ =	swait.ge [sflag:s23], $0x1  }
0xa3: {  	[sflag:s23] =	ssyncset.done $0x0  }
0xa4: {  	[sflag:s23] =	ssyncadd.s32 $0xFFFFFFFF  }
0xa5: {  	s5 =	sld [smem:$0x0]  }
0xa6: {  	s6 =	sand.u32 $0xFFFFFFFE, s1  }
0xa7: {  	p0 =	sne.s32 s1, s6  }
0xa8: {  	s6 =	sshll.u32 @p0 s6, $0xE  }
0xa9: {  	s6 =	sadd.s32 @p0 $0x11B8D, s6;
	s7 =	sshll.u32 @p0 s5, $0x11  }
0xaa: {  	s6 =	sor.u32 @p0 s7, s6  }
0xab: {  	[sflag:s6] =	ssyncadd.remote.s32 @p0 $0x1;
	_ =	sdelay $0x1  }
0xac: {  	s6 =	simm.s32 @p0 $0x1B8D  }
0xad: {  	_ =	swait.eq @p0 [sflag:s6], $0x1  }
0xae: {  	[sflag:s6] =	ssyncadd.s32 @p0 $0xFFFFFFFF  }
0xaf: {  	s7 =	sshll.u32 @!p0 s1, $0xE  }
0xb0: {  	s7 =	sor.u32 @!p0 $0x4000, s7;
	s6 =	simm.s32 @!p0 $0x1B8D  }
0xb1: {  	s5 =	sshll.u32 @!p0 s5, $0x11;
	s7 =	sadd.s32 @!p0 $0x11B8D, s7;
	_ =	swait.eq @!p0 [sflag:s6], $0x1  }
0xb2: {  	s5 =	sor.u32 @!p0 s5, s7;
	[sflag:s6] =	ssyncadd.s32 @!p0 $0xFFFFFFFF  }
0xb3: {  	s25 =	simm.s32 $0x1B8E;
	s24 =	sld [smem:$0x3FFE];
	[sflag:s5] =	ssyncadd.remote.s32 @!p0 $0x1  }
0xb4: {  	s26 =	simm.s32 $execute0_lowered;
	[smem:$0x3FD2] =	sst s25  }
0xb5: {  	s6 =	sshll.u32 s26, $0x1;
	_ =	strace $0x80000052;
	[dreg:$0x1] =	wrdreg $0xFFFFFFFF  }
0xb6: {  	s28 =	simm.s32 $_size_execute0_lowered;
	s4 =	sadd.s32 s4, s6;
	[dreg:$0x0] =	wrdreg $0x0  }
0xb7: {  	s6 =	sshll.u32 s28, $0x1;
	[dreg:$0x2] =	wrdreg s4  }
0xb8: {  	[dreg:$0x3] =	wrdreg s6  }
0xb9: {  	[dreg:$0x4] =	wrdreg $0xC0  }
0xba: {  	_ =	task [dreg:s22], $0x5FFFF  }
0xbb: {  	[dreg:$0x1] =	wrdreg $0xFFFFFFFF  }
0xbc: {  	[dreg:$0x0] =	wrdreg $0x60  }
0xbd: {  	[dreg:$0x2] =	wrdreg s18  }
0xbe: {  	[dreg:$0x3] =	wrdreg s24  }
0xbf: {  	[dreg:$0x4] =	wrdreg $0xA8000  }
0xc0: {  	[dreg:$0x5] =	wrdreg $0x9  }
0xc1: {  	_ =	task.clear_ibuf [dreg:s22], $0x6FFFF;
	_ =	strace $0x90000052  }
0xc2: {  	s29 =	simm.s32 $0x9;
	_ =	strace $0x80000054  }
0xc3: {  	_ =	swait.ge [sflag:s29], $0x1  }
0xc4: {  	[sflag:s29] =	ssyncadd.s32 $0xFFFFFFFF  }
0xc5: {  	_ =	strace $0x90000054  }
0xc6: {  	_ =	sfence  }
0xc7: {  	s30 =	sld [smem:$0x0];
	_ =	sdelay $0x2  }
0xc8: {  	s31 =	sshll.u32 s1, $0xD;
	s1 =	sshrl.u32 s1, $0x2  }
0xc9: {  	s4 =	sand.u32 $0x4000, s31;
	s1 =	sadd.s32 s1, s30  }
0xca: {  	s0 =	sor.u32 s4, s0;
	s1 =	sshll.u32 s1, $0x11  }
0xcb: {  	s0 =	sor.u32 s1, s0  }
0xcc: {  	s0 =	sadd.s32 $0x8F2B, s0  }
0xcd: {  	[sflag:s0] =	ssyncadd.remote.s32 $0x1  }
0xce: {  	_ =	sfence.sel $0xFFFF  }
0xcf: {  	[dreg:$0x0] =	wrdreg $0xFFFFFFFF;
	(pc) =	sbr.abs _section_cstart, $3  }
0xd0: {  	[dreg:$0x1] =	wrdreg $0xFFFFFFFF  }
0xd1: {  	_ =	task.clear_ibuf [dreg:s22], $0x2FFFF;
	_ =	strace $0x9FFFFFFF  }
0xd2: {  	(tm) =	ssettm $0x7FFFFFFF  }
0xd3: {  	_ =	shalt  }
tec
execute0_lowered:
.L_overlay_start_1:
0x0: {  	(tag) =	ssettag $0x1  }
0x1: {  	s0 =	srdreg.scid;
	s1 =	rddreg [dreg:$0x0]  }
0x2: {  	s5 =	rddreg [dreg:$0x1];
	s26 =	stileid.u32  }
0x3: {  	s3 =	rddreg [dreg:$0x2];
	s21 =	simm.s32 $0x80;
	s22 =	simm.s32 $0x6800  }
0x4: {  	s23 =	simm.s32 $0x1;
	s24 =	simm.s32 $0x2;
	s25 =	simm.s32 $0x1380  }
0x5: {  	s28 =	simm.s32 $0x2780;
	s29 =	simm.s32 $0x0;
	s7 =	smul.u32 $0x50000, s26  }
0x6: {  	s2 =	sand.u32 $0x1, s0;
	s10 =	smul.u32 $0x14000, s26;
	s16 =	sadd.s32 $0x67C00, s5  }
0x7: {  	s4 =	sshll.u32 s2, $0x4;
	s30 =	ssub.s32 $0x2, s2;
	s2 =	smul.u32 $0x140000, s2  }
0x8: {  	s6 =	sor.u32 s26, s4;
	s4 =	simm.s32 $0x0;
	s31 =	sshrl.u32 s30, $0x1  }
0x9: {  	s7 =	sshrl.u32 s7, $0x2;
	s12 =	sadd.s32 $0x4000, s10;
	s14 =	sadd.s32 $0x8000, s10  }
0xa: {  	s15 =	sadd.s32 $0xC000, s10;
	s18 =	sadd.s32 $0x10000, s10;
	s26 =	simm.s32 $0x2700  }
0xb: {  	s6 =	smul.u32 $0x280, s6;
	[smem:$0x7FF] =	sst s4;
	s17 =	ssub.s32 s30, s31  }
0xc: {  	s8 =	sadd.s32 s15, s3;
	s9 =	sadd.s32 s18, s3;
	s13 =	sadd.s32 s10, s2  }
0xd: {  	s15 =	sadd.s32 s2, s15;
	_ =	strace $0x80000053;
	s13 =	sshrl.u32 s13, $0x3  }
0xe: {  	s15 =	sshrl.u32 s15, $0x3;
	s17 =	smax.u32 s17, $0x1;
	s11 =	sadd.s32 s6, s5  }
0xf: {  	s5 =	sadd.s32 s7, s3;
	s6 =	sadd.s32 s12, s3;
	s7 =	sadd.s32 s14, s3  }
0x10: {  	s12 =	sadd.s32 s2, s12;
	s14 =	sadd.s32 s2, s14;
	s2 =	sadd.s32 s2, s18  }
0x11: {  	s15 =	sadd.s32 s16, s15;
	s18 =	simm.s32 $0x2800;
	s10 =	sadd.s32 $0x62C00, s11  }
0x12: {  	s19 =	sshrl.u32 s12, $0x3;
	s11 =	sadd.s32 $0x5DC00, s11;
	s12 =	sadd.s32 s16, s13  }
0x13: {  	s14 =	sshrl.u32 s14, $0x3;
	s2 =	sshrl.u32 s2, $0x3;
	s13 =	sadd.s32 s16, s19  }
0x14: {  	v0 =	vimm.f32 $0.0e+00;
	s14 =	sadd.s32 s16, s14;
	s16 =	sadd.s32 s16, s2;
	s19 =	simm.s32 $0x3  }
.LBB2_1:
0x15: {  	s2 =	sand.u32 $0xFE00, s4  }
0x16: {  	s31 =	sand.u32 $0x70, s4;
	s2 =	sshrl.u32 s2, $0x2  }
0x17: {  	s30 =	simm.s32 $0x40;
	s2 =	sor.u32 s31, s2;
	s31 =	simm.s32 $0x0  }
.LBB2_2:
0x18: {  	p0 =	sne.s32 s30, $0xFFC0  }
0x19: {  	[tilespmem:s2+$0x2800] =	vst v0;
	s31 =	sadd.s32 $0x10, s31;
	s2 =	smov.u32 s30;
	s30 =	sadd.s32 $0x40, s30  }
.Ltmp0:
0x1a: {  	(pc) =	sbr.rel @p0 .LBB2_2-.Ltmp0, $4  }
0x1b: {  	_ = 	snop  }
0x1c: {  	s2 =	sand.u32 $0xFE00, s2  }
0x1d: {  	s0 =	sand.u32 $0x70, s31;
	s2 =	sshrl.u32 s2, $0x2  }
0x1e: {  	s2 =	sor.u32 s0, s2  }
0x1f: {  	[tilespmem:s2+$0x2800] =	vst v0  }
0x20: {  	[spmem:s5] =	stream.linear.scatter [tilespmem:s18], [sflag:$0x3], $0x4000, $0x38;
	[tilespmem:$0x1E800] =	vst v63  }
0x21: {  	_ =	swait.ge [sflag:s19], $0x4000  }
0x22: {  	[sflag:s19] =	ssyncset.done $0x0  }
0x23: {  	[sflag:s19] =	ssyncadd.s32 $0xFFFFC000  }
0x24: {  	[spmem:s6] =	stream.linear.scatter [tilespmem:s18], [sflag:$0x3], $0x4000, $0x38;
	[tilespmem:$0x1E800] =	vst v63  }
0x25: {  	_ =	swait.ge [sflag:s19], $0x4000  }
0x26: {  	[sflag:s19] =	ssyncset.done $0x0  }
0x27: {  	[sflag:s19] =	ssyncadd.s32 $0xFFFFC000  }
0x28: {  	[spmem:s7] =	stream.linear.scatter [tilespmem:s18], [sflag:$0x3], $0x4000, $0x38;
	[tilespmem:$0x1E800] =	vst v63  }
0x29: {  	_ =	swait.ge [sflag:s19], $0x4000  }
0x2a: {  	[sflag:s19] =	ssyncset.done $0x0  }
0x2b: {  	[sflag:s19] =	ssyncadd.s32 $0xFFFFC000  }
0x2c: {  	[spmem:s8] =	stream.linear.scatter [tilespmem:s18], [sflag:$0x3], $0x4000, $0x38;
	[tilespmem:$0x1E800] =	vst v63  }
0x2d: {  	_ =	swait.ge [sflag:s19], $0x4000  }
0x2e: {  	[sflag:s19] =	ssyncset.done $0x0  }
0x2f: {  	[sflag:s19] =	ssyncadd.s32 $0xFFFFC000  }
0x30: {  	[spmem:s9] =	stream.linear.scatter [tilespmem:s18], [sflag:$0x3], $0x4000, $0x38;
	[tilespmem:$0x1E800] =	vst v63  }
0x31: {  	_ =	swait.ge [sflag:s19], $0x4000  }
0x32: {  	[sflag:s19] =	ssyncset.done $0x0  }
0x33: {  	[sflag:s19] =	ssyncadd.s32 $0xFFFFC000  }
0x34: {  	s0 =	simm.s32 $0x0;
	[bflag:$0x0] =	sbarrier.arrive $0xFFFF  }
0x35: {  	[tilespmem:s0], [sflag:$0x3] =	stream.linear.gather [hbm4b:s10+s0], $0x1400, $0x38;
	[tilespmem:$0x1E800] =	vst v63  }
0x36: {  	_ =	swait.ge [sflag:s19], $0x1400  }
0x37: {  	[sflag:s19] =	ssyncset.done $0x0  }
0x38: {  	s20 =	simm.s32 $0x1400;
	[sflag:s19] =	ssyncadd.s32 $0xFFFFEC00  }
0x39: {  	[tilespmem:s20], [sflag:$0x3] =	stream.linear.gather [hbm4b:s11+s0], $0x1400, $0x38;
	[tilespmem:$0x1E800] =	vst v63  }
0x3a: {  	_ =	swait.ge [sflag:s19], $0x1400  }
0x3b: {  	[sflag:s19] =	ssyncset.done $0x0  }
0x3c: {  	[sflag:s19] =	ssyncadd.s32 $0xFFFFEC00  }
0x3d: {  	[tilespmem:s18], [sflag:$0x1] =	stream.indirect.gather [hbm4b:s1+s21], $0x80, s0, s21, $0xb8;
	[tilespmem:$0x1E800] =	vst v63  }
0x3e: {  	s2 =	simm.s32 $0x80  }
0x3f: {  	[tilespmem:s22], [sflag:$0x2] =	stream.indirect.gather [hbm4b:s1+s21], $0x80, s2, s21, $0xb8;
	[tilespmem:$0x1E800] =	vst v63  }
0x40: {  	_ =	swait.ge [sflag:s23], $0x4000  }
0x41: {  	[sflag:s23] =	ssyncset.done $0x0  }
0x42: {  	s20 =	simm.s32 $0x1400;
	[sflag:s23] =	ssyncadd.s32 $0xFFFFC000  }
0x43: {  	[spmem:s3] =	stream.indirect.scatter.add.f32 [tilespmem:s18], [sflag:$0x3], $0x80, s20, s21, $0xb8;
	[tilespmem:$0x1E800] =	vst v63  }
0x44: {  	_ =	swait.ge [sflag:s19], $0x4000  }
0x45: {  	[sflag:s19] =	ssyncset.done $0x0  }
0x46: {  	s2 =	simm.s32 $0x100;
	[sflag:s19] =	ssyncadd.s32 $0xFFFFC000  }
0x47: {  	[tilespmem:s18], [sflag:$0x1] =	stream.indirect.gather [hbm4b:s1+s21], $0x80, s2, s21, $0xb8;
	[tilespmem:$0x1E800] =	vst v63  }
0x48: {  	_ =	swait.ge [sflag:s24], $0x4000  }
0x49: {  	[sflag:s24] =	ssyncset.done $0x0  }
0x4a: {  	s20 =	simm.s32 $0x1480;
	[sflag:s24] =	ssyncadd.s32 $0xFFFFC000  }
0x4b: {  	[spmem:s3] =	stream.indirect.scatter.add.f32 [tilespmem:s22], [sflag:$0x3], $0x80, s20, s21, $0xb8;
	[tilespmem:$0x1E800] =	vst v63  }
0x4c: {  	_ =	swait.ge [sflag:s19], $0x4000  }
0x4d: {  	s31 =	simm.s32 $0x800;
	s30 =	simm.s32 $0x100;
	[sflag:s19] =	ssyncset.done $0x0  }
.LBB2_4:
0x4e: {  	s0 =	sadd.s32 $0x80, s30  }
0x4f: {  	[sflag:s19] =	ssyncadd.s32 $0xFFFFC000;
	s2 =	smov.u32 s31;
	s20 =	sadd.s32 $0x400, s31  }
0x50: {  	[tilespmem:s22], [sflag:$0x2] =	stream.indirect.gather [hbm4b:s1+s21], $0x80, s0, s21, $0xb8;
	[tilespmem:$0x1E800] =	vst v63  }
0x51: {  	p0 =	sne.s32 s31, $0x4800;
	_ =	swait.ge [sflag:s23], $0x4000  }
0x52: {  	[sflag:s23] =	ssyncset.done $0x0  }
0x53: {  	s0 =	sadd.s32 $0x1400, s30;
	[sflag:s23] =	ssyncadd.s32 $0xFFFFC000  }
0x54: {  	[spmem:s3] =	stream.indirect.scatter.add.f32 [tilespmem:s18], [sflag:$0x3], $0x80, s0, s21, $0xb8;
	[tilespmem:$0x1E800] =	vst v63  }
0x55: {  	_ =	swait.ge [sflag:s19], $0x4000  }
0x56: {  	[sflag:s19] =	ssyncset.done $0x0  }
0x57: {  	s0 =	sadd.s32 $0x100, s30;
	[sflag:s19] =	ssyncadd.s32 $0xFFFFC000  }
0x58: {  	[tilespmem:s18], [sflag:$0x1] =	stream.indirect.gather [hbm4b:s1+s21], $0x80, s0, s21, $0xb8;
	[tilespmem:$0x1E800] =	vst v63  }
0x59: {  	_ =	swait.ge [sflag:s24], $0x4000  }
.Ltmp1:
0x5a: {  	[sflag:s24] =	ssyncset.done $0x0;
	(pc) =	sbr.rel @p0 .LBB2_4-.Ltmp1, $4  }
0x5b: {  	s0 =	sadd.s32 $0x1480, s30;
	[sflag:s24] =	ssyncadd.s32 $0xFFFFC000  }
0x5c: {  	[spmem:s3] =	stream.indirect.scatter.add.f32 [tilespmem:s22], [sflag:$0x3], $0x80, s0, s21, $0xb8;
	[tilespmem:$0x1E800] =	vst v63  }
0x5d: {  	_ =	swait.ge [sflag:s19], $0x4000  }
0x5e: {  	s31 =	smov.u32 s20;
	s30 =	sshra.s32 s2, $0x2;
	[sflag:s19] =	ssyncset.done $0x0  }
0x5f: {  	s0 =	sadd.s32 $0x80, s30;
	[sflag:s19] =	ssyncadd.s32 $0xFFFFC000  }
0x60: {  	[tilespmem:s22], [sflag:$0x2] =	stream.indirect.gather [hbm4b:s1+s21], $0x80, s0, s21, $0xb8;
	[tilespmem:$0x1E800] =	vst v63  }
0x61: {  	_ =	swait.ge [sflag:s23], $0x4000  }
0x62: {  	[sflag:s23] =	ssyncset.done $0x0  }
0x63: {  	s31 =	sadd.s32 $0x1400, s30;
	[sflag:s23] =	ssyncadd.s32 $0xFFFFC000  }
0x64: {  	[spmem:s3] =	stream.indirect.scatter.add.f32 [tilespmem:s18], [sflag:$0x3], $0x80, s31, s21, $0xb8;
	[tilespmem:$0x1E800] =	vst v63  }
0x65: {  	_ =	swait.ge [sflag:s19], $0x4000  }
0x66: {  	[sflag:s19] =	ssyncset.done $0x0  }
0x67: {  	s2 =	sadd.s32 $0x100, s30;
	[sflag:s19] =	ssyncadd.s32 $0xFFFFC000  }
0x68: {  	[tilespmem:s18], [sflag:$0x1] =	stream.indirect.gather [hbm4b:s1+s21], $0x80, s2, s21, $0xb8;
	[tilespmem:$0x1E800] =	vst v63  }
0x69: {  	_ =	swait.ge [sflag:s24], $0x4000  }
0x6a: {  	[sflag:s24] =	ssyncset.done $0x0  }
0x6b: {  	s20 =	sadd.s32 $0x1480, s30;
	[sflag:s24] =	ssyncadd.s32 $0xFFFFC000  }
0x6c: {  	[spmem:s3] =	stream.indirect.scatter.add.f32 [tilespmem:s22], [sflag:$0x3], $0x80, s20, s21, $0xb8;
	[tilespmem:$0x1E800] =	vst v63  }
0x6d: {  	_ =	swait.ge [sflag:s19], $0x4000  }
0x6e: {  	[sflag:s19] =	ssyncset.done $0x0  }
0x6f: {  	[sflag:s19] =	ssyncadd.s32 $0xFFFFC000  }
0x70: {  	[tilespmem:s22], [sflag:$0x2] =	stream.indirect.gather [hbm4b:s1+s21], $0x80, s25, s21, $0xb8;
	[tilespmem:$0x1E800] =	vst v63  }
0x71: {  	_ =	swait.ge [sflag:s23], $0x4000  }
0x72: {  	[sflag:s23] =	ssyncset.done $0x0  }
0x73: {  	[sflag:s23] =	ssyncadd.s32 $0xFFFFC000  }
0x74: {  	[spmem:s3] =	stream.indirect.scatter.add.f32 [tilespmem:s18], [sflag:$0x3], $0x80, s26, s21, $0xb8;
	[tilespmem:$0x1E800] =	vst v63  }
0x75: {  	_ =	swait.ge [sflag:s19], $0x4000  }
0x76: {  	[sflag:s19] =	ssyncset.done $0x0  }
0x77: {  	[sflag:s19] =	ssyncadd.s32 $0xFFFFC000  }
0x78: {  	_ =	swait.ge [sflag:s24], $0x4000  }
0x79: {  	[sflag:s24] =	ssyncset.done $0x0  }
0x7a: {  	[sflag:s24] =	ssyncadd.s32 $0xFFFFC000  }
0x7b: {  	[spmem:s3] =	stream.indirect.scatter.add.f32 [tilespmem:s22], [sflag:$0x3], $0x80, s28, s21, $0xb8;
	[tilespmem:$0x1E800] =	vst v63  }
0x7c: {  	_ =	swait.ge [sflag:s19], $0x4000  }
0x7d: {  	s30 =	stileid.u32;
	[sflag:s19] =	ssyncset.done $0x0  }
0x7e: {  	s0 =	sshll.u32 s30, $0x6;
	[sflag:s19] =	ssyncadd.s32 $0xFFFFC000  }
0x7f: {  	s0 =	sor.u32 $0x1C03, s0;
	s2 =	sshrl.u32 s5, $0x3;
	[bflag:$0x0] =	sbarrier.arrive $0xFFFF  }
0x80: {  	[hbm:s12], [sflag:s0] =	dma.local [spmem:s2], $0x800  }
0x81: {  	_ =	swait.ge [sflag:s19], $0x800  }
0x82: {  	[sflag:s19] =	ssyncset.done $0x0  }
0x83: {  	s31 =	sshrl.u32 s6, $0x3;
	[sflag:s19] =	ssyncadd.s32 $0xFFFFF800  }
0x84: {  	[hbm:s13], [sflag:s0] =	dma.local [spmem:s31], $0x800  }
0x85: {  	_ =	swait.ge [sflag:s19], $0x800  }
0x86: {  	[sflag:s19] =	ssyncset.done $0x0  }
0x87: {  	s20 =	sshrl.u32 s7, $0x3;
	[sflag:s19] =	ssyncadd.s32 $0xFFFFF800  }
0x88: {  	[hbm:s14], [sflag:s0] =	dma.local [spmem:s20], $0x800  }
0x89: {  	_ =	swait.ge [sflag:s19], $0x800  }
0x8a: {  	[sflag:s19] =	ssyncset.done $0x0  }
0x8b: {  	s30 =	sshrl.u32 s8, $0x3;
	[sflag:s19] =	ssyncadd.s32 $0xFFFFF800  }
0x8c: {  	[hbm:s15], [sflag:s0] =	dma.local [spmem:s30], $0x800  }
0x8d: {  	s29 =	sadd.s32 $0x1, s29;
	_ =	swait.ge [sflag:s19], $0x800  }
0x8e: {  	p0 =	sne.s32 s29, s17;
	[sflag:s19] =	ssyncset.done $0x0  }
.Ltmp2:
0x8f: {  	s31 =	sshrl.u32 s9, $0x3;
	[sflag:s19] =	ssyncadd.s32 $0xFFFFF800;
	(pc) =	sbr.rel @p0 .LBB2_1-.Ltmp2, $4  }
0x90: {  	[hbm:s16], [sflag:s0] =	dma.local [spmem:s31], $0x800  }
0x91: {  	_ =	swait.ge [sflag:s19], $0x800  }
0x92: {  	[sflag:s19] =	ssyncset.done $0x0  }
0x93: {  	[sflag:s19] =	ssyncadd.s32 $0xFFFFF800  }
0x94: {  	_ =	sfence.sel $0x180000  }
0x95: {  	[bflag:$0x0] =	sbarrier.arrive $0xFFFF  }
0x96: {  	_ =	strace $0x90000053  }
0x97: {  	s0 =	stileid.u32;
	[bflag:$0x2] =	sbarrier.arrive $0xFFFF  }
0x98: {  	p0 =	sne.s32 s0, $0x0;
	s0 =	rddreg [dreg:$0x3]  }
0x99: {  	s0 =	sadd.s32 @!p0 $0x100000, s0  }
0x9a: {  	[sflag:s0] =	ssyncadd.tile.s32 @!p0 $0x1;
	_ =	shalt  }
.Lfunc_end2:
_tile_overlayer_lowered:
.L_overlay_start_2:
0x9b: {  	(tag) =	ssettag $0x2  }
0x9c: {  	s0 =	rddreg [dreg:$0x0];
	s2 =	stileid.u32  }
0x9d: {  	s1 =	rddreg [dreg:$0x1];
	p0 =	sne.s32 s2, $0x0  }
0x9e: {  	s3 =	rddreg [dreg:$0x2];
	[bflag:$0x3] =	sbarrier.arrive $0xFFFF;
	s2 =	simm.s32 @!p0 $0x1C03  }
0x9f: {  	[timem:s3], [sflag:s2] =	dma.local @!p0 [hbm:s0], s1  }
0xa0: {  	s0 =	simm.s32 @!p0 $0x3  }
0xa1: {  	_ =	swait.ge @!p0 [sflag:s0], s1  }
0xa2: {  	s1 =	ssub.s32 @!p0 $0x0, s1;
	[sflag:s0] =	ssyncset.done @!p0 $0x0  }
0xa3: {  	[sflag:s0] =	ssyncadd.s32 @!p0 s1  }
0xa4: {  	[bflag:$0x3] =	sbarrier.arrive $0xFFFF  }
0xa5: {  	_ =	shalt  }

// kernel: kernel.22.cloned.1.call-start
scs
__scs_entry_jumppad:
0x0: {  	(pc) =	sbr.rel $0x88, $3  }
0x1: {  	(tag) =	ssettag $0x0;
	lr =	simm.s32 $0x1  }
0x2: {  	[smem:$0x3F9D] =	sst lr;
	_ =	strace $0xD0000000  }
0x3: {  	_ = 	snop  }
0x4: {  	_ = 	snop  }
0x5: {  	_ = 	snop  }
0x6: {  	_ = 	snop  }
0x7: {  	_ = 	snop  }
__scs_overlays_trampoline_lowered:
0x8: {  	[smem:$0x3FAC] =	sst s0  }
0x9: {  	[smem:$0x3FAD] =	sst s1  }
0xa: {  	[smem:$0x3FAE] =	sst s2  }
0xb: {  	[smem:$0x3FAF] =	sst s3  }
0xc: {  	[smem:$0x3FB0] =	sst s4  }
0xd: {  	[smem:$0x3FB1] =	sst s5  }
0xe: {  	[smem:$0x3FB2] =	sst s6  }
0xf: {  	[smem:$0x3FB3] =	sst s7  }
0x10: {  	[smem:$0x3FB4] =	sst s8  }
0x11: {  	[smem:$0x3FB5] =	sst s9;
	s0 =	simm.s32 @!p0 $0x0  }
0x12: {  	s1 =	sld [smem:$0x3F9B];
	s0 =	simm.s32 @p0 $0x1  }
0x13: {  	[smem:$0x3FB6] =	sst s0;
	s0 =	simm.s32 @!p1 $0x0  }
0x14: {  	s2 =	sld [smem:$0x3F9A];
	s0 =	simm.s32 @p1 $0x1  }
0x15: {  	[smem:$0x3FB7] =	sst s0;
	s0 =	simm.s32 @!p2 $0x0  }
0x16: {  	s3 =	sld [smem:$0x3FDB];
	s0 =	simm.s32 @p2 $0x1  }
0x17: {  	s4 =	simm.s32 $0x1BF5;
	[smem:$0x3FB9] =	sst s0  }
0x18: {  	s0 =	sld [smem:$0x3F9C];
	_ =	swait.ge [sflag:s4], $0x0  }
0x19: {  	s7 =	sld [smem:$0x3F9D]  }
0x1a: {  	s8 =	sadd.s32 $0xFFFFE003, lr  }
0x1b: {  	s9 =	sadd.s32 $0xFFFFFEF7, lr;
	s5 =	simm.s32 $0xFFFFFFFF;
	p2 =	slt.u32 s8, $0xFFFFF086  }
0x1c: {  	p1 =	slt.u32 s9, $0xF7A;
	s5 =	simm.s32 @!p2 $0x0  }
0x1d: {  	s5 =	simm.s32 @p1 $0x1;
	p0 =	seq.s32 s7, s2  }
0x1e: {  	s7 =	smul.u32 @!p0 $0xF7A, s2;
	p2 =	seq.s32 @!p0 s5, $0x0  }
0x1f: {  	s9 =	smul.u32 $0xF7A, s1;
	s8 =	simm.s32 @!p0 $0x1BF5;
	p2 =	por !p2, p0  }
0x20: {  	[sflag:s8] =	ssyncset.s32 @!p0 $0xFFFFF086;
	s6 =	sadd.s32 @!p0 s3, s7;
	s7 =	simm.s32 @!p0 $0x108  }
0x21: {  	s3 =	sadd.s32 s3, s9;
	s6 =	sadd.s32 @!p0 $0x88, s6;
	s7 =	simm.s32 @p2 $0x1082  }
0x22: {  	[simem:s7], [sflag:s8] =	dma.local @!p0 [hbm:s6], $0xF7A  }
0x23: {  	s9 =	sor.u32 $0xD0000000, s2;
	s6 =	simm.s32 $0x108;
	_ =	swait.ge @!p0 [sflag:s8], $0x0  }
0x24: {  	s3 =	sadd.s32 $0x88, s3;
	s6 =	simm.s32 @!p1 $0x1082;
	[sflag:s4] =	ssyncset.s32 $0xFFFFF086  }
0x25: {  	[simem:s6], [sflag:s4] =	dma.local [hbm:s3], $0xF7A  }
0x26: {  	[smem:$0x3F9D] =	sst s1;
	(tag) =	ssettag s2;
	_ =	strace s9  }
0x27: {  	s1 =	sld [smem:$0x3FAD]  }
0x28: {  	s2 =	sld [smem:$0x3FAE]  }
0x29: {  	s4 =	sld [smem:$0x3FB0]  }
0x2a: {  	p0 =	seq.s32 s5, $0x0;
	s5 =	sld [smem:$0x3FB1]  }
0x2b: {  	s6 =	sld [smem:$0x3FB2]  }
0x2c: {  	s7 =	sld [smem:$0x3FB3]  }
0x2d: {  	s3 =	simm.s32 $0x108;
	s8 =	sld [smem:$0x3FB4]  }
0x2e: {  	s3 =	simm.s32 @!p0 $0x1082;
	s9 =	sld [smem:$0x3FB5]  }
0x2f: {  	lr =	sadd.s32 s0, s3;
	s0 =	sld [smem:$0x3FAC]  }
0x30: {  	s3 =	sld [smem:$0x3FAF]  }
0x31: {  	[smem:$0x3FB8] =	sst s10  }
0x32: {  	s10 =	sld [smem:$0x3FB6];
	_ =	sdelay $0x3  }
0x33: {  	p0 =	seq.s32 s10, $0x1;
	s10 =	sld [smem:$0x3FB8];
	_ =	sdelay $0x3  }
0x34: {  	[smem:$0x3FB8] =	sst s10  }
0x35: {  	s10 =	sld [smem:$0x3FB7];
	_ =	sdelay $0x3  }
0x36: {  	p1 =	seq.s32 s10, $0x1;
	s10 =	sld [smem:$0x3FB8];
	_ =	sdelay $0x3  }
0x37: {  	[smem:$0x3FB8] =	sst s10  }
0x38: {  	s10 =	sld [smem:$0x3FB9]  }
0x39: {  	_ = 	snop;
	(pc) =	sbr.ind lr, $3  }
0x3a: {  	_ = 	snop  }
0x3b: {  	_ = 	snop  }
0x3c: {  	p2 =	seq.s32 s10, $0x1;
	s10 =	sld [smem:$0x3FB8]  }
0x3d: {  	_ =	shalt  }
0x3e: {  	_ =	shalt  }
0x3f: {  	_ =	shalt  }
0x40: {  	_ =	shalt  }
0x41: {  	_ =	shalt  }
0x42: {  	_ =	shalt  }
0x43: {  	_ =	shalt  }
0x44: {  	_ =	shalt  }
0x45: {  	_ =	shalt  }
0x46: {  	_ =	shalt  }
0x47: {  	_ =	shalt  }
0x48: {  	_ =	shalt  }
0x49: {  	_ =	shalt  }
0x4a: {  	_ =	shalt  }
0x4b: {  	_ =	shalt  }
0x4c: {  	_ =	shalt  }
0x4d: {  	_ =	shalt  }
0x4e: {  	_ =	shalt  }
0x4f: {  	_ =	shalt  }
0x50: {  	_ =	shalt  }
0x51: {  	_ =	shalt  }
0x52: {  	_ =	shalt  }
0x53: {  	_ =	shalt  }
0x54: {  	_ =	shalt  }
0x55: {  	_ =	shalt  }
0x56: {  	_ =	shalt  }
0x57: {  	_ =	shalt  }
0x58: {  	_ =	shalt  }
0x59: {  	_ =	shalt  }
0x5a: {  	_ =	shalt  }
0x5b: {  	_ =	shalt  }
0x5c: {  	_ =	shalt  }
0x5d: {  	_ =	shalt  }
0x5e: {  	_ =	shalt  }
0x5f: {  	_ =	shalt  }
0x60: {  	_ =	shalt  }
0x61: {  	_ =	shalt  }
0x62: {  	_ =	shalt  }
0x63: {  	_ =	shalt  }
0x64: {  	_ =	shalt  }
0x65: {  	_ =	shalt  }
0x66: {  	_ =	shalt  }
0x67: {  	_ =	shalt  }
0x68: {  	_ =	shalt  }
0x69: {  	_ =	shalt  }
0x6a: {  	_ =	shalt  }
0x6b: {  	_ =	shalt  }
0x6c: {  	_ =	shalt  }
0x6d: {  	_ =	shalt  }
0x6e: {  	_ =	shalt  }
0x6f: {  	_ =	shalt  }
0x70: {  	_ =	shalt  }
0x71: {  	_ =	shalt  }
0x72: {  	_ =	shalt  }
0x73: {  	_ =	shalt  }
0x74: {  	_ =	shalt  }
0x75: {  	_ =	shalt  }
0x76: {  	_ =	shalt  }
0x77: {  	_ =	shalt  }
0x78: {  	_ =	shalt  }
0x79: {  	_ =	shalt  }
0x7a: {  	_ =	shalt  }
0x7b: {  	_ =	shalt  }
0x7c: {  	_ =	shalt  }
0x7d: {  	_ =	shalt  }
0x7e: {  	_ =	shalt  }
0x7f: {  	_ =	shalt  }
0x80: {  	_ =	shalt  }
0x81: {  	_ =	shalt  }
0x82: {  	_ =	shalt  }
0x83: {  	_ =	shalt  }
0x84: {  	_ =	shalt  }
0x85: {  	_ =	shalt  }
0x86: {  	_ =	shalt  }
0x87: {  	_ =	shalt  }
.Lfunc_end0:
.L_simem_size_0:
called_computation.4_lowered:
.L_overlay_start_0:
0x88: {  	s2 =	sld [smem:$0x3FD9]  }
0x89: {  	s3 =	sld [smem:$0x3FFE];
	_ =	sdelay $0x1  }
0x8a: {  	s1 =	srdreg.scid  }
0x8b: {  	s0 =	sand.u32 $0x1, s1  }
0x8c: {  	s17 =	sshll.u32 s0, $0xA;
	s2 =	sadd.s32 s3, s2  }
0x8d: {  	s2 =	sadd.s32 s2, s17  }
0x8e: {  	[smem:$0x3FC4] =	sst s2  }
0x8f: {  	_ = 	snop  }
0x90: {  	s2 =	sld [smem:$0x3FD0];
	(tm) =	ssettm $0x1  }
0x91: {  	s18 =	sld [smem:$0x3FFB];
	_ =	sdelay $0x3  }
0x92: {  	_ =	strace s18  }
0x93: {  	s3 =	sld [smem:$0x3FFC];
	_ =	sdelay $0x3  }
0x94: {  	_ =	strace s3  }
0x95: {  	s3 =	sld [smem:$0x3FFD];
	_ =	sdelay $0x3  }
0x96: {  	_ =	strace s3  }
0x97: {  	_ =	strace $0x8FFFFFFF  }
0x98: {  	s19 =	sld [smem:$0x3FDB];
	_ =	sdelay $0x1  }
0x99: {  	s4 =	simm.s32 $_scs_section_size  }
0x9a: {  	s5 =	simm.s32 $_size__tile_overlayer_lowered;
	s6 =	simm.s32 $_tile_overlayer_lowered  }
0x9b: {  	s22 =	simm.s32 $0x1BFF;
	s21 =	sshll.u32 s6, $0x1;
	s3 =	sadd.s32 s4, s19  }
0x9c: {  	s7 =	simm.s32 $0x0;
	s20 =	sshll.u32 s5, $0x1;
	s5 =	sadd.s32 s21, s3  }
0x9d: {  	[timem:s7], [sflag:s22] =	dma.local [hbm:s5], s20  }
0x9e: {  	_ =	swait.ge [sflag:s22], s20  }
0x9f: {  	s4 =	ssub.s32 $0x0, s20;
	[sflag:s22] =	ssyncset.done $0x0  }
0xa0: {  	[sflag:s22] =	ssyncadd.s32 s4;
	_ =	sdelay $0x1  }
0xa1: {  	s23 =	simm.s32 $0x1B8B  }
0xa2: {  	_ =	swait.ge [sflag:s23], $0x1  }
0xa3: {  	[sflag:s23] =	ssyncset.done $0x0  }
0xa4: {  	s25 =	simm.s32 $0x1B8E;
	s24 =	sld [smem:$0x3FFE];
	[sflag:s23] =	ssyncadd.s32 $0xFFFFFFFF  }
0xa5: {  	s26 =	simm.s32 $execute0_lowered;
	[smem:$0x3FD2] =	sst s25  }
0xa6: {  	s5 =	sshll.u32 s26, $0x1;
	_ =	strace $0x8000004F;
	[dreg:$0x1] =	wrdreg $0xFFFFFFFF  }
0xa7: {  	s28 =	simm.s32 $_size_execute0_lowered;
	s3 =	sadd.s32 s3, s5;
	[dreg:$0x0] =	wrdreg $0x0  }
0xa8: {  	s5 =	sshll.u32 s28, $0x1;
	[dreg:$0x2] =	wrdreg s3  }
0xa9: {  	[dreg:$0x3] =	wrdreg s5  }
0xaa: {  	[dreg:$0x4] =	wrdreg $0xC0  }
0xab: {  	_ =	task [dreg:s7], $0x5FFFF  }
0xac: {  	[dreg:$0x1] =	wrdreg $0xFFFFFFFF  }
0xad: {  	[dreg:$0x0] =	wrdreg $0x60  }
0xae: {  	[dreg:$0x2] =	wrdreg s2  }
0xaf: {  	[dreg:$0x3] =	wrdreg s24  }
0xb0: {  	[dreg:$0x4] =	wrdreg $0xA8000  }
0xb1: {  	[dreg:$0x5] =	wrdreg $0xA  }
0xb2: {  	_ =	task.clear_ibuf [dreg:s7], $0x6FFFF;
	_ =	strace $0x9000004F  }
0xb3: {  	s29 =	simm.s32 $0xA;
	_ =	strace $0x80000051  }
0xb4: {  	_ =	swait.ge [sflag:s29], $0x1  }
0xb5: {  	[sflag:s29] =	ssyncadd.s32 $0xFFFFFFFF  }
0xb6: {  	_ =	strace $0x90000051  }
0xb7: {  	_ =	sfence  }
0xb8: {  	s30 =	sld [smem:$0x0];
	_ =	sdelay $0x2  }
0xb9: {  	s31 =	sshll.u32 s1, $0xD;
	s1 =	sshrl.u32 s1, $0x2  }
0xba: {  	s3 =	sand.u32 $0x4000, s31;
	s1 =	sadd.s32 s1, s30  }
0xbb: {  	s0 =	sor.u32 s3, s0;
	s1 =	sshll.u32 s1, $0x11  }
0xbc: {  	s0 =	sor.u32 s1, s0  }
0xbd: {  	s0 =	sadd.s32 $0x8F2B, s0  }
0xbe: {  	[sflag:s0] =	ssyncadd.remote.s32 $0x1  }
0xbf: {  	_ =	sfence.sel $0xFFFF  }
0xc0: {  	[dreg:$0x0] =	wrdreg $0xFFFFFFFF;
	(pc) =	sbr.abs _section_cstart, $3  }
0xc1: {  	[dreg:$0x1] =	wrdreg $0xFFFFFFFF  }
0xc2: {  	_ =	task.clear_ibuf [dreg:s7], $0x2FFFF;
	_ =	strace $0x9FFFFFFF  }
0xc3: {  	(tm) =	ssettm $0x7FFFFFFF  }
tec
execute0_lowered:
.L_overlay_start_1:
0x0: {  	(tag) =	ssettag $0x1  }
0x1: {  	s0 =	srdreg.scid;
	s1 =	rddreg [dreg:$0x0]  }
0x2: {  	s5 =	rddreg [dreg:$0x1];
	s26 =	stileid.u32  }
0x3: {  	s3 =	rddreg [dreg:$0x2];
	s21 =	simm.s32 $0x80;
	s22 =	simm.s32 $0x6800  }
0x4: {  	s23 =	simm.s32 $0x1;
	s24 =	simm.s32 $0x2;
	s25 =	simm.s32 $0x1380  }
0x5: {  	s28 =	simm.s32 $0x2780;
	s29 =	simm.s32 $0x0;
	s7 =	smul.u32 $0x50000, s26  }
0x6: {  	s2 =	sand.u32 $0x1, s0;
	s10 =	smul.u32 $0x14000, s26;
	s16 =	sadd.s32 $0x3C00, s5  }
0x7: {  	s4 =	sshll.u32 s2, $0x4;
	s30 =	ssub.s32 $0x2, s2;
	s2 =	smul.u32 $0x140000, s2  }
0x8: {  	s6 =	sor.u32 s26, s4;
	s4 =	simm.s32 $0x0;
	s31 =	sshrl.u32 s30, $0x1  }
0x9: {  	s7 =	sshrl.u32 s7, $0x2;
	s12 =	sadd.s32 $0x4000, s10;
	s14 =	sadd.s32 $0x8000, s10  }
0xa: {  	s15 =	sadd.s32 $0xC000, s10;
	s18 =	sadd.s32 $0x10000, s10;
	s26 =	simm.s32 $0x2700  }
0xb: {  	s6 =	smul.u32 $0x280, s6;
	[smem:$0x7FF] =	sst s4;
	s17 =	ssub.s32 s30, s31  }
0xc: {  	s8 =	sadd.s32 s15, s3;
	s9 =	sadd.s32 s18, s3;
	s13 =	sadd.s32 s10, s2  }
0xd: {  	s15 =	sadd.s32 s2, s15;
	_ =	strace $0x80000050;
	s13 =	sshrl.u32 s13, $0x3  }
0xe: {  	s15 =	sshrl.u32 s15, $0x3;
	s17 =	smax.u32 s17, $0x1;
	s11 =	sadd.s32 s6, s5  }
0xf: {  	s5 =	sadd.s32 s7, s3;
	s6 =	sadd.s32 s12, s3;
	s7 =	sadd.s32 s14, s3  }
0x10: {  	s12 =	sadd.s32 s2, s12;
	s14 =	sadd.s32 s2, s14;
	s2 =	sadd.s32 s2, s18  }
0x11: {  	s15 =	sadd.s32 s16, s15;
	s18 =	simm.s32 $0x2800;
	s10 =	sadd.s32 $0x58C00, s11  }
0x12: {  	s19 =	sshrl.u32 s12, $0x3;
	s11 =	sadd.s32 $0x53C00, s11;
	s12 =	sadd.s32 s16, s13  }
0x13: {  	s14 =	sshrl.u32 s14, $0x3;
	s2 =	sshrl.u32 s2, $0x3;
	s13 =	sadd.s32 s16, s19  }
0x14: {  	v0 =	vimm.f32 $0.0e+00;
	s14 =	sadd.s32 s16, s14;
	s16 =	sadd.s32 s16, s2;
	s19 =	simm.s32 $0x3  }
.LBB2_1:
0x15: {  	s2 =	sand.u32 $0xFE00, s4  }
0x16: {  	s31 =	sand.u32 $0x70, s4;
	s2 =	sshrl.u32 s2, $0x2  }
0x17: {  	s30 =	simm.s32 $0x40;
	s2 =	sor.u32 s31, s2;
	s31 =	simm.s32 $0x0  }
.LBB2_2:
0x18: {  	p0 =	sne.s32 s30, $0xFFC0  }
0x19: {  	[tilespmem:s2+$0x2800] =	vst v0;
	s31 =	sadd.s32 $0x10, s31;
	s2 =	smov.u32 s30;
	s30 =	sadd.s32 $0x40, s30  }
.Ltmp0:
0x1a: {  	(pc) =	sbr.rel @p0 .LBB2_2-.Ltmp0, $4  }
0x1b: {  	_ = 	snop  }
0x1c: {  	s2 =	sand.u32 $0xFE00, s2  }
0x1d: {  	s0 =	sand.u32 $0x70, s31;
	s2 =	sshrl.u32 s2, $0x2  }
0x1e: {  	s2 =	sor.u32 s0, s2  }
0x1f: {  	[tilespmem:s2+$0x2800] =	vst v0  }
0x20: {  	[spmem:s5] =	stream.linear.scatter [tilespmem:s18], [sflag:$0x3], $0x4000, $0x38;
	[tilespmem:$0x1E800] =	vst v63  }
0x21: {  	_ =	swait.ge [sflag:s19], $0x4000  }
0x22: {  	[sflag:s19] =	ssyncset.done $0x0  }
0x23: {  	[sflag:s19] =	ssyncadd.s32 $0xFFFFC000  }
0x24: {  	[spmem:s6] =	stream.linear.scatter [tilespmem:s18], [sflag:$0x3], $0x4000, $0x38;
	[tilespmem:$0x1E800] =	vst v63  }
0x25: {  	_ =	swait.ge [sflag:s19], $0x4000  }
0x26: {  	[sflag:s19] =	ssyncset.done $0x0  }
0x27: {  	[sflag:s19] =	ssyncadd.s32 $0xFFFFC000  }
0x28: {  	[spmem:s7] =	stream.linear.scatter [tilespmem:s18], [sflag:$0x3], $0x4000, $0x38;
	[tilespmem:$0x1E800] =	vst v63  }
0x29: {  	_ =	swait.ge [sflag:s19], $0x4000  }
0x2a: {  	[sflag:s19] =	ssyncset.done $0x0  }
0x2b: {  	[sflag:s19] =	ssyncadd.s32 $0xFFFFC000  }
0x2c: {  	[spmem:s8] =	stream.linear.scatter [tilespmem:s18], [sflag:$0x3], $0x4000, $0x38;
	[tilespmem:$0x1E800] =	vst v63  }
0x2d: {  	_ =	swait.ge [sflag:s19], $0x4000  }
0x2e: {  	[sflag:s19] =	ssyncset.done $0x0  }
0x2f: {  	[sflag:s19] =	ssyncadd.s32 $0xFFFFC000  }
0x30: {  	[spmem:s9] =	stream.linear.scatter [tilespmem:s18], [sflag:$0x3], $0x4000, $0x38;
	[tilespmem:$0x1E800] =	vst v63  }
0x31: {  	_ =	swait.ge [sflag:s19], $0x4000  }
0x32: {  	[sflag:s19] =	ssyncset.done $0x0  }
0x33: {  	[sflag:s19] =	ssyncadd.s32 $0xFFFFC000  }
0x34: {  	s0 =	simm.s32 $0x0;
	[bflag:$0x0] =	sbarrier.arrive $0xFFFF  }
0x35: {  	[tilespmem:s0], [sflag:$0x3] =	stream.linear.gather [hbm4b:s10+s0], $0x1400, $0x38;
	[tilespmem:$0x1E800] =	vst v63  }
0x36: {  	_ =	swait.ge [sflag:s19], $0x1400  }
0x37: {  	[sflag:s19] =	ssyncset.done $0x0  }
0x38: {  	s20 =	simm.s32 $0x1400;
	[sflag:s19] =	ssyncadd.s32 $0xFFFFEC00  }
0x39: {  	[tilespmem:s20], [sflag:$0x3] =	stream.linear.gather [hbm4b:s11+s0], $0x1400, $0x38;
	[tilespmem:$0x1E800] =	vst v63  }
0x3a: {  	_ =	swait.ge [sflag:s19], $0x1400  }
0x3b: {  	[sflag:s19] =	ssyncset.done $0x0  }
0x3c: {  	[sflag:s19] =	ssyncadd.s32 $0xFFFFEC00  }
0x3d: {  	[tilespmem:s18], [sflag:$0x1] =	stream.indirect.gather [hbm4b:s1+s21], $0x80, s0, s21, $0xb8;
	[tilespmem:$0x1E800] =	vst v63  }
0x3e: {  	s2 =	simm.s32 $0x80  }
0x3f: {  	[tilespmem:s22], [sflag:$0x2] =	stream.indirect.gather [hbm4b:s1+s21], $0x80, s2, s21, $0xb8;
	[tilespmem:$0x1E800] =	vst v63  }
0x40: {  	_ =	swait.ge [sflag:s23], $0x4000  }
0x41: {  	[sflag:s23] =	ssyncset.done $0x0  }
0x42: {  	s20 =	simm.s32 $0x1400;
	[sflag:s23] =	ssyncadd.s32 $0xFFFFC000  }
0x43: {  	[spmem:s3] =	stream.indirect.scatter.add.f32 [tilespmem:s18], [sflag:$0x3], $0x80, s20, s21, $0xb8;
	[tilespmem:$0x1E800] =	vst v63  }
0x44: {  	_ =	swait.ge [sflag:s19], $0x4000  }
0x45: {  	[sflag:s19] =	ssyncset.done $0x0  }
0x46: {  	s2 =	simm.s32 $0x100;
	[sflag:s19] =	ssyncadd.s32 $0xFFFFC000  }
0x47: {  	[tilespmem:s18], [sflag:$0x1] =	stream.indirect.gather [hbm4b:s1+s21], $0x80, s2, s21, $0xb8;
	[tilespmem:$0x1E800] =	vst v63  }
0x48: {  	_ =	swait.ge [sflag:s24], $0x4000  }
0x49: {  	[sflag:s24] =	ssyncset.done $0x0  }
0x4a: {  	s20 =	simm.s32 $0x1480;
	[sflag:s24] =	ssyncadd.s32 $0xFFFFC000  }
0x4b: {  	[spmem:s3] =	stream.indirect.scatter.add.f32 [tilespmem:s22], [sflag:$0x3], $0x80, s20, s21, $0xb8;
	[tilespmem:$0x1E800] =	vst v63  }
0x4c: {  	_ =	swait.ge [sflag:s19], $0x4000  }
0x4d: {  	s31 =	simm.s32 $0x800;
	s30 =	simm.s32 $0x100;
	[sflag:s19] =	ssyncset.done $0x0  }
.LBB2_4:
0x4e: {  	s0 =	sadd.s32 $0x80, s30  }
0x4f: {  	[sflag:s19] =	ssyncadd.s32 $0xFFFFC000;
	s2 =	smov.u32 s31;
	s20 =	sadd.s32 $0x400, s31  }
0x50: {  	[tilespmem:s22], [sflag:$0x2] =	stream.indirect.gather [hbm4b:s1+s21], $0x80, s0, s21, $0xb8;
	[tilespmem:$0x1E800] =	vst v63  }
0x51: {  	p0 =	sne.s32 s31, $0x4800;
	_ =	swait.ge [sflag:s23], $0x4000  }
0x52: {  	[sflag:s23] =	ssyncset.done $0x0  }
0x53: {  	s0 =	sadd.s32 $0x1400, s30;
	[sflag:s23] =	ssyncadd.s32 $0xFFFFC000  }
0x54: {  	[spmem:s3] =	stream.indirect.scatter.add.f32 [tilespmem:s18], [sflag:$0x3], $0x80, s0, s21, $0xb8;
	[tilespmem:$0x1E800] =	vst v63  }
0x55: {  	_ =	swait.ge [sflag:s19], $0x4000  }
0x56: {  	[sflag:s19] =	ssyncset.done $0x0  }
0x57: {  	s0 =	sadd.s32 $0x100, s30;
	[sflag:s19] =	ssyncadd.s32 $0xFFFFC000  }
0x58: {  	[tilespmem:s18], [sflag:$0x1] =	stream.indirect.gather [hbm4b:s1+s21], $0x80, s0, s21, $0xb8;
	[tilespmem:$0x1E800] =	vst v63  }
0x59: {  	_ =	swait.ge [sflag:s24], $0x4000  }
.Ltmp1:
0x5a: {  	[sflag:s24] =	ssyncset.done $0x0;
	(pc) =	sbr.rel @p0 .LBB2_4-.Ltmp1, $4  }
0x5b: {  	s0 =	sadd.s32 $0x1480, s30;
	[sflag:s24] =	ssyncadd.s32 $0xFFFFC000  }
0x5c: {  	[spmem:s3] =	stream.indirect.scatter.add.f32 [tilespmem:s22], [sflag:$0x3], $0x80, s0, s21, $0xb8;
	[tilespmem:$0x1E800] =	vst v63  }
0x5d: {  	_ =	swait.ge [sflag:s19], $0x4000  }
0x5e: {  	s31 =	smov.u32 s20;
	s30 =	sshra.s32 s2, $0x2;
	[sflag:s19] =	ssyncset.done $0x0  }
0x5f: {  	s0 =	sadd.s32 $0x80, s30;
	[sflag:s19] =	ssyncadd.s32 $0xFFFFC000  }
0x60: {  	[tilespmem:s22], [sflag:$0x2] =	stream.indirect.gather [hbm4b:s1+s21], $0x80, s0, s21, $0xb8;
	[tilespmem:$0x1E800] =	vst v63  }
0x61: {  	_ =	swait.ge [sflag:s23], $0x4000  }
0x62: {  	[sflag:s23] =	ssyncset.done $0x0  }
0x63: {  	s31 =	sadd.s32 $0x1400, s30;
	[sflag:s23] =	ssyncadd.s32 $0xFFFFC000  }
0x64: {  	[spmem:s3] =	stream.indirect.scatter.add.f32 [tilespmem:s18], [sflag:$0x3], $0x80, s31, s21, $0xb8;
	[tilespmem:$0x1E800] =	vst v63  }
0x65: {  	_ =	swait.ge [sflag:s19], $0x4000  }
0x66: {  	[sflag:s19] =	ssyncset.done $0x0  }
0x67: {  	s2 =	sadd.s32 $0x100, s30;
	[sflag:s19] =	ssyncadd.s32 $0xFFFFC000  }
0x68: {  	[tilespmem:s18], [sflag:$0x1] =	stream.indirect.gather [hbm4b:s1+s21], $0x80, s2, s21, $0xb8;
	[tilespmem:$0x1E800] =	vst v63  }
0x69: {  	_ =	swait.ge [sflag:s24], $0x4000  }
0x6a: {  	[sflag:s24] =	ssyncset.done $0x0  }
0x6b: {  	s20 =	sadd.s32 $0x1480, s30;
	[sflag:s24] =	ssyncadd.s32 $0xFFFFC000  }
0x6c: {  	[spmem:s3] =	stream.indirect.scatter.add.f32 [tilespmem:s22], [sflag:$0x3], $0x80, s20, s21, $0xb8;
	[tilespmem:$0x1E800] =	vst v63  }
0x6d: {  	_ =	swait.ge [sflag:s19], $0x4000  }
0x6e: {  	[sflag:s19] =	ssyncset.done $0x0  }
0x6f: {  	[sflag:s19] =	ssyncadd.s32 $0xFFFFC000  }
0x70: {  	[tilespmem:s22], [sflag:$0x2] =	stream.indirect.gather [hbm4b:s1+s21], $0x80, s25, s21, $0xb8;
	[tilespmem:$0x1E800] =	vst v63  }
0x71: {  	_ =	swait.ge [sflag:s23], $0x4000  }
0x72: {  	[sflag:s23] =	ssyncset.done $0x0  }
0x73: {  	[sflag:s23] =	ssyncadd.s32 $0xFFFFC000  }
0x74: {  	[spmem:s3] =	stream.indirect.scatter.add.f32 [tilespmem:s18], [sflag:$0x3], $0x80, s26, s21, $0xb8;
	[tilespmem:$0x1E800] =	vst v63  }
0x75: {  	_ =	swait.ge [sflag:s19], $0x4000  }
0x76: {  	[sflag:s19] =	ssyncset.done $0x0  }
0x77: {  	[sflag:s19] =	ssyncadd.s32 $0xFFFFC000  }
0x78: {  	_ =	swait.ge [sflag:s24], $0x4000  }
0x79: {  	[sflag:s24] =	ssyncset.done $0x0  }
0x7a: {  	[sflag:s24] =	ssyncadd.s32 $0xFFFFC000  }
0x7b: {  	[spmem:s3] =	stream.indirect.scatter.add.f32 [tilespmem:s22], [sflag:$0x3], $0x80, s28, s21, $0xb8;
	[tilespmem:$0x1E800] =	vst v63  }
0x7c: {  	_ =	swait.ge [sflag:s19], $0x4000  }
0x7d: {  	s30 =	stileid.u32;
	[sflag:s19] =	ssyncset.done $0x0  }
0x7e: {  	s0 =	sshll.u32 s30, $0x6;
	[sflag:s19] =	ssyncadd.s32 $0xFFFFC000  }
0x7f: {  	s0 =	sor.u32 $0x1C03, s0;
	s2 =	sshrl.u32 s5, $0x3;
	[bflag:$0x0] =	sbarrier.arrive $0xFFFF  }
0x80: {  	[hbm:s12], [sflag:s0] =	dma.local [spmem:s2], $0x800  }
0x81: {  	_ =	swait.ge [sflag:s19], $0x800  }
0x82: {  	[sflag:s19] =	ssyncset.done $0x0  }
0x83: {  	s31 =	sshrl.u32 s6, $0x3;
	[sflag:s19] =	ssyncadd.s32 $0xFFFFF800  }
0x84: {  	[hbm:s13], [sflag:s0] =	dma.local [spmem:s31], $0x800  }
0x85: {  	_ =	swait.ge [sflag:s19], $0x800  }
0x86: {  	[sflag:s19] =	ssyncset.done $0x0  }
0x87: {  	s20 =	sshrl.u32 s7, $0x3;
	[sflag:s19] =	ssyncadd.s32 $0xFFFFF800  }
0x88: {  	[hbm:s14], [sflag:s0] =	dma.local [spmem:s20], $0x800  }
0x89: {  	_ =	swait.ge [sflag:s19], $0x800  }
0x8a: {  	[sflag:s19] =	ssyncset.done $0x0  }
0x8b: {  	s30 =	sshrl.u32 s8, $0x3;
	[sflag:s19] =	ssyncadd.s32 $0xFFFFF800  }
0x8c: {  	[hbm:s15], [sflag:s0] =	dma.local [spmem:s30], $0x800  }
0x8d: {  	s29 =	sadd.s32 $0x1, s29;
	_ =	swait.ge [sflag:s19], $0x800  }
0x8e: {  	p0 =	sne.s32 s29, s17;
	[sflag:s19] =	ssyncset.done $0x0  }
.Ltmp2:
0x8f: {  	s31 =	sshrl.u32 s9, $0x3;
	[sflag:s19] =	ssyncadd.s32 $0xFFFFF800;
	(pc) =	sbr.rel @p0 .LBB2_1-.Ltmp2, $4  }
0x90: {  	[hbm:s16], [sflag:s0] =	dma.local [spmem:s31], $0x800  }
0x91: {  	_ =	swait.ge [sflag:s19], $0x800  }
0x92: {  	[sflag:s19] =	ssyncset.done $0x0  }
0x93: {  	[sflag:s19] =	ssyncadd.s32 $0xFFFFF800  }
0x94: {  	_ =	sfence.sel $0x180000  }
0x95: {  	[bflag:$0x0] =	sbarrier.arrive $0xFFFF  }
0x96: {  	_ =	strace $0x90000050  }
0x97: {  	s0 =	stileid.u32;
	[bflag:$0x2] =	sbarrier.arrive $0xFFFF  }
0x98: {  	p0 =	sne.s32 s0, $0x0;
	s0 =	rddreg [dreg:$0x3]  }
0x99: {  	s0 =	sadd.s32 @!p0 $0x100000, s0  }
0x9a: {  	[sflag:s0] =	ssyncadd.tile.s32 @!p0 $0x1;
	_ =	shalt  }
.Lfunc_end2:
_tile_overlayer_lowered:
.L_overlay_start_2:
0x9b: {  	(tag) =	ssettag $0x2  }
0x9c: {  	s0 =	rddreg [dreg:$0x0];
	s2 =	stileid.u32  }
0x9d: {  	s1 =	rddreg [dreg:$0x1];
	p0 =	sne.s32 s2, $0x0  }
0x9e: {  	s3 =	rddreg [dreg:$0x2];
	[bflag:$0x3] =	sbarrier.arrive $0xFFFF;
	s2 =	simm.s32 @!p0 $0x1C03  }
0x9f: {  	[timem:s3], [sflag:s2] =	dma.local @!p0 [hbm:s0], s1  }
0xa0: {  	s0 =	simm.s32 @!p0 $0x3  }
0xa1: {  	_ =	swait.ge @!p0 [sflag:s0], s1  }
0xa2: {  	s1 =	ssub.s32 @!p0 $0x0, s1;
	[sflag:s0] =	ssyncset.done @!p0 $0x0  }
0xa3: {  	[sflag:s0] =	ssyncadd.s32 @!p0 s1  }
0xa4: {  	[bflag:$0x3] =	sbarrier.arrive $0xFFFF  }
0xa5: {  	_ =	shalt  }

</sc_bundles>
